<compile_context>
chip_gen: v7x
topology: tpu7x:2x2x1
jax: 0.10.2.dev20260603
libtpu: 0.0.44.dev20260713+nightly
codegen_flags: <defaults>
</compile_context>

<pallas_src>
import functools

import jax
import jax.numpy as jnp
from jax import lax
from jax.experimental import pallas as pl
from jax.experimental.pallas import tpu as pltpu
from jax.experimental.pallas import tpu_sc as plsc

N = 10000
E = 320000
D = 128
DH = 64
D_EDGE = 16

NC = 2
NS = 16
LANES = 16
NW = NC * NS
EC = E // NW
NG = EC // LANES
NP = 10240
SPAN = NP // NS
NB = 5

_SC_MESH = plsc.VectorSubcoreMesh(
    core_axis_name="c", subcore_axis_name="s", num_cores=NC, num_subcores=NS
)


def _sc_gat_body(src_hbm, dst_hbm, ae_hbm, hs_hbm, hd_hbm, hlo_hbm, hhi_hbm,
                 outlo_hbm, outhi_hbm, den_hbm,
                 hs_v, hd_v, src_v, dst_v, ae_v, ex_v, dpart_v,
                 zbuf_v, rows_v, den_sh, osh, *sems):
    sems_g = sems[:NB]
    sems_s = sems[NB:]
    c = lax.axis_index("c")
    s = lax.axis_index("s")
    chunk = c * NS + s
    ebase = chunk * EC
    rbase = s * SPAN
    drows = NP // LANES
    drspan = drows // NS
    last = NS - 1
    zeros16 = jnp.zeros((LANES,), jnp.float32)
    iota16 = lax.iota(jnp.int32, LANES)

    pltpu.sync_copy(hs_hbm, hs_v)
    pltpu.sync_copy(hd_hbm, hd_v)

    def _z1(i, carry):
        dpart_v[i, pl.ds(0, LANES)] = zeros16
        return carry
    lax.fori_loop(0, drows, _z1, 0)

    def _z2(i, carry):
        for cc in range(DH // LANES):
            zbuf_v[i, pl.ds(cc * LANES, LANES)] = zeros16
        return carry
    lax.fori_loop(0, 128, _z2, 0)

    def _zero_own_span():
        for zz in range(SPAN // 128):
            pltpu.sync_copy(zbuf_v, osh.at[pl.ds(rbase + zz * 128, 128)])

    _zero_own_span()
    pltpu.sync_copy(zbuf_v.at[pl.ds(0, drspan), pl.ds(0, LANES)],
                    den_sh.at[pl.ds(s * drspan, drspan)])

    pltpu.sync_copy(src_hbm.at[pl.ds(ebase, EC)], src_v)
    pltpu.sync_copy(dst_hbm.at[pl.ds(ebase, EC)], dst_v)
    pltpu.sync_copy(ae_hbm.at[pl.ds(ebase, EC)], ae_v)

    def _pa(g, carry):
        sl = pl.ds(g * LANES, LANES)
        sv = src_v[sl]
        dv = dst_v[sl]
        al = plsc.load_gather(hs_v, [sv]) + plsc.load_gather(hd_v, [dv]) \
            + ae_v[sl]
        al = jnp.maximum(al, al * 0.2)
        exv = jnp.exp(al)
        ex_v[sl] = exv
        plsc.addupdate_scatter(
            dpart_v,
            [lax.shift_right_logical(dv, 4), lax.bitwise_and(dv, 15)], exv)
        return carry
    lax.fori_loop(0, NG, _pa, 0)

    plsc.subcore_barrier()

    def _pub(k, carry):
        pltpu.sync_copy(dpart_v.at[pl.ds(k * LANES, LANES)],
                        den_sh.at[iota16 + k * LANES], add=True)
        return carry
    lax.fori_loop(0, drows // LANES, _pub, 0)
    plsc.subcore_barrier()

    pltpu.sync_copy(den_sh.at[pl.ds(s * drspan, drspan)],
                    den_hbm.at[c, pl.ds(s * drspan, drspan)])

    def _phase_b(h_half):
        def _issue_gather(g, b):
            sv = src_v[pl.ds(g * LANES, LANES)]
            pltpu.async_copy(h_half.at[sv], rows_v.at[b], sems_g[b])

        for b in range(NB):
            _issue_gather(b, b)

        def _outer(it, carry):
            G = it * NB
            for b in range(NB):
                g = G + b
                pltpu.make_async_copy(
                    h_half.at[pl.ds(0, LANES)], rows_v.at[b],
                    sems_g[b]).wait()
                dv = dst_v[pl.ds(g * LANES, LANES)]

                def _row(i, carry2):
                    bc = plsc.load_gather(
                        ex_v, [jnp.full((LANES,), g * LANES + i, jnp.int32)])
                    for cc in range(DH // LANES):
                        csl = pl.ds(cc * LANES, LANES)
                        rows_v[b, i, csl] = rows_v[b, i, csl] * bc
                    return carry2
                lax.fori_loop(0, LANES, _row, 0)
                pltpu.async_copy(rows_v.at[b], osh.at[dv], sems_s[b],
                                 add=True)
            for b in range(NB):
                g2 = G + NB + b
                pltpu.make_async_copy(
                    rows_v.at[b], osh.at[pl.ds(0, LANES)], sems_s[b]).wait()

                @pl.when(g2 < NG)
                def _():
                    _issue_gather(g2, b)
            return carry
        lax.fori_loop(0, NG // NB, _outer, 0)

    def _copy_out(out_half):
        @pl.when(s < last)
        def _():
            pltpu.sync_copy(osh.at[pl.ds(rbase, SPAN)],
                            out_half.at[c, pl.ds(rbase, SPAN)])

        @pl.when(s == last)
        def _():
            pltpu.sync_copy(osh.at[pl.ds(last * SPAN, N - last * SPAN)],
                            out_half.at[c, pl.ds(last * SPAN,
                                                 N - last * SPAN)])

    _phase_b(hlo_hbm)
    plsc.subcore_barrier()
    _copy_out(outlo_hbm)
    _zero_own_span()
    plsc.subcore_barrier()
    _phase_b(hhi_hbm)
    plsc.subcore_barrier()
    _copy_out(outhi_hbm)


_sc_gat = functools.partial(
    pl.kernel,
    out_type=(jax.ShapeDtypeStruct((NC, N, DH), jnp.float32),
              jax.ShapeDtypeStruct((NC, N, DH), jnp.float32),
              jax.ShapeDtypeStruct((NC, NP // LANES, LANES), jnp.float32)),
    mesh=_SC_MESH,
    compiler_params=pltpu.CompilerParams(needs_layout_passes=False,
                                         use_tc_tiling_on_sc=False),
    scratch_types=[
        pltpu.VMEM((N,), jnp.float32),
        pltpu.VMEM((N,), jnp.float32),
        pltpu.VMEM((EC,), jnp.int32),
        pltpu.VMEM((EC,), jnp.int32),
        pltpu.VMEM((EC,), jnp.float32),
        pltpu.VMEM((EC,), jnp.float32),
        pltpu.VMEM((NP // LANES, LANES), jnp.float32),
        pltpu.VMEM((128, DH), jnp.float32),
        pltpu.VMEM((NB, LANES, DH), jnp.float32),
        pltpu.VMEM_SHARED((NP // LANES, LANES), jnp.float32),
        pltpu.VMEM_SHARED((NP, DH), jnp.float32),
    ] + [pltpu.SemaphoreType.DMA] * (2 * NB),
)(_sc_gat_body)



_BN = 400
_BE = 1280


def _node1_body(x_ref, w_ref, asrc_ref, adst_ref,
                hlo_ref, hhi_ref, hs_ref, hd_ref):
    h = jnp.dot(x_ref[...], w_ref[...], preferred_element_type=jnp.float32)
    hlo_ref[...] = h[:, :DH]
    hhi_ref[...] = h[:, DH:]
    hs_ref[...] = jnp.dot(h, asrc_ref[...], preferred_element_type=jnp.float32)
    hd_ref[...] = jnp.dot(h, adst_ref[...], preferred_element_type=jnp.float32)


def _node2_body(plo0_ref, plo1_ref, phi0_ref, phi1_ref, d0_ref, d1_ref,
                b_ref, w_ref, asrc_ref, adst_ref,
                hlo_ref, hhi_ref, hs_ref, hd_ref):
    den = d0_ref[...] + d1_ref[...] + 1e-16
    num = jnp.concatenate([plo0_ref[0] + plo1_ref[0],
                           phi0_ref[0] + phi1_ref[0]], axis=1)
    xin = num / den + b_ref[...]
    h = jnp.dot(xin, w_ref[...], preferred_element_type=jnp.float32)
    hlo_ref[...] = h[:, :DH]
    hhi_ref[...] = h[:, DH:]
    hs_ref[...] = jnp.dot(h, asrc_ref[...], preferred_element_type=jnp.float32)
    hd_ref[...] = jnp.dot(h, adst_ref[...], preferred_element_type=jnp.float32)


def _comb_body(plo0_ref, plo1_ref, phi0_ref, phi1_ref, d0_ref, d1_ref,
               b_ref, o_ref):
    den = d0_ref[...] + d1_ref[...] + 1e-16
    num = jnp.concatenate([plo0_ref[0] + plo1_ref[0],
                           phi0_ref[0] + phi1_ref[0]], axis=1)
    o_ref[...] = num / den + b_ref[...]


def _edge_body(ea_ref, we1_ref, we2_ref, a1_ref, a2_ref,
               ea2_ref, ae1_ref, ae2_ref):
    blk = ea_ref[...]
    we12 = jnp.dot(we1_ref[...], we2_ref[...],
                   preferred_element_type=jnp.float32)
    v1 = jnp.dot(we1_ref[...], a1_ref[...],
                 preferred_element_type=jnp.float32)
    v2 = jnp.dot(we12, a2_ref[...],
                 preferred_element_type=jnp.float32)
    ea2_ref[...] = jnp.dot(blk, we12, preferred_element_type=jnp.float32)
    ae1_ref[...] = jnp.dot(blk, v1, preferred_element_type=jnp.float32)
    ae2_ref[...] = jnp.dot(blk, v2, preferred_element_type=jnp.float32)


def _full(shape):
    return pl.BlockSpec(shape, lambda i: tuple(0 for _ in shape))


def _half_specs():
    return [pl.BlockSpec((1, _BN, DH), lambda i: (0, i, 0)),
            pl.BlockSpec((1, _BN, DH), lambda i: (1, i, 0))]


_NODE_OUT_SPECS = [
    pl.BlockSpec((_BN, DH), lambda i: (i, 0)),
    pl.BlockSpec((_BN, DH), lambda i: (i, 0)),
    pl.BlockSpec((_BN, 1), lambda i: (i, 0)),
    pl.BlockSpec((_BN, 1), lambda i: (i, 0)),
]

_NODE_OUT_SHAPE = [
    jax.ShapeDtypeStruct((N, DH), jnp.float32),
    jax.ShapeDtypeStruct((N, DH), jnp.float32),
    jax.ShapeDtypeStruct((N, 1), jnp.float32),
    jax.ShapeDtypeStruct((N, 1), jnp.float32),
]


def _node1_call(x, W, asrc, adst):
    return pl.pallas_call(
        _node1_body,
        grid=(N // _BN,),
        in_specs=[
            pl.BlockSpec((_BN, D), lambda i: (i, 0)),
            _full((D, D)), _full((D, 1)), _full((D, 1)),
        ],
        out_specs=_NODE_OUT_SPECS,
        out_shape=_NODE_OUT_SHAPE,
    )(x, W, asrc, adst)


def _node2_call(plo, phi, d0, d1, bias, W, asrc, adst):
    return pl.pallas_call(
        _node2_body,
        grid=(N // _BN,),
        in_specs=_half_specs() + _half_specs() + [
            pl.BlockSpec((_BN, 1), lambda i: (i, 0)),
            pl.BlockSpec((_BN, 1), lambda i: (i, 0)),
            _full((1, D)), _full((D, D)), _full((D, 1)), _full((D, 1)),
        ],
        out_specs=_NODE_OUT_SPECS,
        out_shape=_NODE_OUT_SHAPE,
    )(plo, plo, phi, phi, d0, d1, bias, W, asrc, adst)


def _comb_call(plo, phi, d0, d1, bias):
    return pl.pallas_call(
        _comb_body,
        grid=(N // _BN,),
        in_specs=_half_specs() + _half_specs() + [
            pl.BlockSpec((_BN, 1), lambda i: (i, 0)),
            pl.BlockSpec((_BN, 1), lambda i: (i, 0)),
            _full((1, D)),
        ],
        out_specs=pl.BlockSpec((_BN, D), lambda i: (i, 0)),
        out_shape=jax.ShapeDtypeStruct((N, D), jnp.float32),
    )(plo, plo, phi, phi, d0, d1, bias)


def _edge_call(edge_attr, We1, We2, a1, a2):
    return pl.pallas_call(
        _edge_body,
        grid=(E // _BE,),
        in_specs=[
            pl.BlockSpec((_BE, D_EDGE), lambda i: (i, 0)),
            _full((D_EDGE, D)), _full((D, D)), _full((D, 1)), _full((D, 1)),
        ],
        out_specs=[
            pl.BlockSpec((_BE, D), lambda i: (i, 0)),
            pl.BlockSpec((_BE, 1), lambda i: (i, 0)),
            pl.BlockSpec((_BE, 1), lambda i: (i, 0)),
        ],
        out_shape=[
            jax.ShapeDtypeStruct((E, D), jnp.float32),
            jax.ShapeDtypeStruct((E, 1), jnp.float32),
            jax.ShapeDtypeStruct((E, 1), jnp.float32),
        ],
    )(edge_attr, We1, We2, a1, a2)


def kernel(vertices_feature, edge_index, edge_attr,
           W1, We1, att_src1, att_dst1, att_edge1, b1,
           W2, We2, att_src2, att_dst2, att_edge2, b2):
    src = edge_index[0]
    dst = edge_index[1]

    h1lo, h1hi, hs1, hd1 = _node1_call(vertices_feature, W1,
                                       att_src1[:, None], att_dst1[:, None])
    ea2, ae1, ae2 = _edge_call(edge_attr, We1, We2,
                               att_edge1[:, None], att_edge2[:, None])

    p1lo, p1hi, den1 = _sc_gat(src, dst, ae1.reshape(E),
                               hs1.reshape(N), hd1.reshape(N), h1lo, h1hi)
    den1r = den1.reshape(NC, NP)
    h2lo, h2hi, hs2, hd2 = _node2_call(
        p1lo, p1hi, den1r[0, :N, None], den1r[1, :N, None],
        b1[None, :], W2, att_src2[:, None], att_dst2[:, None])

    p2lo, p2hi, den2 = _sc_gat(src, dst, ae2.reshape(E),
                               hs2.reshape(N), hd2.reshape(N), h2lo, h2hi)
    den2r = den2.reshape(NC, NP)
    out = _comb_call(p2lo, p2hi, den2r[0, :N, None], den2r[1, :N, None],
                     b2[None, :])
    return (out, ea2)

# --- scband reference (transcript-rebuilt; emitter-appended) ---
"""Pipeline reference for scband-gatconv-block-13864154431564 (READ-ONLY COPY).

The authoritative reference and input builder live on the scoring server;
editing this copy changes nothing except your own understanding.
"""

import jax, jax.numpy as jnp
import numpy as np

N = 10000
E = 320000
D_IN = 128
D_OUT = 128
D_EDGE = 16


def setup_inputs(seed: int = 0) -> dict:
    key = jax.random.key(seed)
    ks = jax.random.split(key, 20)
    x = jax.random.normal(ks[0], (N, D_IN), dtype=jnp.float32)
    edge_index = jax.random.randint(ks[1], (2, E), 0, N, dtype=jnp.int32)
    edge_attr = jax.random.normal(ks[2], (E, D_EDGE), dtype=jnp.float32)
    s_in = 1.0 / np.sqrt(D_IN)
    s_e1 = 1.0 / np.sqrt(D_EDGE)
    s_o = 1.0 / np.sqrt(D_OUT)
    # conv1 params (heads=1, concat=False)
    W1 = jax.random.normal(ks[3], (D_IN, D_OUT), dtype=jnp.float32) * s_in
    We1 = jax.random.normal(ks[4], (D_EDGE, D_OUT), dtype=jnp.float32) * s_e1
    att_src1 = jax.random.normal(ks[5], (D_OUT,), dtype=jnp.float32) * s_o
    att_dst1 = jax.random.normal(ks[6], (D_OUT,), dtype=jnp.float32) * s_o
    att_edge1 = jax.random.normal(ks[7], (D_OUT,), dtype=jnp.float32) * s_o
    b1 = jnp.zeros((D_OUT,), dtype=jnp.float32)
    # conv2 params (edge_dim = out_channels)
    W2 = jax.random.normal(ks[8], (D_OUT, D_OUT), dtype=jnp.float32) * s_o
    We2 = jax.random.normal(ks[9], (D_OUT, D_OUT), dtype=jnp.float32) * s_o
    att_src2 = jax.random.normal(ks[10], (D_OUT,), dtype=jnp.float32) * s_o
    att_dst2 = jax.random.normal(ks[11], (D_OUT,), dtype=jnp.float32) * s_o
    att_edge2 = jax.random.normal(ks[12], (D_OUT,), dtype=jnp.float32) * s_o
    b2 = jnp.zeros((D_OUT,), dtype=jnp.float32)
    return {
        "vertices_feature": x, "edge_index": edge_index, "edge_attr": edge_attr,
        "W1": W1, "We1": We1, "att_src1": att_src1, "att_dst1": att_dst1,
        "att_edge1": att_edge1, "b1": b1,
        "W2": W2, "We2": We2, "att_src2": att_src2, "att_dst2": att_dst2,
        "att_edge2": att_edge2, "b2": b2,
    }


def _gat_conv(x, edge_index, edge_attr, W, We, a_src, a_dst, a_edge, b):
    # GATConv with edge features, heads=1, concat=False, add_self_loops=False.
    # Returns (node_out, projected_edge_attr) -- 'improve=True' propagates the
    # projected edge features as the new edge_attr.
    src = edge_index[0]
    dst = edge_index[1]
    h = x @ W                       # [N, D_OUT]  dense projection
    e = edge_attr @ We              # [E, D_OUT]  edge projection
    alpha = (jnp.take(h, src, axis=0) * a_src).sum(-1) \
          + (jnp.take(h, dst, axis=0) * a_dst).sum(-1) \
          + (e * a_edge).sum(-1)    # [E]
    alpha = jax.nn.leaky_relu(alpha, negative_slope=0.2)
    # softmax over incoming edges of each destination node (segment softmax)
    m = jax.ops.segment_max(alpha, dst, num_segments=N)
    m = jnp.where(jnp.isfinite(m), m, 0.0)
    m = jax.lax.stop_gradient(m)
    ex = jnp.exp(alpha - jnp.take(m, dst))
    denom = jax.ops.segment_sum(ex, dst, num_segments=N)
    coef = ex / (jnp.take(denom, dst) + 1e-16)
    msg = coef[:, None] * jnp.take(h, src, axis=0)        # [E, D_OUT]
    out = jax.ops.segment_sum(msg, dst, num_segments=N) + b
    return out, e


def reference(vertices_feature, edge_index, edge_attr,
              W1, We1, att_src1, att_dst1, att_edge1, b1,
              W2, We2, att_src2, att_dst2, att_edge2, b2):
    out, ea = _gat_conv(vertices_feature, edge_index, edge_attr.astype(jnp.float32),
                        W1, We1, att_src1, att_dst1, att_edge1, b1)
    out, ea = _gat_conv(out, edge_index, ea.astype(jnp.float32),
                        W2, We2, att_src2, att_dst2, att_edge2, b2)
    return (out, ea)

if __name__ == "__main__":
    import jax
    _d = setup_inputs()
    print(jax.jit(kernel)(*tuple(_d.values())))

</pallas_src>

<mosaic_0001>
#map = affine_map<(d0, d1) -> (0)>
#map1 = affine_map<(d0, d1) -> (0, 0)>
#map2 = affine_map<(d0, d1) -> (0, 0, 0)>
module attributes {stable_mosaic.version = 14 : i64} {
  func.func @_sc_gat_body(%arg0: i32, %arg1: i32, %arg2: memref<320000xi32, #tpu.memory_space<hbm>>, %arg3: memref<320000xi32, #tpu.memory_space<hbm>>, %arg4: memref<320000xf32, #tpu.memory_space<hbm>>, %arg5: memref<10000xf32, #tpu.memory_space<hbm>>, %arg6: memref<10000xf32, #tpu.memory_space<hbm>>, %arg7: memref<10000x64xf32, #tpu.memory_space<hbm>>, %arg8: memref<10000x64xf32, #tpu.memory_space<hbm>>, %arg9: memref<2x10000x64xf32, #tpu.memory_space<hbm>>, %arg10: memref<2x10000x64xf32, #tpu.memory_space<hbm>>, %arg11: memref<2x640x16xf32, #tpu.memory_space<hbm>>, %arg12: memref<10000xf32, #tpu.memory_space<vmem>>, %arg13: memref<10000xf32, #tpu.memory_space<vmem>>, %arg14: memref<10000xi32, #tpu.memory_space<vmem>>, %arg15: memref<10000xi32, #tpu.memory_space<vmem>>, %arg16: memref<10000xf32, #tpu.memory_space<vmem>>, %arg17: memref<10000xf32, #tpu.memory_space<vmem>>, %arg18: memref<640x16xf32, #tpu.memory_space<vmem>>, %arg19: memref<128x64xf32, #tpu.memory_space<vmem>>, %arg20: memref<5x16x64xf32, #tpu.memory_space<vmem>>, %arg21: memref<640x16xf32, #tpu.memory_space<vmem_shared>>, %arg22: memref<10240x64xf32, #tpu.memory_space<vmem_shared>>, %arg23: memref<!tpu.dma_semaphore, #tpu.memory_space<semaphore_mem>>, %arg24: memref<!tpu.dma_semaphore, #tpu.memory_space<semaphore_mem>>, %arg25: memref<!tpu.dma_semaphore, #tpu.memory_space<semaphore_mem>>, %arg26: memref<!tpu.dma_semaphore, #tpu.memory_space<semaphore_mem>>, %arg27: memref<!tpu.dma_semaphore, #tpu.memory_space<semaphore_mem>>, %arg28: memref<!tpu.dma_semaphore, #tpu.memory_space<semaphore_mem>>, %arg29: memref<!tpu.dma_semaphore, #tpu.memory_space<semaphore_mem>>, %arg30: memref<!tpu.dma_semaphore, #tpu.memory_space<semaphore_mem>>, %arg31: memref<!tpu.dma_semaphore, #tpu.memory_space<semaphore_mem>>, %arg32: memref<!tpu.dma_semaphore, #tpu.memory_space<semaphore_mem>>) attributes {dimension_semantics = [#tpu.dimension_semantics<core_parallel>, #tpu.dimension_semantics<subcore_parallel>], iteration_bounds = array<i64: 2, 16>, scalar_prefetch = 0 : i64, scratch_operands = 21 : i64, tpu.core_type = #tpu.core_type<sc_vector_subcore>, window_params = [{transform_indices = #map}, {transform_indices = #map}, {transform_indices = #map}, {transform_indices = #map}, {transform_indices = #map}, {transform_indices = #map1}, {transform_indices = #map1}, {transform_indices = #map2}, {transform_indices = #map2}, {transform_indices = #map2}]} {
    %mul3A = arith.constant 16 : i32
    %mul3A_0 = arith.muli %arg0, %mul3A : i32
    %add3A = arith.addi %mul3A_0, %arg1 : i32
    %mul3A_1 = arith.constant 10000 : i32
    %mul3A_2 = arith.muli %add3A, %mul3A_1 : i32
    %mul3A_3 = arith.constant 640 : i32
    %mul3A_4 = arith.muli %arg1, %mul3A_3 : i32
    %broadcast_in_dim3A = arith.constant 0.000000e+00 : f32
    %broadcast_in_dim3A_5 = vector.broadcast %broadcast_in_dim3A : f32 to vector<16xf32>
    %iota3A = tpu.iota {dimensions = array<i32: 0>} : vector<16xi32>
    "tpu.region"() ({
      %run_scoped3A = tpu.sem_alloc : memref<!tpu.dma_semaphore, #tpu.memory_space<semaphore_mem>>
      tpu.enqueue_dma source(%arg5 : memref<10000xf32, #tpu.memory_space<hbm>>) target(%arg12 : memref<10000xf32, #tpu.memory_space<vmem>>) target_semaphore(%run_scoped3A : memref<!tpu.dma_semaphore, #tpu.memory_space<semaphore_mem>>)
      tpu.wait_dma2 semaphore(%run_scoped3A : memref<!tpu.dma_semaphore, #tpu.memory_space<semaphore_mem>>) src(%arg5 : memref<10000xf32, #tpu.memory_space<hbm>>) dst(%arg12 : memref<10000xf32, #tpu.memory_space<vmem>>)
      tpu.yield
    }) : () -> ()
    "tpu.region"() ({
      %run_scoped3A = tpu.sem_alloc : memref<!tpu.dma_semaphore, #tpu.memory_space<semaphore_mem>>
      tpu.enqueue_dma source(%arg6 : memref<10000xf32, #tpu.memory_space<hbm>>) target(%arg13 : memref<10000xf32, #tpu.memory_space<vmem>>) target_semaphore(%run_scoped3A : memref<!tpu.dma_semaphore, #tpu.memory_space<semaphore_mem>>)
      tpu.wait_dma2 semaphore(%run_scoped3A : memref<!tpu.dma_semaphore, #tpu.memory_space<semaphore_mem>>) src(%arg6 : memref<10000xf32, #tpu.memory_space<hbm>>) dst(%arg13 : memref<10000xf32, #tpu.memory_space<vmem>>)
      tpu.yield
    }) : () -> ()
    %scan3A = arith.constant 0 : i32
    %scan3A_6 = arith.constant 0 : i32
    %scan3A_7 = arith.constant 640 : i32
    %scan3A_8 = arith.addi %scan3A_6, %scan3A_7 : i32
    %scan3A_9 = arith.constant 1 : i32
    scf.for %scan3A_185 = %scan3A_6 to %scan3A_8 step %scan3A_9  : i32 {
      %swap3A = arith.index_cast %scan3A_185 : i32 to index
      %swap3A_186 = arith.constant 0 : index
      %swap3A_187 = tpu.vector_load %arg18[%swap3A, %swap3A_186] {strides = array<i32>} : memref<640x16xf32, #tpu.memory_space<vmem>>, vector<16xf32>,
      tpu.vector_store %arg18[%swap3A, %swap3A_186], %broadcast_in_dim3A_5 {strides = array<i32>} : memref<640x16xf32, #tpu.memory_space<vmem>>, vector<16xf32>,
    }
    %scan3A_10 = arith.constant 640 : i32
    %scan3A_11 = arith.constant 0 : i32
    %scan3A_12 = arith.constant 0 : i32
    %scan3A_13 = arith.constant 128 : i32
    %scan3A_14 = arith.addi %scan3A_12, %scan3A_13 : i32
    %scan3A_15 = arith.constant 1 : i32
    scf.for %scan3A_185 = %scan3A_12 to %scan3A_14 step %scan3A_15  : i32 {
      %swap3A = arith.index_cast %scan3A_185 : i32 to index
      %swap3A_186 = arith.constant 0 : index
      %swap3A_187 = tpu.vector_load %arg19[%swap3A, %swap3A_186] {strides = array<i32>} : memref<128x64xf32, #tpu.memory_space<vmem>>, vector<16xf32>,
      tpu.vector_store %arg19[%swap3A, %swap3A_186], %broadcast_in_dim3A_5 {strides = array<i32>} : memref<128x64xf32, #tpu.memory_space<vmem>>, vector<16xf32>,
      %swap3A_188 = arith.index_cast %scan3A_185 : i32 to index
      %swap3A_189 = arith.constant 16 : index
      %swap3A_190 = tpu.vector_load %arg19[%swap3A_188, %swap3A_189] {strides = array<i32>} : memref<128x64xf32, #tpu.memory_space<vmem>>, vector<16xf32>,
      tpu.vector_store %arg19[%swap3A_188, %swap3A_189], %broadcast_in_dim3A_5 {strides = array<i32>} : memref<128x64xf32, #tpu.memory_space<vmem>>, vector<16xf32>,
      %swap3A_191 = arith.index_cast %scan3A_185 : i32 to index
      %swap3A_192 = arith.constant 32 : index
      %swap3A_193 = tpu.vector_load %arg19[%swap3A_191, %swap3A_192] {strides = array<i32>} : memref<128x64xf32, #tpu.memory_space<vmem>>, vector<16xf32>,
      tpu.vector_store %arg19[%swap3A_191, %swap3A_192], %broadcast_in_dim3A_5 {strides = array<i32>} : memref<128x64xf32, #tpu.memory_space<vmem>>, vector<16xf32>,
      %swap3A_194 = arith.index_cast %scan3A_185 : i32 to index
      %swap3A_195 = arith.constant 48 : index
      %swap3A_196 = tpu.vector_load %arg19[%swap3A_194, %swap3A_195] {strides = array<i32>} : memref<128x64xf32, #tpu.memory_space<vmem>>, vector<16xf32>,
      tpu.vector_store %arg19[%swap3A_194, %swap3A_195], %broadcast_in_dim3A_5 {strides = array<i32>} : memref<128x64xf32, #tpu.memory_space<vmem>>, vector<16xf32>,
    }
    %scan3A_16 = arith.constant 128 : i32
    %add3A_17 = arith.constant 0 : i32
    %add3A_18 = arith.addi %mul3A_4, %add3A_17 : i32
    "tpu.region"() ({
      %run_scoped3A = tpu.sem_alloc : memref<!tpu.dma_semaphore, #tpu.memory_space<semaphore_mem>>
      %dma_start3A_185 = arith.constant 0 : i32
      %dma_start3A_186 = tpu.memref_slice %arg22[%add3A_18, %dma_start3A_185] : memref<10240x64xf32, #tpu.memory_space<vmem_shared>> -> memref<128x64xf32, #tpu.memory_space<vmem_shared>>
      %dma_start3A_187 = arith.constant 0 : i32
      %dma_start3A_188 = tpu.memref_slice %arg22[%add3A_18, %dma_start3A_187] : memref<10240x64xf32, #tpu.memory_space<vmem_shared>> -> memref<128x64xf32, #tpu.memory_space<vmem_shared>>
      tpu.enqueue_dma source(%arg19 : memref<128x64xf32, #tpu.memory_space<vmem>>) target(%dma_start3A_188 : memref<128x64xf32, #tpu.memory_space<vmem_shared>>) target_semaphore(%run_scoped3A : memref<!tpu.dma_semaphore, #tpu.memory_space<semaphore_mem>>)
      %dma_wait3A = arith.constant 0 : i32
      %dma_wait3A_189 = tpu.memref_slice %arg22[%add3A_18, %dma_wait3A] : memref<10240x64xf32, #tpu.memory_space<vmem_shared>> -> memref<128x64xf32, #tpu.memory_space<vmem_shared>>
      %dma_wait3A_190 = arith.constant 0 : i32
      %dma_wait3A_191 = tpu.memref_slice %arg22[%add3A_18, %dma_wait3A_190] : memref<10240x64xf32, #tpu.memory_space<vmem_shared>> -> memref<128x64xf32, #tpu.memory_space<vmem_shared>>
      tpu.wait_dma2 semaphore(%run_scoped3A : memref<!tpu.dma_semaphore, #tpu.memory_space<semaphore_mem>>) src(%arg19 : memref<128x64xf32, #tpu.memory_space<vmem>>) dst(%dma_wait3A_191 : memref<128x64xf32, #tpu.memory_space<vmem_shared>>)
      tpu.yield
    }) : () -> ()
    %add3A_19 = arith.constant 128 : i32
    %add3A_20 = arith.addi %mul3A_4, %add3A_19 : i32
    "tpu.region"() ({
      %run_scoped3A = tpu.sem_alloc : memref<!tpu.dma_semaphore, #tpu.memory_space<semaphore_mem>>
      %dma_start3A_185 = arith.constant 0 : i32
      %dma_start3A_186 = tpu.memref_slice %arg22[%add3A_20, %dma_start3A_185] : memref<10240x64xf32, #tpu.memory_space<vmem_shared>> -> memref<128x64xf32, #tpu.memory_space<vmem_shared>>
      %dma_start3A_187 = arith.constant 0 : i32
      %dma_start3A_188 = tpu.memref_slice %arg22[%add3A_20, %dma_start3A_187] : memref<10240x64xf32, #tpu.memory_space<vmem_shared>> -> memref<128x64xf32, #tpu.memory_space<vmem_shared>>
      tpu.enqueue_dma source(%arg19 : memref<128x64xf32, #tpu.memory_space<vmem>>) target(%dma_start3A_188 : memref<128x64xf32, #tpu.memory_space<vmem_shared>>) target_semaphore(%run_scoped3A : memref<!tpu.dma_semaphore, #tpu.memory_space<semaphore_mem>>)
      %dma_wait3A = arith.constant 0 : i32
      %dma_wait3A_189 = tpu.memref_slice %arg22[%add3A_20, %dma_wait3A] : memref<10240x64xf32, #tpu.memory_space<vmem_shared>> -> memref<128x64xf32, #tpu.memory_space<vmem_shared>>
      %dma_wait3A_190 = arith.constant 0 : i32
      %dma_wait3A_191 = tpu.memref_slice %arg22[%add3A_20, %dma_wait3A_190] : memref<10240x64xf32, #tpu.memory_space<vmem_shared>> -> memref<128x64xf32, #tpu.memory_space<vmem_shared>>
      tpu.wait_dma2 semaphore(%run_scoped3A : memref<!tpu.dma_semaphore, #tpu.memory_space<semaphore_mem>>) src(%arg19 : memref<128x64xf32, #tpu.memory_space<vmem>>) dst(%dma_wait3A_191 : memref<128x64xf32, #tpu.memory_space<vmem_shared>>)
      tpu.yield
    }) : () -> ()
    %add3A_21 = arith.constant 256 : i32
    %add3A_22 = arith.addi %mul3A_4, %add3A_21 : i32
    "tpu.region"() ({
      %run_scoped3A = tpu.sem_alloc : memref<!tpu.dma_semaphore, #tpu.memory_space<semaphore_mem>>
      %dma_start3A_185 = arith.constant 0 : i32
      %dma_start3A_186 = tpu.memref_slice %arg22[%add3A_22, %dma_start3A_185] : memref<10240x64xf32, #tpu.memory_space<vmem_shared>> -> memref<128x64xf32, #tpu.memory_space<vmem_shared>>
      %dma_start3A_187 = arith.constant 0 : i32
      %dma_start3A_188 = tpu.memref_slice %arg22[%add3A_22, %dma_start3A_187] : memref<10240x64xf32, #tpu.memory_space<vmem_shared>> -> memref<128x64xf32, #tpu.memory_space<vmem_shared>>
      tpu.enqueue_dma source(%arg19 : memref<128x64xf32, #tpu.memory_space<vmem>>) target(%dma_start3A_188 : memref<128x64xf32, #tpu.memory_space<vmem_shared>>) target_semaphore(%run_scoped3A : memref<!tpu.dma_semaphore, #tpu.memory_space<semaphore_mem>>)
      %dma_wait3A = arith.constant 0 : i32
      %dma_wait3A_189 = tpu.memref_slice %arg22[%add3A_22, %dma_wait3A] : memref<10240x64xf32, #tpu.memory_space<vmem_shared>> -> memref<128x64xf32, #tpu.memory_space<vmem_shared>>
      %dma_wait3A_190 = arith.constant 0 : i32
      %dma_wait3A_191 = tpu.memref_slice %arg22[%add3A_22, %dma_wait3A_190] : memref<10240x64xf32, #tpu.memory_space<vmem_shared>> -> memref<128x64xf32, #tpu.memory_space<vmem_shared>>
      tpu.wait_dma2 semaphore(%run_scoped3A : memref<!tpu.dma_semaphore, #tpu.memory_space<semaphore_mem>>) src(%arg19 : memref<128x64xf32, #tpu.memory_space<vmem>>) dst(%dma_wait3A_191 : memref<128x64xf32, #tpu.memory_space<vmem_shared>>)
      tpu.yield
    }) : () -> ()
    %add3A_23 = arith.constant 384 : i32
    %add3A_24 = arith.addi %mul3A_4, %add3A_23 : i32
    "tpu.region"() ({
      %run_scoped3A = tpu.sem_alloc : memref<!tpu.dma_semaphore, #tpu.memory_space<semaphore_mem>>
      %dma_start3A_185 = arith.constant 0 : i32
      %dma_start3A_186 = tpu.memref_slice %arg22[%add3A_24, %dma_start3A_185] : memref<10240x64xf32, #tpu.memory_space<vmem_shared>> -> memref<128x64xf32, #tpu.memory_space<vmem_shared>>
      %dma_start3A_187 = arith.constant 0 : i32
      %dma_start3A_188 = tpu.memref_slice %arg22[%add3A_24, %dma_start3A_187] : memref<10240x64xf32, #tpu.memory_space<vmem_shared>> -> memref<128x64xf32, #tpu.memory_space<vmem_shared>>
      tpu.enqueue_dma source(%arg19 : memref<128x64xf32, #tpu.memory_space<vmem>>) target(%dma_start3A_188 : memref<128x64xf32, #tpu.memory_space<vmem_shared>>) target_semaphore(%run_scoped3A : memref<!tpu.dma_semaphore, #tpu.memory_space<semaphore_mem>>)
      %dma_wait3A = arith.constant 0 : i32
      %dma_wait3A_189 = tpu.memref_slice %arg22[%add3A_24, %dma_wait3A] : memref<10240x64xf32, #tpu.memory_space<vmem_shared>> -> memref<128x64xf32, #tpu.memory_space<vmem_shared>>
      %dma_wait3A_190 = arith.constant 0 : i32
      %dma_wait3A_191 = tpu.memref_slice %arg22[%add3A_24, %dma_wait3A_190] : memref<10240x64xf32, #tpu.memory_space<vmem_shared>> -> memref<128x64xf32, #tpu.memory_space<vmem_shared>>
      tpu.wait_dma2 semaphore(%run_scoped3A : memref<!tpu.dma_semaphore, #tpu.memory_space<semaphore_mem>>) src(%arg19 : memref<128x64xf32, #tpu.memory_space<vmem>>) dst(%dma_wait3A_191 : memref<128x64xf32, #tpu.memory_space<vmem_shared>>)
      tpu.yield
    }) : () -> ()
    %add3A_25 = arith.constant 512 : i32
    %add3A_26 = arith.addi %mul3A_4, %add3A_25 : i32
    "tpu.region"() ({
      %run_scoped3A = tpu.sem_alloc : memref<!tpu.dma_semaphore, #tpu.memory_space<semaphore_mem>>
      %dma_start3A_185 = arith.constant 0 : i32
      %dma_start3A_186 = tpu.memref_slice %arg22[%add3A_26, %dma_start3A_185] : memref<10240x64xf32, #tpu.memory_space<vmem_shared>> -> memref<128x64xf32, #tpu.memory_space<vmem_shared>>
      %dma_start3A_187 = arith.constant 0 : i32
      %dma_start3A_188 = tpu.memref_slice %arg22[%add3A_26, %dma_start3A_187] : memref<10240x64xf32, #tpu.memory_space<vmem_shared>> -> memref<128x64xf32, #tpu.memory_space<vmem_shared>>
      tpu.enqueue_dma source(%arg19 : memref<128x64xf32, #tpu.memory_space<vmem>>) target(%dma_start3A_188 : memref<128x64xf32, #tpu.memory_space<vmem_shared>>) target_semaphore(%run_scoped3A : memref<!tpu.dma_semaphore, #tpu.memory_space<semaphore_mem>>)
      %dma_wait3A = arith.constant 0 : i32
      %dma_wait3A_189 = tpu.memref_slice %arg22[%add3A_26, %dma_wait3A] : memref<10240x64xf32, #tpu.memory_space<vmem_shared>> -> memref<128x64xf32, #tpu.memory_space<vmem_shared>>
      %dma_wait3A_190 = arith.constant 0 : i32
      %dma_wait3A_191 = tpu.memref_slice %arg22[%add3A_26, %dma_wait3A_190] : memref<10240x64xf32, #tpu.memory_space<vmem_shared>> -> memref<128x64xf32, #tpu.memory_space<vmem_shared>>
      tpu.wait_dma2 semaphore(%run_scoped3A : memref<!tpu.dma_semaphore, #tpu.memory_space<semaphore_mem>>) src(%arg19 : memref<128x64xf32, #tpu.memory_space<vmem>>) dst(%dma_wait3A_191 : memref<128x64xf32, #tpu.memory_space<vmem_shared>>)
      tpu.yield
    }) : () -> ()
    %mul3A_27 = arith.constant 40 : i32
    %mul3A_28 = arith.muli %arg1, %mul3A_27 : i32
    "tpu.region"() ({
      %run_scoped3A = tpu.sem_alloc : memref<!tpu.dma_semaphore, #tpu.memory_space<semaphore_mem>>
      %dma_start3A_185 = arith.constant 0 : i32
      %dma_start3A_186 = arith.constant 0 : i32
      %dma_start3A_187 = tpu.memref_slice %arg19[%dma_start3A_185, %dma_start3A_186] : memref<128x64xf32, #tpu.memory_space<vmem>> -> memref<40x16xf32, #tpu.memory_space<vmem>>
      %dma_start3A_188 = arith.constant 0 : i32
      %dma_start3A_189 = tpu.memref_slice %arg21[%mul3A_28, %dma_start3A_188] : memref<640x16xf32, #tpu.memory_space<vmem_shared>> -> memref<40x16xf32, #tpu.memory_space<vmem_shared>>
      %dma_start3A_190 = arith.constant 0 : i32
      %dma_start3A_191 = tpu.memref_slice %arg21[%mul3A_28, %dma_start3A_190] : memref<640x16xf32, #tpu.memory_space<vmem_shared>> -> memref<40x16xf32, #tpu.memory_space<vmem_shared>>
      %dma_start3A_192 = arith.constant 0 : i32
      %dma_start3A_193 = arith.constant 0 : i32
      %dma_start3A_194 = tpu.memref_slice %arg19[%dma_start3A_192, %dma_start3A_193] : memref<128x64xf32, #tpu.memory_space<vmem>> -> memref<40x16xf32, #tpu.memory_space<vmem>>
      tpu.enqueue_dma source(%dma_start3A_194 : memref<40x16xf32, #tpu.memory_space<vmem>>) target(%dma_start3A_191 : memref<40x16xf32, #tpu.memory_space<vmem_shared>>) target_semaphore(%run_scoped3A : memref<!tpu.dma_semaphore, #tpu.memory_space<semaphore_mem>>)
      %dma_wait3A = arith.constant 0 : i32
      %dma_wait3A_195 = arith.constant 0 : i32
      %dma_wait3A_196 = tpu.memref_slice %arg19[%dma_wait3A, %dma_wait3A_195] : memref<128x64xf32, #tpu.memory_space<vmem>> -> memref<40x16xf32, #tpu.memory_space<vmem>>
      %dma_wait3A_197 = arith.constant 0 : i32
      %dma_wait3A_198 = tpu.memref_slice %arg21[%mul3A_28, %dma_wait3A_197] : memref<640x16xf32, #tpu.memory_space<vmem_shared>> -> memref<40x16xf32, #tpu.memory_space<vmem_shared>>
      %dma_wait3A_199 = arith.constant 0 : i32
      %dma_wait3A_200 = tpu.memref_slice %arg21[%mul3A_28, %dma_wait3A_199] : memref<640x16xf32, #tpu.memory_space<vmem_shared>> -> memref<40x16xf32, #tpu.memory_space<vmem_shared>>
      %dma_wait3A_201 = arith.constant 0 : i32
      %dma_wait3A_202 = arith.constant 0 : i32
      %dma_wait3A_203 = tpu.memref_slice %arg19[%dma_wait3A_201, %dma_wait3A_202] : memref<128x64xf32, #tpu.memory_space<vmem>> -> memref<40x16xf32, #tpu.memory_space<vmem>>
      tpu.wait_dma2 semaphore(%run_scoped3A : memref<!tpu.dma_semaphore, #tpu.memory_space<semaphore_mem>>) src(%dma_wait3A_203 : memref<40x16xf32, #tpu.memory_space<vmem>>) dst(%dma_wait3A_200 : memref<40x16xf32, #tpu.memory_space<vmem_shared>>)
      tpu.yield
    }) : () -> ()
    "tpu.region"() ({
      %run_scoped3A = tpu.sem_alloc : memref<!tpu.dma_semaphore, #tpu.memory_space<semaphore_mem>>
      %dma_start3A_185 = tpu.memref_slice %arg2[%mul3A_2] : memref<320000xi32, #tpu.memory_space<hbm>> -> memref<10000xi32, #tpu.memory_space<hbm>>
      %dma_start3A_186 = tpu.memref_slice %arg2[%mul3A_2] : memref<320000xi32, #tpu.memory_space<hbm>> -> memref<10000xi32, #tpu.memory_space<hbm>>
      tpu.enqueue_dma source(%dma_start3A_186 : memref<10000xi32, #tpu.memory_space<hbm>>) target(%arg14 : memref<10000xi32, #tpu.memory_space<vmem>>) target_semaphore(%run_scoped3A : memref<!tpu.dma_semaphore, #tpu.memory_space<semaphore_mem>>)
      %dma_wait3A = tpu.memref_slice %arg2[%mul3A_2] : memref<320000xi32, #tpu.memory_space<hbm>> -> memref<10000xi32, #tpu.memory_space<hbm>>
      %dma_wait3A_187 = tpu.memref_slice %arg2[%mul3A_2] : memref<320000xi32, #tpu.memory_space<hbm>> -> memref<10000xi32, #tpu.memory_space<hbm>>
      tpu.wait_dma2 semaphore(%run_scoped3A : memref<!tpu.dma_semaphore, #tpu.memory_space<semaphore_mem>>) src(%dma_wait3A_187 : memref<10000xi32, #tpu.memory_space<hbm>>) dst(%arg14 : memref<10000xi32, #tpu.memory_space<vmem>>)
      tpu.yield
    }) : () -> ()
    "tpu.region"() ({
      %run_scoped3A = tpu.sem_alloc : memref<!tpu.dma_semaphore, #tpu.memory_space<semaphore_mem>>
      %dma_start3A_185 = tpu.memref_slice %arg3[%mul3A_2] : memref<320000xi32, #tpu.memory_space<hbm>> -> memref<10000xi32, #tpu.memory_space<hbm>>
      %dma_start3A_186 = tpu.memref_slice %arg3[%mul3A_2] : memref<320000xi32, #tpu.memory_space<hbm>> -> memref<10000xi32, #tpu.memory_space<hbm>>
      tpu.enqueue_dma source(%dma_start3A_186 : memref<10000xi32, #tpu.memory_space<hbm>>) target(%arg15 : memref<10000xi32, #tpu.memory_space<vmem>>) target_semaphore(%run_scoped3A : memref<!tpu.dma_semaphore, #tpu.memory_space<semaphore_mem>>)
      %dma_wait3A = tpu.memref_slice %arg3[%mul3A_2] : memref<320000xi32, #tpu.memory_space<hbm>> -> memref<10000xi32, #tpu.memory_space<hbm>>
      %dma_wait3A_187 = tpu.memref_slice %arg3[%mul3A_2] : memref<320000xi32, #tpu.memory_space<hbm>> -> memref<10000xi32, #tpu.memory_space<hbm>>
      tpu.wait_dma2 semaphore(%run_scoped3A : memref<!tpu.dma_semaphore, #tpu.memory_space<semaphore_mem>>) src(%dma_wait3A_187 : memref<10000xi32, #tpu.memory_space<hbm>>) dst(%arg15 : memref<10000xi32, #tpu.memory_space<vmem>>)
      tpu.yield
    }) : () -> ()
    "tpu.region"() ({
      %run_scoped3A = tpu.sem_alloc : memref<!tpu.dma_semaphore, #tpu.memory_space<semaphore_mem>>
      %dma_start3A_185 = tpu.memref_slice %arg4[%mul3A_2] : memref<320000xf32, #tpu.memory_space<hbm>> -> memref<10000xf32, #tpu.memory_space<hbm>>
      %dma_start3A_186 = tpu.memref_slice %arg4[%mul3A_2] : memref<320000xf32, #tpu.memory_space<hbm>> -> memref<10000xf32, #tpu.memory_space<hbm>>
      tpu.enqueue_dma source(%dma_start3A_186 : memref<10000xf32, #tpu.memory_space<hbm>>) target(%arg16 : memref<10000xf32, #tpu.memory_space<vmem>>) target_semaphore(%run_scoped3A : memref<!tpu.dma_semaphore, #tpu.memory_space<semaphore_mem>>)
      %dma_wait3A = tpu.memref_slice %arg4[%mul3A_2] : memref<320000xf32, #tpu.memory_space<hbm>> -> memref<10000xf32, #tpu.memory_space<hbm>>
      %dma_wait3A_187 = tpu.memref_slice %arg4[%mul3A_2] : memref<320000xf32, #tpu.memory_space<hbm>> -> memref<10000xf32, #tpu.memory_space<hbm>>
      tpu.wait_dma2 semaphore(%run_scoped3A : memref<!tpu.dma_semaphore, #tpu.memory_space<semaphore_mem>>) src(%dma_wait3A_187 : memref<10000xf32, #tpu.memory_space<hbm>>) dst(%arg16 : memref<10000xf32, #tpu.memory_space<vmem>>)
      tpu.yield
    }) : () -> ()
    %scan3A_29 = arith.constant 0 : i32
    %scan3A_30 = arith.constant 0 : i32
    %scan3A_31 = arith.constant 625 : i32
    %scan3A_32 = arith.addi %scan3A_30, %scan3A_31 : i32
    %scan3A_33 = arith.constant 1 : i32
    scf.for %scan3A_185 = %scan3A_30 to %scan3A_32 step %scan3A_33  : i32 {
      %mul3A_186 = arith.constant 16 : i32
      %mul3A_187 = arith.muli %scan3A_185, %mul3A_186 : i32
      %get3A_188 = arith.index_cast %mul3A_187 : i32 to index
      %get3A_189 = tpu.vector_load %arg14[%get3A_188] {strides = array<i32>} : memref<10000xi32, #tpu.memory_space<vmem>>, vector<16xi32>,
      %get3A_190 = arith.index_cast %mul3A_187 : i32 to index
      %get3A_191 = tpu.vector_load %arg15[%get3A_190] {strides = array<i32>} : memref<10000xi32, #tpu.memory_space<vmem>>, vector<16xi32>,
      %gather3A = tpu.vector_load_idx %arg12[%get3A_189] : memref<10000xf32, #tpu.memory_space<vmem>>[vector<16xi32>], vector<16xf32>,
      %gather3A_192 = tpu.vector_load_idx %arg13[%get3A_191] : memref<10000xf32, #tpu.memory_space<vmem>>[vector<16xi32>], vector<16xf32>,
      %add3A_193 = arith.addf %gather3A, %gather3A_192 : vector<16xf32>
      %get3A_194 = arith.index_cast %mul3A_187 : i32 to index
      %get3A_195 = tpu.vector_load %arg16[%get3A_194] {strides = array<i32>} : memref<10000xf32, #tpu.memory_space<vmem>>, vector<16xf32>,
      %add3A_196 = arith.addf %add3A_193, %get3A_195 : vector<16xf32>
      %mul3A_197 = arith.constant 2.000000e-01 : f32
      %mul3A_198 = vector.broadcast %mul3A_197 : f32 to vector<16xf32>
      %mul3A_199 = arith.mulf %add3A_196, %mul3A_198 : vector<16xf32>
      %max3A = arith.maximumf %add3A_196, %mul3A_199 : vector<16xf32>
      %exp3A = math.exp %max3A : vector<16xf32>
      %swap3A = arith.index_cast %mul3A_187 : i32 to index
      %swap3A_200 = tpu.vector_load %arg17[%swap3A] {strides = array<i32>} : memref<10000xf32, #tpu.memory_space<vmem>>, vector<16xf32>,
      tpu.vector_store %arg17[%swap3A], %exp3A {strides = array<i32>} : memref<10000xf32, #tpu.memory_space<vmem>>, vector<16xf32>,
      %shift_right_logical3A = arith.constant 4 : i32
      %shift_right_logical3A_201 = vector.broadcast %shift_right_logical3A : i32 to vector<16xi32>
      %shift_right_logical3A_202 = arith.shrui %get3A_191, %shift_right_logical3A_201 : vector<16xi32>
      %and3A = arith.constant 15 : i32
      %and3A_203 = vector.broadcast %and3A : i32 to vector<16xi32>
      %and3A_204 = arith.andi %get3A_191, %and3A_203 : vector<16xi32>
      tpu.vector_store_idx %arg18[%shift_right_logical3A_202, %and3A_204], %exp3A {add = true} : memref<640x16xf32, #tpu.memory_space<vmem>>[vector<16xi32>, vector<16xi32>], vector<16xf32>,
    }
    %scan3A_34 = arith.constant 625 : i32
    %barrier3A = arith.constant 0 : index
    tpu.barrier barrier_id(%barrier3A)
    %scan3A_35 = arith.constant 0 : i32
    %scan3A_36 = arith.constant 0 : i32
    %scan3A_37 = arith.constant 40 : i32
    %scan3A_38 = arith.addi %scan3A_36, %scan3A_37 : i32
    %scan3A_39 = arith.constant 1 : i32
    scf.for %scan3A_185 = %scan3A_36 to %scan3A_38 step %scan3A_39  : i32 {
      %mul3A_186 = arith.constant 16 : i32
      %mul3A_187 = arith.muli %scan3A_185, %mul3A_186 : i32
      %mul3A_188 = arith.constant 16 : i32
      %mul3A_189 = arith.muli %scan3A_185, %mul3A_188 : i32
      %add3A_190 = vector.broadcast %mul3A_189 : i32 to vector<16xi32>
      %add3A_191 = arith.addi %iota3A, %add3A_190 : vector<16xi32>
      "tpu.region"() ({
        %run_scoped3A = tpu.sem_alloc : memref<!tpu.dma_semaphore, #tpu.memory_space<semaphore_mem>>
        %dma_start3A_192 = arith.constant 0 : i32
        %dma_start3A_193 = tpu.memref_slice %arg18[%mul3A_187, %dma_start3A_192] : memref<640x16xf32, #tpu.memory_space<vmem>> -> memref<16x16xf32, #tpu.memory_space<vmem>>
        %dma_start3A_194 = arith.constant 0 : i32
        %dma_start3A_195 = arith.constant 0 : i32
        %dma_start3A_196 = tpu.memref_slice %arg21[%dma_start3A_194, %dma_start3A_195] : memref<640x16xf32, #tpu.memory_space<vmem_shared>> -> memref<640x16xf32, #tpu.memory_space<vmem_shared>>
        tpu.enqueue_indirect_dma source(%dma_start3A_193 : memref<16x16xf32, #tpu.memory_space<vmem>>) target(%dma_start3A_196 : memref<640x16xf32, #tpu.memory_space<vmem_shared>>) offsets(%add3A_191 : vector<16xi32>) semaphore(%run_scoped3A : memref<!tpu.dma_semaphore, #tpu.memory_space<semaphore_mem>>) {add = true}
        %dma_wait3A = arith.constant 0 : i32
        %dma_wait3A_197 = tpu.memref_slice %arg18[%mul3A_187, %dma_wait3A] : memref<640x16xf32, #tpu.memory_space<vmem>> -> memref<16x16xf32, #tpu.memory_space<vmem>>
        %dma_wait3A_198 = arith.constant 0 : i32
        %dma_wait3A_199 = arith.constant 0 : i32
        %dma_wait3A_200 = tpu.memref_slice %arg21[%dma_wait3A_198, %dma_wait3A_199] : memref<640x16xf32, #tpu.memory_space<vmem_shared>> -> memref<640x16xf32, #tpu.memory_space<vmem_shared>>
        tpu.wait_indirect_dma semaphore(%run_scoped3A : memref<!tpu.dma_semaphore, #tpu.memory_space<semaphore_mem>>) src(%dma_wait3A_197 : memref<16x16xf32, #tpu.memory_space<vmem>>) dst(%dma_wait3A_200 : memref<640x16xf32, #tpu.memory_space<vmem_shared>>)
        tpu.yield
      }) : () -> ()
    }
    %scan3A_40 = arith.constant 40 : i32
    %barrier3A_41 = arith.constant 0 : index
    tpu.barrier barrier_id(%barrier3A_41)
    %mul3A_42 = arith.constant 40 : i32
    %mul3A_43 = arith.muli %arg1, %mul3A_42 : i32
    %mul3A_44 = arith.constant 40 : i32
    %mul3A_45 = arith.muli %arg1, %mul3A_44 : i32
    "tpu.region"() ({
      %run_scoped3A = tpu.sem_alloc : memref<!tpu.dma_semaphore, #tpu.memory_space<semaphore_mem>>
      %dma_start3A_185 = arith.constant 0 : i32
      %dma_start3A_186 = tpu.memref_slice %arg11[%arg0, %mul3A_45, %dma_start3A_185] : memref<2x640x16xf32, #tpu.memory_space<hbm>> -> memref<1x40x16xf32, #tpu.memory_space<hbm>>
      %dma_start3A_187 = tpu.memref_squeeze %dma_start3A_186 : memref<1x40x16xf32, #tpu.memory_space<hbm>> -> memref<40x16xf32, #tpu.memory_space<hbm>>
      %dma_start3A_188 = arith.constant 0 : i32
      %dma_start3A_189 = tpu.memref_slice %arg21[%mul3A_43, %dma_start3A_188] : memref<640x16xf32, #tpu.memory_space<vmem_shared>> -> memref<40x16xf32, #tpu.memory_space<vmem_shared>>
      tpu.enqueue_dma source(%dma_start3A_189 : memref<40x16xf32, #tpu.memory_space<vmem_shared>>) target(%dma_start3A_187 : memref<40x16xf32, #tpu.memory_space<hbm>>) target_semaphore(%run_scoped3A : memref<!tpu.dma_semaphore, #tpu.memory_space<semaphore_mem>>)
      %dma_wait3A = arith.constant 0 : i32
      %dma_wait3A_190 = tpu.memref_slice %arg11[%arg0, %mul3A_45, %dma_wait3A] : memref<2x640x16xf32, #tpu.memory_space<hbm>> -> memref<1x40x16xf32, #tpu.memory_space<hbm>>
      %dma_wait3A_191 = tpu.memref_squeeze %dma_wait3A_190 : memref<1x40x16xf32, #tpu.memory_space<hbm>> -> memref<40x16xf32, #tpu.memory_space<hbm>>
      %dma_wait3A_192 = arith.constant 0 : i32
      %dma_wait3A_193 = tpu.memref_slice %arg21[%mul3A_43, %dma_wait3A_192] : memref<640x16xf32, #tpu.memory_space<vmem_shared>> -> memref<40x16xf32, #tpu.memory_space<vmem_shared>>
      tpu.wait_dma2 semaphore(%run_scoped3A : memref<!tpu.dma_semaphore, #tpu.memory_space<semaphore_mem>>) src(%dma_wait3A_193 : memref<40x16xf32, #tpu.memory_space<vmem_shared>>) dst(%dma_wait3A_191 : memref<40x16xf32, #tpu.memory_space<hbm>>)
      tpu.yield
    }) : () -> ()
    %get3A = arith.constant 0 : index
    %get3A_46 = tpu.vector_load %arg14[%get3A] {strides = array<i32>} : memref<10000xi32, #tpu.memory_space<vmem>>, vector<16xi32>,
    %dma_start3A = arith.constant 0 : i32
    %dma_start3A_47 = arith.constant 0 : i32
    %dma_start3A_48 = arith.constant 0 : i32
    %dma_start3A_49 = tpu.memref_slice %arg20[%dma_start3A, %dma_start3A_47, %dma_start3A_48] : memref<5x16x64xf32, #tpu.memory_space<vmem>> -> memref<1x16x64xf32, #tpu.memory_space<vmem>>
    %dma_start3A_50 = tpu.memref_squeeze %dma_start3A_49 : memref<1x16x64xf32, #tpu.memory_space<vmem>> -> memref<16x64xf32, #tpu.memory_space<vmem>>
    %dma_start3A_51 = arith.constant 0 : i32
    %dma_start3A_52 = arith.constant 0 : i32
    %dma_start3A_53 = tpu.memref_slice %arg7[%dma_start3A_51, %dma_start3A_52] : memref<10000x64xf32, #tpu.memory_space<hbm>> -> memref<10000x64xf32, #tpu.memory_space<hbm>>
    tpu.enqueue_indirect_dma source(%dma_start3A_53 : memref<10000x64xf32, #tpu.memory_space<hbm>>) target(%dma_start3A_50 : memref<16x64xf32, #tpu.memory_space<vmem>>) offsets(%get3A_46 : vector<16xi32>) semaphore(%arg23 : memref<!tpu.dma_semaphore, #tpu.memory_space<semaphore_mem>>)
    %get3A_54 = arith.constant 16 : index
    %get3A_55 = tpu.vector_load %arg14[%get3A_54] {strides = array<i32>} : memref<10000xi32, #tpu.memory_space<vmem>>, vector<16xi32>,
    %dma_start3A_56 = arith.constant 1 : i32
    %dma_start3A_57 = arith.constant 0 : i32
    %dma_start3A_58 = arith.constant 0 : i32
    %dma_start3A_59 = tpu.memref_slice %arg20[%dma_start3A_56, %dma_start3A_57, %dma_start3A_58] : memref<5x16x64xf32, #tpu.memory_space<vmem>> -> memref<1x16x64xf32, #tpu.memory_space<vmem>>
    %dma_start3A_60 = tpu.memref_squeeze %dma_start3A_59 : memref<1x16x64xf32, #tpu.memory_space<vmem>> -> memref<16x64xf32, #tpu.memory_space<vmem>>
    %dma_start3A_61 = arith.constant 0 : i32
    %dma_start3A_62 = arith.constant 0 : i32
    %dma_start3A_63 = tpu.memref_slice %arg7[%dma_start3A_61, %dma_start3A_62] : memref<10000x64xf32, #tpu.memory_space<hbm>> -> memref<10000x64xf32, #tpu.memory_space<hbm>>
    tpu.enqueue_indirect_dma source(%dma_start3A_63 : memref<10000x64xf32, #tpu.memory_space<hbm>>) target(%dma_start3A_60 : memref<16x64xf32, #tpu.memory_space<vmem>>) offsets(%get3A_55 : vector<16xi32>) semaphore(%arg24 : memref<!tpu.dma_semaphore, #tpu.memory_space<semaphore_mem>>)
    %get3A_64 = arith.constant 32 : index
    %get3A_65 = tpu.vector_load %arg14[%get3A_64] {strides = array<i32>} : memref<10000xi32, #tpu.memory_space<vmem>>, vector<16xi32>,
    %dma_start3A_66 = arith.constant 2 : i32
    %dma_start3A_67 = arith.constant 0 : i32
    %dma_start3A_68 = arith.constant 0 : i32
    %dma_start3A_69 = tpu.memref_slice %arg20[%dma_start3A_66, %dma_start3A_67, %dma_start3A_68] : memref<5x16x64xf32, #tpu.memory_space<vmem>> -> memref<1x16x64xf32, #tpu.memory_space<vmem>>
    %dma_start3A_70 = tpu.memref_squeeze %dma_start3A_69 : memref<1x16x64xf32, #tpu.memory_space<vmem>> -> memref<16x64xf32, #tpu.memory_space<vmem>>
    %dma_start3A_71 = arith.constant 0 : i32
    %dma_start3A_72 = arith.constant 0 : i32
    %dma_start3A_73 = tpu.memref_slice %arg7[%dma_start3A_71, %dma_start3A_72] : memref<10000x64xf32, #tpu.memory_space<hbm>> -> memref<10000x64xf32, #tpu.memory_space<hbm>>
    tpu.enqueue_indirect_dma source(%dma_start3A_73 : memref<10000x64xf32, #tpu.memory_space<hbm>>) target(%dma_start3A_70 : memref<16x64xf32, #tpu.memory_space<vmem>>) offsets(%get3A_65 : vector<16xi32>) semaphore(%arg25 : memref<!tpu.dma_semaphore, #tpu.memory_space<semaphore_mem>>)
    %get3A_74 = arith.constant 48 : index
    %get3A_75 = tpu.vector_load %arg14[%get3A_74] {strides = array<i32>} : memref<10000xi32, #tpu.memory_space<vmem>>, vector<16xi32>,
    %dma_start3A_76 = arith.constant 3 : i32
    %dma_start3A_77 = arith.constant 0 : i32
    %dma_start3A_78 = arith.constant 0 : i32
    %dma_start3A_79 = tpu.memref_slice %arg20[%dma_start3A_76, %dma_start3A_77, %dma_start3A_78] : memref<5x16x64xf32, #tpu.memory_space<vmem>> -> memref<1x16x64xf32, #tpu.memory_space<vmem>>
    %dma_start3A_80 = tpu.memref_squeeze %dma_start3A_79 : memref<1x16x64xf32, #tpu.memory_space<vmem>> -> memref<16x64xf32, #tpu.memory_space<vmem>>
    %dma_start3A_81 = arith.constant 0 : i32
    %dma_start3A_82 = arith.constant 0 : i32
    %dma_start3A_83 = tpu.memref_slice %arg7[%dma_start3A_81, %dma_start3A_82] : memref<10000x64xf32, #tpu.memory_space<hbm>> -> memref<10000x64xf32, #tpu.memory_space<hbm>>
    tpu.enqueue_indirect_dma source(%dma_start3A_83 : memref<10000x64xf32, #tpu.memory_space<hbm>>) target(%dma_start3A_80 : memref<16x64xf32, #tpu.memory_space<vmem>>) offsets(%get3A_75 : vector<16xi32>) semaphore(%arg26 : memref<!tpu.dma_semaphore, #tpu.memory_space<semaphore_mem>>)
    %get3A_84 = arith.constant 64 : index
    %get3A_85 = tpu.vector_load %arg14[%get3A_84] {strides = array<i32>} : memref<10000xi32, #tpu.memory_space<vmem>>, vector<16xi32>,
    %dma_start3A_86 = arith.constant 4 : i32
    %dma_start3A_87 = arith.constant 0 : i32
    %dma_start3A_88 = arith.constant 0 : i32
    %dma_start3A_89 = tpu.memref_slice %arg20[%dma_start3A_86, %dma_start3A_87, %dma_start3A_88] : memref<5x16x64xf32, #tpu.memory_space<vmem>> -> memref<1x16x64xf32, #tpu.memory_space<vmem>>
    %dma_start3A_90 = tpu.memref_squeeze %dma_start3A_89 : memref<1x16x64xf32, #tpu.memory_space<vmem>> -> memref<16x64xf32, #tpu.memory_space<vmem>>
    %dma_start3A_91 = arith.constant 0 : i32
    %dma_start3A_92 = arith.constant 0 : i32
    %dma_start3A_93 = tpu.memref_slice %arg7[%dma_start3A_91, %dma_start3A_92] : memref<10000x64xf32, #tpu.memory_space<hbm>> -> memref<10000x64xf32, #tpu.memory_space<hbm>>
    tpu.enqueue_indirect_dma source(%dma_start3A_93 : memref<10000x64xf32, #tpu.memory_space<hbm>>) target(%dma_start3A_90 : memref<16x64xf32, #tpu.memory_space<vmem>>) offsets(%get3A_85 : vector<16xi32>) semaphore(%arg27 : memref<!tpu.dma_semaphore, #tpu.memory_space<semaphore_mem>>)
    %scan3A_94 = arith.constant 0 : i32
    %scan3A_95 = arith.constant 0 : i32
    %scan3A_96 = arith.constant 125 : i32
    %scan3A_97 = arith.addi %scan3A_95, %scan3A_96 : i32
    %scan3A_98 = arith.constant 1 : i32
    scf.for %scan3A_185 = %scan3A_95 to %scan3A_97 step %scan3A_98  : i32 {
      %mul3A_186 = arith.constant 5 : i32
      %mul3A_187 = arith.muli %scan3A_185, %mul3A_186 : i32
      %add3A_188 = arith.constant 0 : i32
      %add3A_189 = arith.addi %mul3A_187, %add3A_188 : i32
      %dma_wait3A = arith.constant 0 : i32
      %dma_wait3A_190 = arith.constant 0 : i32
      %dma_wait3A_191 = arith.constant 0 : i32
      %dma_wait3A_192 = tpu.memref_slice %arg20[%dma_wait3A, %dma_wait3A_190, %dma_wait3A_191] : memref<5x16x64xf32, #tpu.memory_space<vmem>> -> memref<1x16x64xf32, #tpu.memory_space<vmem>>
      %dma_wait3A_193 = tpu.memref_squeeze %dma_wait3A_192 : memref<1x16x64xf32, #tpu.memory_space<vmem>> -> memref<16x64xf32, #tpu.memory_space<vmem>>
      %dma_wait3A_194 = arith.constant 0 : i32
      %dma_wait3A_195 = arith.constant 0 : i32
      %dma_wait3A_196 = tpu.memref_slice %arg7[%dma_wait3A_194, %dma_wait3A_195] : memref<10000x64xf32, #tpu.memory_space<hbm>> -> memref<16x64xf32, #tpu.memory_space<hbm>>
      %dma_wait3A_197 = arith.constant 0 : i32
      %dma_wait3A_198 = arith.constant 0 : i32
      %dma_wait3A_199 = tpu.memref_slice %arg20[%dma_wait3A, %dma_wait3A_197, %dma_wait3A_198] : memref<5x16x64xf32, #tpu.memory_space<vmem>> -> memref<1x16x64xf32, #tpu.memory_space<vmem>>
      %dma_wait3A_200 = tpu.memref_squeeze %dma_wait3A_199 : memref<1x16x64xf32, #tpu.memory_space<vmem>> -> memref<16x64xf32, #tpu.memory_space<vmem>>
      %dma_wait3A_201 = arith.constant 0 : i32
      %dma_wait3A_202 = arith.constant 0 : i32
      %dma_wait3A_203 = tpu.memref_slice %arg7[%dma_wait3A_201, %dma_wait3A_202] : memref<10000x64xf32, #tpu.memory_space<hbm>> -> memref<16x64xf32, #tpu.memory_space<hbm>>
      tpu.wait_dma2 semaphore(%arg23 : memref<!tpu.dma_semaphore, #tpu.memory_space<semaphore_mem>>) src(%dma_wait3A_203 : memref<16x64xf32, #tpu.memory_space<hbm>>) dst(%dma_wait3A_200 : memref<16x64xf32, #tpu.memory_space<vmem>>)
      %mul3A_204 = arith.constant 16 : i32
      %mul3A_205 = arith.muli %add3A_189, %mul3A_204 : i32
      %get3A_206 = arith.index_cast %mul3A_205 : i32 to index
      %get3A_207 = tpu.vector_load %arg15[%get3A_206] {strides = array<i32>} : memref<10000xi32, #tpu.memory_space<vmem>>, vector<16xi32>,
      %scan3A_208 = arith.constant 0 : i32
      %scan3A_209 = arith.constant 0 : i32
      %scan3A_210 = arith.constant 16 : i32
      %scan3A_211 = arith.addi %scan3A_209, %scan3A_210 : i32
      %scan3A_212 = arith.constant 1 : i32
      scf.for %scan3A_482 = %scan3A_209 to %scan3A_211 step %scan3A_212  : i32 {
        %mul3A_483 = arith.constant 16 : i32
        %mul3A_484 = arith.muli %add3A_189, %mul3A_483 : i32
        %add3A_485 = arith.addi %mul3A_484, %scan3A_482 : i32
        %broadcast_in_dim3A_486 = vector.broadcast %add3A_485 : i32 to vector<16xi32>
        %gather3A = tpu.vector_load_idx %arg17[%broadcast_in_dim3A_486] : memref<10000xf32, #tpu.memory_space<vmem>>[vector<16xi32>], vector<16xf32>,
        %get3A_487 = arith.constant 0 : i32
        %get3A_488 = arith.index_cast %get3A_487 : i32 to index
        %get3A_489 = arith.index_cast %scan3A_482 : i32 to index
        %get3A_490 = arith.constant 0 : index
        %get3A_491 = tpu.vector_load %arg20[%get3A_488, %get3A_489, %get3A_490] {strides = array<i32>} : memref<5x16x64xf32, #tpu.memory_space<vmem>>, vector<16xf32>,
        %mul3A_492 = arith.mulf %get3A_491, %gather3A : vector<16xf32>
        %swap3A = arith.constant 0 : i32
        %swap3A_493 = arith.index_cast %swap3A : i32 to index
        %swap3A_494 = arith.index_cast %scan3A_482 : i32 to index
        %swap3A_495 = arith.constant 0 : index
        %swap3A_496 = tpu.vector_load %arg20[%swap3A_493, %swap3A_494, %swap3A_495] {strides = array<i32>} : memref<5x16x64xf32, #tpu.memory_space<vmem>>, vector<16xf32>,
        tpu.vector_store %arg20[%swap3A_493, %swap3A_494, %swap3A_495], %mul3A_492 {strides = array<i32>} : memref<5x16x64xf32, #tpu.memory_space<vmem>>, vector<16xf32>,
        %get3A_497 = arith.constant 0 : i32
        %get3A_498 = arith.index_cast %get3A_497 : i32 to index
        %get3A_499 = arith.index_cast %scan3A_482 : i32 to index
        %get3A_500 = arith.constant 16 : index
        %get3A_501 = tpu.vector_load %arg20[%get3A_498, %get3A_499, %get3A_500] {strides = array<i32>} : memref<5x16x64xf32, #tpu.memory_space<vmem>>, vector<16xf32>,
        %mul3A_502 = arith.mulf %get3A_501, %gather3A : vector<16xf32>
        %swap3A_503 = arith.constant 0 : i32
        %swap3A_504 = arith.index_cast %swap3A_503 : i32 to index
        %swap3A_505 = arith.index_cast %scan3A_482 : i32 to index
        %swap3A_506 = arith.constant 16 : index
        %swap3A_507 = tpu.vector_load %arg20[%swap3A_504, %swap3A_505, %swap3A_506] {strides = array<i32>} : memref<5x16x64xf32, #tpu.memory_space<vmem>>, vector<16xf32>,
        tpu.vector_store %arg20[%swap3A_504, %swap3A_505, %swap3A_506], %mul3A_502 {strides = array<i32>} : memref<5x16x64xf32, #tpu.memory_space<vmem>>, vector<16xf32>,
        %get3A_508 = arith.constant 0 : i32
        %get3A_509 = arith.index_cast %get3A_508 : i32 to index
        %get3A_510 = arith.index_cast %scan3A_482 : i32 to index
        %get3A_511 = arith.constant 32 : index
        %get3A_512 = tpu.vector_load %arg20[%get3A_509, %get3A_510, %get3A_511] {strides = array<i32>} : memref<5x16x64xf32, #tpu.memory_space<vmem>>, vector<16xf32>,
        %mul3A_513 = arith.mulf %get3A_512, %gather3A : vector<16xf32>
        %swap3A_514 = arith.constant 0 : i32
        %swap3A_515 = arith.index_cast %swap3A_514 : i32 to index
        %swap3A_516 = arith.index_cast %scan3A_482 : i32 to index
        %swap3A_517 = arith.constant 32 : index
        %swap3A_518 = tpu.vector_load %arg20[%swap3A_515, %swap3A_516, %swap3A_517] {strides = array<i32>} : memref<5x16x64xf32, #tpu.memory_space<vmem>>, vector<16xf32>,
        tpu.vector_store %arg20[%swap3A_515, %swap3A_516, %swap3A_517], %mul3A_513 {strides = array<i32>} : memref<5x16x64xf32, #tpu.memory_space<vmem>>, vector<16xf32>,
        %get3A_519 = arith.constant 0 : i32
        %get3A_520 = arith.index_cast %get3A_519 : i32 to index
        %get3A_521 = arith.index_cast %scan3A_482 : i32 to index
        %get3A_522 = arith.constant 48 : index
        %get3A_523 = tpu.vector_load %arg20[%get3A_520, %get3A_521, %get3A_522] {strides = array<i32>} : memref<5x16x64xf32, #tpu.memory_space<vmem>>, vector<16xf32>,
        %mul3A_524 = arith.mulf %get3A_523, %gather3A : vector<16xf32>
        %swap3A_525 = arith.constant 0 : i32
        %swap3A_526 = arith.index_cast %swap3A_525 : i32 to index
        %swap3A_527 = arith.index_cast %scan3A_482 : i32 to index
        %swap3A_528 = arith.constant 48 : index
        %swap3A_529 = tpu.vector_load %arg20[%swap3A_526, %swap3A_527, %swap3A_528] {strides = array<i32>} : memref<5x16x64xf32, #tpu.memory_space<vmem>>, vector<16xf32>,
        tpu.vector_store %arg20[%swap3A_526, %swap3A_527, %swap3A_528], %mul3A_524 {strides = array<i32>} : memref<5x16x64xf32, #tpu.memory_space<vmem>>, vector<16xf32>,
      }
      %scan3A_213 = arith.constant 16 : i32
      %dma_start3A_214 = arith.constant 0 : i32
      %dma_start3A_215 = arith.constant 0 : i32
      %dma_start3A_216 = arith.constant 0 : i32
      %dma_start3A_217 = tpu.memref_slice %arg20[%dma_start3A_214, %dma_start3A_215, %dma_start3A_216] : memref<5x16x64xf32, #tpu.memory_space<vmem>> -> memref<1x16x64xf32, #tpu.memory_space<vmem>>
      %dma_start3A_218 = tpu.memref_squeeze %dma_start3A_217 : memref<1x16x64xf32, #tpu.memory_space<vmem>> -> memref<16x64xf32, #tpu.memory_space<vmem>>
      %dma_start3A_219 = arith.constant 0 : i32
      %dma_start3A_220 = arith.constant 0 : i32
      %dma_start3A_221 = tpu.memref_slice %arg22[%dma_start3A_219, %dma_start3A_220] : memref<10240x64xf32, #tpu.memory_space<vmem_shared>> -> memref<10240x64xf32, #tpu.memory_space<vmem_shared>>
      tpu.enqueue_indirect_dma source(%dma_start3A_218 : memref<16x64xf32, #tpu.memory_space<vmem>>) target(%dma_start3A_221 : memref<10240x64xf32, #tpu.memory_space<vmem_shared>>) offsets(%get3A_207 : vector<16xi32>) semaphore(%arg28 : memref<!tpu.dma_semaphore, #tpu.memory_space<semaphore_mem>>) {add = true}
      %add3A_222 = arith.constant 1 : i32
      %add3A_223 = arith.addi %mul3A_187, %add3A_222 : i32
      %dma_wait3A_224 = arith.constant 1 : i32
      %dma_wait3A_225 = arith.constant 0 : i32
      %dma_wait3A_226 = arith.constant 0 : i32
      %dma_wait3A_227 = tpu.memref_slice %arg20[%dma_wait3A_224, %dma_wait3A_225, %dma_wait3A_226] : memref<5x16x64xf32, #tpu.memory_space<vmem>> -> memref<1x16x64xf32, #tpu.memory_space<vmem>>
      %dma_wait3A_228 = tpu.memref_squeeze %dma_wait3A_227 : memref<1x16x64xf32, #tpu.memory_space<vmem>> -> memref<16x64xf32, #tpu.memory_space<vmem>>
      %dma_wait3A_229 = arith.constant 0 : i32
      %dma_wait3A_230 = arith.constant 0 : i32
      %dma_wait3A_231 = tpu.memref_slice %arg7[%dma_wait3A_229, %dma_wait3A_230] : memref<10000x64xf32, #tpu.memory_space<hbm>> -> memref<16x64xf32, #tpu.memory_space<hbm>>
      %dma_wait3A_232 = arith.constant 0 : i32
      %dma_wait3A_233 = arith.constant 0 : i32
      %dma_wait3A_234 = tpu.memref_slice %arg20[%dma_wait3A_224, %dma_wait3A_232, %dma_wait3A_233] : memref<5x16x64xf32, #tpu.memory_space<vmem>> -> memref<1x16x64xf32, #tpu.memory_space<vmem>>
      %dma_wait3A_235 = tpu.memref_squeeze %dma_wait3A_234 : memref<1x16x64xf32, #tpu.memory_space<vmem>> -> memref<16x64xf32, #tpu.memory_space<vmem>>
      %dma_wait3A_236 = arith.constant 0 : i32
      %dma_wait3A_237 = arith.constant 0 : i32
      %dma_wait3A_238 = tpu.memref_slice %arg7[%dma_wait3A_236, %dma_wait3A_237] : memref<10000x64xf32, #tpu.memory_space<hbm>> -> memref<16x64xf32, #tpu.memory_space<hbm>>
      tpu.wait_dma2 semaphore(%arg24 : memref<!tpu.dma_semaphore, #tpu.memory_space<semaphore_mem>>) src(%dma_wait3A_238 : memref<16x64xf32, #tpu.memory_space<hbm>>) dst(%dma_wait3A_235 : memref<16x64xf32, #tpu.memory_space<vmem>>)
      %mul3A_239 = arith.constant 16 : i32
      %mul3A_240 = arith.muli %add3A_223, %mul3A_239 : i32
      %get3A_241 = arith.index_cast %mul3A_240 : i32 to index
      %get3A_242 = tpu.vector_load %arg15[%get3A_241] {strides = array<i32>} : memref<10000xi32, #tpu.memory_space<vmem>>, vector<16xi32>,
      %scan3A_243 = arith.constant 0 : i32
      %scan3A_244 = arith.constant 0 : i32
      %scan3A_245 = arith.constant 16 : i32
      %scan3A_246 = arith.addi %scan3A_244, %scan3A_245 : i32
      %scan3A_247 = arith.constant 1 : i32
      scf.for %scan3A_482 = %scan3A_244 to %scan3A_246 step %scan3A_247  : i32 {
        %mul3A_483 = arith.constant 16 : i32
        %mul3A_484 = arith.muli %add3A_223, %mul3A_483 : i32
        %add3A_485 = arith.addi %mul3A_484, %scan3A_482 : i32
        %broadcast_in_dim3A_486 = vector.broadcast %add3A_485 : i32 to vector<16xi32>
        %gather3A = tpu.vector_load_idx %arg17[%broadcast_in_dim3A_486] : memref<10000xf32, #tpu.memory_space<vmem>>[vector<16xi32>], vector<16xf32>,
        %get3A_487 = arith.constant 1 : i32
        %get3A_488 = arith.index_cast %get3A_487 : i32 to index
        %get3A_489 = arith.index_cast %scan3A_482 : i32 to index
        %get3A_490 = arith.constant 0 : index
        %get3A_491 = tpu.vector_load %arg20[%get3A_488, %get3A_489, %get3A_490] {strides = array<i32>} : memref<5x16x64xf32, #tpu.memory_space<vmem>>, vector<16xf32>,
        %mul3A_492 = arith.mulf %get3A_491, %gather3A : vector<16xf32>
        %swap3A = arith.constant 1 : i32
        %swap3A_493 = arith.index_cast %swap3A : i32 to index
        %swap3A_494 = arith.index_cast %scan3A_482 : i32 to index
        %swap3A_495 = arith.constant 0 : index
        %swap3A_496 = tpu.vector_load %arg20[%swap3A_493, %swap3A_494, %swap3A_495] {strides = array<i32>} : memref<5x16x64xf32, #tpu.memory_space<vmem>>, vector<16xf32>,
        tpu.vector_store %arg20[%swap3A_493, %swap3A_494, %swap3A_495], %mul3A_492 {strides = array<i32>} : memref<5x16x64xf32, #tpu.memory_space<vmem>>, vector<16xf32>,
        %get3A_497 = arith.constant 1 : i32
        %get3A_498 = arith.index_cast %get3A_497 : i32 to index
        %get3A_499 = arith.index_cast %scan3A_482 : i32 to index
        %get3A_500 = arith.constant 16 : index
        %get3A_501 = tpu.vector_load %arg20[%get3A_498, %get3A_499, %get3A_500] {strides = array<i32>} : memref<5x16x64xf32, #tpu.memory_space<vmem>>, vector<16xf32>,
        %mul3A_502 = arith.mulf %get3A_501, %gather3A : vector<16xf32>
        %swap3A_503 = arith.constant 1 : i32
        %swap3A_504 = arith.index_cast %swap3A_503 : i32 to index
        %swap3A_505 = arith.index_cast %scan3A_482 : i32 to index
        %swap3A_506 = arith.constant 16 : index
        %swap3A_507 = tpu.vector_load %arg20[%swap3A_504, %swap3A_505, %swap3A_506] {strides = array<i32>} : memref<5x16x64xf32, #tpu.memory_space<vmem>>, vector<16xf32>,
        tpu.vector_store %arg20[%swap3A_504, %swap3A_505, %swap3A_506], %mul3A_502 {strides = array<i32>} : memref<5x16x64xf32, #tpu.memory_space<vmem>>, vector<16xf32>,
        %get3A_508 = arith.constant 1 : i32
        %get3A_509 = arith.index_cast %get3A_508 : i32 to index
        %get3A_510 = arith.index_cast %scan3A_482 : i32 to index
        %get3A_511 = arith.constant 32 : index
        %get3A_512 = tpu.vector_load %arg20[%get3A_509, %get3A_510, %get3A_511] {strides = array<i32>} : memref<5x16x64xf32, #tpu.memory_space<vmem>>, vector<16xf32>,
        %mul3A_513 = arith.mulf %get3A_512, %gather3A : vector<16xf32>
        %swap3A_514 = arith.constant 1 : i32
        %swap3A_515 = arith.index_cast %swap3A_514 : i32 to index
        %swap3A_516 = arith.index_cast %scan3A_482 : i32 to index
        %swap3A_517 = arith.constant 32 : index
        %swap3A_518 = tpu.vector_load %arg20[%swap3A_515, %swap3A_516, %swap3A_517] {strides = array<i32>} : memref<5x16x64xf32, #tpu.memory_space<vmem>>, vector<16xf32>,
        tpu.vector_store %arg20[%swap3A_515, %swap3A_516, %swap3A_517], %mul3A_513 {strides = array<i32>} : memref<5x16x64xf32, #tpu.memory_space<vmem>>, vector<16xf32>,
        %get3A_519 = arith.constant 1 : i32
        %get3A_520 = arith.index_cast %get3A_519 : i32 to index
        %get3A_521 = arith.index_cast %scan3A_482 : i32 to index
        %get3A_522 = arith.constant 48 : index
        %get3A_523 = tpu.vector_load %arg20[%get3A_520, %get3A_521, %get3A_522] {strides = array<i32>} : memref<5x16x64xf32, #tpu.memory_space<vmem>>, vector<16xf32>,
        %mul3A_524 = arith.mulf %get3A_523, %gather3A : vector<16xf32>
        %swap3A_525 = arith.constant 1 : i32
        %swap3A_526 = arith.index_cast %swap3A_525 : i32 to index
        %swap3A_527 = arith.index_cast %scan3A_482 : i32 to index
        %swap3A_528 = arith.constant 48 : index
        %swap3A_529 = tpu.vector_load %arg20[%swap3A_526, %swap3A_527, %swap3A_528] {strides = array<i32>} : memref<5x16x64xf32, #tpu.memory_space<vmem>>, vector<16xf32>,
        tpu.vector_store %arg20[%swap3A_526, %swap3A_527, %swap3A_528], %mul3A_524 {strides = array<i32>} : memref<5x16x64xf32, #tpu.memory_space<vmem>>, vector<16xf32>,
      }
      %scan3A_248 = arith.constant 16 : i32
      %dma_start3A_249 = arith.constant 1 : i32
      %dma_start3A_250 = arith.constant 0 : i32
      %dma_start3A_251 = arith.constant 0 : i32
      %dma_start3A_252 = tpu.memref_slice %arg20[%dma_start3A_249, %dma_start3A_250, %dma_start3A_251] : memref<5x16x64xf32, #tpu.memory_space<vmem>> -> memref<1x16x64xf32, #tpu.memory_space<vmem>>
      %dma_start3A_253 = tpu.memref_squeeze %dma_start3A_252 : memref<1x16x64xf32, #tpu.memory_space<vmem>> -> memref<16x64xf32, #tpu.memory_space<vmem>>
      %dma_start3A_254 = arith.constant 0 : i32
      %dma_start3A_255 = arith.constant 0 : i32
      %dma_start3A_256 = tpu.memref_slice %arg22[%dma_start3A_254, %dma_start3A_255] : memref<10240x64xf32, #tpu.memory_space<vmem_shared>> -> memref<10240x64xf32, #tpu.memory_space<vmem_shared>>
      tpu.enqueue_indirect_dma source(%dma_start3A_253 : memref<16x64xf32, #tpu.memory_space<vmem>>) target(%dma_start3A_256 : memref<10240x64xf32, #tpu.memory_space<vmem_shared>>) offsets(%get3A_242 : vector<16xi32>) semaphore(%arg29 : memref<!tpu.dma_semaphore, #tpu.memory_space<semaphore_mem>>) {add = true}
      %add3A_257 = arith.constant 2 : i32
      %add3A_258 = arith.addi %mul3A_187, %add3A_257 : i32
      %dma_wait3A_259 = arith.constant 2 : i32
      %dma_wait3A_260 = arith.constant 0 : i32
      %dma_wait3A_261 = arith.constant 0 : i32
      %dma_wait3A_262 = tpu.memref_slice %arg20[%dma_wait3A_259, %dma_wait3A_260, %dma_wait3A_261] : memref<5x16x64xf32, #tpu.memory_space<vmem>> -> memref<1x16x64xf32, #tpu.memory_space<vmem>>
      %dma_wait3A_263 = tpu.memref_squeeze %dma_wait3A_262 : memref<1x16x64xf32, #tpu.memory_space<vmem>> -> memref<16x64xf32, #tpu.memory_space<vmem>>
      %dma_wait3A_264 = arith.constant 0 : i32
      %dma_wait3A_265 = arith.constant 0 : i32
      %dma_wait3A_266 = tpu.memref_slice %arg7[%dma_wait3A_264, %dma_wait3A_265] : memref<10000x64xf32, #tpu.memory_space<hbm>> -> memref<16x64xf32, #tpu.memory_space<hbm>>
      %dma_wait3A_267 = arith.constant 0 : i32
      %dma_wait3A_268 = arith.constant 0 : i32
      %dma_wait3A_269 = tpu.memref_slice %arg20[%dma_wait3A_259, %dma_wait3A_267, %dma_wait3A_268] : memref<5x16x64xf32, #tpu.memory_space<vmem>> -> memref<1x16x64xf32, #tpu.memory_space<vmem>>
      %dma_wait3A_270 = tpu.memref_squeeze %dma_wait3A_269 : memref<1x16x64xf32, #tpu.memory_space<vmem>> -> memref<16x64xf32, #tpu.memory_space<vmem>>
      %dma_wait3A_271 = arith.constant 0 : i32
      %dma_wait3A_272 = arith.constant 0 : i32
      %dma_wait3A_273 = tpu.memref_slice %arg7[%dma_wait3A_271, %dma_wait3A_272] : memref<10000x64xf32, #tpu.memory_space<hbm>> -> memref<16x64xf32, #tpu.memory_space<hbm>>
      tpu.wait_dma2 semaphore(%arg25 : memref<!tpu.dma_semaphore, #tpu.memory_space<semaphore_mem>>) src(%dma_wait3A_273 : memref<16x64xf32, #tpu.memory_space<hbm>>) dst(%dma_wait3A_270 : memref<16x64xf32, #tpu.memory_space<vmem>>)
      %mul3A_274 = arith.constant 16 : i32
      %mul3A_275 = arith.muli %add3A_258, %mul3A_274 : i32
      %get3A_276 = arith.index_cast %mul3A_275 : i32 to index
      %get3A_277 = tpu.vector_load %arg15[%get3A_276] {strides = array<i32>} : memref<10000xi32, #tpu.memory_space<vmem>>, vector<16xi32>,
      %scan3A_278 = arith.constant 0 : i32
      %scan3A_279 = arith.constant 0 : i32
      %scan3A_280 = arith.constant 16 : i32
      %scan3A_281 = arith.addi %scan3A_279, %scan3A_280 : i32
      %scan3A_282 = arith.constant 1 : i32
      scf.for %scan3A_482 = %scan3A_279 to %scan3A_281 step %scan3A_282  : i32 {
        %mul3A_483 = arith.constant 16 : i32
        %mul3A_484 = arith.muli %add3A_258, %mul3A_483 : i32
        %add3A_485 = arith.addi %mul3A_484, %scan3A_482 : i32
        %broadcast_in_dim3A_486 = vector.broadcast %add3A_485 : i32 to vector<16xi32>
        %gather3A = tpu.vector_load_idx %arg17[%broadcast_in_dim3A_486] : memref<10000xf32, #tpu.memory_space<vmem>>[vector<16xi32>], vector<16xf32>,
        %get3A_487 = arith.constant 2 : i32
        %get3A_488 = arith.index_cast %get3A_487 : i32 to index
        %get3A_489 = arith.index_cast %scan3A_482 : i32 to index
        %get3A_490 = arith.constant 0 : index
        %get3A_491 = tpu.vector_load %arg20[%get3A_488, %get3A_489, %get3A_490] {strides = array<i32>} : memref<5x16x64xf32, #tpu.memory_space<vmem>>, vector<16xf32>,
        %mul3A_492 = arith.mulf %get3A_491, %gather3A : vector<16xf32>
        %swap3A = arith.constant 2 : i32
        %swap3A_493 = arith.index_cast %swap3A : i32 to index
        %swap3A_494 = arith.index_cast %scan3A_482 : i32 to index
        %swap3A_495 = arith.constant 0 : index
        %swap3A_496 = tpu.vector_load %arg20[%swap3A_493, %swap3A_494, %swap3A_495] {strides = array<i32>} : memref<5x16x64xf32, #tpu.memory_space<vmem>>, vector<16xf32>,
        tpu.vector_store %arg20[%swap3A_493, %swap3A_494, %swap3A_495], %mul3A_492 {strides = array<i32>} : memref<5x16x64xf32, #tpu.memory_space<vmem>>, vector<16xf32>,
        %get3A_497 = arith.constant 2 : i32
        %get3A_498 = arith.index_cast %get3A_497 : i32 to index
        %get3A_499 = arith.index_cast %scan3A_482 : i32 to index
        %get3A_500 = arith.constant 16 : index
        %get3A_501 = tpu.vector_load %arg20[%get3A_498, %get3A_499, %get3A_500] {strides = array<i32>} : memref<5x16x64xf32, #tpu.memory_space<vmem>>, vector<16xf32>,
        %mul3A_502 = arith.mulf %get3A_501, %gather3A : vector<16xf32>
        %swap3A_503 = arith.constant 2 : i32
        %swap3A_504 = arith.index_cast %swap3A_503 : i32 to index
        %swap3A_505 = arith.index_cast %scan3A_482 : i32 to index
        %swap3A_506 = arith.constant 16 : index
        %swap3A_507 = tpu.vector_load %arg20[%swap3A_504, %swap3A_505, %swap3A_506] {strides = array<i32>} : memref<5x16x64xf32, #tpu.memory_space<vmem>>, vector<16xf32>,
        tpu.vector_store %arg20[%swap3A_504, %swap3A_505, %swap3A_506], %mul3A_502 {strides = array<i32>} : memref<5x16x64xf32, #tpu.memory_space<vmem>>, vector<16xf32>,
        %get3A_508 = arith.constant 2 : i32
        %get3A_509 = arith.index_cast %get3A_508 : i32 to index
        %get3A_510 = arith.index_cast %scan3A_482 : i32 to index
        %get3A_511 = arith.constant 32 : index
        %get3A_512 = tpu.vector_load %arg20[%get3A_509, %get3A_510, %get3A_511] {strides = array<i32>} : memref<5x16x64xf32, #tpu.memory_space<vmem>>, vector<16xf32>,
        %mul3A_513 = arith.mulf %get3A_512, %gather3A : vector<16xf32>
        %swap3A_514 = arith.constant 2 : i32
        %swap3A_515 = arith.index_cast %swap3A_514 : i32 to index
        %swap3A_516 = arith.index_cast %scan3A_482 : i32 to index
        %swap3A_517 = arith.constant 32 : index
        %swap3A_518 = tpu.vector_load %arg20[%swap3A_515, %swap3A_516, %swap3A_517] {strides = array<i32>} : memref<5x16x64xf32, #tpu.memory_space<vmem>>, vector<16xf32>,
        tpu.vector_store %arg20[%swap3A_515, %swap3A_516, %swap3A_517], %mul3A_513 {strides = array<i32>} : memref<5x16x64xf32, #tpu.memory_space<vmem>>, vector<16xf32>,
        %get3A_519 = arith.constant 2 : i32
        %get3A_520 = arith.index_cast %get3A_519 : i32 to index
        %get3A_521 = arith.index_cast %scan3A_482 : i32 to index
        %get3A_522 = arith.constant 48 : index
        %get3A_523 = tpu.vector_load %arg20[%get3A_520, %get3A_521, %get3A_522] {strides = array<i32>} : memref<5x16x64xf32, #tpu.memory_space<vmem>>, vector<16xf32>,
        %mul3A_524 = arith.mulf %get3A_523, %gather3A : vector<16xf32>
        %swap3A_525 = arith.constant 2 : i32
        %swap3A_526 = arith.index_cast %swap3A_525 : i32 to index
        %swap3A_527 = arith.index_cast %scan3A_482 : i32 to index
        %swap3A_528 = arith.constant 48 : index
        %swap3A_529 = tpu.vector_load %arg20[%swap3A_526, %swap3A_527, %swap3A_528] {strides = array<i32>} : memref<5x16x64xf32, #tpu.memory_space<vmem>>, vector<16xf32>,
        tpu.vector_store %arg20[%swap3A_526, %swap3A_527, %swap3A_528], %mul3A_524 {strides = array<i32>} : memref<5x16x64xf32, #tpu.memory_space<vmem>>, vector<16xf32>,
      }
      %scan3A_283 = arith.constant 16 : i32
      %dma_start3A_284 = arith.constant 2 : i32
      %dma_start3A_285 = arith.constant 0 : i32
      %dma_start3A_286 = arith.constant 0 : i32
      %dma_start3A_287 = tpu.memref_slice %arg20[%dma_start3A_284, %dma_start3A_285, %dma_start3A_286] : memref<5x16x64xf32, #tpu.memory_space<vmem>> -> memref<1x16x64xf32, #tpu.memory_space<vmem>>
      %dma_start3A_288 = tpu.memref_squeeze %dma_start3A_287 : memref<1x16x64xf32, #tpu.memory_space<vmem>> -> memref<16x64xf32, #tpu.memory_space<vmem>>
      %dma_start3A_289 = arith.constant 0 : i32
      %dma_start3A_290 = arith.constant 0 : i32
      %dma_start3A_291 = tpu.memref_slice %arg22[%dma_start3A_289, %dma_start3A_290] : memref<10240x64xf32, #tpu.memory_space<vmem_shared>> -> memref<10240x64xf32, #tpu.memory_space<vmem_shared>>
      tpu.enqueue_indirect_dma source(%dma_start3A_288 : memref<16x64xf32, #tpu.memory_space<vmem>>) target(%dma_start3A_291 : memref<10240x64xf32, #tpu.memory_space<vmem_shared>>) offsets(%get3A_277 : vector<16xi32>) semaphore(%arg30 : memref<!tpu.dma_semaphore, #tpu.memory_space<semaphore_mem>>) {add = true}
      %add3A_292 = arith.constant 3 : i32
      %add3A_293 = arith.addi %mul3A_187, %add3A_292 : i32
      %dma_wait3A_294 = arith.constant 3 : i32
      %dma_wait3A_295 = arith.constant 0 : i32
      %dma_wait3A_296 = arith.constant 0 : i32
      %dma_wait3A_297 = tpu.memref_slice %arg20[%dma_wait3A_294, %dma_wait3A_295, %dma_wait3A_296] : memref<5x16x64xf32, #tpu.memory_space<vmem>> -> memref<1x16x64xf32, #tpu.memory_space<vmem>>
      %dma_wait3A_298 = tpu.memref_squeeze %dma_wait3A_297 : memref<1x16x64xf32, #tpu.memory_space<vmem>> -> memref<16x64xf32, #tpu.memory_space<vmem>>
      %dma_wait3A_299 = arith.constant 0 : i32
      %dma_wait3A_300 = arith.constant 0 : i32
      %dma_wait3A_301 = tpu.memref_slice %arg7[%dma_wait3A_299, %dma_wait3A_300] : memref<10000x64xf32, #tpu.memory_space<hbm>> -> memref<16x64xf32, #tpu.memory_space<hbm>>
      %dma_wait3A_302 = arith.constant 0 : i32
      %dma_wait3A_303 = arith.constant 0 : i32
      %dma_wait3A_304 = tpu.memref_slice %arg20[%dma_wait3A_294, %dma_wait3A_302, %dma_wait3A_303] : memref<5x16x64xf32, #tpu.memory_space<vmem>> -> memref<1x16x64xf32, #tpu.memory_space<vmem>>
      %dma_wait3A_305 = tpu.memref_squeeze %dma_wait3A_304 : memref<1x16x64xf32, #tpu.memory_space<vmem>> -> memref<16x64xf32, #tpu.memory_space<vmem>>
      %dma_wait3A_306 = arith.constant 0 : i32
      %dma_wait3A_307 = arith.constant 0 : i32
      %dma_wait3A_308 = tpu.memref_slice %arg7[%dma_wait3A_306, %dma_wait3A_307] : memref<10000x64xf32, #tpu.memory_space<hbm>> -> memref<16x64xf32, #tpu.memory_space<hbm>>
      tpu.wait_dma2 semaphore(%arg26 : memref<!tpu.dma_semaphore, #tpu.memory_space<semaphore_mem>>) src(%dma_wait3A_308 : memref<16x64xf32, #tpu.memory_space<hbm>>) dst(%dma_wait3A_305 : memref<16x64xf32, #tpu.memory_space<vmem>>)
      %mul3A_309 = arith.constant 16 : i32
      %mul3A_310 = arith.muli %add3A_293, %mul3A_309 : i32
      %get3A_311 = arith.index_cast %mul3A_310 : i32 to index
      %get3A_312 = tpu.vector_load %arg15[%get3A_311] {strides = array<i32>} : memref<10000xi32, #tpu.memory_space<vmem>>, vector<16xi32>,
      %scan3A_313 = arith.constant 0 : i32
      %scan3A_314 = arith.constant 0 : i32
      %scan3A_315 = arith.constant 16 : i32
      %scan3A_316 = arith.addi %scan3A_314, %scan3A_315 : i32
      %scan3A_317 = arith.constant 1 : i32
      scf.for %scan3A_482 = %scan3A_314 to %scan3A_316 step %scan3A_317  : i32 {
        %mul3A_483 = arith.constant 16 : i32
        %mul3A_484 = arith.muli %add3A_293, %mul3A_483 : i32
        %add3A_485 = arith.addi %mul3A_484, %scan3A_482 : i32
        %broadcast_in_dim3A_486 = vector.broadcast %add3A_485 : i32 to vector<16xi32>
        %gather3A = tpu.vector_load_idx %arg17[%broadcast_in_dim3A_486] : memref<10000xf32, #tpu.memory_space<vmem>>[vector<16xi32>], vector<16xf32>,
        %get3A_487 = arith.constant 3 : i32
        %get3A_488 = arith.index_cast %get3A_487 : i32 to index
        %get3A_489 = arith.index_cast %scan3A_482 : i32 to index
        %get3A_490 = arith.constant 0 : index
        %get3A_491 = tpu.vector_load %arg20[%get3A_488, %get3A_489, %get3A_490] {strides = array<i32>} : memref<5x16x64xf32, #tpu.memory_space<vmem>>, vector<16xf32>,
        %mul3A_492 = arith.mulf %get3A_491, %gather3A : vector<16xf32>
        %swap3A = arith.constant 3 : i32
        %swap3A_493 = arith.index_cast %swap3A : i32 to index
        %swap3A_494 = arith.index_cast %scan3A_482 : i32 to index
        %swap3A_495 = arith.constant 0 : index
        %swap3A_496 = tpu.vector_load %arg20[%swap3A_493, %swap3A_494, %swap3A_495] {strides = array<i32>} : memref<5x16x64xf32, #tpu.memory_space<vmem>>, vector<16xf32>,
        tpu.vector_store %arg20[%swap3A_493, %swap3A_494, %swap3A_495], %mul3A_492 {strides = array<i32>} : memref<5x16x64xf32, #tpu.memory_space<vmem>>, vector<16xf32>,
        %get3A_497 = arith.constant 3 : i32
        %get3A_498 = arith.index_cast %get3A_497 : i32 to index
        %get3A_499 = arith.index_cast %scan3A_482 : i32 to index
        %get3A_500 = arith.constant 16 : index
        %get3A_501 = tpu.vector_load %arg20[%get3A_498, %get3A_499, %get3A_500] {strides = array<i32>} : memref<5x16x64xf32, #tpu.memory_space<vmem>>, vector<16xf32>,
        %mul3A_502 = arith.mulf %get3A_501, %gather3A : vector<16xf32>
        %swap3A_503 = arith.constant 3 : i32
        %swap3A_504 = arith.index_cast %swap3A_503 : i32 to index
        %swap3A_505 = arith.index_cast %scan3A_482 : i32 to index
        %swap3A_506 = arith.constant 16 : index
        %swap3A_507 = tpu.vector_load %arg20[%swap3A_504, %swap3A_505, %swap3A_506] {strides = array<i32>} : memref<5x16x64xf32, #tpu.memory_space<vmem>>, vector<16xf32>,
        tpu.vector_store %arg20[%swap3A_504, %swap3A_505, %swap3A_506], %mul3A_502 {strides = array<i32>} : memref<5x16x64xf32, #tpu.memory_space<vmem>>, vector<16xf32>,
        %get3A_508 = arith.constant 3 : i32
        %get3A_509 = arith.index_cast %get3A_508 : i32 to index
        %get3A_510 = arith.index_cast %scan3A_482 : i32 to index
        %get3A_511 = arith.constant 32 : index
        %get3A_512 = tpu.vector_load %arg20[%get3A_509, %get3A_510, %get3A_511] {strides = array<i32>} : memref<5x16x64xf32, #tpu.memory_space<vmem>>, vector<16xf32>,
        %mul3A_513 = arith.mulf %get3A_512, %gather3A : vector<16xf32>
        %swap3A_514 = arith.constant 3 : i32
        %swap3A_515 = arith.index_cast %swap3A_514 : i32 to index
        %swap3A_516 = arith.index_cast %scan3A_482 : i32 to index
        %swap3A_517 = arith.constant 32 : index
        %swap3A_518 = tpu.vector_load %arg20[%swap3A_515, %swap3A_516, %swap3A_517] {strides = array<i32>} : memref<5x16x64xf32, #tpu.memory_space<vmem>>, vector<16xf32>,
        tpu.vector_store %arg20[%swap3A_515, %swap3A_516, %swap3A_517], %mul3A_513 {strides = array<i32>} : memref<5x16x64xf32, #tpu.memory_space<vmem>>, vector<16xf32>,
        %get3A_519 = arith.constant 3 : i32
        %get3A_520 = arith.index_cast %get3A_519 : i32 to index
        %get3A_521 = arith.index_cast %scan3A_482 : i32 to index
        %get3A_522 = arith.constant 48 : index
        %get3A_523 = tpu.vector_load %arg20[%get3A_520, %get3A_521, %get3A_522] {strides = array<i32>} : memref<5x16x64xf32, #tpu.memory_space<vmem>>, vector<16xf32>,
        %mul3A_524 = arith.mulf %get3A_523, %gather3A : vector<16xf32>
        %swap3A_525 = arith.constant 3 : i32
        %swap3A_526 = arith.index_cast %swap3A_525 : i32 to index
        %swap3A_527 = arith.index_cast %scan3A_482 : i32 to index
        %swap3A_528 = arith.constant 48 : index
        %swap3A_529 = tpu.vector_load %arg20[%swap3A_526, %swap3A_527, %swap3A_528] {strides = array<i32>} : memref<5x16x64xf32, #tpu.memory_space<vmem>>, vector<16xf32>,
        tpu.vector_store %arg20[%swap3A_526, %swap3A_527, %swap3A_528], %mul3A_524 {strides = array<i32>} : memref<5x16x64xf32, #tpu.memory_space<vmem>>, vector<16xf32>,
      }
      %scan3A_318 = arith.constant 16 : i32
      %dma_start3A_319 = arith.constant 3 : i32
      %dma_start3A_320 = arith.constant 0 : i32
      %dma_start3A_321 = arith.constant 0 : i32
      %dma_start3A_322 = tpu.memref_slice %arg20[%dma_start3A_319, %dma_start3A_320, %dma_start3A_321] : memref<5x16x64xf32, #tpu.memory_space<vmem>> -> memref<1x16x64xf32, #tpu.memory_space<vmem>>
      %dma_start3A_323 = tpu.memref_squeeze %dma_start3A_322 : memref<1x16x64xf32, #tpu.memory_space<vmem>> -> memref<16x64xf32, #tpu.memory_space<vmem>>
      %dma_start3A_324 = arith.constant 0 : i32
      %dma_start3A_325 = arith.constant 0 : i32
      %dma_start3A_326 = tpu.memref_slice %arg22[%dma_start3A_324, %dma_start3A_325] : memref<10240x64xf32, #tpu.memory_space<vmem_shared>> -> memref<10240x64xf32, #tpu.memory_space<vmem_shared>>
      tpu.enqueue_indirect_dma source(%dma_start3A_323 : memref<16x64xf32, #tpu.memory_space<vmem>>) target(%dma_start3A_326 : memref<10240x64xf32, #tpu.memory_space<vmem_shared>>) offsets(%get3A_312 : vector<16xi32>) semaphore(%arg31 : memref<!tpu.dma_semaphore, #tpu.memory_space<semaphore_mem>>) {add = true}
      %add3A_327 = arith.constant 4 : i32
      %add3A_328 = arith.addi %mul3A_187, %add3A_327 : i32
      %dma_wait3A_329 = arith.constant 4 : i32
      %dma_wait3A_330 = arith.constant 0 : i32
      %dma_wait3A_331 = arith.constant 0 : i32
      %dma_wait3A_332 = tpu.memref_slice %arg20[%dma_wait3A_329, %dma_wait3A_330, %dma_wait3A_331] : memref<5x16x64xf32, #tpu.memory_space<vmem>> -> memref<1x16x64xf32, #tpu.memory_space<vmem>>
      %dma_wait3A_333 = tpu.memref_squeeze %dma_wait3A_332 : memref<1x16x64xf32, #tpu.memory_space<vmem>> -> memref<16x64xf32, #tpu.memory_space<vmem>>
      %dma_wait3A_334 = arith.constant 0 : i32
      %dma_wait3A_335 = arith.constant 0 : i32
      %dma_wait3A_336 = tpu.memref_slice %arg7[%dma_wait3A_334, %dma_wait3A_335] : memref<10000x64xf32, #tpu.memory_space<hbm>> -> memref<16x64xf32, #tpu.memory_space<hbm>>
      %dma_wait3A_337 = arith.constant 0 : i32
      %dma_wait3A_338 = arith.constant 0 : i32
      %dma_wait3A_339 = tpu.memref_slice %arg20[%dma_wait3A_329, %dma_wait3A_337, %dma_wait3A_338] : memref<5x16x64xf32, #tpu.memory_space<vmem>> -> memref<1x16x64xf32, #tpu.memory_space<vmem>>
      %dma_wait3A_340 = tpu.memref_squeeze %dma_wait3A_339 : memref<1x16x64xf32, #tpu.memory_space<vmem>> -> memref<16x64xf32, #tpu.memory_space<vmem>>
      %dma_wait3A_341 = arith.constant 0 : i32
      %dma_wait3A_342 = arith.constant 0 : i32
      %dma_wait3A_343 = tpu.memref_slice %arg7[%dma_wait3A_341, %dma_wait3A_342] : memref<10000x64xf32, #tpu.memory_space<hbm>> -> memref<16x64xf32, #tpu.memory_space<hbm>>
      tpu.wait_dma2 semaphore(%arg27 : memref<!tpu.dma_semaphore, #tpu.memory_space<semaphore_mem>>) src(%dma_wait3A_343 : memref<16x64xf32, #tpu.memory_space<hbm>>) dst(%dma_wait3A_340 : memref<16x64xf32, #tpu.memory_space<vmem>>)
      %mul3A_344 = arith.constant 16 : i32
      %mul3A_345 = arith.muli %add3A_328, %mul3A_344 : i32
      %get3A_346 = arith.index_cast %mul3A_345 : i32 to index
      %get3A_347 = tpu.vector_load %arg15[%get3A_346] {strides = array<i32>} : memref<10000xi32, #tpu.memory_space<vmem>>, vector<16xi32>,
      %scan3A_348 = arith.constant 0 : i32
      %scan3A_349 = arith.constant 0 : i32
      %scan3A_350 = arith.constant 16 : i32
      %scan3A_351 = arith.addi %scan3A_349, %scan3A_350 : i32
      %scan3A_352 = arith.constant 1 : i32
      scf.for %scan3A_482 = %scan3A_349 to %scan3A_351 step %scan3A_352  : i32 {
        %mul3A_483 = arith.constant 16 : i32
        %mul3A_484 = arith.muli %add3A_328, %mul3A_483 : i32
        %add3A_485 = arith.addi %mul3A_484, %scan3A_482 : i32
        %broadcast_in_dim3A_486 = vector.broadcast %add3A_485 : i32 to vector<16xi32>
        %gather3A = tpu.vector_load_idx %arg17[%broadcast_in_dim3A_486] : memref<10000xf32, #tpu.memory_space<vmem>>[vector<16xi32>], vector<16xf32>,
        %get3A_487 = arith.constant 4 : i32
        %get3A_488 = arith.index_cast %get3A_487 : i32 to index
        %get3A_489 = arith.index_cast %scan3A_482 : i32 to index
        %get3A_490 = arith.constant 0 : index
        %get3A_491 = tpu.vector_load %arg20[%get3A_488, %get3A_489, %get3A_490] {strides = array<i32>} : memref<5x16x64xf32, #tpu.memory_space<vmem>>, vector<16xf32>,
        %mul3A_492 = arith.mulf %get3A_491, %gather3A : vector<16xf32>
        %swap3A = arith.constant 4 : i32
        %swap3A_493 = arith.index_cast %swap3A : i32 to index
        %swap3A_494 = arith.index_cast %scan3A_482 : i32 to index
        %swap3A_495 = arith.constant 0 : index
        %swap3A_496 = tpu.vector_load %arg20[%swap3A_493, %swap3A_494, %swap3A_495] {strides = array<i32>} : memref<5x16x64xf32, #tpu.memory_space<vmem>>, vector<16xf32>,
        tpu.vector_store %arg20[%swap3A_493, %swap3A_494, %swap3A_495], %mul3A_492 {strides = array<i32>} : memref<5x16x64xf32, #tpu.memory_space<vmem>>, vector<16xf32>,
        %get3A_497 = arith.constant 4 : i32
        %get3A_498 = arith.index_cast %get3A_497 : i32 to index
        %get3A_499 = arith.index_cast %scan3A_482 : i32 to index
        %get3A_500 = arith.constant 16 : index
        %get3A_501 = tpu.vector_load %arg20[%get3A_498, %get3A_499, %get3A_500] {strides = array<i32>} : memref<5x16x64xf32, #tpu.memory_space<vmem>>, vector<16xf32>,
        %mul3A_502 = arith.mulf %get3A_501, %gather3A : vector<16xf32>
        %swap3A_503 = arith.constant 4 : i32
        %swap3A_504 = arith.index_cast %swap3A_503 : i32 to index
        %swap3A_505 = arith.index_cast %scan3A_482 : i32 to index
        %swap3A_506 = arith.constant 16 : index
        %swap3A_507 = tpu.vector_load %arg20[%swap3A_504, %swap3A_505, %swap3A_506] {strides = array<i32>} : memref<5x16x64xf32, #tpu.memory_space<vmem>>, vector<16xf32>,
        tpu.vector_store %arg20[%swap3A_504, %swap3A_505, %swap3A_506], %mul3A_502 {strides = array<i32>} : memref<5x16x64xf32, #tpu.memory_space<vmem>>, vector<16xf32>,
        %get3A_508 = arith.constant 4 : i32
        %get3A_509 = arith.index_cast %get3A_508 : i32 to index
        %get3A_510 = arith.index_cast %scan3A_482 : i32 to index
        %get3A_511 = arith.constant 32 : index
        %get3A_512 = tpu.vector_load %arg20[%get3A_509, %get3A_510, %get3A_511] {strides = array<i32>} : memref<5x16x64xf32, #tpu.memory_space<vmem>>, vector<16xf32>,
        %mul3A_513 = arith.mulf %get3A_512, %gather3A : vector<16xf32>
        %swap3A_514 = arith.constant 4 : i32
        %swap3A_515 = arith.index_cast %swap3A_514 : i32 to index
        %swap3A_516 = arith.index_cast %scan3A_482 : i32 to index
        %swap3A_517 = arith.constant 32 : index
        %swap3A_518 = tpu.vector_load %arg20[%swap3A_515, %swap3A_516, %swap3A_517] {strides = array<i32>} : memref<5x16x64xf32, #tpu.memory_space<vmem>>, vector<16xf32>,
        tpu.vector_store %arg20[%swap3A_515, %swap3A_516, %swap3A_517], %mul3A_513 {strides = array<i32>} : memref<5x16x64xf32, #tpu.memory_space<vmem>>, vector<16xf32>,
        %get3A_519 = arith.constant 4 : i32
        %get3A_520 = arith.index_cast %get3A_519 : i32 to index
        %get3A_521 = arith.index_cast %scan3A_482 : i32 to index
        %get3A_522 = arith.constant 48 : index
        %get3A_523 = tpu.vector_load %arg20[%get3A_520, %get3A_521, %get3A_522] {strides = array<i32>} : memref<5x16x64xf32, #tpu.memory_space<vmem>>, vector<16xf32>,
        %mul3A_524 = arith.mulf %get3A_523, %gather3A : vector<16xf32>
        %swap3A_525 = arith.constant 4 : i32
        %swap3A_526 = arith.index_cast %swap3A_525 : i32 to index
        %swap3A_527 = arith.index_cast %scan3A_482 : i32 to index
        %swap3A_528 = arith.constant 48 : index
        %swap3A_529 = tpu.vector_load %arg20[%swap3A_526, %swap3A_527, %swap3A_528] {strides = array<i32>} : memref<5x16x64xf32, #tpu.memory_space<vmem>>, vector<16xf32>,
        tpu.vector_store %arg20[%swap3A_526, %swap3A_527, %swap3A_528], %mul3A_524 {strides = array<i32>} : memref<5x16x64xf32, #tpu.memory_space<vmem>>, vector<16xf32>,
      }
      %scan3A_353 = arith.constant 16 : i32
      %dma_start3A_354 = arith.constant 4 : i32
      %dma_start3A_355 = arith.constant 0 : i32
      %dma_start3A_356 = arith.constant 0 : i32
      %dma_start3A_357 = tpu.memref_slice %arg20[%dma_start3A_354, %dma_start3A_355, %dma_start3A_356] : memref<5x16x64xf32, #tpu.memory_space<vmem>> -> memref<1x16x64xf32, #tpu.memory_space<vmem>>
      %dma_start3A_358 = tpu.memref_squeeze %dma_start3A_357 : memref<1x16x64xf32, #tpu.memory_space<vmem>> -> memref<16x64xf32, #tpu.memory_space<vmem>>
      %dma_start3A_359 = arith.constant 0 : i32
      %dma_start3A_360 = arith.constant 0 : i32
      %dma_start3A_361 = tpu.memref_slice %arg22[%dma_start3A_359, %dma_start3A_360] : memref<10240x64xf32, #tpu.memory_space<vmem_shared>> -> memref<10240x64xf32, #tpu.memory_space<vmem_shared>>
      tpu.enqueue_indirect_dma source(%dma_start3A_358 : memref<16x64xf32, #tpu.memory_space<vmem>>) target(%dma_start3A_361 : memref<10240x64xf32, #tpu.memory_space<vmem_shared>>) offsets(%get3A_347 : vector<16xi32>) semaphore(%arg32 : memref<!tpu.dma_semaphore, #tpu.memory_space<semaphore_mem>>) {add = true}
      %add3A_362 = arith.constant 5 : i32
      %add3A_363 = arith.addi %mul3A_187, %add3A_362 : i32
      %add3A_364 = arith.constant 0 : i32
      %add3A_365 = arith.addi %add3A_363, %add3A_364 : i32
      %dma_wait3A_366 = arith.constant 0 : i32
      %dma_wait3A_367 = arith.constant 0 : i32
      %dma_wait3A_368 = arith.constant 0 : i32
      %dma_wait3A_369 = tpu.memref_slice %arg20[%dma_wait3A_366, %dma_wait3A_367, %dma_wait3A_368] : memref<5x16x64xf32, #tpu.memory_space<vmem>> -> memref<1x16x64xf32, #tpu.memory_space<vmem>>
      %dma_wait3A_370 = tpu.memref_squeeze %dma_wait3A_369 : memref<1x16x64xf32, #tpu.memory_space<vmem>> -> memref<16x64xf32, #tpu.memory_space<vmem>>
      %dma_wait3A_371 = arith.constant 0 : i32
      %dma_wait3A_372 = arith.constant 0 : i32
      %dma_wait3A_373 = tpu.memref_slice %arg22[%dma_wait3A_371, %dma_wait3A_372] : memref<10240x64xf32, #tpu.memory_space<vmem_shared>> -> memref<16x64xf32, #tpu.memory_space<vmem_shared>>
      %dma_wait3A_374 = arith.constant 0 : i32
      %dma_wait3A_375 = arith.constant 0 : i32
      %dma_wait3A_376 = tpu.memref_slice %arg22[%dma_wait3A_374, %dma_wait3A_375] : memref<10240x64xf32, #tpu.memory_space<vmem_shared>> -> memref<16x64xf32, #tpu.memory_space<vmem_shared>>
      %dma_wait3A_377 = arith.constant 0 : i32
      %dma_wait3A_378 = arith.constant 0 : i32
      %dma_wait3A_379 = tpu.memref_slice %arg20[%dma_wait3A_366, %dma_wait3A_377, %dma_wait3A_378] : memref<5x16x64xf32, #tpu.memory_space<vmem>> -> memref<1x16x64xf32, #tpu.memory_space<vmem>>
      %dma_wait3A_380 = tpu.memref_squeeze %dma_wait3A_379 : memref<1x16x64xf32, #tpu.memory_space<vmem>> -> memref<16x64xf32, #tpu.memory_space<vmem>>
      tpu.wait_dma2 semaphore(%arg28 : memref<!tpu.dma_semaphore, #tpu.memory_space<semaphore_mem>>) src(%dma_wait3A_380 : memref<16x64xf32, #tpu.memory_space<vmem>>) dst(%dma_wait3A_376 : memref<16x64xf32, #tpu.memory_space<vmem_shared>>)
      %lt3A_381 = arith.constant 625 : i32
      %lt3A_382 = arith.cmpi slt, %add3A_365, %lt3A_381 : i32
      %convert_element_type3A_383 = arith.extui %lt3A_382 : i1 to i32
      %cond3A_384 = arith.constant 0 : i32
      %cond3A_385 = arith.cmpi ne, %convert_element_type3A_383, %cond3A_384 : i32
      scf.if %cond3A_385 {
        %mul3A_482 = arith.constant 16 : i32
        %mul3A_483 = arith.muli %add3A_365, %mul3A_482 : i32
        %get3A_484 = arith.index_cast %mul3A_483 : i32 to index
        %get3A_485 = tpu.vector_load %arg14[%get3A_484] {strides = array<i32>} : memref<10000xi32, #tpu.memory_space<vmem>>, vector<16xi32>,
        %dma_start3A_486 = arith.constant 0 : i32
        %dma_start3A_487 = arith.constant 0 : i32
        %dma_start3A_488 = arith.constant 0 : i32
        %dma_start3A_489 = tpu.memref_slice %arg20[%dma_start3A_486, %dma_start3A_487, %dma_start3A_488] : memref<5x16x64xf32, #tpu.memory_space<vmem>> -> memref<1x16x64xf32, #tpu.memory_space<vmem>>
        %dma_start3A_490 = tpu.memref_squeeze %dma_start3A_489 : memref<1x16x64xf32, #tpu.memory_space<vmem>> -> memref<16x64xf32, #tpu.memory_space<vmem>>
        %dma_start3A_491 = arith.constant 0 : i32
        %dma_start3A_492 = arith.constant 0 : i32
        %dma_start3A_493 = tpu.memref_slice %arg7[%dma_start3A_491, %dma_start3A_492] : memref<10000x64xf32, #tpu.memory_space<hbm>> -> memref<10000x64xf32, #tpu.memory_space<hbm>>
        tpu.enqueue_indirect_dma source(%dma_start3A_493 : memref<10000x64xf32, #tpu.memory_space<hbm>>) target(%dma_start3A_490 : memref<16x64xf32, #tpu.memory_space<vmem>>) offsets(%get3A_485 : vector<16xi32>) semaphore(%arg23 : memref<!tpu.dma_semaphore, #tpu.memory_space<semaphore_mem>>)
      } else {
      }
      %add3A_386 = arith.constant 5 : i32
      %add3A_387 = arith.addi %mul3A_187, %add3A_386 : i32
      %add3A_388 = arith.constant 1 : i32
      %add3A_389 = arith.addi %add3A_387, %add3A_388 : i32
      %dma_wait3A_390 = arith.constant 1 : i32
      %dma_wait3A_391 = arith.constant 0 : i32
      %dma_wait3A_392 = arith.constant 0 : i32
      %dma_wait3A_393 = tpu.memref_slice %arg20[%dma_wait3A_390, %dma_wait3A_391, %dma_wait3A_392] : memref<5x16x64xf32, #tpu.memory_space<vmem>> -> memref<1x16x64xf32, #tpu.memory_space<vmem>>
      %dma_wait3A_394 = tpu.memref_squeeze %dma_wait3A_393 : memref<1x16x64xf32, #tpu.memory_space<vmem>> -> memref<16x64xf32, #tpu.memory_space<vmem>>
      %dma_wait3A_395 = arith.constant 0 : i32
      %dma_wait3A_396 = arith.constant 0 : i32
      %dma_wait3A_397 = tpu.memref_slice %arg22[%dma_wait3A_395, %dma_wait3A_396] : memref<10240x64xf32, #tpu.memory_space<vmem_shared>> -> memref<16x64xf32, #tpu.memory_space<vmem_shared>>
      %dma_wait3A_398 = arith.constant 0 : i32
      %dma_wait3A_399 = arith.constant 0 : i32
      %dma_wait3A_400 = tpu.memref_slice %arg22[%dma_wait3A_398, %dma_wait3A_399] : memref<10240x64xf32, #tpu.memory_space<vmem_shared>> -> memref<16x64xf32, #tpu.memory_space<vmem_shared>>
      %dma_wait3A_401 = arith.constant 0 : i32
      %dma_wait3A_402 = arith.constant 0 : i32
      %dma_wait3A_403 = tpu.memref_slice %arg20[%dma_wait3A_390, %dma_wait3A_401, %dma_wait3A_402] : memref<5x16x64xf32, #tpu.memory_space<vmem>> -> memref<1x16x64xf32, #tpu.memory_space<vmem>>
      %dma_wait3A_404 = tpu.memref_squeeze %dma_wait3A_403 : memref<1x16x64xf32, #tpu.memory_space<vmem>> -> memref<16x64xf32, #tpu.memory_space<vmem>>
      tpu.wait_dma2 semaphore(%arg29 : memref<!tpu.dma_semaphore, #tpu.memory_space<semaphore_mem>>) src(%dma_wait3A_404 : memref<16x64xf32, #tpu.memory_space<vmem>>) dst(%dma_wait3A_400 : memref<16x64xf32, #tpu.memory_space<vmem_shared>>)
      %lt3A_405 = arith.constant 625 : i32
      %lt3A_406 = arith.cmpi slt, %add3A_389, %lt3A_405 : i32
      %convert_element_type3A_407 = arith.extui %lt3A_406 : i1 to i32
      %cond3A_408 = arith.constant 0 : i32
      %cond3A_409 = arith.cmpi ne, %convert_element_type3A_407, %cond3A_408 : i32
      scf.if %cond3A_409 {
        %mul3A_482 = arith.constant 16 : i32
        %mul3A_483 = arith.muli %add3A_389, %mul3A_482 : i32
        %get3A_484 = arith.index_cast %mul3A_483 : i32 to index
        %get3A_485 = tpu.vector_load %arg14[%get3A_484] {strides = array<i32>} : memref<10000xi32, #tpu.memory_space<vmem>>, vector<16xi32>,
        %dma_start3A_486 = arith.constant 1 : i32
        %dma_start3A_487 = arith.constant 0 : i32
        %dma_start3A_488 = arith.constant 0 : i32
        %dma_start3A_489 = tpu.memref_slice %arg20[%dma_start3A_486, %dma_start3A_487, %dma_start3A_488] : memref<5x16x64xf32, #tpu.memory_space<vmem>> -> memref<1x16x64xf32, #tpu.memory_space<vmem>>
        %dma_start3A_490 = tpu.memref_squeeze %dma_start3A_489 : memref<1x16x64xf32, #tpu.memory_space<vmem>> -> memref<16x64xf32, #tpu.memory_space<vmem>>
        %dma_start3A_491 = arith.constant 0 : i32
        %dma_start3A_492 = arith.constant 0 : i32
        %dma_start3A_493 = tpu.memref_slice %arg7[%dma_start3A_491, %dma_start3A_492] : memref<10000x64xf32, #tpu.memory_space<hbm>> -> memref<10000x64xf32, #tpu.memory_space<hbm>>
        tpu.enqueue_indirect_dma source(%dma_start3A_493 : memref<10000x64xf32, #tpu.memory_space<hbm>>) target(%dma_start3A_490 : memref<16x64xf32, #tpu.memory_space<vmem>>) offsets(%get3A_485 : vector<16xi32>) semaphore(%arg24 : memref<!tpu.dma_semaphore, #tpu.memory_space<semaphore_mem>>)
      } else {
      }
      %add3A_410 = arith.constant 5 : i32
      %add3A_411 = arith.addi %mul3A_187, %add3A_410 : i32
      %add3A_412 = arith.constant 2 : i32
      %add3A_413 = arith.addi %add3A_411, %add3A_412 : i32
      %dma_wait3A_414 = arith.constant 2 : i32
      %dma_wait3A_415 = arith.constant 0 : i32
      %dma_wait3A_416 = arith.constant 0 : i32
      %dma_wait3A_417 = tpu.memref_slice %arg20[%dma_wait3A_414, %dma_wait3A_415, %dma_wait3A_416] : memref<5x16x64xf32, #tpu.memory_space<vmem>> -> memref<1x16x64xf32, #tpu.memory_space<vmem>>
      %dma_wait3A_418 = tpu.memref_squeeze %dma_wait3A_417 : memref<1x16x64xf32, #tpu.memory_space<vmem>> -> memref<16x64xf32, #tpu.memory_space<vmem>>
      %dma_wait3A_419 = arith.constant 0 : i32
      %dma_wait3A_420 = arith.constant 0 : i32
      %dma_wait3A_421 = tpu.memref_slice %arg22[%dma_wait3A_419, %dma_wait3A_420] : memref<10240x64xf32, #tpu.memory_space<vmem_shared>> -> memref<16x64xf32, #tpu.memory_space<vmem_shared>>
      %dma_wait3A_422 = arith.constant 0 : i32
      %dma_wait3A_423 = arith.constant 0 : i32
      %dma_wait3A_424 = tpu.memref_slice %arg22[%dma_wait3A_422, %dma_wait3A_423] : memref<10240x64xf32, #tpu.memory_space<vmem_shared>> -> memref<16x64xf32, #tpu.memory_space<vmem_shared>>
      %dma_wait3A_425 = arith.constant 0 : i32
      %dma_wait3A_426 = arith.constant 0 : i32
      %dma_wait3A_427 = tpu.memref_slice %arg20[%dma_wait3A_414, %dma_wait3A_425, %dma_wait3A_426] : memref<5x16x64xf32, #tpu.memory_space<vmem>> -> memref<1x16x64xf32, #tpu.memory_space<vmem>>
      %dma_wait3A_428 = tpu.memref_squeeze %dma_wait3A_427 : memref<1x16x64xf32, #tpu.memory_space<vmem>> -> memref<16x64xf32, #tpu.memory_space<vmem>>
      tpu.wait_dma2 semaphore(%arg30 : memref<!tpu.dma_semaphore, #tpu.memory_space<semaphore_mem>>) src(%dma_wait3A_428 : memref<16x64xf32, #tpu.memory_space<vmem>>) dst(%dma_wait3A_424 : memref<16x64xf32, #tpu.memory_space<vmem_shared>>)
      %lt3A_429 = arith.constant 625 : i32
      %lt3A_430 = arith.cmpi slt, %add3A_413, %lt3A_429 : i32
      %convert_element_type3A_431 = arith.extui %lt3A_430 : i1 to i32
      %cond3A_432 = arith.constant 0 : i32
      %cond3A_433 = arith.cmpi ne, %convert_element_type3A_431, %cond3A_432 : i32
      scf.if %cond3A_433 {
        %mul3A_482 = arith.constant 16 : i32
        %mul3A_483 = arith.muli %add3A_413, %mul3A_482 : i32
        %get3A_484 = arith.index_cast %mul3A_483 : i32 to index
        %get3A_485 = tpu.vector_load %arg14[%get3A_484] {strides = array<i32>} : memref<10000xi32, #tpu.memory_space<vmem>>, vector<16xi32>,
        %dma_start3A_486 = arith.constant 2 : i32
        %dma_start3A_487 = arith.constant 0 : i32
        %dma_start3A_488 = arith.constant 0 : i32
        %dma_start3A_489 = tpu.memref_slice %arg20[%dma_start3A_486, %dma_start3A_487, %dma_start3A_488] : memref<5x16x64xf32, #tpu.memory_space<vmem>> -> memref<1x16x64xf32, #tpu.memory_space<vmem>>
        %dma_start3A_490 = tpu.memref_squeeze %dma_start3A_489 : memref<1x16x64xf32, #tpu.memory_space<vmem>> -> memref<16x64xf32, #tpu.memory_space<vmem>>
        %dma_start3A_491 = arith.constant 0 : i32
        %dma_start3A_492 = arith.constant 0 : i32
        %dma_start3A_493 = tpu.memref_slice %arg7[%dma_start3A_491, %dma_start3A_492] : memref<10000x64xf32, #tpu.memory_space<hbm>> -> memref<10000x64xf32, #tpu.memory_space<hbm>>
        tpu.enqueue_indirect_dma source(%dma_start3A_493 : memref<10000x64xf32, #tpu.memory_space<hbm>>) target(%dma_start3A_490 : memref<16x64xf32, #tpu.memory_space<vmem>>) offsets(%get3A_485 : vector<16xi32>) semaphore(%arg25 : memref<!tpu.dma_semaphore, #tpu.memory_space<semaphore_mem>>)
      } else {
      }
      %add3A_434 = arith.constant 5 : i32
      %add3A_435 = arith.addi %mul3A_187, %add3A_434 : i32
      %add3A_436 = arith.constant 3 : i32
      %add3A_437 = arith.addi %add3A_435, %add3A_436 : i32
      %dma_wait3A_438 = arith.constant 3 : i32
      %dma_wait3A_439 = arith.constant 0 : i32
      %dma_wait3A_440 = arith.constant 0 : i32
      %dma_wait3A_441 = tpu.memref_slice %arg20[%dma_wait3A_438, %dma_wait3A_439, %dma_wait3A_440] : memref<5x16x64xf32, #tpu.memory_space<vmem>> -> memref<1x16x64xf32, #tpu.memory_space<vmem>>
      %dma_wait3A_442 = tpu.memref_squeeze %dma_wait3A_441 : memref<1x16x64xf32, #tpu.memory_space<vmem>> -> memref<16x64xf32, #tpu.memory_space<vmem>>
      %dma_wait3A_443 = arith.constant 0 : i32
      %dma_wait3A_444 = arith.constant 0 : i32
      %dma_wait3A_445 = tpu.memref_slice %arg22[%dma_wait3A_443, %dma_wait3A_444] : memref<10240x64xf32, #tpu.memory_space<vmem_shared>> -> memref<16x64xf32, #tpu.memory_space<vmem_shared>>
      %dma_wait3A_446 = arith.constant 0 : i32
      %dma_wait3A_447 = arith.constant 0 : i32
      %dma_wait3A_448 = tpu.memref_slice %arg22[%dma_wait3A_446, %dma_wait3A_447] : memref<10240x64xf32, #tpu.memory_space<vmem_shared>> -> memref<16x64xf32, #tpu.memory_space<vmem_shared>>
      %dma_wait3A_449 = arith.constant 0 : i32
      %dma_wait3A_450 = arith.constant 0 : i32
      %dma_wait3A_451 = tpu.memref_slice %arg20[%dma_wait3A_438, %dma_wait3A_449, %dma_wait3A_450] : memref<5x16x64xf32, #tpu.memory_space<vmem>> -> memref<1x16x64xf32, #tpu.memory_space<vmem>>
      %dma_wait3A_452 = tpu.memref_squeeze %dma_wait3A_451 : memref<1x16x64xf32, #tpu.memory_space<vmem>> -> memref<16x64xf32, #tpu.memory_space<vmem>>
      tpu.wait_dma2 semaphore(%arg31 : memref<!tpu.dma_semaphore, #tpu.memory_space<semaphore_mem>>) src(%dma_wait3A_452 : memref<16x64xf32, #tpu.memory_space<vmem>>) dst(%dma_wait3A_448 : memref<16x64xf32, #tpu.memory_space<vmem_shared>>)
      %lt3A_453 = arith.constant 625 : i32
      %lt3A_454 = arith.cmpi slt, %add3A_437, %lt3A_453 : i32
      %convert_element_type3A_455 = arith.extui %lt3A_454 : i1 to i32
      %cond3A_456 = arith.constant 0 : i32
      %cond3A_457 = arith.cmpi ne, %convert_element_type3A_455, %cond3A_456 : i32
      scf.if %cond3A_457 {
        %mul3A_482 = arith.constant 16 : i32
        %mul3A_483 = arith.muli %add3A_437, %mul3A_482 : i32
        %get3A_484 = arith.index_cast %mul3A_483 : i32 to index
        %get3A_485 = tpu.vector_load %arg14[%get3A_484] {strides = array<i32>} : memref<10000xi32, #tpu.memory_space<vmem>>, vector<16xi32>,
        %dma_start3A_486 = arith.constant 3 : i32
        %dma_start3A_487 = arith.constant 0 : i32
        %dma_start3A_488 = arith.constant 0 : i32
        %dma_start3A_489 = tpu.memref_slice %arg20[%dma_start3A_486, %dma_start3A_487, %dma_start3A_488] : memref<5x16x64xf32, #tpu.memory_space<vmem>> -> memref<1x16x64xf32, #tpu.memory_space<vmem>>
        %dma_start3A_490 = tpu.memref_squeeze %dma_start3A_489 : memref<1x16x64xf32, #tpu.memory_space<vmem>> -> memref<16x64xf32, #tpu.memory_space<vmem>>
        %dma_start3A_491 = arith.constant 0 : i32
        %dma_start3A_492 = arith.constant 0 : i32
        %dma_start3A_493 = tpu.memref_slice %arg7[%dma_start3A_491, %dma_start3A_492] : memref<10000x64xf32, #tpu.memory_space<hbm>> -> memref<10000x64xf32, #tpu.memory_space<hbm>>
        tpu.enqueue_indirect_dma source(%dma_start3A_493 : memref<10000x64xf32, #tpu.memory_space<hbm>>) target(%dma_start3A_490 : memref<16x64xf32, #tpu.memory_space<vmem>>) offsets(%get3A_485 : vector<16xi32>) semaphore(%arg26 : memref<!tpu.dma_semaphore, #tpu.memory_space<semaphore_mem>>)
      } else {
      }
      %add3A_458 = arith.constant 5 : i32
      %add3A_459 = arith.addi %mul3A_187, %add3A_458 : i32
      %add3A_460 = arith.constant 4 : i32
      %add3A_461 = arith.addi %add3A_459, %add3A_460 : i32
      %dma_wait3A_462 = arith.constant 4 : i32
      %dma_wait3A_463 = arith.constant 0 : i32
      %dma_wait3A_464 = arith.constant 0 : i32
      %dma_wait3A_465 = tpu.memref_slice %arg20[%dma_wait3A_462, %dma_wait3A_463, %dma_wait3A_464] : memref<5x16x64xf32, #tpu.memory_space<vmem>> -> memref<1x16x64xf32, #tpu.memory_space<vmem>>
      %dma_wait3A_466 = tpu.memref_squeeze %dma_wait3A_465 : memref<1x16x64xf32, #tpu.memory_space<vmem>> -> memref<16x64xf32, #tpu.memory_space<vmem>>
      %dma_wait3A_467 = arith.constant 0 : i32
      %dma_wait3A_468 = arith.constant 0 : i32
      %dma_wait3A_469 = tpu.memref_slice %arg22[%dma_wait3A_467, %dma_wait3A_468] : memref<10240x64xf32, #tpu.memory_space<vmem_shared>> -> memref<16x64xf32, #tpu.memory_space<vmem_shared>>
      %dma_wait3A_470 = arith.constant 0 : i32
      %dma_wait3A_471 = arith.constant 0 : i32
      %dma_wait3A_472 = tpu.memref_slice %arg22[%dma_wait3A_470, %dma_wait3A_471] : memref<10240x64xf32, #tpu.memory_space<vmem_shared>> -> memref<16x64xf32, #tpu.memory_space<vmem_shared>>
      %dma_wait3A_473 = arith.constant 0 : i32
      %dma_wait3A_474 = arith.constant 0 : i32
      %dma_wait3A_475 = tpu.memref_slice %arg20[%dma_wait3A_462, %dma_wait3A_473, %dma_wait3A_474] : memref<5x16x64xf32, #tpu.memory_space<vmem>> -> memref<1x16x64xf32, #tpu.memory_space<vmem>>
      %dma_wait3A_476 = tpu.memref_squeeze %dma_wait3A_475 : memref<1x16x64xf32, #tpu.memory_space<vmem>> -> memref<16x64xf32, #tpu.memory_space<vmem>>
      tpu.wait_dma2 semaphore(%arg32 : memref<!tpu.dma_semaphore, #tpu.memory_space<semaphore_mem>>) src(%dma_wait3A_476 : memref<16x64xf32, #tpu.memory_space<vmem>>) dst(%dma_wait3A_472 : memref<16x64xf32, #tpu.memory_space<vmem_shared>>)
      %lt3A_477 = arith.constant 625 : i32
      %lt3A_478 = arith.cmpi slt, %add3A_461, %lt3A_477 : i32
      %convert_element_type3A_479 = arith.extui %lt3A_478 : i1 to i32
      %cond3A_480 = arith.constant 0 : i32
      %cond3A_481 = arith.cmpi ne, %convert_element_type3A_479, %cond3A_480 : i32
      scf.if %cond3A_481 {
        %mul3A_482 = arith.constant 16 : i32
        %mul3A_483 = arith.muli %add3A_461, %mul3A_482 : i32
        %get3A_484 = arith.index_cast %mul3A_483 : i32 to index
        %get3A_485 = tpu.vector_load %arg14[%get3A_484] {strides = array<i32>} : memref<10000xi32, #tpu.memory_space<vmem>>, vector<16xi32>,
        %dma_start3A_486 = arith.constant 4 : i32
        %dma_start3A_487 = arith.constant 0 : i32
        %dma_start3A_488 = arith.constant 0 : i32
        %dma_start3A_489 = tpu.memref_slice %arg20[%dma_start3A_486, %dma_start3A_487, %dma_start3A_488] : memref<5x16x64xf32, #tpu.memory_space<vmem>> -> memref<1x16x64xf32, #tpu.memory_space<vmem>>
        %dma_start3A_490 = tpu.memref_squeeze %dma_start3A_489 : memref<1x16x64xf32, #tpu.memory_space<vmem>> -> memref<16x64xf32, #tpu.memory_space<vmem>>
        %dma_start3A_491 = arith.constant 0 : i32
        %dma_start3A_492 = arith.constant 0 : i32
        %dma_start3A_493 = tpu.memref_slice %arg7[%dma_start3A_491, %dma_start3A_492] : memref<10000x64xf32, #tpu.memory_space<hbm>> -> memref<10000x64xf32, #tpu.memory_space<hbm>>
        tpu.enqueue_indirect_dma source(%dma_start3A_493 : memref<10000x64xf32, #tpu.memory_space<hbm>>) target(%dma_start3A_490 : memref<16x64xf32, #tpu.memory_space<vmem>>) offsets(%get3A_485 : vector<16xi32>) semaphore(%arg27 : memref<!tpu.dma_semaphore, #tpu.memory_space<semaphore_mem>>)
      } else {
      }
    }
    %scan3A_99 = arith.constant 125 : i32
    %barrier3A_100 = arith.constant 0 : index
    tpu.barrier barrier_id(%barrier3A_100)
    %lt3A = arith.constant 15 : i32
    %lt3A_101 = arith.cmpi slt, %arg1, %lt3A : i32
    %convert_element_type3A = arith.extui %lt3A_101 : i1 to i32
    %cond3A = arith.constant 0 : i32
    %cond3A_102 = arith.cmpi ne, %convert_element_type3A, %cond3A : i32
    scf.if %cond3A_102 {
      "tpu.region"() ({
        %run_scoped3A = tpu.sem_alloc : memref<!tpu.dma_semaphore, #tpu.memory_space<semaphore_mem>>
        %dma_start3A_185 = arith.constant 0 : i32
        %dma_start3A_186 = tpu.memref_slice %arg9[%arg0, %mul3A_4, %dma_start3A_185] : memref<2x10000x64xf32, #tpu.memory_space<hbm>> -> memref<1x640x64xf32, #tpu.memory_space<hbm>>
        %dma_start3A_187 = tpu.memref_squeeze %dma_start3A_186 : memref<1x640x64xf32, #tpu.memory_space<hbm>> -> memref<640x64xf32, #tpu.memory_space<hbm>>
        %dma_start3A_188 = arith.constant 0 : i32
        %dma_start3A_189 = tpu.memref_slice %arg22[%mul3A_4, %dma_start3A_188] : memref<10240x64xf32, #tpu.memory_space<vmem_shared>> -> memref<640x64xf32, #tpu.memory_space<vmem_shared>>
        tpu.enqueue_dma source(%dma_start3A_189 : memref<640x64xf32, #tpu.memory_space<vmem_shared>>) target(%dma_start3A_187 : memref<640x64xf32, #tpu.memory_space<hbm>>) target_semaphore(%run_scoped3A : memref<!tpu.dma_semaphore, #tpu.memory_space<semaphore_mem>>)
        %dma_wait3A = arith.constant 0 : i32
        %dma_wait3A_190 = tpu.memref_slice %arg9[%arg0, %mul3A_4, %dma_wait3A] : memref<2x10000x64xf32, #tpu.memory_space<hbm>> -> memref<1x640x64xf32, #tpu.memory_space<hbm>>
        %dma_wait3A_191 = tpu.memref_squeeze %dma_wait3A_190 : memref<1x640x64xf32, #tpu.memory_space<hbm>> -> memref<640x64xf32, #tpu.memory_space<hbm>>
        %dma_wait3A_192 = arith.constant 0 : i32
        %dma_wait3A_193 = tpu.memref_slice %arg22[%mul3A_4, %dma_wait3A_192] : memref<10240x64xf32, #tpu.memory_space<vmem_shared>> -> memref<640x64xf32, #tpu.memory_space<vmem_shared>>
        tpu.wait_dma2 semaphore(%run_scoped3A : memref<!tpu.dma_semaphore, #tpu.memory_space<semaphore_mem>>) src(%dma_wait3A_193 : memref<640x64xf32, #tpu.memory_space<vmem_shared>>) dst(%dma_wait3A_191 : memref<640x64xf32, #tpu.memory_space<hbm>>)
        tpu.yield
      }) : () -> ()
    } else {
    }
    %eq3A = arith.constant 15 : i32
    %eq3A_103 = arith.cmpi eq, %arg1, %eq3A : i32
    %convert_element_type3A_104 = arith.extui %eq3A_103 : i1 to i32
    %cond3A_105 = arith.constant 0 : i32
    %cond3A_106 = arith.cmpi ne, %convert_element_type3A_104, %cond3A_105 : i32
    scf.if %cond3A_106 {
      "tpu.region"() ({
        %run_scoped3A = tpu.sem_alloc : memref<!tpu.dma_semaphore, #tpu.memory_space<semaphore_mem>>
        %dma_start3A_185 = arith.constant 9600 : i32
        %dma_start3A_186 = arith.constant 0 : i32
        %dma_start3A_187 = tpu.memref_slice %arg9[%arg0, %dma_start3A_185, %dma_start3A_186] : memref<2x10000x64xf32, #tpu.memory_space<hbm>> -> memref<1x400x64xf32, #tpu.memory_space<hbm>>
        %dma_start3A_188 = tpu.memref_squeeze %dma_start3A_187 : memref<1x400x64xf32, #tpu.memory_space<hbm>> -> memref<400x64xf32, #tpu.memory_space<hbm>>
        %dma_start3A_189 = arith.constant 9600 : i32
        %dma_start3A_190 = arith.constant 0 : i32
        %dma_start3A_191 = tpu.memref_slice %arg22[%dma_start3A_189, %dma_start3A_190] : memref<10240x64xf32, #tpu.memory_space<vmem_shared>> -> memref<400x64xf32, #tpu.memory_space<vmem_shared>>
        tpu.enqueue_dma source(%dma_start3A_191 : memref<400x64xf32, #tpu.memory_space<vmem_shared>>) target(%dma_start3A_188 : memref<400x64xf32, #tpu.memory_space<hbm>>) target_semaphore(%run_scoped3A : memref<!tpu.dma_semaphore, #tpu.memory_space<semaphore_mem>>)
        %dma_wait3A = arith.constant 9600 : i32
        %dma_wait3A_192 = arith.constant 0 : i32
        %dma_wait3A_193 = tpu.memref_slice %arg9[%arg0, %dma_wait3A, %dma_wait3A_192] : memref<2x10000x64xf32, #tpu.memory_space<hbm>> -> memref<1x400x64xf32, #tpu.memory_space<hbm>>
        %dma_wait3A_194 = tpu.memref_squeeze %dma_wait3A_193 : memref<1x400x64xf32, #tpu.memory_space<hbm>> -> memref<400x64xf32, #tpu.memory_space<hbm>>
        %dma_wait3A_195 = arith.constant 9600 : i32
        %dma_wait3A_196 = arith.constant 0 : i32
        %dma_wait3A_197 = tpu.memref_slice %arg22[%dma_wait3A_195, %dma_wait3A_196] : memref<10240x64xf32, #tpu.memory_space<vmem_shared>> -> memref<400x64xf32, #tpu.memory_space<vmem_shared>>
        tpu.wait_dma2 semaphore(%run_scoped3A : memref<!tpu.dma_semaphore, #tpu.memory_space<semaphore_mem>>) src(%dma_wait3A_197 : memref<400x64xf32, #tpu.memory_space<vmem_shared>>) dst(%dma_wait3A_194 : memref<400x64xf32, #tpu.memory_space<hbm>>)
        tpu.yield
      }) : () -> ()
    } else {
    }
    %add3A_107 = arith.constant 0 : i32
    %add3A_108 = arith.addi %mul3A_4, %add3A_107 : i32
    "tpu.region"() ({
      %run_scoped3A = tpu.sem_alloc : memref<!tpu.dma_semaphore, #tpu.memory_space<semaphore_mem>>
      %dma_start3A_185 = arith.constant 0 : i32
      %dma_start3A_186 = tpu.memref_slice %arg22[%add3A_108, %dma_start3A_185] : memref<10240x64xf32, #tpu.memory_space<vmem_shared>> -> memref<128x64xf32, #tpu.memory_space<vmem_shared>>
      %dma_start3A_187 = arith.constant 0 : i32
      %dma_start3A_188 = tpu.memref_slice %arg22[%add3A_108, %dma_start3A_187] : memref<10240x64xf32, #tpu.memory_space<vmem_shared>> -> memref<128x64xf32, #tpu.memory_space<vmem_shared>>
      tpu.enqueue_dma source(%arg19 : memref<128x64xf32, #tpu.memory_space<vmem>>) target(%dma_start3A_188 : memref<128x64xf32, #tpu.memory_space<vmem_shared>>) target_semaphore(%run_scoped3A : memref<!tpu.dma_semaphore, #tpu.memory_space<semaphore_mem>>)
      %dma_wait3A = arith.constant 0 : i32
      %dma_wait3A_189 = tpu.memref_slice %arg22[%add3A_108, %dma_wait3A] : memref<10240x64xf32, #tpu.memory_space<vmem_shared>> -> memref<128x64xf32, #tpu.memory_space<vmem_shared>>
      %dma_wait3A_190 = arith.constant 0 : i32
      %dma_wait3A_191 = tpu.memref_slice %arg22[%add3A_108, %dma_wait3A_190] : memref<10240x64xf32, #tpu.memory_space<vmem_shared>> -> memref<128x64xf32, #tpu.memory_space<vmem_shared>>
      tpu.wait_dma2 semaphore(%run_scoped3A : memref<!tpu.dma_semaphore, #tpu.memory_space<semaphore_mem>>) src(%arg19 : memref<128x64xf32, #tpu.memory_space<vmem>>) dst(%dma_wait3A_191 : memref<128x64xf32, #tpu.memory_space<vmem_shared>>)
      tpu.yield
    }) : () -> ()
    %add3A_109 = arith.constant 128 : i32
    %add3A_110 = arith.addi %mul3A_4, %add3A_109 : i32
    "tpu.region"() ({
      %run_scoped3A = tpu.sem_alloc : memref<!tpu.dma_semaphore, #tpu.memory_space<semaphore_mem>>
      %dma_start3A_185 = arith.constant 0 : i32
      %dma_start3A_186 = tpu.memref_slice %arg22[%add3A_110, %dma_start3A_185] : memref<10240x64xf32, #tpu.memory_space<vmem_shared>> -> memref<128x64xf32, #tpu.memory_space<vmem_shared>>
      %dma_start3A_187 = arith.constant 0 : i32
      %dma_start3A_188 = tpu.memref_slice %arg22[%add3A_110, %dma_start3A_187] : memref<10240x64xf32, #tpu.memory_space<vmem_shared>> -> memref<128x64xf32, #tpu.memory_space<vmem_shared>>
      tpu.enqueue_dma source(%arg19 : memref<128x64xf32, #tpu.memory_space<vmem>>) target(%dma_start3A_188 : memref<128x64xf32, #tpu.memory_space<vmem_shared>>) target_semaphore(%run_scoped3A : memref<!tpu.dma_semaphore, #tpu.memory_space<semaphore_mem>>)
      %dma_wait3A = arith.constant 0 : i32
      %dma_wait3A_189 = tpu.memref_slice %arg22[%add3A_110, %dma_wait3A] : memref<10240x64xf32, #tpu.memory_space<vmem_shared>> -> memref<128x64xf32, #tpu.memory_space<vmem_shared>>
      %dma_wait3A_190 = arith.constant 0 : i32
      %dma_wait3A_191 = tpu.memref_slice %arg22[%add3A_110, %dma_wait3A_190] : memref<10240x64xf32, #tpu.memory_space<vmem_shared>> -> memref<128x64xf32, #tpu.memory_space<vmem_shared>>
      tpu.wait_dma2 semaphore(%run_scoped3A : memref<!tpu.dma_semaphore, #tpu.memory_space<semaphore_mem>>) src(%arg19 : memref<128x64xf32, #tpu.memory_space<vmem>>) dst(%dma_wait3A_191 : memref<128x64xf32, #tpu.memory_space<vmem_shared>>)
      tpu.yield
    }) : () -> ()
    %add3A_111 = arith.constant 256 : i32
    %add3A_112 = arith.addi %mul3A_4, %add3A_111 : i32
    "tpu.region"() ({
      %run_scoped3A = tpu.sem_alloc : memref<!tpu.dma_semaphore, #tpu.memory_space<semaphore_mem>>
      %dma_start3A_185 = arith.constant 0 : i32
      %dma_start3A_186 = tpu.memref_slice %arg22[%add3A_112, %dma_start3A_185] : memref<10240x64xf32, #tpu.memory_space<vmem_shared>> -> memref<128x64xf32, #tpu.memory_space<vmem_shared>>
      %dma_start3A_187 = arith.constant 0 : i32
      %dma_start3A_188 = tpu.memref_slice %arg22[%add3A_112, %dma_start3A_187] : memref<10240x64xf32, #tpu.memory_space<vmem_shared>> -> memref<128x64xf32, #tpu.memory_space<vmem_shared>>
      tpu.enqueue_dma source(%arg19 : memref<128x64xf32, #tpu.memory_space<vmem>>) target(%dma_start3A_188 : memref<128x64xf32, #tpu.memory_space<vmem_shared>>) target_semaphore(%run_scoped3A : memref<!tpu.dma_semaphore, #tpu.memory_space<semaphore_mem>>)
      %dma_wait3A = arith.constant 0 : i32
      %dma_wait3A_189 = tpu.memref_slice %arg22[%add3A_112, %dma_wait3A] : memref<10240x64xf32, #tpu.memory_space<vmem_shared>> -> memref<128x64xf32, #tpu.memory_space<vmem_shared>>
      %dma_wait3A_190 = arith.constant 0 : i32
      %dma_wait3A_191 = tpu.memref_slice %arg22[%add3A_112, %dma_wait3A_190] : memref<10240x64xf32, #tpu.memory_space<vmem_shared>> -> memref<128x64xf32, #tpu.memory_space<vmem_shared>>
      tpu.wait_dma2 semaphore(%run_scoped3A : memref<!tpu.dma_semaphore, #tpu.memory_space<semaphore_mem>>) src(%arg19 : memref<128x64xf32, #tpu.memory_space<vmem>>) dst(%dma_wait3A_191 : memref<128x64xf32, #tpu.memory_space<vmem_shared>>)
      tpu.yield
    }) : () -> ()
    %add3A_113 = arith.constant 384 : i32
    %add3A_114 = arith.addi %mul3A_4, %add3A_113 : i32
    "tpu.region"() ({
      %run_scoped3A = tpu.sem_alloc : memref<!tpu.dma_semaphore, #tpu.memory_space<semaphore_mem>>
      %dma_start3A_185 = arith.constant 0 : i32
      %dma_start3A_186 = tpu.memref_slice %arg22[%add3A_114, %dma_start3A_185] : memref<10240x64xf32, #tpu.memory_space<vmem_shared>> -> memref<128x64xf32, #tpu.memory_space<vmem_shared>>
      %dma_start3A_187 = arith.constant 0 : i32
      %dma_start3A_188 = tpu.memref_slice %arg22[%add3A_114, %dma_start3A_187] : memref<10240x64xf32, #tpu.memory_space<vmem_shared>> -> memref<128x64xf32, #tpu.memory_space<vmem_shared>>
      tpu.enqueue_dma source(%arg19 : memref<128x64xf32, #tpu.memory_space<vmem>>) target(%dma_start3A_188 : memref<128x64xf32, #tpu.memory_space<vmem_shared>>) target_semaphore(%run_scoped3A : memref<!tpu.dma_semaphore, #tpu.memory_space<semaphore_mem>>)
      %dma_wait3A = arith.constant 0 : i32
      %dma_wait3A_189 = tpu.memref_slice %arg22[%add3A_114, %dma_wait3A] : memref<10240x64xf32, #tpu.memory_space<vmem_shared>> -> memref<128x64xf32, #tpu.memory_space<vmem_shared>>
      %dma_wait3A_190 = arith.constant 0 : i32
      %dma_wait3A_191 = tpu.memref_slice %arg22[%add3A_114, %dma_wait3A_190] : memref<10240x64xf32, #tpu.memory_space<vmem_shared>> -> memref<128x64xf32, #tpu.memory_space<vmem_shared>>
      tpu.wait_dma2 semaphore(%run_scoped3A : memref<!tpu.dma_semaphore, #tpu.memory_space<semaphore_mem>>) src(%arg19 : memref<128x64xf32, #tpu.memory_space<vmem>>) dst(%dma_wait3A_191 : memref<128x64xf32, #tpu.memory_space<vmem_shared>>)
      tpu.yield
    }) : () -> ()
    %add3A_115 = arith.constant 512 : i32
    %add3A_116 = arith.addi %mul3A_4, %add3A_115 : i32
    "tpu.region"() ({
      %run_scoped3A = tpu.sem_alloc : memref<!tpu.dma_semaphore, #tpu.memory_space<semaphore_mem>>
      %dma_start3A_185 = arith.constant 0 : i32
      %dma_start3A_186 = tpu.memref_slice %arg22[%add3A_116, %dma_start3A_185] : memref<10240x64xf32, #tpu.memory_space<vmem_shared>> -> memref<128x64xf32, #tpu.memory_space<vmem_shared>>
      %dma_start3A_187 = arith.constant 0 : i32
      %dma_start3A_188 = tpu.memref_slice %arg22[%add3A_116, %dma_start3A_187] : memref<10240x64xf32, #tpu.memory_space<vmem_shared>> -> memref<128x64xf32, #tpu.memory_space<vmem_shared>>
      tpu.enqueue_dma source(%arg19 : memref<128x64xf32, #tpu.memory_space<vmem>>) target(%dma_start3A_188 : memref<128x64xf32, #tpu.memory_space<vmem_shared>>) target_semaphore(%run_scoped3A : memref<!tpu.dma_semaphore, #tpu.memory_space<semaphore_mem>>)
      %dma_wait3A = arith.constant 0 : i32
      %dma_wait3A_189 = tpu.memref_slice %arg22[%add3A_116, %dma_wait3A] : memref<10240x64xf32, #tpu.memory_space<vmem_shared>> -> memref<128x64xf32, #tpu.memory_space<vmem_shared>>
      %dma_wait3A_190 = arith.constant 0 : i32
      %dma_wait3A_191 = tpu.memref_slice %arg22[%add3A_116, %dma_wait3A_190] : memref<10240x64xf32, #tpu.memory_space<vmem_shared>> -> memref<128x64xf32, #tpu.memory_space<vmem_shared>>
      tpu.wait_dma2 semaphore(%run_scoped3A : memref<!tpu.dma_semaphore, #tpu.memory_space<semaphore_mem>>) src(%arg19 : memref<128x64xf32, #tpu.memory_space<vmem>>) dst(%dma_wait3A_191 : memref<128x64xf32, #tpu.memory_space<vmem_shared>>)
      tpu.yield
    }) : () -> ()
    %barrier3A_117 = arith.constant 0 : index
    tpu.barrier barrier_id(%barrier3A_117)
    %get3A_118 = arith.constant 0 : index
    %get3A_119 = tpu.vector_load %arg14[%get3A_118] {strides = array<i32>} : memref<10000xi32, #tpu.memory_space<vmem>>, vector<16xi32>,
    %dma_start3A_120 = arith.constant 0 : i32
    %dma_start3A_121 = arith.constant 0 : i32
    %dma_start3A_122 = arith.constant 0 : i32
    %dma_start3A_123 = tpu.memref_slice %arg20[%dma_start3A_120, %dma_start3A_121, %dma_start3A_122] : memref<5x16x64xf32, #tpu.memory_space<vmem>> -> memref<1x16x64xf32, #tpu.memory_space<vmem>>
    %dma_start3A_124 = tpu.memref_squeeze %dma_start3A_123 : memref<1x16x64xf32, #tpu.memory_space<vmem>> -> memref<16x64xf32, #tpu.memory_space<vmem>>
    %dma_start3A_125 = arith.constant 0 : i32
    %dma_start3A_126 = arith.constant 0 : i32
    %dma_start3A_127 = tpu.memref_slice %arg8[%dma_start3A_125, %dma_start3A_126] : memref<10000x64xf32, #tpu.memory_space<hbm>> -> memref<10000x64xf32, #tpu.memory_space<hbm>>
    tpu.enqueue_indirect_dma source(%dma_start3A_127 : memref<10000x64xf32, #tpu.memory_space<hbm>>) target(%dma_start3A_124 : memref<16x64xf32, #tpu.memory_space<vmem>>) offsets(%get3A_119 : vector<16xi32>) semaphore(%arg23 : memref<!tpu.dma_semaphore, #tpu.memory_space<semaphore_mem>>)
    %get3A_128 = arith.constant 16 : index
    %get3A_129 = tpu.vector_load %arg14[%get3A_128] {strides = array<i32>} : memref<10000xi32, #tpu.memory_space<vmem>>, vector<16xi32>,
    %dma_start3A_130 = arith.constant 1 : i32
    %dma_start3A_131 = arith.constant 0 : i32
    %dma_start3A_132 = arith.constant 0 : i32
    %dma_start3A_133 = tpu.memref_slice %arg20[%dma_start3A_130, %dma_start3A_131, %dma_start3A_132] : memref<5x16x64xf32, #tpu.memory_space<vmem>> -> memref<1x16x64xf32, #tpu.memory_space<vmem>>
    %dma_start3A_134 = tpu.memref_squeeze %dma_start3A_133 : memref<1x16x64xf32, #tpu.memory_space<vmem>> -> memref<16x64xf32, #tpu.memory_space<vmem>>
    %dma_start3A_135 = arith.constant 0 : i32
    %dma_start3A_136 = arith.constant 0 : i32
    %dma_start3A_137 = tpu.memref_slice %arg8[%dma_start3A_135, %dma_start3A_136] : memref<10000x64xf32, #tpu.memory_space<hbm>> -> memref<10000x64xf32, #tpu.memory_space<hbm>>
    tpu.enqueue_indirect_dma source(%dma_start3A_137 : memref<10000x64xf32, #tpu.memory_space<hbm>>) target(%dma_start3A_134 : memref<16x64xf32, #tpu.memory_space<vmem>>) offsets(%get3A_129 : vector<16xi32>) semaphore(%arg24 : memref<!tpu.dma_semaphore, #tpu.memory_space<semaphore_mem>>)
    %get3A_138 = arith.constant 32 : index
    %get3A_139 = tpu.vector_load %arg14[%get3A_138] {strides = array<i32>} : memref<10000xi32, #tpu.memory_space<vmem>>, vector<16xi32>,
    %dma_start3A_140 = arith.constant 2 : i32
    %dma_start3A_141 = arith.constant 0 : i32
    %dma_start3A_142 = arith.constant 0 : i32
    %dma_start3A_143 = tpu.memref_slice %arg20[%dma_start3A_140, %dma_start3A_141, %dma_start3A_142] : memref<5x16x64xf32, #tpu.memory_space<vmem>> -> memref<1x16x64xf32, #tpu.memory_space<vmem>>
    %dma_start3A_144 = tpu.memref_squeeze %dma_start3A_143 : memref<1x16x64xf32, #tpu.memory_space<vmem>> -> memref<16x64xf32, #tpu.memory_space<vmem>>
    %dma_start3A_145 = arith.constant 0 : i32
    %dma_start3A_146 = arith.constant 0 : i32
    %dma_start3A_147 = tpu.memref_slice %arg8[%dma_start3A_145, %dma_start3A_146] : memref<10000x64xf32, #tpu.memory_space<hbm>> -> memref<10000x64xf32, #tpu.memory_space<hbm>>
    tpu.enqueue_indirect_dma source(%dma_start3A_147 : memref<10000x64xf32, #tpu.memory_space<hbm>>) target(%dma_start3A_144 : memref<16x64xf32, #tpu.memory_space<vmem>>) offsets(%get3A_139 : vector<16xi32>) semaphore(%arg25 : memref<!tpu.dma_semaphore, #tpu.memory_space<semaphore_mem>>)
    %get3A_148 = arith.constant 48 : index
    %get3A_149 = tpu.vector_load %arg14[%get3A_148] {strides = array<i32>} : memref<10000xi32, #tpu.memory_space<vmem>>, vector<16xi32>,
    %dma_start3A_150 = arith.constant 3 : i32
    %dma_start3A_151 = arith.constant 0 : i32
    %dma_start3A_152 = arith.constant 0 : i32
    %dma_start3A_153 = tpu.memref_slice %arg20[%dma_start3A_150, %dma_start3A_151, %dma_start3A_152] : memref<5x16x64xf32, #tpu.memory_space<vmem>> -> memref<1x16x64xf32, #tpu.memory_space<vmem>>
    %dma_start3A_154 = tpu.memref_squeeze %dma_start3A_153 : memref<1x16x64xf32, #tpu.memory_space<vmem>> -> memref<16x64xf32, #tpu.memory_space<vmem>>
    %dma_start3A_155 = arith.constant 0 : i32
    %dma_start3A_156 = arith.constant 0 : i32
    %dma_start3A_157 = tpu.memref_slice %arg8[%dma_start3A_155, %dma_start3A_156] : memref<10000x64xf32, #tpu.memory_space<hbm>> -> memref<10000x64xf32, #tpu.memory_space<hbm>>
    tpu.enqueue_indirect_dma source(%dma_start3A_157 : memref<10000x64xf32, #tpu.memory_space<hbm>>) target(%dma_start3A_154 : memref<16x64xf32, #tpu.memory_space<vmem>>) offsets(%get3A_149 : vector<16xi32>) semaphore(%arg26 : memref<!tpu.dma_semaphore, #tpu.memory_space<semaphore_mem>>)
    %get3A_158 = arith.constant 64 : index
    %get3A_159 = tpu.vector_load %arg14[%get3A_158] {strides = array<i32>} : memref<10000xi32, #tpu.memory_space<vmem>>, vector<16xi32>,
    %dma_start3A_160 = arith.constant 4 : i32
    %dma_start3A_161 = arith.constant 0 : i32
    %dma_start3A_162 = arith.constant 0 : i32
    %dma_start3A_163 = tpu.memref_slice %arg20[%dma_start3A_160, %dma_start3A_161, %dma_start3A_162] : memref<5x16x64xf32, #tpu.memory_space<vmem>> -> memref<1x16x64xf32, #tpu.memory_space<vmem>>
    %dma_start3A_164 = tpu.memref_squeeze %dma_start3A_163 : memref<1x16x64xf32, #tpu.memory_space<vmem>> -> memref<16x64xf32, #tpu.memory_space<vmem>>
    %dma_start3A_165 = arith.constant 0 : i32
    %dma_start3A_166 = arith.constant 0 : i32
    %dma_start3A_167 = tpu.memref_slice %arg8[%dma_start3A_165, %dma_start3A_166] : memref<10000x64xf32, #tpu.memory_space<hbm>> -> memref<10000x64xf32, #tpu.memory_space<hbm>>
    tpu.enqueue_indirect_dma source(%dma_start3A_167 : memref<10000x64xf32, #tpu.memory_space<hbm>>) target(%dma_start3A_164 : memref<16x64xf32, #tpu.memory_space<vmem>>) offsets(%get3A_159 : vector<16xi32>) semaphore(%arg27 : memref<!tpu.dma_semaphore, #tpu.memory_space<semaphore_mem>>)
    %scan3A_168 = arith.constant 0 : i32
    %scan3A_169 = arith.constant 0 : i32
    %scan3A_170 = arith.constant 125 : i32
    %scan3A_171 = arith.addi %scan3A_169, %scan3A_170 : i32
    %scan3A_172 = arith.constant 1 : i32
    scf.for %scan3A_185 = %scan3A_169 to %scan3A_171 step %scan3A_172  : i32 {
      %mul3A_186 = arith.constant 5 : i32
      %mul3A_187 = arith.muli %scan3A_185, %mul3A_186 : i32
      %add3A_188 = arith.constant 0 : i32
      %add3A_189 = arith.addi %mul3A_187, %add3A_188 : i32
      %dma_wait3A = arith.constant 0 : i32
      %dma_wait3A_190 = arith.constant 0 : i32
      %dma_wait3A_191 = arith.constant 0 : i32
      %dma_wait3A_192 = tpu.memref_slice %arg20[%dma_wait3A, %dma_wait3A_190, %dma_wait3A_191] : memref<5x16x64xf32, #tpu.memory_space<vmem>> -> memref<1x16x64xf32, #tpu.memory_space<vmem>>
      %dma_wait3A_193 = tpu.memref_squeeze %dma_wait3A_192 : memref<1x16x64xf32, #tpu.memory_space<vmem>> -> memref<16x64xf32, #tpu.memory_space<vmem>>
      %dma_wait3A_194 = arith.constant 0 : i32
      %dma_wait3A_195 = arith.constant 0 : i32
      %dma_wait3A_196 = tpu.memref_slice %arg8[%dma_wait3A_194, %dma_wait3A_195] : memref<10000x64xf32, #tpu.memory_space<hbm>> -> memref<16x64xf32, #tpu.memory_space<hbm>>
      %dma_wait3A_197 = arith.constant 0 : i32
      %dma_wait3A_198 = arith.constant 0 : i32
      %dma_wait3A_199 = tpu.memref_slice %arg20[%dma_wait3A, %dma_wait3A_197, %dma_wait3A_198] : memref<5x16x64xf32, #tpu.memory_space<vmem>> -> memref<1x16x64xf32, #tpu.memory_space<vmem>>
      %dma_wait3A_200 = tpu.memref_squeeze %dma_wait3A_199 : memref<1x16x64xf32, #tpu.memory_space<vmem>> -> memref<16x64xf32, #tpu.memory_space<vmem>>
      %dma_wait3A_201 = arith.constant 0 : i32
      %dma_wait3A_202 = arith.constant 0 : i32
      %dma_wait3A_203 = tpu.memref_slice %arg8[%dma_wait3A_201, %dma_wait3A_202] : memref<10000x64xf32, #tpu.memory_space<hbm>> -> memref<16x64xf32, #tpu.memory_space<hbm>>
      tpu.wait_dma2 semaphore(%arg23 : memref<!tpu.dma_semaphore, #tpu.memory_space<semaphore_mem>>) src(%dma_wait3A_203 : memref<16x64xf32, #tpu.memory_space<hbm>>) dst(%dma_wait3A_200 : memref<16x64xf32, #tpu.memory_space<vmem>>)
      %mul3A_204 = arith.constant 16 : i32
      %mul3A_205 = arith.muli %add3A_189, %mul3A_204 : i32
      %get3A_206 = arith.index_cast %mul3A_205 : i32 to index
      %get3A_207 = tpu.vector_load %arg15[%get3A_206] {strides = array<i32>} : memref<10000xi32, #tpu.memory_space<vmem>>, vector<16xi32>,
      %scan3A_208 = arith.constant 0 : i32
      %scan3A_209 = arith.constant 0 : i32
      %scan3A_210 = arith.constant 16 : i32
      %scan3A_211 = arith.addi %scan3A_209, %scan3A_210 : i32
      %scan3A_212 = arith.constant 1 : i32
      scf.for %scan3A_482 = %scan3A_209 to %scan3A_211 step %scan3A_212  : i32 {
        %mul3A_483 = arith.constant 16 : i32
        %mul3A_484 = arith.muli %add3A_189, %mul3A_483 : i32
        %add3A_485 = arith.addi %mul3A_484, %scan3A_482 : i32
        %broadcast_in_dim3A_486 = vector.broadcast %add3A_485 : i32 to vector<16xi32>
        %gather3A = tpu.vector_load_idx %arg17[%broadcast_in_dim3A_486] : memref<10000xf32, #tpu.memory_space<vmem>>[vector<16xi32>], vector<16xf32>,
        %get3A_487 = arith.constant 0 : i32
        %get3A_488 = arith.index_cast %get3A_487 : i32 to index
        %get3A_489 = arith.index_cast %scan3A_482 : i32 to index
        %get3A_490 = arith.constant 0 : index
        %get3A_491 = tpu.vector_load %arg20[%get3A_488, %get3A_489, %get3A_490] {strides = array<i32>} : memref<5x16x64xf32, #tpu.memory_space<vmem>>, vector<16xf32>,
        %mul3A_492 = arith.mulf %get3A_491, %gather3A : vector<16xf32>
        %swap3A = arith.constant 0 : i32
        %swap3A_493 = arith.index_cast %swap3A : i32 to index
        %swap3A_494 = arith.index_cast %scan3A_482 : i32 to index
        %swap3A_495 = arith.constant 0 : index
        %swap3A_496 = tpu.vector_load %arg20[%swap3A_493, %swap3A_494, %swap3A_495] {strides = array<i32>} : memref<5x16x64xf32, #tpu.memory_space<vmem>>, vector<16xf32>,
        tpu.vector_store %arg20[%swap3A_493, %swap3A_494, %swap3A_495], %mul3A_492 {strides = array<i32>} : memref<5x16x64xf32, #tpu.memory_space<vmem>>, vector<16xf32>,
        %get3A_497 = arith.constant 0 : i32
        %get3A_498 = arith.index_cast %get3A_497 : i32 to index
        %get3A_499 = arith.index_cast %scan3A_482 : i32 to index
        %get3A_500 = arith.constant 16 : index
        %get3A_501 = tpu.vector_load %arg20[%get3A_498, %get3A_499, %get3A_500] {strides = array<i32>} : memref<5x16x64xf32, #tpu.memory_space<vmem>>, vector<16xf32>,
        %mul3A_502 = arith.mulf %get3A_501, %gather3A : vector<16xf32>
        %swap3A_503 = arith.constant 0 : i32
        %swap3A_504 = arith.index_cast %swap3A_503 : i32 to index
        %swap3A_505 = arith.index_cast %scan3A_482 : i32 to index
        %swap3A_506 = arith.constant 16 : index
        %swap3A_507 = tpu.vector_load %arg20[%swap3A_504, %swap3A_505, %swap3A_506] {strides = array<i32>} : memref<5x16x64xf32, #tpu.memory_space<vmem>>, vector<16xf32>,
        tpu.vector_store %arg20[%swap3A_504, %swap3A_505, %swap3A_506], %mul3A_502 {strides = array<i32>} : memref<5x16x64xf32, #tpu.memory_space<vmem>>, vector<16xf32>,
        %get3A_508 = arith.constant 0 : i32
        %get3A_509 = arith.index_cast %get3A_508 : i32 to index
        %get3A_510 = arith.index_cast %scan3A_482 : i32 to index
        %get3A_511 = arith.constant 32 : index
        %get3A_512 = tpu.vector_load %arg20[%get3A_509, %get3A_510, %get3A_511] {strides = array<i32>} : memref<5x16x64xf32, #tpu.memory_space<vmem>>, vector<16xf32>,
        %mul3A_513 = arith.mulf %get3A_512, %gather3A : vector<16xf32>
        %swap3A_514 = arith.constant 0 : i32
        %swap3A_515 = arith.index_cast %swap3A_514 : i32 to index
        %swap3A_516 = arith.index_cast %scan3A_482 : i32 to index
        %swap3A_517 = arith.constant 32 : index
        %swap3A_518 = tpu.vector_load %arg20[%swap3A_515, %swap3A_516, %swap3A_517] {strides = array<i32>} : memref<5x16x64xf32, #tpu.memory_space<vmem>>, vector<16xf32>,
        tpu.vector_store %arg20[%swap3A_515, %swap3A_516, %swap3A_517], %mul3A_513 {strides = array<i32>} : memref<5x16x64xf32, #tpu.memory_space<vmem>>, vector<16xf32>,
        %get3A_519 = arith.constant 0 : i32
        %get3A_520 = arith.index_cast %get3A_519 : i32 to index
        %get3A_521 = arith.index_cast %scan3A_482 : i32 to index
        %get3A_522 = arith.constant 48 : index
        %get3A_523 = tpu.vector_load %arg20[%get3A_520, %get3A_521, %get3A_522] {strides = array<i32>} : memref<5x16x64xf32, #tpu.memory_space<vmem>>, vector<16xf32>,
        %mul3A_524 = arith.mulf %get3A_523, %gather3A : vector<16xf32>
        %swap3A_525 = arith.constant 0 : i32
        %swap3A_526 = arith.index_cast %swap3A_525 : i32 to index
        %swap3A_527 = arith.index_cast %scan3A_482 : i32 to index
        %swap3A_528 = arith.constant 48 : index
        %swap3A_529 = tpu.vector_load %arg20[%swap3A_526, %swap3A_527, %swap3A_528] {strides = array<i32>} : memref<5x16x64xf32, #tpu.memory_space<vmem>>, vector<16xf32>,
        tpu.vector_store %arg20[%swap3A_526, %swap3A_527, %swap3A_528], %mul3A_524 {strides = array<i32>} : memref<5x16x64xf32, #tpu.memory_space<vmem>>, vector<16xf32>,
      }
      %scan3A_213 = arith.constant 16 : i32
      %dma_start3A_214 = arith.constant 0 : i32
      %dma_start3A_215 = arith.constant 0 : i32
      %dma_start3A_216 = arith.constant 0 : i32
      %dma_start3A_217 = tpu.memref_slice %arg20[%dma_start3A_214, %dma_start3A_215, %dma_start3A_216] : memref<5x16x64xf32, #tpu.memory_space<vmem>> -> memref<1x16x64xf32, #tpu.memory_space<vmem>>
      %dma_start3A_218 = tpu.memref_squeeze %dma_start3A_217 : memref<1x16x64xf32, #tpu.memory_space<vmem>> -> memref<16x64xf32, #tpu.memory_space<vmem>>
      %dma_start3A_219 = arith.constant 0 : i32
      %dma_start3A_220 = arith.constant 0 : i32
      %dma_start3A_221 = tpu.memref_slice %arg22[%dma_start3A_219, %dma_start3A_220] : memref<10240x64xf32, #tpu.memory_space<vmem_shared>> -> memref<10240x64xf32, #tpu.memory_space<vmem_shared>>
      tpu.enqueue_indirect_dma source(%dma_start3A_218 : memref<16x64xf32, #tpu.memory_space<vmem>>) target(%dma_start3A_221 : memref<10240x64xf32, #tpu.memory_space<vmem_shared>>) offsets(%get3A_207 : vector<16xi32>) semaphore(%arg28 : memref<!tpu.dma_semaphore, #tpu.memory_space<semaphore_mem>>) {add = true}
      %add3A_222 = arith.constant 1 : i32
      %add3A_223 = arith.addi %mul3A_187, %add3A_222 : i32
      %dma_wait3A_224 = arith.constant 1 : i32
      %dma_wait3A_225 = arith.constant 0 : i32
      %dma_wait3A_226 = arith.constant 0 : i32
      %dma_wait3A_227 = tpu.memref_slice %arg20[%dma_wait3A_224, %dma_wait3A_225, %dma_wait3A_226] : memref<5x16x64xf32, #tpu.memory_space<vmem>> -> memref<1x16x64xf32, #tpu.memory_space<vmem>>
      %dma_wait3A_228 = tpu.memref_squeeze %dma_wait3A_227 : memref<1x16x64xf32, #tpu.memory_space<vmem>> -> memref<16x64xf32, #tpu.memory_space<vmem>>
      %dma_wait3A_229 = arith.constant 0 : i32
      %dma_wait3A_230 = arith.constant 0 : i32
      %dma_wait3A_231 = tpu.memref_slice %arg8[%dma_wait3A_229, %dma_wait3A_230] : memref<10000x64xf32, #tpu.memory_space<hbm>> -> memref<16x64xf32, #tpu.memory_space<hbm>>
      %dma_wait3A_232 = arith.constant 0 : i32
      %dma_wait3A_233 = arith.constant 0 : i32
      %dma_wait3A_234 = tpu.memref_slice %arg20[%dma_wait3A_224, %dma_wait3A_232, %dma_wait3A_233] : memref<5x16x64xf32, #tpu.memory_space<vmem>> -> memref<1x16x64xf32, #tpu.memory_space<vmem>>
      %dma_wait3A_235 = tpu.memref_squeeze %dma_wait3A_234 : memref<1x16x64xf32, #tpu.memory_space<vmem>> -> memref<16x64xf32, #tpu.memory_space<vmem>>
      %dma_wait3A_236 = arith.constant 0 : i32
      %dma_wait3A_237 = arith.constant 0 : i32
      %dma_wait3A_238 = tpu.memref_slice %arg8[%dma_wait3A_236, %dma_wait3A_237] : memref<10000x64xf32, #tpu.memory_space<hbm>> -> memref<16x64xf32, #tpu.memory_space<hbm>>
      tpu.wait_dma2 semaphore(%arg24 : memref<!tpu.dma_semaphore, #tpu.memory_space<semaphore_mem>>) src(%dma_wait3A_238 : memref<16x64xf32, #tpu.memory_space<hbm>>) dst(%dma_wait3A_235 : memref<16x64xf32, #tpu.memory_space<vmem>>)
      %mul3A_239 = arith.constant 16 : i32
      %mul3A_240 = arith.muli %add3A_223, %mul3A_239 : i32
      %get3A_241 = arith.index_cast %mul3A_240 : i32 to index
      %get3A_242 = tpu.vector_load %arg15[%get3A_241] {strides = array<i32>} : memref<10000xi32, #tpu.memory_space<vmem>>, vector<16xi32>,
      %scan3A_243 = arith.constant 0 : i32
      %scan3A_244 = arith.constant 0 : i32
      %scan3A_245 = arith.constant 16 : i32
      %scan3A_246 = arith.addi %scan3A_244, %scan3A_245 : i32
      %scan3A_247 = arith.constant 1 : i32
      scf.for %scan3A_482 = %scan3A_244 to %scan3A_246 step %scan3A_247  : i32 {
        %mul3A_483 = arith.constant 16 : i32
        %mul3A_484 = arith.muli %add3A_223, %mul3A_483 : i32
        %add3A_485 = arith.addi %mul3A_484, %scan3A_482 : i32
        %broadcast_in_dim3A_486 = vector.broadcast %add3A_485 : i32 to vector<16xi32>
        %gather3A = tpu.vector_load_idx %arg17[%broadcast_in_dim3A_486] : memref<10000xf32, #tpu.memory_space<vmem>>[vector<16xi32>], vector<16xf32>,
        %get3A_487 = arith.constant 1 : i32
        %get3A_488 = arith.index_cast %get3A_487 : i32 to index
        %get3A_489 = arith.index_cast %scan3A_482 : i32 to index
        %get3A_490 = arith.constant 0 : index
        %get3A_491 = tpu.vector_load %arg20[%get3A_488, %get3A_489, %get3A_490] {strides = array<i32>} : memref<5x16x64xf32, #tpu.memory_space<vmem>>, vector<16xf32>,
        %mul3A_492 = arith.mulf %get3A_491, %gather3A : vector<16xf32>
        %swap3A = arith.constant 1 : i32
        %swap3A_493 = arith.index_cast %swap3A : i32 to index
        %swap3A_494 = arith.index_cast %scan3A_482 : i32 to index
        %swap3A_495 = arith.constant 0 : index
        %swap3A_496 = tpu.vector_load %arg20[%swap3A_493, %swap3A_494, %swap3A_495] {strides = array<i32>} : memref<5x16x64xf32, #tpu.memory_space<vmem>>, vector<16xf32>,
        tpu.vector_store %arg20[%swap3A_493, %swap3A_494, %swap3A_495], %mul3A_492 {strides = array<i32>} : memref<5x16x64xf32, #tpu.memory_space<vmem>>, vector<16xf32>,
        %get3A_497 = arith.constant 1 : i32
        %get3A_498 = arith.index_cast %get3A_497 : i32 to index
        %get3A_499 = arith.index_cast %scan3A_482 : i32 to index
        %get3A_500 = arith.constant 16 : index
        %get3A_501 = tpu.vector_load %arg20[%get3A_498, %get3A_499, %get3A_500] {strides = array<i32>} : memref<5x16x64xf32, #tpu.memory_space<vmem>>, vector<16xf32>,
        %mul3A_502 = arith.mulf %get3A_501, %gather3A : vector<16xf32>
        %swap3A_503 = arith.constant 1 : i32
        %swap3A_504 = arith.index_cast %swap3A_503 : i32 to index
        %swap3A_505 = arith.index_cast %scan3A_482 : i32 to index
        %swap3A_506 = arith.constant 16 : index
        %swap3A_507 = tpu.vector_load %arg20[%swap3A_504, %swap3A_505, %swap3A_506] {strides = array<i32>} : memref<5x16x64xf32, #tpu.memory_space<vmem>>, vector<16xf32>,
        tpu.vector_store %arg20[%swap3A_504, %swap3A_505, %swap3A_506], %mul3A_502 {strides = array<i32>} : memref<5x16x64xf32, #tpu.memory_space<vmem>>, vector<16xf32>,
        %get3A_508 = arith.constant 1 : i32
        %get3A_509 = arith.index_cast %get3A_508 : i32 to index
        %get3A_510 = arith.index_cast %scan3A_482 : i32 to index
        %get3A_511 = arith.constant 32 : index
        %get3A_512 = tpu.vector_load %arg20[%get3A_509, %get3A_510, %get3A_511] {strides = array<i32>} : memref<5x16x64xf32, #tpu.memory_space<vmem>>, vector<16xf32>,
        %mul3A_513 = arith.mulf %get3A_512, %gather3A : vector<16xf32>
        %swap3A_514 = arith.constant 1 : i32
        %swap3A_515 = arith.index_cast %swap3A_514 : i32 to index
        %swap3A_516 = arith.index_cast %scan3A_482 : i32 to index
        %swap3A_517 = arith.constant 32 : index
        %swap3A_518 = tpu.vector_load %arg20[%swap3A_515, %swap3A_516, %swap3A_517] {strides = array<i32>} : memref<5x16x64xf32, #tpu.memory_space<vmem>>, vector<16xf32>,
        tpu.vector_store %arg20[%swap3A_515, %swap3A_516, %swap3A_517], %mul3A_513 {strides = array<i32>} : memref<5x16x64xf32, #tpu.memory_space<vmem>>, vector<16xf32>,
        %get3A_519 = arith.constant 1 : i32
        %get3A_520 = arith.index_cast %get3A_519 : i32 to index
        %get3A_521 = arith.index_cast %scan3A_482 : i32 to index
        %get3A_522 = arith.constant 48 : index
        %get3A_523 = tpu.vector_load %arg20[%get3A_520, %get3A_521, %get3A_522] {strides = array<i32>} : memref<5x16x64xf32, #tpu.memory_space<vmem>>, vector<16xf32>,
        %mul3A_524 = arith.mulf %get3A_523, %gather3A : vector<16xf32>
        %swap3A_525 = arith.constant 1 : i32
        %swap3A_526 = arith.index_cast %swap3A_525 : i32 to index
        %swap3A_527 = arith.index_cast %scan3A_482 : i32 to index
        %swap3A_528 = arith.constant 48 : index
        %swap3A_529 = tpu.vector_load %arg20[%swap3A_526, %swap3A_527, %swap3A_528] {strides = array<i32>} : memref<5x16x64xf32, #tpu.memory_space<vmem>>, vector<16xf32>,
        tpu.vector_store %arg20[%swap3A_526, %swap3A_527, %swap3A_528], %mul3A_524 {strides = array<i32>} : memref<5x16x64xf32, #tpu.memory_space<vmem>>, vector<16xf32>,
      }
      %scan3A_248 = arith.constant 16 : i32
      %dma_start3A_249 = arith.constant 1 : i32
      %dma_start3A_250 = arith.constant 0 : i32
      %dma_start3A_251 = arith.constant 0 : i32
      %dma_start3A_252 = tpu.memref_slice %arg20[%dma_start3A_249, %dma_start3A_250, %dma_start3A_251] : memref<5x16x64xf32, #tpu.memory_space<vmem>> -> memref<1x16x64xf32, #tpu.memory_space<vmem>>
      %dma_start3A_253 = tpu.memref_squeeze %dma_start3A_252 : memref<1x16x64xf32, #tpu.memory_space<vmem>> -> memref<16x64xf32, #tpu.memory_space<vmem>>
      %dma_start3A_254 = arith.constant 0 : i32
      %dma_start3A_255 = arith.constant 0 : i32
      %dma_start3A_256 = tpu.memref_slice %arg22[%dma_start3A_254, %dma_start3A_255] : memref<10240x64xf32, #tpu.memory_space<vmem_shared>> -> memref<10240x64xf32, #tpu.memory_space<vmem_shared>>
      tpu.enqueue_indirect_dma source(%dma_start3A_253 : memref<16x64xf32, #tpu.memory_space<vmem>>) target(%dma_start3A_256 : memref<10240x64xf32, #tpu.memory_space<vmem_shared>>) offsets(%get3A_242 : vector<16xi32>) semaphore(%arg29 : memref<!tpu.dma_semaphore, #tpu.memory_space<semaphore_mem>>) {add = true}
      %add3A_257 = arith.constant 2 : i32
      %add3A_258 = arith.addi %mul3A_187, %add3A_257 : i32
      %dma_wait3A_259 = arith.constant 2 : i32
      %dma_wait3A_260 = arith.constant 0 : i32
      %dma_wait3A_261 = arith.constant 0 : i32
      %dma_wait3A_262 = tpu.memref_slice %arg20[%dma_wait3A_259, %dma_wait3A_260, %dma_wait3A_261] : memref<5x16x64xf32, #tpu.memory_space<vmem>> -> memref<1x16x64xf32, #tpu.memory_space<vmem>>
      %dma_wait3A_263 = tpu.memref_squeeze %dma_wait3A_262 : memref<1x16x64xf32, #tpu.memory_space<vmem>> -> memref<16x64xf32, #tpu.memory_space<vmem>>
      %dma_wait3A_264 = arith.constant 0 : i32
      %dma_wait3A_265 = arith.constant 0 : i32
      %dma_wait3A_266 = tpu.memref_slice %arg8[%dma_wait3A_264, %dma_wait3A_265] : memref<10000x64xf32, #tpu.memory_space<hbm>> -> memref<16x64xf32, #tpu.memory_space<hbm>>
      %dma_wait3A_267 = arith.constant 0 : i32
      %dma_wait3A_268 = arith.constant 0 : i32
      %dma_wait3A_269 = tpu.memref_slice %arg20[%dma_wait3A_259, %dma_wait3A_267, %dma_wait3A_268] : memref<5x16x64xf32, #tpu.memory_space<vmem>> -> memref<1x16x64xf32, #tpu.memory_space<vmem>>
      %dma_wait3A_270 = tpu.memref_squeeze %dma_wait3A_269 : memref<1x16x64xf32, #tpu.memory_space<vmem>> -> memref<16x64xf32, #tpu.memory_space<vmem>>
      %dma_wait3A_271 = arith.constant 0 : i32
      %dma_wait3A_272 = arith.constant 0 : i32
      %dma_wait3A_273 = tpu.memref_slice %arg8[%dma_wait3A_271, %dma_wait3A_272] : memref<10000x64xf32, #tpu.memory_space<hbm>> -> memref<16x64xf32, #tpu.memory_space<hbm>>
      tpu.wait_dma2 semaphore(%arg25 : memref<!tpu.dma_semaphore, #tpu.memory_space<semaphore_mem>>) src(%dma_wait3A_273 : memref<16x64xf32, #tpu.memory_space<hbm>>) dst(%dma_wait3A_270 : memref<16x64xf32, #tpu.memory_space<vmem>>)
      %mul3A_274 = arith.constant 16 : i32
      %mul3A_275 = arith.muli %add3A_258, %mul3A_274 : i32
      %get3A_276 = arith.index_cast %mul3A_275 : i32 to index
      %get3A_277 = tpu.vector_load %arg15[%get3A_276] {strides = array<i32>} : memref<10000xi32, #tpu.memory_space<vmem>>, vector<16xi32>,
      %scan3A_278 = arith.constant 0 : i32
      %scan3A_279 = arith.constant 0 : i32
      %scan3A_280 = arith.constant 16 : i32
      %scan3A_281 = arith.addi %scan3A_279, %scan3A_280 : i32
      %scan3A_282 = arith.constant 1 : i32
      scf.for %scan3A_482 = %scan3A_279 to %scan3A_281 step %scan3A_282  : i32 {
        %mul3A_483 = arith.constant 16 : i32
        %mul3A_484 = arith.muli %add3A_258, %mul3A_483 : i32
        %add3A_485 = arith.addi %mul3A_484, %scan3A_482 : i32
        %broadcast_in_dim3A_486 = vector.broadcast %add3A_485 : i32 to vector<16xi32>
        %gather3A = tpu.vector_load_idx %arg17[%broadcast_in_dim3A_486] : memref<10000xf32, #tpu.memory_space<vmem>>[vector<16xi32>], vector<16xf32>,
        %get3A_487 = arith.constant 2 : i32
        %get3A_488 = arith.index_cast %get3A_487 : i32 to index
        %get3A_489 = arith.index_cast %scan3A_482 : i32 to index
        %get3A_490 = arith.constant 0 : index
        %get3A_491 = tpu.vector_load %arg20[%get3A_488, %get3A_489, %get3A_490] {strides = array<i32>} : memref<5x16x64xf32, #tpu.memory_space<vmem>>, vector<16xf32>,
        %mul3A_492 = arith.mulf %get3A_491, %gather3A : vector<16xf32>
        %swap3A = arith.constant 2 : i32
        %swap3A_493 = arith.index_cast %swap3A : i32 to index
        %swap3A_494 = arith.index_cast %scan3A_482 : i32 to index
        %swap3A_495 = arith.constant 0 : index
        %swap3A_496 = tpu.vector_load %arg20[%swap3A_493, %swap3A_494, %swap3A_495] {strides = array<i32>} : memref<5x16x64xf32, #tpu.memory_space<vmem>>, vector<16xf32>,
        tpu.vector_store %arg20[%swap3A_493, %swap3A_494, %swap3A_495], %mul3A_492 {strides = array<i32>} : memref<5x16x64xf32, #tpu.memory_space<vmem>>, vector<16xf32>,
        %get3A_497 = arith.constant 2 : i32
        %get3A_498 = arith.index_cast %get3A_497 : i32 to index
        %get3A_499 = arith.index_cast %scan3A_482 : i32 to index
        %get3A_500 = arith.constant 16 : index
        %get3A_501 = tpu.vector_load %arg20[%get3A_498, %get3A_499, %get3A_500] {strides = array<i32>} : memref<5x16x64xf32, #tpu.memory_space<vmem>>, vector<16xf32>,
        %mul3A_502 = arith.mulf %get3A_501, %gather3A : vector<16xf32>
        %swap3A_503 = arith.constant 2 : i32
        %swap3A_504 = arith.index_cast %swap3A_503 : i32 to index
        %swap3A_505 = arith.index_cast %scan3A_482 : i32 to index
        %swap3A_506 = arith.constant 16 : index
        %swap3A_507 = tpu.vector_load %arg20[%swap3A_504, %swap3A_505, %swap3A_506] {strides = array<i32>} : memref<5x16x64xf32, #tpu.memory_space<vmem>>, vector<16xf32>,
        tpu.vector_store %arg20[%swap3A_504, %swap3A_505, %swap3A_506], %mul3A_502 {strides = array<i32>} : memref<5x16x64xf32, #tpu.memory_space<vmem>>, vector<16xf32>,
        %get3A_508 = arith.constant 2 : i32
        %get3A_509 = arith.index_cast %get3A_508 : i32 to index
        %get3A_510 = arith.index_cast %scan3A_482 : i32 to index
        %get3A_511 = arith.constant 32 : index
        %get3A_512 = tpu.vector_load %arg20[%get3A_509, %get3A_510, %get3A_511] {strides = array<i32>} : memref<5x16x64xf32, #tpu.memory_space<vmem>>, vector<16xf32>,
        %mul3A_513 = arith.mulf %get3A_512, %gather3A : vector<16xf32>
        %swap3A_514 = arith.constant 2 : i32
        %swap3A_515 = arith.index_cast %swap3A_514 : i32 to index
        %swap3A_516 = arith.index_cast %scan3A_482 : i32 to index
        %swap3A_517 = arith.constant 32 : index
        %swap3A_518 = tpu.vector_load %arg20[%swap3A_515, %swap3A_516, %swap3A_517] {strides = array<i32>} : memref<5x16x64xf32, #tpu.memory_space<vmem>>, vector<16xf32>,
        tpu.vector_store %arg20[%swap3A_515, %swap3A_516, %swap3A_517], %mul3A_513 {strides = array<i32>} : memref<5x16x64xf32, #tpu.memory_space<vmem>>, vector<16xf32>,
        %get3A_519 = arith.constant 2 : i32
        %get3A_520 = arith.index_cast %get3A_519 : i32 to index
        %get3A_521 = arith.index_cast %scan3A_482 : i32 to index
        %get3A_522 = arith.constant 48 : index
        %get3A_523 = tpu.vector_load %arg20[%get3A_520, %get3A_521, %get3A_522] {strides = array<i32>} : memref<5x16x64xf32, #tpu.memory_space<vmem>>, vector<16xf32>,
        %mul3A_524 = arith.mulf %get3A_523, %gather3A : vector<16xf32>
        %swap3A_525 = arith.constant 2 : i32
        %swap3A_526 = arith.index_cast %swap3A_525 : i32 to index
        %swap3A_527 = arith.index_cast %scan3A_482 : i32 to index
        %swap3A_528 = arith.constant 48 : index
        %swap3A_529 = tpu.vector_load %arg20[%swap3A_526, %swap3A_527, %swap3A_528] {strides = array<i32>} : memref<5x16x64xf32, #tpu.memory_space<vmem>>, vector<16xf32>,
        tpu.vector_store %arg20[%swap3A_526, %swap3A_527, %swap3A_528], %mul3A_524 {strides = array<i32>} : memref<5x16x64xf32, #tpu.memory_space<vmem>>, vector<16xf32>,
      }
      %scan3A_283 = arith.constant 16 : i32
      %dma_start3A_284 = arith.constant 2 : i32
      %dma_start3A_285 = arith.constant 0 : i32
      %dma_start3A_286 = arith.constant 0 : i32
      %dma_start3A_287 = tpu.memref_slice %arg20[%dma_start3A_284, %dma_start3A_285, %dma_start3A_286] : memref<5x16x64xf32, #tpu.memory_space<vmem>> -> memref<1x16x64xf32, #tpu.memory_space<vmem>>
      %dma_start3A_288 = tpu.memref_squeeze %dma_start3A_287 : memref<1x16x64xf32, #tpu.memory_space<vmem>> -> memref<16x64xf32, #tpu.memory_space<vmem>>
      %dma_start3A_289 = arith.constant 0 : i32
      %dma_start3A_290 = arith.constant 0 : i32
      %dma_start3A_291 = tpu.memref_slice %arg22[%dma_start3A_289, %dma_start3A_290] : memref<10240x64xf32, #tpu.memory_space<vmem_shared>> -> memref<10240x64xf32, #tpu.memory_space<vmem_shared>>
      tpu.enqueue_indirect_dma source(%dma_start3A_288 : memref<16x64xf32, #tpu.memory_space<vmem>>) target(%dma_start3A_291 : memref<10240x64xf32, #tpu.memory_space<vmem_shared>>) offsets(%get3A_277 : vector<16xi32>) semaphore(%arg30 : memref<!tpu.dma_semaphore, #tpu.memory_space<semaphore_mem>>) {add = true}
      %add3A_292 = arith.constant 3 : i32
      %add3A_293 = arith.addi %mul3A_187, %add3A_292 : i32
      %dma_wait3A_294 = arith.constant 3 : i32
      %dma_wait3A_295 = arith.constant 0 : i32
      %dma_wait3A_296 = arith.constant 0 : i32
      %dma_wait3A_297 = tpu.memref_slice %arg20[%dma_wait3A_294, %dma_wait3A_295, %dma_wait3A_296] : memref<5x16x64xf32, #tpu.memory_space<vmem>> -> memref<1x16x64xf32, #tpu.memory_space<vmem>>
      %dma_wait3A_298 = tpu.memref_squeeze %dma_wait3A_297 : memref<1x16x64xf32, #tpu.memory_space<vmem>> -> memref<16x64xf32, #tpu.memory_space<vmem>>
      %dma_wait3A_299 = arith.constant 0 : i32
      %dma_wait3A_300 = arith.constant 0 : i32
      %dma_wait3A_301 = tpu.memref_slice %arg8[%dma_wait3A_299, %dma_wait3A_300] : memref<10000x64xf32, #tpu.memory_space<hbm>> -> memref<16x64xf32, #tpu.memory_space<hbm>>
      %dma_wait3A_302 = arith.constant 0 : i32
      %dma_wait3A_303 = arith.constant 0 : i32
      %dma_wait3A_304 = tpu.memref_slice %arg20[%dma_wait3A_294, %dma_wait3A_302, %dma_wait3A_303] : memref<5x16x64xf32, #tpu.memory_space<vmem>> -> memref<1x16x64xf32, #tpu.memory_space<vmem>>
      %dma_wait3A_305 = tpu.memref_squeeze %dma_wait3A_304 : memref<1x16x64xf32, #tpu.memory_space<vmem>> -> memref<16x64xf32, #tpu.memory_space<vmem>>
      %dma_wait3A_306 = arith.constant 0 : i32
      %dma_wait3A_307 = arith.constant 0 : i32
      %dma_wait3A_308 = tpu.memref_slice %arg8[%dma_wait3A_306, %dma_wait3A_307] : memref<10000x64xf32, #tpu.memory_space<hbm>> -> memref<16x64xf32, #tpu.memory_space<hbm>>
      tpu.wait_dma2 semaphore(%arg26 : memref<!tpu.dma_semaphore, #tpu.memory_space<semaphore_mem>>) src(%dma_wait3A_308 : memref<16x64xf32, #tpu.memory_space<hbm>>) dst(%dma_wait3A_305 : memref<16x64xf32, #tpu.memory_space<vmem>>)
      %mul3A_309 = arith.constant 16 : i32
      %mul3A_310 = arith.muli %add3A_293, %mul3A_309 : i32
      %get3A_311 = arith.index_cast %mul3A_310 : i32 to index
      %get3A_312 = tpu.vector_load %arg15[%get3A_311] {strides = array<i32>} : memref<10000xi32, #tpu.memory_space<vmem>>, vector<16xi32>,
      %scan3A_313 = arith.constant 0 : i32
      %scan3A_314 = arith.constant 0 : i32
      %scan3A_315 = arith.constant 16 : i32
      %scan3A_316 = arith.addi %scan3A_314, %scan3A_315 : i32
      %scan3A_317 = arith.constant 1 : i32
      scf.for %scan3A_482 = %scan3A_314 to %scan3A_316 step %scan3A_317  : i32 {
        %mul3A_483 = arith.constant 16 : i32
        %mul3A_484 = arith.muli %add3A_293, %mul3A_483 : i32
        %add3A_485 = arith.addi %mul3A_484, %scan3A_482 : i32
        %broadcast_in_dim3A_486 = vector.broadcast %add3A_485 : i32 to vector<16xi32>
        %gather3A = tpu.vector_load_idx %arg17[%broadcast_in_dim3A_486] : memref<10000xf32, #tpu.memory_space<vmem>>[vector<16xi32>], vector<16xf32>,
        %get3A_487 = arith.constant 3 : i32
        %get3A_488 = arith.index_cast %get3A_487 : i32 to index
        %get3A_489 = arith.index_cast %scan3A_482 : i32 to index
        %get3A_490 = arith.constant 0 : index
        %get3A_491 = tpu.vector_load %arg20[%get3A_488, %get3A_489, %get3A_490] {strides = array<i32>} : memref<5x16x64xf32, #tpu.memory_space<vmem>>, vector<16xf32>,
        %mul3A_492 = arith.mulf %get3A_491, %gather3A : vector<16xf32>
        %swap3A = arith.constant 3 : i32
        %swap3A_493 = arith.index_cast %swap3A : i32 to index
        %swap3A_494 = arith.index_cast %scan3A_482 : i32 to index
        %swap3A_495 = arith.constant 0 : index
        %swap3A_496 = tpu.vector_load %arg20[%swap3A_493, %swap3A_494, %swap3A_495] {strides = array<i32>} : memref<5x16x64xf32, #tpu.memory_space<vmem>>, vector<16xf32>,
        tpu.vector_store %arg20[%swap3A_493, %swap3A_494, %swap3A_495], %mul3A_492 {strides = array<i32>} : memref<5x16x64xf32, #tpu.memory_space<vmem>>, vector<16xf32>,
        %get3A_497 = arith.constant 3 : i32
        %get3A_498 = arith.index_cast %get3A_497 : i32 to index
        %get3A_499 = arith.index_cast %scan3A_482 : i32 to index
        %get3A_500 = arith.constant 16 : index
        %get3A_501 = tpu.vector_load %arg20[%get3A_498, %get3A_499, %get3A_500] {strides = array<i32>} : memref<5x16x64xf32, #tpu.memory_space<vmem>>, vector<16xf32>,
        %mul3A_502 = arith.mulf %get3A_501, %gather3A : vector<16xf32>
        %swap3A_503 = arith.constant 3 : i32
        %swap3A_504 = arith.index_cast %swap3A_503 : i32 to index
        %swap3A_505 = arith.index_cast %scan3A_482 : i32 to index
        %swap3A_506 = arith.constant 16 : index
        %swap3A_507 = tpu.vector_load %arg20[%swap3A_504, %swap3A_505, %swap3A_506] {strides = array<i32>} : memref<5x16x64xf32, #tpu.memory_space<vmem>>, vector<16xf32>,
        tpu.vector_store %arg20[%swap3A_504, %swap3A_505, %swap3A_506], %mul3A_502 {strides = array<i32>} : memref<5x16x64xf32, #tpu.memory_space<vmem>>, vector<16xf32>,
        %get3A_508 = arith.constant 3 : i32
        %get3A_509 = arith.index_cast %get3A_508 : i32 to index
        %get3A_510 = arith.index_cast %scan3A_482 : i32 to index
        %get3A_511 = arith.constant 32 : index
        %get3A_512 = tpu.vector_load %arg20[%get3A_509, %get3A_510, %get3A_511] {strides = array<i32>} : memref<5x16x64xf32, #tpu.memory_space<vmem>>, vector<16xf32>,
        %mul3A_513 = arith.mulf %get3A_512, %gather3A : vector<16xf32>
        %swap3A_514 = arith.constant 3 : i32
        %swap3A_515 = arith.index_cast %swap3A_514 : i32 to index
        %swap3A_516 = arith.index_cast %scan3A_482 : i32 to index
        %swap3A_517 = arith.constant 32 : index
        %swap3A_518 = tpu.vector_load %arg20[%swap3A_515, %swap3A_516, %swap3A_517] {strides = array<i32>} : memref<5x16x64xf32, #tpu.memory_space<vmem>>, vector<16xf32>,
        tpu.vector_store %arg20[%swap3A_515, %swap3A_516, %swap3A_517], %mul3A_513 {strides = array<i32>} : memref<5x16x64xf32, #tpu.memory_space<vmem>>, vector<16xf32>,
        %get3A_519 = arith.constant 3 : i32
        %get3A_520 = arith.index_cast %get3A_519 : i32 to index
        %get3A_521 = arith.index_cast %scan3A_482 : i32 to index
        %get3A_522 = arith.constant 48 : index
        %get3A_523 = tpu.vector_load %arg20[%get3A_520, %get3A_521, %get3A_522] {strides = array<i32>} : memref<5x16x64xf32, #tpu.memory_space<vmem>>, vector<16xf32>,
        %mul3A_524 = arith.mulf %get3A_523, %gather3A : vector<16xf32>
        %swap3A_525 = arith.constant 3 : i32
        %swap3A_526 = arith.index_cast %swap3A_525 : i32 to index
        %swap3A_527 = arith.index_cast %scan3A_482 : i32 to index
        %swap3A_528 = arith.constant 48 : index
        %swap3A_529 = tpu.vector_load %arg20[%swap3A_526, %swap3A_527, %swap3A_528] {strides = array<i32>} : memref<5x16x64xf32, #tpu.memory_space<vmem>>, vector<16xf32>,
        tpu.vector_store %arg20[%swap3A_526, %swap3A_527, %swap3A_528], %mul3A_524 {strides = array<i32>} : memref<5x16x64xf32, #tpu.memory_space<vmem>>, vector<16xf32>,
      }
      %scan3A_318 = arith.constant 16 : i32
      %dma_start3A_319 = arith.constant 3 : i32
      %dma_start3A_320 = arith.constant 0 : i32
      %dma_start3A_321 = arith.constant 0 : i32
      %dma_start3A_322 = tpu.memref_slice %arg20[%dma_start3A_319, %dma_start3A_320, %dma_start3A_321] : memref<5x16x64xf32, #tpu.memory_space<vmem>> -> memref<1x16x64xf32, #tpu.memory_space<vmem>>
      %dma_start3A_323 = tpu.memref_squeeze %dma_start3A_322 : memref<1x16x64xf32, #tpu.memory_space<vmem>> -> memref<16x64xf32, #tpu.memory_space<vmem>>
      %dma_start3A_324 = arith.constant 0 : i32
      %dma_start3A_325 = arith.constant 0 : i32
      %dma_start3A_326 = tpu.memref_slice %arg22[%dma_start3A_324, %dma_start3A_325] : memref<10240x64xf32, #tpu.memory_space<vmem_shared>> -> memref<10240x64xf32, #tpu.memory_space<vmem_shared>>
      tpu.enqueue_indirect_dma source(%dma_start3A_323 : memref<16x64xf32, #tpu.memory_space<vmem>>) target(%dma_start3A_326 : memref<10240x64xf32, #tpu.memory_space<vmem_shared>>) offsets(%get3A_312 : vector<16xi32>) semaphore(%arg31 : memref<!tpu.dma_semaphore, #tpu.memory_space<semaphore_mem>>) {add = true}
      %add3A_327 = arith.constant 4 : i32
      %add3A_328 = arith.addi %mul3A_187, %add3A_327 : i32
      %dma_wait3A_329 = arith.constant 4 : i32
      %dma_wait3A_330 = arith.constant 0 : i32
      %dma_wait3A_331 = arith.constant 0 : i32
      %dma_wait3A_332 = tpu.memref_slice %arg20[%dma_wait3A_329, %dma_wait3A_330, %dma_wait3A_331] : memref<5x16x64xf32, #tpu.memory_space<vmem>> -> memref<1x16x64xf32, #tpu.memory_space<vmem>>
      %dma_wait3A_333 = tpu.memref_squeeze %dma_wait3A_332 : memref<1x16x64xf32, #tpu.memory_space<vmem>> -> memref<16x64xf32, #tpu.memory_space<vmem>>
      %dma_wait3A_334 = arith.constant 0 : i32
      %dma_wait3A_335 = arith.constant 0 : i32
      %dma_wait3A_336 = tpu.memref_slice %arg8[%dma_wait3A_334, %dma_wait3A_335] : memref<10000x64xf32, #tpu.memory_space<hbm>> -> memref<16x64xf32, #tpu.memory_space<hbm>>
      %dma_wait3A_337 = arith.constant 0 : i32
      %dma_wait3A_338 = arith.constant 0 : i32
      %dma_wait3A_339 = tpu.memref_slice %arg20[%dma_wait3A_329, %dma_wait3A_337, %dma_wait3A_338] : memref<5x16x64xf32, #tpu.memory_space<vmem>> -> memref<1x16x64xf32, #tpu.memory_space<vmem>>
      %dma_wait3A_340 = tpu.memref_squeeze %dma_wait3A_339 : memref<1x16x64xf32, #tpu.memory_space<vmem>> -> memref<16x64xf32, #tpu.memory_space<vmem>>
      %dma_wait3A_341 = arith.constant 0 : i32
      %dma_wait3A_342 = arith.constant 0 : i32
      %dma_wait3A_343 = tpu.memref_slice %arg8[%dma_wait3A_341, %dma_wait3A_342] : memref<10000x64xf32, #tpu.memory_space<hbm>> -> memref<16x64xf32, #tpu.memory_space<hbm>>
      tpu.wait_dma2 semaphore(%arg27 : memref<!tpu.dma_semaphore, #tpu.memory_space<semaphore_mem>>) src(%dma_wait3A_343 : memref<16x64xf32, #tpu.memory_space<hbm>>) dst(%dma_wait3A_340 : memref<16x64xf32, #tpu.memory_space<vmem>>)
      %mul3A_344 = arith.constant 16 : i32
      %mul3A_345 = arith.muli %add3A_328, %mul3A_344 : i32
      %get3A_346 = arith.index_cast %mul3A_345 : i32 to index
      %get3A_347 = tpu.vector_load %arg15[%get3A_346] {strides = array<i32>} : memref<10000xi32, #tpu.memory_space<vmem>>, vector<16xi32>,
      %scan3A_348 = arith.constant 0 : i32
      %scan3A_349 = arith.constant 0 : i32
      %scan3A_350 = arith.constant 16 : i32
      %scan3A_351 = arith.addi %scan3A_349, %scan3A_350 : i32
      %scan3A_352 = arith.constant 1 : i32
      scf.for %scan3A_482 = %scan3A_349 to %scan3A_351 step %scan3A_352  : i32 {
        %mul3A_483 = arith.constant 16 : i32
        %mul3A_484 = arith.muli %add3A_328, %mul3A_483 : i32
        %add3A_485 = arith.addi %mul3A_484, %scan3A_482 : i32
        %broadcast_in_dim3A_486 = vector.broadcast %add3A_485 : i32 to vector<16xi32>
        %gather3A = tpu.vector_load_idx %arg17[%broadcast_in_dim3A_486] : memref<10000xf32, #tpu.memory_space<vmem>>[vector<16xi32>], vector<16xf32>,
        %get3A_487 = arith.constant 4 : i32
        %get3A_488 = arith.index_cast %get3A_487 : i32 to index
        %get3A_489 = arith.index_cast %scan3A_482 : i32 to index
        %get3A_490 = arith.constant 0 : index
        %get3A_491 = tpu.vector_load %arg20[%get3A_488, %get3A_489, %get3A_490] {strides = array<i32>} : memref<5x16x64xf32, #tpu.memory_space<vmem>>, vector<16xf32>,
        %mul3A_492 = arith.mulf %get3A_491, %gather3A : vector<16xf32>
        %swap3A = arith.constant 4 : i32
        %swap3A_493 = arith.index_cast %swap3A : i32 to index
        %swap3A_494 = arith.index_cast %scan3A_482 : i32 to index
        %swap3A_495 = arith.constant 0 : index
        %swap3A_496 = tpu.vector_load %arg20[%swap3A_493, %swap3A_494, %swap3A_495] {strides = array<i32>} : memref<5x16x64xf32, #tpu.memory_space<vmem>>, vector<16xf32>,
        tpu.vector_store %arg20[%swap3A_493, %swap3A_494, %swap3A_495], %mul3A_492 {strides = array<i32>} : memref<5x16x64xf32, #tpu.memory_space<vmem>>, vector<16xf32>,
        %get3A_497 = arith.constant 4 : i32
        %get3A_498 = arith.index_cast %get3A_497 : i32 to index
        %get3A_499 = arith.index_cast %scan3A_482 : i32 to index
        %get3A_500 = arith.constant 16 : index
        %get3A_501 = tpu.vector_load %arg20[%get3A_498, %get3A_499, %get3A_500] {strides = array<i32>} : memref<5x16x64xf32, #tpu.memory_space<vmem>>, vector<16xf32>,
        %mul3A_502 = arith.mulf %get3A_501, %gather3A : vector<16xf32>
        %swap3A_503 = arith.constant 4 : i32
        %swap3A_504 = arith.index_cast %swap3A_503 : i32 to index
        %swap3A_505 = arith.index_cast %scan3A_482 : i32 to index
        %swap3A_506 = arith.constant 16 : index
        %swap3A_507 = tpu.vector_load %arg20[%swap3A_504, %swap3A_505, %swap3A_506] {strides = array<i32>} : memref<5x16x64xf32, #tpu.memory_space<vmem>>, vector<16xf32>,
        tpu.vector_store %arg20[%swap3A_504, %swap3A_505, %swap3A_506], %mul3A_502 {strides = array<i32>} : memref<5x16x64xf32, #tpu.memory_space<vmem>>, vector<16xf32>,
        %get3A_508 = arith.constant 4 : i32
        %get3A_509 = arith.index_cast %get3A_508 : i32 to index
        %get3A_510 = arith.index_cast %scan3A_482 : i32 to index
        %get3A_511 = arith.constant 32 : index
        %get3A_512 = tpu.vector_load %arg20[%get3A_509, %get3A_510, %get3A_511] {strides = array<i32>} : memref<5x16x64xf32, #tpu.memory_space<vmem>>, vector<16xf32>,
        %mul3A_513 = arith.mulf %get3A_512, %gather3A : vector<16xf32>
        %swap3A_514 = arith.constant 4 : i32
        %swap3A_515 = arith.index_cast %swap3A_514 : i32 to index
        %swap3A_516 = arith.index_cast %scan3A_482 : i32 to index
        %swap3A_517 = arith.constant 32 : index
        %swap3A_518 = tpu.vector_load %arg20[%swap3A_515, %swap3A_516, %swap3A_517] {strides = array<i32>} : memref<5x16x64xf32, #tpu.memory_space<vmem>>, vector<16xf32>,
        tpu.vector_store %arg20[%swap3A_515, %swap3A_516, %swap3A_517], %mul3A_513 {strides = array<i32>} : memref<5x16x64xf32, #tpu.memory_space<vmem>>, vector<16xf32>,
        %get3A_519 = arith.constant 4 : i32
        %get3A_520 = arith.index_cast %get3A_519 : i32 to index
        %get3A_521 = arith.index_cast %scan3A_482 : i32 to index
        %get3A_522 = arith.constant 48 : index
        %get3A_523 = tpu.vector_load %arg20[%get3A_520, %get3A_521, %get3A_522] {strides = array<i32>} : memref<5x16x64xf32, #tpu.memory_space<vmem>>, vector<16xf32>,
        %mul3A_524 = arith.mulf %get3A_523, %gather3A : vector<16xf32>
        %swap3A_525 = arith.constant 4 : i32
        %swap3A_526 = arith.index_cast %swap3A_525 : i32 to index
        %swap3A_527 = arith.index_cast %scan3A_482 : i32 to index
        %swap3A_528 = arith.constant 48 : index
        %swap3A_529 = tpu.vector_load %arg20[%swap3A_526, %swap3A_527, %swap3A_528] {strides = array<i32>} : memref<5x16x64xf32, #tpu.memory_space<vmem>>, vector<16xf32>,
        tpu.vector_store %arg20[%swap3A_526, %swap3A_527, %swap3A_528], %mul3A_524 {strides = array<i32>} : memref<5x16x64xf32, #tpu.memory_space<vmem>>, vector<16xf32>,
      }
      %scan3A_353 = arith.constant 16 : i32
      %dma_start3A_354 = arith.constant 4 : i32
      %dma_start3A_355 = arith.constant 0 : i32
      %dma_start3A_356 = arith.constant 0 : i32
      %dma_start3A_357 = tpu.memref_slice %arg20[%dma_start3A_354, %dma_start3A_355, %dma_start3A_356] : memref<5x16x64xf32, #tpu.memory_space<vmem>> -> memref<1x16x64xf32, #tpu.memory_space<vmem>>
      %dma_start3A_358 = tpu.memref_squeeze %dma_start3A_357 : memref<1x16x64xf32, #tpu.memory_space<vmem>> -> memref<16x64xf32, #tpu.memory_space<vmem>>
      %dma_start3A_359 = arith.constant 0 : i32
      %dma_start3A_360 = arith.constant 0 : i32
      %dma_start3A_361 = tpu.memref_slice %arg22[%dma_start3A_359, %dma_start3A_360] : memref<10240x64xf32, #tpu.memory_space<vmem_shared>> -> memref<10240x64xf32, #tpu.memory_space<vmem_shared>>
      tpu.enqueue_indirect_dma source(%dma_start3A_358 : memref<16x64xf32, #tpu.memory_space<vmem>>) target(%dma_start3A_361 : memref<10240x64xf32, #tpu.memory_space<vmem_shared>>) offsets(%get3A_347 : vector<16xi32>) semaphore(%arg32 : memref<!tpu.dma_semaphore, #tpu.memory_space<semaphore_mem>>) {add = true}
      %add3A_362 = arith.constant 5 : i32
      %add3A_363 = arith.addi %mul3A_187, %add3A_362 : i32
      %add3A_364 = arith.constant 0 : i32
      %add3A_365 = arith.addi %add3A_363, %add3A_364 : i32
      %dma_wait3A_366 = arith.constant 0 : i32
      %dma_wait3A_367 = arith.constant 0 : i32
      %dma_wait3A_368 = arith.constant 0 : i32
      %dma_wait3A_369 = tpu.memref_slice %arg20[%dma_wait3A_366, %dma_wait3A_367, %dma_wait3A_368] : memref<5x16x64xf32, #tpu.memory_space<vmem>> -> memref<1x16x64xf32, #tpu.memory_space<vmem>>
      %dma_wait3A_370 = tpu.memref_squeeze %dma_wait3A_369 : memref<1x16x64xf32, #tpu.memory_space<vmem>> -> memref<16x64xf32, #tpu.memory_space<vmem>>
      %dma_wait3A_371 = arith.constant 0 : i32
      %dma_wait3A_372 = arith.constant 0 : i32
      %dma_wait3A_373 = tpu.memref_slice %arg22[%dma_wait3A_371, %dma_wait3A_372] : memref<10240x64xf32, #tpu.memory_space<vmem_shared>> -> memref<16x64xf32, #tpu.memory_space<vmem_shared>>
      %dma_wait3A_374 = arith.constant 0 : i32
      %dma_wait3A_375 = arith.constant 0 : i32
      %dma_wait3A_376 = tpu.memref_slice %arg22[%dma_wait3A_374, %dma_wait3A_375] : memref<10240x64xf32, #tpu.memory_space<vmem_shared>> -> memref<16x64xf32, #tpu.memory_space<vmem_shared>>
      %dma_wait3A_377 = arith.constant 0 : i32
      %dma_wait3A_378 = arith.constant 0 : i32
      %dma_wait3A_379 = tpu.memref_slice %arg20[%dma_wait3A_366, %dma_wait3A_377, %dma_wait3A_378] : memref<5x16x64xf32, #tpu.memory_space<vmem>> -> memref<1x16x64xf32, #tpu.memory_space<vmem>>
      %dma_wait3A_380 = tpu.memref_squeeze %dma_wait3A_379 : memref<1x16x64xf32, #tpu.memory_space<vmem>> -> memref<16x64xf32, #tpu.memory_space<vmem>>
      tpu.wait_dma2 semaphore(%arg28 : memref<!tpu.dma_semaphore, #tpu.memory_space<semaphore_mem>>) src(%dma_wait3A_380 : memref<16x64xf32, #tpu.memory_space<vmem>>) dst(%dma_wait3A_376 : memref<16x64xf32, #tpu.memory_space<vmem_shared>>)
      %lt3A_381 = arith.constant 625 : i32
      %lt3A_382 = arith.cmpi slt, %add3A_365, %lt3A_381 : i32
      %convert_element_type3A_383 = arith.extui %lt3A_382 : i1 to i32
      %cond3A_384 = arith.constant 0 : i32
      %cond3A_385 = arith.cmpi ne, %convert_element_type3A_383, %cond3A_384 : i32
      scf.if %cond3A_385 {
        %mul3A_482 = arith.constant 16 : i32
        %mul3A_483 = arith.muli %add3A_365, %mul3A_482 : i32
        %get3A_484 = arith.index_cast %mul3A_483 : i32 to index
        %get3A_485 = tpu.vector_load %arg14[%get3A_484] {strides = array<i32>} : memref<10000xi32, #tpu.memory_space<vmem>>, vector<16xi32>,
        %dma_start3A_486 = arith.constant 0 : i32
        %dma_start3A_487 = arith.constant 0 : i32
        %dma_start3A_488 = arith.constant 0 : i32
        %dma_start3A_489 = tpu.memref_slice %arg20[%dma_start3A_486, %dma_start3A_487, %dma_start3A_488] : memref<5x16x64xf32, #tpu.memory_space<vmem>> -> memref<1x16x64xf32, #tpu.memory_space<vmem>>
        %dma_start3A_490 = tpu.memref_squeeze %dma_start3A_489 : memref<1x16x64xf32, #tpu.memory_space<vmem>> -> memref<16x64xf32, #tpu.memory_space<vmem>>
        %dma_start3A_491 = arith.constant 0 : i32
        %dma_start3A_492 = arith.constant 0 : i32
        %dma_start3A_493 = tpu.memref_slice %arg8[%dma_start3A_491, %dma_start3A_492] : memref<10000x64xf32, #tpu.memory_space<hbm>> -> memref<10000x64xf32, #tpu.memory_space<hbm>>
        tpu.enqueue_indirect_dma source(%dma_start3A_493 : memref<10000x64xf32, #tpu.memory_space<hbm>>) target(%dma_start3A_490 : memref<16x64xf32, #tpu.memory_space<vmem>>) offsets(%get3A_485 : vector<16xi32>) semaphore(%arg23 : memref<!tpu.dma_semaphore, #tpu.memory_space<semaphore_mem>>)
      } else {
      }
      %add3A_386 = arith.constant 5 : i32
      %add3A_387 = arith.addi %mul3A_187, %add3A_386 : i32
      %add3A_388 = arith.constant 1 : i32
      %add3A_389 = arith.addi %add3A_387, %add3A_388 : i32
      %dma_wait3A_390 = arith.constant 1 : i32
      %dma_wait3A_391 = arith.constant 0 : i32
      %dma_wait3A_392 = arith.constant 0 : i32
      %dma_wait3A_393 = tpu.memref_slice %arg20[%dma_wait3A_390, %dma_wait3A_391, %dma_wait3A_392] : memref<5x16x64xf32, #tpu.memory_space<vmem>> -> memref<1x16x64xf32, #tpu.memory_space<vmem>>
      %dma_wait3A_394 = tpu.memref_squeeze %dma_wait3A_393 : memref<1x16x64xf32, #tpu.memory_space<vmem>> -> memref<16x64xf32, #tpu.memory_space<vmem>>
      %dma_wait3A_395 = arith.constant 0 : i32
      %dma_wait3A_396 = arith.constant 0 : i32
      %dma_wait3A_397 = tpu.memref_slice %arg22[%dma_wait3A_395, %dma_wait3A_396] : memref<10240x64xf32, #tpu.memory_space<vmem_shared>> -> memref<16x64xf32, #tpu.memory_space<vmem_shared>>
      %dma_wait3A_398 = arith.constant 0 : i32
      %dma_wait3A_399 = arith.constant 0 : i32
      %dma_wait3A_400 = tpu.memref_slice %arg22[%dma_wait3A_398, %dma_wait3A_399] : memref<10240x64xf32, #tpu.memory_space<vmem_shared>> -> memref<16x64xf32, #tpu.memory_space<vmem_shared>>
      %dma_wait3A_401 = arith.constant 0 : i32
      %dma_wait3A_402 = arith.constant 0 : i32
      %dma_wait3A_403 = tpu.memref_slice %arg20[%dma_wait3A_390, %dma_wait3A_401, %dma_wait3A_402] : memref<5x16x64xf32, #tpu.memory_space<vmem>> -> memref<1x16x64xf32, #tpu.memory_space<vmem>>
      %dma_wait3A_404 = tpu.memref_squeeze %dma_wait3A_403 : memref<1x16x64xf32, #tpu.memory_space<vmem>> -> memref<16x64xf32, #tpu.memory_space<vmem>>
      tpu.wait_dma2 semaphore(%arg29 : memref<!tpu.dma_semaphore, #tpu.memory_space<semaphore_mem>>) src(%dma_wait3A_404 : memref<16x64xf32, #tpu.memory_space<vmem>>) dst(%dma_wait3A_400 : memref<16x64xf32, #tpu.memory_space<vmem_shared>>)
      %lt3A_405 = arith.constant 625 : i32
      %lt3A_406 = arith.cmpi slt, %add3A_389, %lt3A_405 : i32
      %convert_element_type3A_407 = arith.extui %lt3A_406 : i1 to i32
      %cond3A_408 = arith.constant 0 : i32
      %cond3A_409 = arith.cmpi ne, %convert_element_type3A_407, %cond3A_408 : i32
      scf.if %cond3A_409 {
        %mul3A_482 = arith.constant 16 : i32
        %mul3A_483 = arith.muli %add3A_389, %mul3A_482 : i32
        %get3A_484 = arith.index_cast %mul3A_483 : i32 to index
        %get3A_485 = tpu.vector_load %arg14[%get3A_484] {strides = array<i32>} : memref<10000xi32, #tpu.memory_space<vmem>>, vector<16xi32>,
        %dma_start3A_486 = arith.constant 1 : i32
        %dma_start3A_487 = arith.constant 0 : i32
        %dma_start3A_488 = arith.constant 0 : i32
        %dma_start3A_489 = tpu.memref_slice %arg20[%dma_start3A_486, %dma_start3A_487, %dma_start3A_488] : memref<5x16x64xf32, #tpu.memory_space<vmem>> -> memref<1x16x64xf32, #tpu.memory_space<vmem>>
        %dma_start3A_490 = tpu.memref_squeeze %dma_start3A_489 : memref<1x16x64xf32, #tpu.memory_space<vmem>> -> memref<16x64xf32, #tpu.memory_space<vmem>>
        %dma_start3A_491 = arith.constant 0 : i32
        %dma_start3A_492 = arith.constant 0 : i32
        %dma_start3A_493 = tpu.memref_slice %arg8[%dma_start3A_491, %dma_start3A_492] : memref<10000x64xf32, #tpu.memory_space<hbm>> -> memref<10000x64xf32, #tpu.memory_space<hbm>>
        tpu.enqueue_indirect_dma source(%dma_start3A_493 : memref<10000x64xf32, #tpu.memory_space<hbm>>) target(%dma_start3A_490 : memref<16x64xf32, #tpu.memory_space<vmem>>) offsets(%get3A_485 : vector<16xi32>) semaphore(%arg24 : memref<!tpu.dma_semaphore, #tpu.memory_space<semaphore_mem>>)
      } else {
      }
      %add3A_410 = arith.constant 5 : i32
      %add3A_411 = arith.addi %mul3A_187, %add3A_410 : i32
      %add3A_412 = arith.constant 2 : i32
      %add3A_413 = arith.addi %add3A_411, %add3A_412 : i32
      %dma_wait3A_414 = arith.constant 2 : i32
      %dma_wait3A_415 = arith.constant 0 : i32
      %dma_wait3A_416 = arith.constant 0 : i32
      %dma_wait3A_417 = tpu.memref_slice %arg20[%dma_wait3A_414, %dma_wait3A_415, %dma_wait3A_416] : memref<5x16x64xf32, #tpu.memory_space<vmem>> -> memref<1x16x64xf32, #tpu.memory_space<vmem>>
      %dma_wait3A_418 = tpu.memref_squeeze %dma_wait3A_417 : memref<1x16x64xf32, #tpu.memory_space<vmem>> -> memref<16x64xf32, #tpu.memory_space<vmem>>
      %dma_wait3A_419 = arith.constant 0 : i32
      %dma_wait3A_420 = arith.constant 0 : i32
      %dma_wait3A_421 = tpu.memref_slice %arg22[%dma_wait3A_419, %dma_wait3A_420] : memref<10240x64xf32, #tpu.memory_space<vmem_shared>> -> memref<16x64xf32, #tpu.memory_space<vmem_shared>>
      %dma_wait3A_422 = arith.constant 0 : i32
      %dma_wait3A_423 = arith.constant 0 : i32
      %dma_wait3A_424 = tpu.memref_slice %arg22[%dma_wait3A_422, %dma_wait3A_423] : memref<10240x64xf32, #tpu.memory_space<vmem_shared>> -> memref<16x64xf32, #tpu.memory_space<vmem_shared>>
      %dma_wait3A_425 = arith.constant 0 : i32
      %dma_wait3A_426 = arith.constant 0 : i32
      %dma_wait3A_427 = tpu.memref_slice %arg20[%dma_wait3A_414, %dma_wait3A_425, %dma_wait3A_426] : memref<5x16x64xf32, #tpu.memory_space<vmem>> -> memref<1x16x64xf32, #tpu.memory_space<vmem>>
      %dma_wait3A_428 = tpu.memref_squeeze %dma_wait3A_427 : memref<1x16x64xf32, #tpu.memory_space<vmem>> -> memref<16x64xf32, #tpu.memory_space<vmem>>
      tpu.wait_dma2 semaphore(%arg30 : memref<!tpu.dma_semaphore, #tpu.memory_space<semaphore_mem>>) src(%dma_wait3A_428 : memref<16x64xf32, #tpu.memory_space<vmem>>) dst(%dma_wait3A_424 : memref<16x64xf32, #tpu.memory_space<vmem_shared>>)
      %lt3A_429 = arith.constant 625 : i32
      %lt3A_430 = arith.cmpi slt, %add3A_413, %lt3A_429 : i32
      %convert_element_type3A_431 = arith.extui %lt3A_430 : i1 to i32
      %cond3A_432 = arith.constant 0 : i32
      %cond3A_433 = arith.cmpi ne, %convert_element_type3A_431, %cond3A_432 : i32
      scf.if %cond3A_433 {
        %mul3A_482 = arith.constant 16 : i32
        %mul3A_483 = arith.muli %add3A_413, %mul3A_482 : i32
        %get3A_484 = arith.index_cast %mul3A_483 : i32 to index
        %get3A_485 = tpu.vector_load %arg14[%get3A_484] {strides = array<i32>} : memref<10000xi32, #tpu.memory_space<vmem>>, vector<16xi32>,
        %dma_start3A_486 = arith.constant 2 : i32
        %dma_start3A_487 = arith.constant 0 : i32
        %dma_start3A_488 = arith.constant 0 : i32
        %dma_start3A_489 = tpu.memref_slice %arg20[%dma_start3A_486, %dma_start3A_487, %dma_start3A_488] : memref<5x16x64xf32, #tpu.memory_space<vmem>> -> memref<1x16x64xf32, #tpu.memory_space<vmem>>
        %dma_start3A_490 = tpu.memref_squeeze %dma_start3A_489 : memref<1x16x64xf32, #tpu.memory_space<vmem>> -> memref<16x64xf32, #tpu.memory_space<vmem>>
        %dma_start3A_491 = arith.constant 0 : i32
        %dma_start3A_492 = arith.constant 0 : i32
        %dma_start3A_493 = tpu.memref_slice %arg8[%dma_start3A_491, %dma_start3A_492] : memref<10000x64xf32, #tpu.memory_space<hbm>> -> memref<10000x64xf32, #tpu.memory_space<hbm>>
        tpu.enqueue_indirect_dma source(%dma_start3A_493 : memref<10000x64xf32, #tpu.memory_space<hbm>>) target(%dma_start3A_490 : memref<16x64xf32, #tpu.memory_space<vmem>>) offsets(%get3A_485 : vector<16xi32>) semaphore(%arg25 : memref<!tpu.dma_semaphore, #tpu.memory_space<semaphore_mem>>)
      } else {
      }
      %add3A_434 = arith.constant 5 : i32
      %add3A_435 = arith.addi %mul3A_187, %add3A_434 : i32
      %add3A_436 = arith.constant 3 : i32
      %add3A_437 = arith.addi %add3A_435, %add3A_436 : i32
      %dma_wait3A_438 = arith.constant 3 : i32
      %dma_wait3A_439 = arith.constant 0 : i32
      %dma_wait3A_440 = arith.constant 0 : i32
      %dma_wait3A_441 = tpu.memref_slice %arg20[%dma_wait3A_438, %dma_wait3A_439, %dma_wait3A_440] : memref<5x16x64xf32, #tpu.memory_space<vmem>> -> memref<1x16x64xf32, #tpu.memory_space<vmem>>
      %dma_wait3A_442 = tpu.memref_squeeze %dma_wait3A_441 : memref<1x16x64xf32, #tpu.memory_space<vmem>> -> memref<16x64xf32, #tpu.memory_space<vmem>>
      %dma_wait3A_443 = arith.constant 0 : i32
      %dma_wait3A_444 = arith.constant 0 : i32
      %dma_wait3A_445 = tpu.memref_slice %arg22[%dma_wait3A_443, %dma_wait3A_444] : memref<10240x64xf32, #tpu.memory_space<vmem_shared>> -> memref<16x64xf32, #tpu.memory_space<vmem_shared>>
      %dma_wait3A_446 = arith.constant 0 : i32
      %dma_wait3A_447 = arith.constant 0 : i32
      %dma_wait3A_448 = tpu.memref_slice %arg22[%dma_wait3A_446, %dma_wait3A_447] : memref<10240x64xf32, #tpu.memory_space<vmem_shared>> -> memref<16x64xf32, #tpu.memory_space<vmem_shared>>
      %dma_wait3A_449 = arith.constant 0 : i32
      %dma_wait3A_450 = arith.constant 0 : i32
      %dma_wait3A_451 = tpu.memref_slice %arg20[%dma_wait3A_438, %dma_wait3A_449, %dma_wait3A_450] : memref<5x16x64xf32, #tpu.memory_space<vmem>> -> memref<1x16x64xf32, #tpu.memory_space<vmem>>
      %dma_wait3A_452 = tpu.memref_squeeze %dma_wait3A_451 : memref<1x16x64xf32, #tpu.memory_space<vmem>> -> memref<16x64xf32, #tpu.memory_space<vmem>>
      tpu.wait_dma2 semaphore(%arg31 : memref<!tpu.dma_semaphore, #tpu.memory_space<semaphore_mem>>) src(%dma_wait3A_452 : memref<16x64xf32, #tpu.memory_space<vmem>>) dst(%dma_wait3A_448 : memref<16x64xf32, #tpu.memory_space<vmem_shared>>)
      %lt3A_453 = arith.constant 625 : i32
      %lt3A_454 = arith.cmpi slt, %add3A_437, %lt3A_453 : i32
      %convert_element_type3A_455 = arith.extui %lt3A_454 : i1 to i32
      %cond3A_456 = arith.constant 0 : i32
      %cond3A_457 = arith.cmpi ne, %convert_element_type3A_455, %cond3A_456 : i32
      scf.if %cond3A_457 {
        %mul3A_482 = arith.constant 16 : i32
        %mul3A_483 = arith.muli %add3A_437, %mul3A_482 : i32
        %get3A_484 = arith.index_cast %mul3A_483 : i32 to index
        %get3A_485 = tpu.vector_load %arg14[%get3A_484] {strides = array<i32>} : memref<10000xi32, #tpu.memory_space<vmem>>, vector<16xi32>,
        %dma_start3A_486 = arith.constant 3 : i32
        %dma_start3A_487 = arith.constant 0 : i32
        %dma_start3A_488 = arith.constant 0 : i32
        %dma_start3A_489 = tpu.memref_slice %arg20[%dma_start3A_486, %dma_start3A_487, %dma_start3A_488] : memref<5x16x64xf32, #tpu.memory_space<vmem>> -> memref<1x16x64xf32, #tpu.memory_space<vmem>>
        %dma_start3A_490 = tpu.memref_squeeze %dma_start3A_489 : memref<1x16x64xf32, #tpu.memory_space<vmem>> -> memref<16x64xf32, #tpu.memory_space<vmem>>
        %dma_start3A_491 = arith.constant 0 : i32
        %dma_start3A_492 = arith.constant 0 : i32
        %dma_start3A_493 = tpu.memref_slice %arg8[%dma_start3A_491, %dma_start3A_492] : memref<10000x64xf32, #tpu.memory_space<hbm>> -> memref<10000x64xf32, #tpu.memory_space<hbm>>
        tpu.enqueue_indirect_dma source(%dma_start3A_493 : memref<10000x64xf32, #tpu.memory_space<hbm>>) target(%dma_start3A_490 : memref<16x64xf32, #tpu.memory_space<vmem>>) offsets(%get3A_485 : vector<16xi32>) semaphore(%arg26 : memref<!tpu.dma_semaphore, #tpu.memory_space<semaphore_mem>>)
      } else {
      }
      %add3A_458 = arith.constant 5 : i32
      %add3A_459 = arith.addi %mul3A_187, %add3A_458 : i32
      %add3A_460 = arith.constant 4 : i32
      %add3A_461 = arith.addi %add3A_459, %add3A_460 : i32
      %dma_wait3A_462 = arith.constant 4 : i32
      %dma_wait3A_463 = arith.constant 0 : i32
      %dma_wait3A_464 = arith.constant 0 : i32
      %dma_wait3A_465 = tpu.memref_slice %arg20[%dma_wait3A_462, %dma_wait3A_463, %dma_wait3A_464] : memref<5x16x64xf32, #tpu.memory_space<vmem>> -> memref<1x16x64xf32, #tpu.memory_space<vmem>>
      %dma_wait3A_466 = tpu.memref_squeeze %dma_wait3A_465 : memref<1x16x64xf32, #tpu.memory_space<vmem>> -> memref<16x64xf32, #tpu.memory_space<vmem>>
      %dma_wait3A_467 = arith.constant 0 : i32
      %dma_wait3A_468 = arith.constant 0 : i32
      %dma_wait3A_469 = tpu.memref_slice %arg22[%dma_wait3A_467, %dma_wait3A_468] : memref<10240x64xf32, #tpu.memory_space<vmem_shared>> -> memref<16x64xf32, #tpu.memory_space<vmem_shared>>
      %dma_wait3A_470 = arith.constant 0 : i32
      %dma_wait3A_471 = arith.constant 0 : i32
      %dma_wait3A_472 = tpu.memref_slice %arg22[%dma_wait3A_470, %dma_wait3A_471] : memref<10240x64xf32, #tpu.memory_space<vmem_shared>> -> memref<16x64xf32, #tpu.memory_space<vmem_shared>>
      %dma_wait3A_473 = arith.constant 0 : i32
      %dma_wait3A_474 = arith.constant 0 : i32
      %dma_wait3A_475 = tpu.memref_slice %arg20[%dma_wait3A_462, %dma_wait3A_473, %dma_wait3A_474] : memref<5x16x64xf32, #tpu.memory_space<vmem>> -> memref<1x16x64xf32, #tpu.memory_space<vmem>>
      %dma_wait3A_476 = tpu.memref_squeeze %dma_wait3A_475 : memref<1x16x64xf32, #tpu.memory_space<vmem>> -> memref<16x64xf32, #tpu.memory_space<vmem>>
      tpu.wait_dma2 semaphore(%arg32 : memref<!tpu.dma_semaphore, #tpu.memory_space<semaphore_mem>>) src(%dma_wait3A_476 : memref<16x64xf32, #tpu.memory_space<vmem>>) dst(%dma_wait3A_472 : memref<16x64xf32, #tpu.memory_space<vmem_shared>>)
      %lt3A_477 = arith.constant 625 : i32
      %lt3A_478 = arith.cmpi slt, %add3A_461, %lt3A_477 : i32
      %convert_element_type3A_479 = arith.extui %lt3A_478 : i1 to i32
      %cond3A_480 = arith.constant 0 : i32
      %cond3A_481 = arith.cmpi ne, %convert_element_type3A_479, %cond3A_480 : i32
      scf.if %cond3A_481 {
        %mul3A_482 = arith.constant 16 : i32
        %mul3A_483 = arith.muli %add3A_461, %mul3A_482 : i32
        %get3A_484 = arith.index_cast %mul3A_483 : i32 to index
        %get3A_485 = tpu.vector_load %arg14[%get3A_484] {strides = array<i32>} : memref<10000xi32, #tpu.memory_space<vmem>>, vector<16xi32>,
        %dma_start3A_486 = arith.constant 4 : i32
        %dma_start3A_487 = arith.constant 0 : i32
        %dma_start3A_488 = arith.constant 0 : i32
        %dma_start3A_489 = tpu.memref_slice %arg20[%dma_start3A_486, %dma_start3A_487, %dma_start3A_488] : memref<5x16x64xf32, #tpu.memory_space<vmem>> -> memref<1x16x64xf32, #tpu.memory_space<vmem>>
        %dma_start3A_490 = tpu.memref_squeeze %dma_start3A_489 : memref<1x16x64xf32, #tpu.memory_space<vmem>> -> memref<16x64xf32, #tpu.memory_space<vmem>>
        %dma_start3A_491 = arith.constant 0 : i32
        %dma_start3A_492 = arith.constant 0 : i32
        %dma_start3A_493 = tpu.memref_slice %arg8[%dma_start3A_491, %dma_start3A_492] : memref<10000x64xf32, #tpu.memory_space<hbm>> -> memref<10000x64xf32, #tpu.memory_space<hbm>>
        tpu.enqueue_indirect_dma source(%dma_start3A_493 : memref<10000x64xf32, #tpu.memory_space<hbm>>) target(%dma_start3A_490 : memref<16x64xf32, #tpu.memory_space<vmem>>) offsets(%get3A_485 : vector<16xi32>) semaphore(%arg27 : memref<!tpu.dma_semaphore, #tpu.memory_space<semaphore_mem>>)
      } else {
      }
    }
    %scan3A_173 = arith.constant 125 : i32
    %barrier3A_174 = arith.constant 0 : index
    tpu.barrier barrier_id(%barrier3A_174)
    %lt3A_175 = arith.constant 15 : i32
    %lt3A_176 = arith.cmpi slt, %arg1, %lt3A_175 : i32
    %convert_element_type3A_177 = arith.extui %lt3A_176 : i1 to i32
    %cond3A_178 = arith.constant 0 : i32
    %cond3A_179 = arith.cmpi ne, %convert_element_type3A_177, %cond3A_178 : i32
    scf.if %cond3A_179 {
      "tpu.region"() ({
        %run_scoped3A = tpu.sem_alloc : memref<!tpu.dma_semaphore, #tpu.memory_space<semaphore_mem>>
        %dma_start3A_185 = arith.constant 0 : i32
        %dma_start3A_186 = tpu.memref_slice %arg10[%arg0, %mul3A_4, %dma_start3A_185] : memref<2x10000x64xf32, #tpu.memory_space<hbm>> -> memref<1x640x64xf32, #tpu.memory_space<hbm>>
        %dma_start3A_187 = tpu.memref_squeeze %dma_start3A_186 : memref<1x640x64xf32, #tpu.memory_space<hbm>> -> memref<640x64xf32, #tpu.memory_space<hbm>>
        %dma_start3A_188 = arith.constant 0 : i32
        %dma_start3A_189 = tpu.memref_slice %arg22[%mul3A_4, %dma_start3A_188] : memref<10240x64xf32, #tpu.memory_space<vmem_shared>> -> memref<640x64xf32, #tpu.memory_space<vmem_shared>>
        tpu.enqueue_dma source(%dma_start3A_189 : memref<640x64xf32, #tpu.memory_space<vmem_shared>>) target(%dma_start3A_187 : memref<640x64xf32, #tpu.memory_space<hbm>>) target_semaphore(%run_scoped3A : memref<!tpu.dma_semaphore, #tpu.memory_space<semaphore_mem>>)
        %dma_wait3A = arith.constant 0 : i32
        %dma_wait3A_190 = tpu.memref_slice %arg10[%arg0, %mul3A_4, %dma_wait3A] : memref<2x10000x64xf32, #tpu.memory_space<hbm>> -> memref<1x640x64xf32, #tpu.memory_space<hbm>>
        %dma_wait3A_191 = tpu.memref_squeeze %dma_wait3A_190 : memref<1x640x64xf32, #tpu.memory_space<hbm>> -> memref<640x64xf32, #tpu.memory_space<hbm>>
        %dma_wait3A_192 = arith.constant 0 : i32
        %dma_wait3A_193 = tpu.memref_slice %arg22[%mul3A_4, %dma_wait3A_192] : memref<10240x64xf32, #tpu.memory_space<vmem_shared>> -> memref<640x64xf32, #tpu.memory_space<vmem_shared>>
        tpu.wait_dma2 semaphore(%run_scoped3A : memref<!tpu.dma_semaphore, #tpu.memory_space<semaphore_mem>>) src(%dma_wait3A_193 : memref<640x64xf32, #tpu.memory_space<vmem_shared>>) dst(%dma_wait3A_191 : memref<640x64xf32, #tpu.memory_space<hbm>>)
        tpu.yield
      }) : () -> ()
    } else {
    }
    %eq3A_180 = arith.constant 15 : i32
    %eq3A_181 = arith.cmpi eq, %arg1, %eq3A_180 : i32
    %convert_element_type3A_182 = arith.extui %eq3A_181 : i1 to i32
    %cond3A_183 = arith.constant 0 : i32
    %cond3A_184 = arith.cmpi ne, %convert_element_type3A_182, %cond3A_183 : i32
    scf.if %cond3A_184 {
      "tpu.region"() ({
        %run_scoped3A = tpu.sem_alloc : memref<!tpu.dma_semaphore, #tpu.memory_space<semaphore_mem>>
        %dma_start3A_185 = arith.constant 9600 : i32
        %dma_start3A_186 = arith.constant 0 : i32
        %dma_start3A_187 = tpu.memref_slice %arg10[%arg0, %dma_start3A_185, %dma_start3A_186] : memref<2x10000x64xf32, #tpu.memory_space<hbm>> -> memref<1x400x64xf32, #tpu.memory_space<hbm>>
        %dma_start3A_188 = tpu.memref_squeeze %dma_start3A_187 : memref<1x400x64xf32, #tpu.memory_space<hbm>> -> memref<400x64xf32, #tpu.memory_space<hbm>>
        %dma_start3A_189 = arith.constant 9600 : i32
        %dma_start3A_190 = arith.constant 0 : i32
        %dma_start3A_191 = tpu.memref_slice %arg22[%dma_start3A_189, %dma_start3A_190] : memref<10240x64xf32, #tpu.memory_space<vmem_shared>> -> memref<400x64xf32, #tpu.memory_space<vmem_shared>>
        tpu.enqueue_dma source(%dma_start3A_191 : memref<400x64xf32, #tpu.memory_space<vmem_shared>>) target(%dma_start3A_188 : memref<400x64xf32, #tpu.memory_space<hbm>>) target_semaphore(%run_scoped3A : memref<!tpu.dma_semaphore, #tpu.memory_space<semaphore_mem>>)
        %dma_wait3A = arith.constant 9600 : i32
        %dma_wait3A_192 = arith.constant 0 : i32
        %dma_wait3A_193 = tpu.memref_slice %arg10[%arg0, %dma_wait3A, %dma_wait3A_192] : memref<2x10000x64xf32, #tpu.memory_space<hbm>> -> memref<1x400x64xf32, #tpu.memory_space<hbm>>
        %dma_wait3A_194 = tpu.memref_squeeze %dma_wait3A_193 : memref<1x400x64xf32, #tpu.memory_space<hbm>> -> memref<400x64xf32, #tpu.memory_space<hbm>>
        %dma_wait3A_195 = arith.constant 9600 : i32
        %dma_wait3A_196 = arith.constant 0 : i32
        %dma_wait3A_197 = tpu.memref_slice %arg22[%dma_wait3A_195, %dma_wait3A_196] : memref<10240x64xf32, #tpu.memory_space<vmem_shared>> -> memref<400x64xf32, #tpu.memory_space<vmem_shared>>
        tpu.wait_dma2 semaphore(%run_scoped3A : memref<!tpu.dma_semaphore, #tpu.memory_space<semaphore_mem>>) src(%dma_wait3A_197 : memref<400x64xf32, #tpu.memory_space<vmem_shared>>) dst(%dma_wait3A_194 : memref<400x64xf32, #tpu.memory_space<hbm>>)
        tpu.yield
      }) : () -> ()
    } else {
    }
    return
  }
}

#map = affine_map<(d0, d1) -> (0)>
#map1 = affine_map<(d0, d1) -> (0, 0)>
#map2 = affine_map<(d0, d1) -> (0, 0, 0)>
module attributes {stable_mosaic.version = 14 : i64} {
  func.func @_sc_gat_body(%arg0: i32, %arg1: i32, %arg2: memref<320000xi32, #tpu.memory_space<hbm>>, %arg3: memref<320000xi32, #tpu.memory_space<hbm>>, %arg4: memref<320000xf32, #tpu.memory_space<hbm>>, %arg5: memref<10000xf32, #tpu.memory_space<hbm>>, %arg6: memref<10000xf32, #tpu.memory_space<hbm>>, %arg7: memref<10000x64xf32, #tpu.memory_space<hbm>>, %arg8: memref<10000x64xf32, #tpu.memory_space<hbm>>, %arg9: memref<2x10000x64xf32, #tpu.memory_space<hbm>>, %arg10: memref<2x10000x64xf32, #tpu.memory_space<hbm>>, %arg11: memref<2x640x16xf32, #tpu.memory_space<hbm>>, %arg12: memref<10000xf32, #tpu.memory_space<vmem>>, %arg13: memref<10000xf32, #tpu.memory_space<vmem>>, %arg14: memref<10000xi32, #tpu.memory_space<vmem>>, %arg15: memref<10000xi32, #tpu.memory_space<vmem>>, %arg16: memref<10000xf32, #tpu.memory_space<vmem>>, %arg17: memref<10000xf32, #tpu.memory_space<vmem>>, %arg18: memref<640x16xf32, #tpu.memory_space<vmem>>, %arg19: memref<128x64xf32, #tpu.memory_space<vmem>>, %arg20: memref<5x16x64xf32, #tpu.memory_space<vmem>>, %arg21: memref<640x16xf32, #tpu.memory_space<vmem_shared>>, %arg22: memref<10240x64xf32, #tpu.memory_space<vmem_shared>>, %arg23: memref<!tpu.dma_semaphore, #tpu.memory_space<semaphore_mem>>, %arg24: memref<!tpu.dma_semaphore, #tpu.memory_space<semaphore_mem>>, %arg25: memref<!tpu.dma_semaphore, #tpu.memory_space<semaphore_mem>>, %arg26: memref<!tpu.dma_semaphore, #tpu.memory_space<semaphore_mem>>, %arg27: memref<!tpu.dma_semaphore, #tpu.memory_space<semaphore_mem>>, %arg28: memref<!tpu.dma_semaphore, #tpu.memory_space<semaphore_mem>>, %arg29: memref<!tpu.dma_semaphore, #tpu.memory_space<semaphore_mem>>, %arg30: memref<!tpu.dma_semaphore, #tpu.memory_space<semaphore_mem>>, %arg31: memref<!tpu.dma_semaphore, #tpu.memory_space<semaphore_mem>>, %arg32: memref<!tpu.dma_semaphore, #tpu.memory_space<semaphore_mem>>) attributes {dimension_semantics = [#tpu.dimension_semantics<core_parallel>, #tpu.dimension_semantics<subcore_parallel>], iteration_bounds = array<i64: 2, 16>, scalar_prefetch = 0 : i64, scratch_operands = 21 : i64, tpu.core_type = #tpu.core_type<sc_vector_subcore>, window_params = [{transform_indices = #map}, {transform_indices = #map}, {transform_indices = #map}, {transform_indices = #map}, {transform_indices = #map}, {transform_indices = #map1}, {transform_indices = #map1}, {transform_indices = #map2}, {transform_indices = #map2}, {transform_indices = #map2}]} {
    %mul3A = arith.constant 16 : i32
    %mul3A_0 = arith.muli %arg0, %mul3A : i32
    %add3A = arith.addi %mul3A_0, %arg1 : i32
    %mul3A_1 = arith.constant 10000 : i32
    %mul3A_2 = arith.muli %add3A, %mul3A_1 : i32
    %mul3A_3 = arith.constant 640 : i32
    %mul3A_4 = arith.muli %arg1, %mul3A_3 : i32
    %broadcast_in_dim3A = arith.constant 0.000000e+00 : f32
    %broadcast_in_dim3A_5 = vector.broadcast %broadcast_in_dim3A : f32 to vector<16xf32>
    %iota3A = tpu.iota {dimensions = array<i32: 0>} : vector<16xi32>
    "tpu.region"() ({
      %run_scoped3A = tpu.sem_alloc : memref<!tpu.dma_semaphore, #tpu.memory_space<semaphore_mem>>
      tpu.enqueue_dma source(%arg5 : memref<10000xf32, #tpu.memory_space<hbm>>) target(%arg12 : memref<10000xf32, #tpu.memory_space<vmem>>) target_semaphore(%run_scoped3A : memref<!tpu.dma_semaphore, #tpu.memory_space<semaphore_mem>>)
      tpu.wait_dma2 semaphore(%run_scoped3A : memref<!tpu.dma_semaphore, #tpu.memory_space<semaphore_mem>>) src(%arg5 : memref<10000xf32, #tpu.memory_space<hbm>>) dst(%arg12 : memref<10000xf32, #tpu.memory_space<vmem>>)
      tpu.yield
    }) : () -> ()
    "tpu.region"() ({
      %run_scoped3A = tpu.sem_alloc : memref<!tpu.dma_semaphore, #tpu.memory_space<semaphore_mem>>
      tpu.enqueue_dma source(%arg6 : memref<10000xf32, #tpu.memory_space<hbm>>) target(%arg13 : memref<10000xf32, #tpu.memory_space<vmem>>) target_semaphore(%run_scoped3A : memref<!tpu.dma_semaphore, #tpu.memory_space<semaphore_mem>>)
      tpu.wait_dma2 semaphore(%run_scoped3A : memref<!tpu.dma_semaphore, #tpu.memory_space<semaphore_mem>>) src(%arg6 : memref<10000xf32, #tpu.memory_space<hbm>>) dst(%arg13 : memref<10000xf32, #tpu.memory_space<vmem>>)
      tpu.yield
    }) : () -> ()
    %scan3A = arith.constant 0 : i32
    %scan3A_6 = arith.constant 0 : i32
    %scan3A_7 = arith.constant 640 : i32
    %scan3A_8 = arith.addi %scan3A_6, %scan3A_7 : i32
    %scan3A_9 = arith.constant 1 : i32
    scf.for %scan3A_185 = %scan3A_6 to %scan3A_8 step %scan3A_9  : i32 {
      %swap3A = arith.index_cast %scan3A_185 : i32 to index
      %swap3A_186 = arith.constant 0 : index
      %swap3A_187 = tpu.vector_load %arg18[%swap3A, %swap3A_186] {strides = array<i32>} : memref<640x16xf32, #tpu.memory_space<vmem>>, vector<16xf32>,
      tpu.vector_store %arg18[%swap3A, %swap3A_186], %broadcast_in_dim3A_5 {strides = array<i32>} : memref<640x16xf32, #tpu.memory_space<vmem>>, vector<16xf32>,
    }
    %scan3A_10 = arith.constant 640 : i32
    %scan3A_11 = arith.constant 0 : i32
    %scan3A_12 = arith.constant 0 : i32
    %scan3A_13 = arith.constant 128 : i32
    %scan3A_14 = arith.addi %scan3A_12, %scan3A_13 : i32
    %scan3A_15 = arith.constant 1 : i32
    scf.for %scan3A_185 = %scan3A_12 to %scan3A_14 step %scan3A_15  : i32 {
      %swap3A = arith.index_cast %scan3A_185 : i32 to index
      %swap3A_186 = arith.constant 0 : index
      %swap3A_187 = tpu.vector_load %arg19[%swap3A, %swap3A_186] {strides = array<i32>} : memref<128x64xf32, #tpu.memory_space<vmem>>, vector<16xf32>,
      tpu.vector_store %arg19[%swap3A, %swap3A_186], %broadcast_in_dim3A_5 {strides = array<i32>} : memref<128x64xf32, #tpu.memory_space<vmem>>, vector<16xf32>,
      %swap3A_188 = arith.index_cast %scan3A_185 : i32 to index
      %swap3A_189 = arith.constant 16 : index
      %swap3A_190 = tpu.vector_load %arg19[%swap3A_188, %swap3A_189] {strides = array<i32>} : memref<128x64xf32, #tpu.memory_space<vmem>>, vector<16xf32>,
      tpu.vector_store %arg19[%swap3A_188, %swap3A_189], %broadcast_in_dim3A_5 {strides = array<i32>} : memref<128x64xf32, #tpu.memory_space<vmem>>, vector<16xf32>,
      %swap3A_191 = arith.index_cast %scan3A_185 : i32 to index
      %swap3A_192 = arith.constant 32 : index
      %swap3A_193 = tpu.vector_load %arg19[%swap3A_191, %swap3A_192] {strides = array<i32>} : memref<128x64xf32, #tpu.memory_space<vmem>>, vector<16xf32>,
      tpu.vector_store %arg19[%swap3A_191, %swap3A_192], %broadcast_in_dim3A_5 {strides = array<i32>} : memref<128x64xf32, #tpu.memory_space<vmem>>, vector<16xf32>,
      %swap3A_194 = arith.index_cast %scan3A_185 : i32 to index
      %swap3A_195 = arith.constant 48 : index
      %swap3A_196 = tpu.vector_load %arg19[%swap3A_194, %swap3A_195] {strides = array<i32>} : memref<128x64xf32, #tpu.memory_space<vmem>>, vector<16xf32>,
      tpu.vector_store %arg19[%swap3A_194, %swap3A_195], %broadcast_in_dim3A_5 {strides = array<i32>} : memref<128x64xf32, #tpu.memory_space<vmem>>, vector<16xf32>,
    }
    %scan3A_16 = arith.constant 128 : i32
    %add3A_17 = arith.constant 0 : i32
    %add3A_18 = arith.addi %mul3A_4, %add3A_17 : i32
    "tpu.region"() ({
      %run_scoped3A = tpu.sem_alloc : memref<!tpu.dma_semaphore, #tpu.memory_space<semaphore_mem>>
      %dma_start3A_185 = arith.constant 0 : i32
      %dma_start3A_186 = tpu.memref_slice %arg22[%add3A_18, %dma_start3A_185] : memref<10240x64xf32, #tpu.memory_space<vmem_shared>> -> memref<128x64xf32, #tpu.memory_space<vmem_shared>>
      %dma_start3A_187 = arith.constant 0 : i32
      %dma_start3A_188 = tpu.memref_slice %arg22[%add3A_18, %dma_start3A_187] : memref<10240x64xf32, #tpu.memory_space<vmem_shared>> -> memref<128x64xf32, #tpu.memory_space<vmem_shared>>
      tpu.enqueue_dma source(%arg19 : memref<128x64xf32, #tpu.memory_space<vmem>>) target(%dma_start3A_188 : memref<128x64xf32, #tpu.memory_space<vmem_shared>>) target_semaphore(%run_scoped3A : memref<!tpu.dma_semaphore, #tpu.memory_space<semaphore_mem>>)
      %dma_wait3A = arith.constant 0 : i32
      %dma_wait3A_189 = tpu.memref_slice %arg22[%add3A_18, %dma_wait3A] : memref<10240x64xf32, #tpu.memory_space<vmem_shared>> -> memref<128x64xf32, #tpu.memory_space<vmem_shared>>
      %dma_wait3A_190 = arith.constant 0 : i32
      %dma_wait3A_191 = tpu.memref_slice %arg22[%add3A_18, %dma_wait3A_190] : memref<10240x64xf32, #tpu.memory_space<vmem_shared>> -> memref<128x64xf32, #tpu.memory_space<vmem_shared>>
      tpu.wait_dma2 semaphore(%run_scoped3A : memref<!tpu.dma_semaphore, #tpu.memory_space<semaphore_mem>>) src(%arg19 : memref<128x64xf32, #tpu.memory_space<vmem>>) dst(%dma_wait3A_191 : memref<128x64xf32, #tpu.memory_space<vmem_shared>>)
      tpu.yield
    }) : () -> ()
    %add3A_19 = arith.constant 128 : i32
    %add3A_20 = arith.addi %mul3A_4, %add3A_19 : i32
    "tpu.region"() ({
      %run_scoped3A = tpu.sem_alloc : memref<!tpu.dma_semaphore, #tpu.memory_space<semaphore_mem>>
      %dma_start3A_185 = arith.constant 0 : i32
      %dma_start3A_186 = tpu.memref_slice %arg22[%add3A_20, %dma_start3A_185] : memref<10240x64xf32, #tpu.memory_space<vmem_shared>> -> memref<128x64xf32, #tpu.memory_space<vmem_shared>>
      %dma_start3A_187 = arith.constant 0 : i32
      %dma_start3A_188 = tpu.memref_slice %arg22[%add3A_20, %dma_start3A_187] : memref<10240x64xf32, #tpu.memory_space<vmem_shared>> -> memref<128x64xf32, #tpu.memory_space<vmem_shared>>
      tpu.enqueue_dma source(%arg19 : memref<128x64xf32, #tpu.memory_space<vmem>>) target(%dma_start3A_188 : memref<128x64xf32, #tpu.memory_space<vmem_shared>>) target_semaphore(%run_scoped3A : memref<!tpu.dma_semaphore, #tpu.memory_space<semaphore_mem>>)
      %dma_wait3A = arith.constant 0 : i32
      %dma_wait3A_189 = tpu.memref_slice %arg22[%add3A_20, %dma_wait3A] : memref<10240x64xf32, #tpu.memory_space<vmem_shared>> -> memref<128x64xf32, #tpu.memory_space<vmem_shared>>
      %dma_wait3A_190 = arith.constant 0 : i32
      %dma_wait3A_191 = tpu.memref_slice %arg22[%add3A_20, %dma_wait3A_190] : memref<10240x64xf32, #tpu.memory_space<vmem_shared>> -> memref<128x64xf32, #tpu.memory_space<vmem_shared>>
      tpu.wait_dma2 semaphore(%run_scoped3A : memref<!tpu.dma_semaphore, #tpu.memory_space<semaphore_mem>>) src(%arg19 : memref<128x64xf32, #tpu.memory_space<vmem>>) dst(%dma_wait3A_191 : memref<128x64xf32, #tpu.memory_space<vmem_shared>>)
      tpu.yield
    }) : () -> ()
    %add3A_21 = arith.constant 256 : i32
    %add3A_22 = arith.addi %mul3A_4, %add3A_21 : i32
    "tpu.region"() ({
      %run_scoped3A = tpu.sem_alloc : memref<!tpu.dma_semaphore, #tpu.memory_space<semaphore_mem>>
      %dma_start3A_185 = arith.constant 0 : i32
      %dma_start3A_186 = tpu.memref_slice %arg22[%add3A_22, %dma_start3A_185] : memref<10240x64xf32, #tpu.memory_space<vmem_shared>> -> memref<128x64xf32, #tpu.memory_space<vmem_shared>>
      %dma_start3A_187 = arith.constant 0 : i32
      %dma_start3A_188 = tpu.memref_slice %arg22[%add3A_22, %dma_start3A_187] : memref<10240x64xf32, #tpu.memory_space<vmem_shared>> -> memref<128x64xf32, #tpu.memory_space<vmem_shared>>
      tpu.enqueue_dma source(%arg19 : memref<128x64xf32, #tpu.memory_space<vmem>>) target(%dma_start3A_188 : memref<128x64xf32, #tpu.memory_space<vmem_shared>>) target_semaphore(%run_scoped3A : memref<!tpu.dma_semaphore, #tpu.memory_space<semaphore_mem>>)
      %dma_wait3A = arith.constant 0 : i32
      %dma_wait3A_189 = tpu.memref_slice %arg22[%add3A_22, %dma_wait3A] : memref<10240x64xf32, #tpu.memory_space<vmem_shared>> -> memref<128x64xf32, #tpu.memory_space<vmem_shared>>
      %dma_wait3A_190 = arith.constant 0 : i32
      %dma_wait3A_191 = tpu.memref_slice %arg22[%add3A_22, %dma_wait3A_190] : memref<10240x64xf32, #tpu.memory_space<vmem_shared>> -> memref<128x64xf32, #tpu.memory_space<vmem_shared>>
      tpu.wait_dma2 semaphore(%run_scoped3A : memref<!tpu.dma_semaphore, #tpu.memory_space<semaphore_mem>>) src(%arg19 : memref<128x64xf32, #tpu.memory_space<vmem>>) dst(%dma_wait3A_191 : memref<128x64xf32, #tpu.memory_space<vmem_shared>>)
      tpu.yield
    }) : () -> ()
    %add3A_23 = arith.constant 384 : i32
    %add3A_24 = arith.addi %mul3A_4, %add3A_23 : i32
    "tpu.region"() ({
      %run_scoped3A = tpu.sem_alloc : memref<!tpu.dma_semaphore, #tpu.memory_space<semaphore_mem>>
      %dma_start3A_185 = arith.constant 0 : i32
      %dma_start3A_186 = tpu.memref_slice %arg22[%add3A_24, %dma_start3A_185] : memref<10240x64xf32, #tpu.memory_space<vmem_shared>> -> memref<128x64xf32, #tpu.memory_space<vmem_shared>>
      %dma_start3A_187 = arith.constant 0 : i32
      %dma_start3A_188 = tpu.memref_slice %arg22[%add3A_24, %dma_start3A_187] : memref<10240x64xf32, #tpu.memory_space<vmem_shared>> -> memref<128x64xf32, #tpu.memory_space<vmem_shared>>
      tpu.enqueue_dma source(%arg19 : memref<128x64xf32, #tpu.memory_space<vmem>>) target(%dma_start3A_188 : memref<128x64xf32, #tpu.memory_space<vmem_shared>>) target_semaphore(%run_scoped3A : memref<!tpu.dma_semaphore, #tpu.memory_space<semaphore_mem>>)
      %dma_wait3A = arith.constant 0 : i32
      %dma_wait3A_189 = tpu.memref_slice %arg22[%add3A_24, %dma_wait3A] : memref<10240x64xf32, #tpu.memory_space<vmem_shared>> -> memref<128x64xf32, #tpu.memory_space<vmem_shared>>
      %dma_wait3A_190 = arith.constant 0 : i32
      %dma_wait3A_191 = tpu.memref_slice %arg22[%add3A_24, %dma_wait3A_190] : memref<10240x64xf32, #tpu.memory_space<vmem_shared>> -> memref<128x64xf32, #tpu.memory_space<vmem_shared>>
      tpu.wait_dma2 semaphore(%run_scoped3A : memref<!tpu.dma_semaphore, #tpu.memory_space<semaphore_mem>>) src(%arg19 : memref<128x64xf32, #tpu.memory_space<vmem>>) dst(%dma_wait3A_191 : memref<128x64xf32, #tpu.memory_space<vmem_shared>>)
      tpu.yield
    }) : () -> ()
    %add3A_25 = arith.constant 512 : i32
    %add3A_26 = arith.addi %mul3A_4, %add3A_25 : i32
    "tpu.region"() ({
      %run_scoped3A = tpu.sem_alloc : memref<!tpu.dma_semaphore, #tpu.memory_space<semaphore_mem>>
      %dma_start3A_185 = arith.constant 0 : i32
      %dma_start3A_186 = tpu.memref_slice %arg22[%add3A_26, %dma_start3A_185] : memref<10240x64xf32, #tpu.memory_space<vmem_shared>> -> memref<128x64xf32, #tpu.memory_space<vmem_shared>>
      %dma_start3A_187 = arith.constant 0 : i32
      %dma_start3A_188 = tpu.memref_slice %arg22[%add3A_26, %dma_start3A_187] : memref<10240x64xf32, #tpu.memory_space<vmem_shared>> -> memref<128x64xf32, #tpu.memory_space<vmem_shared>>
      tpu.enqueue_dma source(%arg19 : memref<128x64xf32, #tpu.memory_space<vmem>>) target(%dma_start3A_188 : memref<128x64xf32, #tpu.memory_space<vmem_shared>>) target_semaphore(%run_scoped3A : memref<!tpu.dma_semaphore, #tpu.memory_space<semaphore_mem>>)
      %dma_wait3A = arith.constant 0 : i32
      %dma_wait3A_189 = tpu.memref_slice %arg22[%add3A_26, %dma_wait3A] : memref<10240x64xf32, #tpu.memory_space<vmem_shared>> -> memref<128x64xf32, #tpu.memory_space<vmem_shared>>
      %dma_wait3A_190 = arith.constant 0 : i32
      %dma_wait3A_191 = tpu.memref_slice %arg22[%add3A_26, %dma_wait3A_190] : memref<10240x64xf32, #tpu.memory_space<vmem_shared>> -> memref<128x64xf32, #tpu.memory_space<vmem_shared>>
      tpu.wait_dma2 semaphore(%run_scoped3A : memref<!tpu.dma_semaphore, #tpu.memory_space<semaphore_mem>>) src(%arg19 : memref<128x64xf32, #tpu.memory_space<vmem>>) dst(%dma_wait3A_191 : memref<128x64xf32, #tpu.memory_space<vmem_shared>>)
      tpu.yield
    }) : () -> ()
    %mul3A_27 = arith.constant 40 : i32
    %mul3A_28 = arith.muli %arg1, %mul3A_27 : i32
    "tpu.region"() ({
      %run_scoped3A = tpu.sem_alloc : memref<!tpu.dma_semaphore, #tpu.memory_space<semaphore_mem>>
      %dma_start3A_185 = arith.constant 0 : i32
      %dma_start3A_186 = arith.constant 0 : i32
      %dma_start3A_187 = tpu.memref_slice %arg19[%dma_start3A_185, %dma_start3A_186] : memref<128x64xf32, #tpu.memory_space<vmem>> -> memref<40x16xf32, #tpu.memory_space<vmem>>
      %dma_start3A_188 = arith.constant 0 : i32
      %dma_start3A_189 = tpu.memref_slice %arg21[%mul3A_28, %dma_start3A_188] : memref<640x16xf32, #tpu.memory_space<vmem_shared>> -> memref<40x16xf32, #tpu.memory_space<vmem_shared>>
      %dma_start3A_190 = arith.constant 0 : i32
      %dma_start3A_191 = tpu.memref_slice %arg21[%mul3A_28, %dma_start3A_190] : memref<640x16xf32, #tpu.memory_space<vmem_shared>> -> memref<40x16xf32, #tpu.memory_space<vmem_shared>>
      %dma_start3A_192 = arith.constant 0 : i32
      %dma_start3A_193 = arith.constant 0 : i32
      %dma_start3A_194 = tpu.memref_slice %arg19[%dma_start3A_192, %dma_start3A_193] : memref<128x64xf32, #tpu.memory_space<vmem>> -> memref<40x16xf32, #tpu.memory_space<vmem>>
      tpu.enqueue_dma source(%dma_start3A_194 : memref<40x16xf32, #tpu.memory_space<vmem>>) target(%dma_start3A_191 : memref<40x16xf32, #tpu.memory_space<vmem_shared>>) target_semaphore(%run_scoped3A : memref<!tpu.dma_semaphore, #tpu.memory_space<semaphore_mem>>)
      %dma_wait3A = arith.constant 0 : i32
      %dma_wait3A_195 = arith.constant 0 : i32
      %dma_wait3A_196 = tpu.memref_slice %arg19[%dma_wait3A, %dma_wait3A_195] : memref<128x64xf32, #tpu.memory_space<vmem>> -> memref<40x16xf32, #tpu.memory_space<vmem>>
      %dma_wait3A_197 = arith.constant 0 : i32
      %dma_wait3A_198 = tpu.memref_slice %arg21[%mul3A_28, %dma_wait3A_197] : memref<640x16xf32, #tpu.memory_space<vmem_shared>> -> memref<40x16xf32, #tpu.memory_space<vmem_shared>>
      %dma_wait3A_199 = arith.constant 0 : i32
      %dma_wait3A_200 = tpu.memref_slice %arg21[%mul3A_28, %dma_wait3A_199] : memref<640x16xf32, #tpu.memory_space<vmem_shared>> -> memref<40x16xf32, #tpu.memory_space<vmem_shared>>
      %dma_wait3A_201 = arith.constant 0 : i32
      %dma_wait3A_202 = arith.constant 0 : i32
      %dma_wait3A_203 = tpu.memref_slice %arg19[%dma_wait3A_201, %dma_wait3A_202] : memref<128x64xf32, #tpu.memory_space<vmem>> -> memref<40x16xf32, #tpu.memory_space<vmem>>
      tpu.wait_dma2 semaphore(%run_scoped3A : memref<!tpu.dma_semaphore, #tpu.memory_space<semaphore_mem>>) src(%dma_wait3A_203 : memref<40x16xf32, #tpu.memory_space<vmem>>) dst(%dma_wait3A_200 : memref<40x16xf32, #tpu.memory_space<vmem_shared>>)
      tpu.yield
    }) : () -> ()
    "tpu.region"() ({
      %run_scoped3A = tpu.sem_alloc : memref<!tpu.dma_semaphore, #tpu.memory_space<semaphore_mem>>
      %dma_start3A_185 = tpu.memref_slice %arg2[%mul3A_2] : memref<320000xi32, #tpu.memory_space<hbm>> -> memref<10000xi32, #tpu.memory_space<hbm>>
      %dma_start3A_186 = tpu.memref_slice %arg2[%mul3A_2] : memref<320000xi32, #tpu.memory_space<hbm>> -> memref<10000xi32, #tpu.memory_space<hbm>>
      tpu.enqueue_dma source(%dma_start3A_186 : memref<10000xi32, #tpu.memory_space<hbm>>) target(%arg14 : memref<10000xi32, #tpu.memory_space<vmem>>) target_semaphore(%run_scoped3A : memref<!tpu.dma_semaphore, #tpu.memory_space<semaphore_mem>>)
      %dma_wait3A = tpu.memref_slice %arg2[%mul3A_2] : memref<320000xi32, #tpu.memory_space<hbm>> -> memref<10000xi32, #tpu.memory_space<hbm>>
      %dma_wait3A_187 = tpu.memref_slice %arg2[%mul3A_2] : memref<320000xi32, #tpu.memory_space<hbm>> -> memref<10000xi32, #tpu.memory_space<hbm>>
      tpu.wait_dma2 semaphore(%run_scoped3A : memref<!tpu.dma_semaphore, #tpu.memory_space<semaphore_mem>>) src(%dma_wait3A_187 : memref<10000xi32, #tpu.memory_space<hbm>>) dst(%arg14 : memref<10000xi32, #tpu.memory_space<vmem>>)
      tpu.yield
    }) : () -> ()
    "tpu.region"() ({
      %run_scoped3A = tpu.sem_alloc : memref<!tpu.dma_semaphore, #tpu.memory_space<semaphore_mem>>
      %dma_start3A_185 = tpu.memref_slice %arg3[%mul3A_2] : memref<320000xi32, #tpu.memory_space<hbm>> -> memref<10000xi32, #tpu.memory_space<hbm>>
      %dma_start3A_186 = tpu.memref_slice %arg3[%mul3A_2] : memref<320000xi32, #tpu.memory_space<hbm>> -> memref<10000xi32, #tpu.memory_space<hbm>>
      tpu.enqueue_dma source(%dma_start3A_186 : memref<10000xi32, #tpu.memory_space<hbm>>) target(%arg15 : memref<10000xi32, #tpu.memory_space<vmem>>) target_semaphore(%run_scoped3A : memref<!tpu.dma_semaphore, #tpu.memory_space<semaphore_mem>>)
      %dma_wait3A = tpu.memref_slice %arg3[%mul3A_2] : memref<320000xi32, #tpu.memory_space<hbm>> -> memref<10000xi32, #tpu.memory_space<hbm>>
      %dma_wait3A_187 = tpu.memref_slice %arg3[%mul3A_2] : memref<320000xi32, #tpu.memory_space<hbm>> -> memref<10000xi32, #tpu.memory_space<hbm>>
      tpu.wait_dma2 semaphore(%run_scoped3A : memref<!tpu.dma_semaphore, #tpu.memory_space<semaphore_mem>>) src(%dma_wait3A_187 : memref<10000xi32, #tpu.memory_space<hbm>>) dst(%arg15 : memref<10000xi32, #tpu.memory_space<vmem>>)
      tpu.yield
    }) : () -> ()
    "tpu.region"() ({
      %run_scoped3A = tpu.sem_alloc : memref<!tpu.dma_semaphore, #tpu.memory_space<semaphore_mem>>
      %dma_start3A_185 = tpu.memref_slice %arg4[%mul3A_2] : memref<320000xf32, #tpu.memory_space<hbm>> -> memref<10000xf32, #tpu.memory_space<hbm>>
      %dma_start3A_186 = tpu.memref_slice %arg4[%mul3A_2] : memref<320000xf32, #tpu.memory_space<hbm>> -> memref<10000xf32, #tpu.memory_space<hbm>>
      tpu.enqueue_dma source(%dma_start3A_186 : memref<10000xf32, #tpu.memory_space<hbm>>) target(%arg16 : memref<10000xf32, #tpu.memory_space<vmem>>) target_semaphore(%run_scoped3A : memref<!tpu.dma_semaphore, #tpu.memory_space<semaphore_mem>>)
      %dma_wait3A = tpu.memref_slice %arg4[%mul3A_2] : memref<320000xf32, #tpu.memory_space<hbm>> -> memref<10000xf32, #tpu.memory_space<hbm>>
      %dma_wait3A_187 = tpu.memref_slice %arg4[%mul3A_2] : memref<320000xf32, #tpu.memory_space<hbm>> -> memref<10000xf32, #tpu.memory_space<hbm>>
      tpu.wait_dma2 semaphore(%run_scoped3A : memref<!tpu.dma_semaphore, #tpu.memory_space<semaphore_mem>>) src(%dma_wait3A_187 : memref<10000xf32, #tpu.memory_space<hbm>>) dst(%arg16 : memref<10000xf32, #tpu.memory_space<vmem>>)
      tpu.yield
    }) : () -> ()
    %scan3A_29 = arith.constant 0 : i32
    %scan3A_30 = arith.constant 0 : i32
    %scan3A_31 = arith.constant 625 : i32
    %scan3A_32 = arith.addi %scan3A_30, %scan3A_31 : i32
    %scan3A_33 = arith.constant 1 : i32
    scf.for %scan3A_185 = %scan3A_30 to %scan3A_32 step %scan3A_33  : i32 {
      %mul3A_186 = arith.constant 16 : i32
      %mul3A_187 = arith.muli %scan3A_185, %mul3A_186 : i32
      %get3A_188 = arith.index_cast %mul3A_187 : i32 to index
      %get3A_189 = tpu.vector_load %arg14[%get3A_188] {strides = array<i32>} : memref<10000xi32, #tpu.memory_space<vmem>>, vector<16xi32>,
      %get3A_190 = arith.index_cast %mul3A_187 : i32 to index
      %get3A_191 = tpu.vector_load %arg15[%get3A_190] {strides = array<i32>} : memref<10000xi32, #tpu.memory_space<vmem>>, vector<16xi32>,
      %gather3A = tpu.vector_load_idx %arg12[%get3A_189] : memref<10000xf32, #tpu.memory_space<vmem>>[vector<16xi32>], vector<16xf32>,
      %gather3A_192 = tpu.vector_load_idx %arg13[%get3A_191] : memref<10000xf32, #tpu.memory_space<vmem>>[vector<16xi32>], vector<16xf32>,
      %add3A_193 = arith.addf %gather3A, %gather3A_192 : vector<16xf32>
      %get3A_194 = arith.index_cast %mul3A_187 : i32 to index
      %get3A_195 = tpu.vector_load %arg16[%get3A_194] {strides = array<i32>} : memref<10000xf32, #tpu.memory_space<vmem>>, vector<16xf32>,
      %add3A_196 = arith.addf %add3A_193, %get3A_195 : vector<16xf32>
      %mul3A_197 = arith.constant 2.000000e-01 : f32
      %mul3A_198 = vector.broadcast %mul3A_197 : f32 to vector<16xf32>
      %mul3A_199 = arith.mulf %add3A_196, %mul3A_198 : vector<16xf32>
      %max3A = arith.maximumf %add3A_196, %mul3A_199 : vector<16xf32>
      %exp3A = math.exp %max3A : vector<16xf32>
      %swap3A = arith.index_cast %mul3A_187 : i32 to index
      %swap3A_200 = tpu.vector_load %arg17[%swap3A] {strides = array<i32>} : memref<10000xf32, #tpu.memory_space<vmem>>, vector<16xf32>,
      tpu.vector_store %arg17[%swap3A], %exp3A {strides = array<i32>} : memref<10000xf32, #tpu.memory_space<vmem>>, vector<16xf32>,
      %shift_right_logical3A = arith.constant 4 : i32
      %shift_right_logical3A_201 = vector.broadcast %shift_right_logical3A : i32 to vector<16xi32>
      %shift_right_logical3A_202 = arith.shrui %get3A_191, %shift_right_logical3A_201 : vector<16xi32>
      %and3A = arith.constant 15 : i32
      %and3A_203 = vector.broadcast %and3A : i32 to vector<16xi32>
      %and3A_204 = arith.andi %get3A_191, %and3A_203 : vector<16xi32>
      tpu.vector_store_idx %arg18[%shift_right_logical3A_202, %and3A_204], %exp3A {add = true} : memref<640x16xf32, #tpu.memory_space<vmem>>[vector<16xi32>, vector<16xi32>], vector<16xf32>,
    }
    %scan3A_34 = arith.constant 625 : i32
    %barrier3A = arith.constant 0 : index
    tpu.barrier barrier_id(%barrier3A)
    %scan3A_35 = arith.constant 0 : i32
    %scan3A_36 = arith.constant 0 : i32
    %scan3A_37 = arith.constant 40 : i32
    %scan3A_38 = arith.addi %scan3A_36, %scan3A_37 : i32
    %scan3A_39 = arith.constant 1 : i32
    scf.for %scan3A_185 = %scan3A_36 to %scan3A_38 step %scan3A_39  : i32 {
      %mul3A_186 = arith.constant 16 : i32
      %mul3A_187 = arith.muli %scan3A_185, %mul3A_186 : i32
      %mul3A_188 = arith.constant 16 : i32
      %mul3A_189 = arith.muli %scan3A_185, %mul3A_188 : i32
      %add3A_190 = vector.broadcast %mul3A_189 : i32 to vector<16xi32>
      %add3A_191 = arith.addi %iota3A, %add3A_190 : vector<16xi32>
      "tpu.region"() ({
        %run_scoped3A = tpu.sem_alloc : memref<!tpu.dma_semaphore, #tpu.memory_space<semaphore_mem>>
        %dma_start3A_192 = arith.constant 0 : i32
        %dma_start3A_193 = tpu.memref_slice %arg18[%mul3A_187, %dma_start3A_192] : memref<640x16xf32, #tpu.memory_space<vmem>> -> memref<16x16xf32, #tpu.memory_space<vmem>>
        %dma_start3A_194 = arith.constant 0 : i32
        %dma_start3A_195 = arith.constant 0 : i32
        %dma_start3A_196 = tpu.memref_slice %arg21[%dma_start3A_194, %dma_start3A_195] : memref<640x16xf32, #tpu.memory_space<vmem_shared>> -> memref<640x16xf32, #tpu.memory_space<vmem_shared>>
        tpu.enqueue_indirect_dma source(%dma_start3A_193 : memref<16x16xf32, #tpu.memory_space<vmem>>) target(%dma_start3A_196 : memref<640x16xf32, #tpu.memory_space<vmem_shared>>) offsets(%add3A_191 : vector<16xi32>) semaphore(%run_scoped3A : memref<!tpu.dma_semaphore, #tpu.memory_space<semaphore_mem>>) {add = true}
        %dma_wait3A = arith.constant 0 : i32
        %dma_wait3A_197 = tpu.memref_slice %arg18[%mul3A_187, %dma_wait3A] : memref<640x16xf32, #tpu.memory_space<vmem>> -> memref<16x16xf32, #tpu.memory_space<vmem>>
        %dma_wait3A_198 = arith.constant 0 : i32
        %dma_wait3A_199 = arith.constant 0 : i32
        %dma_wait3A_200 = tpu.memref_slice %arg21[%dma_wait3A_198, %dma_wait3A_199] : memref<640x16xf32, #tpu.memory_space<vmem_shared>> -> memref<640x16xf32, #tpu.memory_space<vmem_shared>>
        tpu.wait_indirect_dma semaphore(%run_scoped3A : memref<!tpu.dma_semaphore, #tpu.memory_space<semaphore_mem>>) src(%dma_wait3A_197 : memref<16x16xf32, #tpu.memory_space<vmem>>) dst(%dma_wait3A_200 : memref<640x16xf32, #tpu.memory_space<vmem_shared>>)
        tpu.yield
      }) : () -> ()
    }
    %scan3A_40 = arith.constant 40 : i32
    %barrier3A_41 = arith.constant 0 : index
    tpu.barrier barrier_id(%barrier3A_41)
    %mul3A_42 = arith.constant 40 : i32
    %mul3A_43 = arith.muli %arg1, %mul3A_42 : i32
    %mul3A_44 = arith.constant 40 : i32
    %mul3A_45 = arith.muli %arg1, %mul3A_44 : i32
    "tpu.region"() ({
      %run_scoped3A = tpu.sem_alloc : memref<!tpu.dma_semaphore, #tpu.memory_space<semaphore_mem>>
      %dma_start3A_185 = arith.constant 0 : i32
      %dma_start3A_186 = tpu.memref_slice %arg11[%arg0, %mul3A_45, %dma_start3A_185] : memref<2x640x16xf32, #tpu.memory_space<hbm>> -> memref<1x40x16xf32, #tpu.memory_space<hbm>>
      %dma_start3A_187 = tpu.memref_squeeze %dma_start3A_186 : memref<1x40x16xf32, #tpu.memory_space<hbm>> -> memref<40x16xf32, #tpu.memory_space<hbm>>
      %dma_start3A_188 = arith.constant 0 : i32
      %dma_start3A_189 = tpu.memref_slice %arg21[%mul3A_43, %dma_start3A_188] : memref<640x16xf32, #tpu.memory_space<vmem_shared>> -> memref<40x16xf32, #tpu.memory_space<vmem_shared>>
      tpu.enqueue_dma source(%dma_start3A_189 : memref<40x16xf32, #tpu.memory_space<vmem_shared>>) target(%dma_start3A_187 : memref<40x16xf32, #tpu.memory_space<hbm>>) target_semaphore(%run_scoped3A : memref<!tpu.dma_semaphore, #tpu.memory_space<semaphore_mem>>)
      %dma_wait3A = arith.constant 0 : i32
      %dma_wait3A_190 = tpu.memref_slice %arg11[%arg0, %mul3A_45, %dma_wait3A] : memref<2x640x16xf32, #tpu.memory_space<hbm>> -> memref<1x40x16xf32, #tpu.memory_space<hbm>>
      %dma_wait3A_191 = tpu.memref_squeeze %dma_wait3A_190 : memref<1x40x16xf32, #tpu.memory_space<hbm>> -> memref<40x16xf32, #tpu.memory_space<hbm>>
      %dma_wait3A_192 = arith.constant 0 : i32
      %dma_wait3A_193 = tpu.memref_slice %arg21[%mul3A_43, %dma_wait3A_192] : memref<640x16xf32, #tpu.memory_space<vmem_shared>> -> memref<40x16xf32, #tpu.memory_space<vmem_shared>>
      tpu.wait_dma2 semaphore(%run_scoped3A : memref<!tpu.dma_semaphore, #tpu.memory_space<semaphore_mem>>) src(%dma_wait3A_193 : memref<40x16xf32, #tpu.memory_space<vmem_shared>>) dst(%dma_wait3A_191 : memref<40x16xf32, #tpu.memory_space<hbm>>)
      tpu.yield
    }) : () -> ()
    %get3A = arith.constant 0 : index
    %get3A_46 = tpu.vector_load %arg14[%get3A] {strides = array<i32>} : memref<10000xi32, #tpu.memory_space<vmem>>, vector<16xi32>,
    %dma_start3A = arith.constant 0 : i32
    %dma_start3A_47 = arith.constant 0 : i32
    %dma_start3A_48 = arith.constant 0 : i32
    %dma_start3A_49 = tpu.memref_slice %arg20[%dma_start3A, %dma_start3A_47, %dma_start3A_48] : memref<5x16x64xf32, #tpu.memory_space<vmem>> -> memref<1x16x64xf32, #tpu.memory_space<vmem>>
    %dma_start3A_50 = tpu.memref_squeeze %dma_start3A_49 : memref<1x16x64xf32, #tpu.memory_space<vmem>> -> memref<16x64xf32, #tpu.memory_space<vmem>>
    %dma_start3A_51 = arith.constant 0 : i32
    %dma_start3A_52 = arith.constant 0 : i32
    %dma_start3A_53 = tpu.memref_slice %arg7[%dma_start3A_51, %dma_start3A_52] : memref<10000x64xf32, #tpu.memory_space<hbm>> -> memref<10000x64xf32, #tpu.memory_space<hbm>>
    tpu.enqueue_indirect_dma source(%dma_start3A_53 : memref<10000x64xf32, #tpu.memory_space<hbm>>) target(%dma_start3A_50 : memref<16x64xf32, #tpu.memory_space<vmem>>) offsets(%get3A_46 : vector<16xi32>) semaphore(%arg23 : memref<!tpu.dma_semaphore, #tpu.memory_space<semaphore_mem>>)
    %get3A_54 = arith.constant 16 : index
    %get3A_55 = tpu.vector_load %arg14[%get3A_54] {strides = array<i32>} : memref<10000xi32, #tpu.memory_space<vmem>>, vector<16xi32>,
    %dma_start3A_56 = arith.constant 1 : i32
    %dma_start3A_57 = arith.constant 0 : i32
    %dma_start3A_58 = arith.constant 0 : i32
    %dma_start3A_59 = tpu.memref_slice %arg20[%dma_start3A_56, %dma_start3A_57, %dma_start3A_58] : memref<5x16x64xf32, #tpu.memory_space<vmem>> -> memref<1x16x64xf32, #tpu.memory_space<vmem>>
    %dma_start3A_60 = tpu.memref_squeeze %dma_start3A_59 : memref<1x16x64xf32, #tpu.memory_space<vmem>> -> memref<16x64xf32, #tpu.memory_space<vmem>>
    %dma_start3A_61 = arith.constant 0 : i32
    %dma_start3A_62 = arith.constant 0 : i32
    %dma_start3A_63 = tpu.memref_slice %arg7[%dma_start3A_61, %dma_start3A_62] : memref<10000x64xf32, #tpu.memory_space<hbm>> -> memref<10000x64xf32, #tpu.memory_space<hbm>>
    tpu.enqueue_indirect_dma source(%dma_start3A_63 : memref<10000x64xf32, #tpu.memory_space<hbm>>) target(%dma_start3A_60 : memref<16x64xf32, #tpu.memory_space<vmem>>) offsets(%get3A_55 : vector<16xi32>) semaphore(%arg24 : memref<!tpu.dma_semaphore, #tpu.memory_space<semaphore_mem>>)
    %get3A_64 = arith.constant 32 : index
    %get3A_65 = tpu.vector_load %arg14[%get3A_64] {strides = array<i32>} : memref<10000xi32, #tpu.memory_space<vmem>>, vector<16xi32>,
    %dma_start3A_66 = arith.constant 2 : i32
    %dma_start3A_67 = arith.constant 0 : i32
    %dma_start3A_68 = arith.constant 0 : i32
    %dma_start3A_69 = tpu.memref_slice %arg20[%dma_start3A_66, %dma_start3A_67, %dma_start3A_68] : memref<5x16x64xf32, #tpu.memory_space<vmem>> -> memref<1x16x64xf32, #tpu.memory_space<vmem>>
    %dma_start3A_70 = tpu.memref_squeeze %dma_start3A_69 : memref<1x16x64xf32, #tpu.memory_space<vmem>> -> memref<16x64xf32, #tpu.memory_space<vmem>>
    %dma_start3A_71 = arith.constant 0 : i32
    %dma_start3A_72 = arith.constant 0 : i32
    %dma_start3A_73 = tpu.memref_slice %arg7[%dma_start3A_71, %dma_start3A_72] : memref<10000x64xf32, #tpu.memory_space<hbm>> -> memref<10000x64xf32, #tpu.memory_space<hbm>>
    tpu.enqueue_indirect_dma source(%dma_start3A_73 : memref<10000x64xf32, #tpu.memory_space<hbm>>) target(%dma_start3A_70 : memref<16x64xf32, #tpu.memory_space<vmem>>) offsets(%get3A_65 : vector<16xi32>) semaphore(%arg25 : memref<!tpu.dma_semaphore, #tpu.memory_space<semaphore_mem>>)
    %get3A_74 = arith.constant 48 : index
    %get3A_75 = tpu.vector_load %arg14[%get3A_74] {strides = array<i32>} : memref<10000xi32, #tpu.memory_space<vmem>>, vector<16xi32>,
    %dma_start3A_76 = arith.constant 3 : i32
    %dma_start3A_77 = arith.constant 0 : i32
    %dma_start3A_78 = arith.constant 0 : i32
    %dma_start3A_79 = tpu.memref_slice %arg20[%dma_start3A_76, %dma_start3A_77, %dma_start3A_78] : memref<5x16x64xf32, #tpu.memory_space<vmem>> -> memref<1x16x64xf32, #tpu.memory_space<vmem>>
    %dma_start3A_80 = tpu.memref_squeeze %dma_start3A_79 : memref<1x16x64xf32, #tpu.memory_space<vmem>> -> memref<16x64xf32, #tpu.memory_space<vmem>>
    %dma_start3A_81 = arith.constant 0 : i32
    %dma_start3A_82 = arith.constant 0 : i32
    %dma_start3A_83 = tpu.memref_slice %arg7[%dma_start3A_81, %dma_start3A_82] : memref<10000x64xf32, #tpu.memory_space<hbm>> -> memref<10000x64xf32, #tpu.memory_space<hbm>>
    tpu.enqueue_indirect_dma source(%dma_start3A_83 : memref<10000x64xf32, #tpu.memory_space<hbm>>) target(%dma_start3A_80 : memref<16x64xf32, #tpu.memory_space<vmem>>) offsets(%get3A_75 : vector<16xi32>) semaphore(%arg26 : memref<!tpu.dma_semaphore, #tpu.memory_space<semaphore_mem>>)
    %get3A_84 = arith.constant 64 : index
    %get3A_85 = tpu.vector_load %arg14[%get3A_84] {strides = array<i32>} : memref<10000xi32, #tpu.memory_space<vmem>>, vector<16xi32>,
    %dma_start3A_86 = arith.constant 4 : i32
    %dma_start3A_87 = arith.constant 0 : i32
    %dma_start3A_88 = arith.constant 0 : i32
    %dma_start3A_89 = tpu.memref_slice %arg20[%dma_start3A_86, %dma_start3A_87, %dma_start3A_88] : memref<5x16x64xf32, #tpu.memory_space<vmem>> -> memref<1x16x64xf32, #tpu.memory_space<vmem>>
    %dma_start3A_90 = tpu.memref_squeeze %dma_start3A_89 : memref<1x16x64xf32, #tpu.memory_space<vmem>> -> memref<16x64xf32, #tpu.memory_space<vmem>>
    %dma_start3A_91 = arith.constant 0 : i32
    %dma_start3A_92 = arith.constant 0 : i32
    %dma_start3A_93 = tpu.memref_slice %arg7[%dma_start3A_91, %dma_start3A_92] : memref<10000x64xf32, #tpu.memory_space<hbm>> -> memref<10000x64xf32, #tpu.memory_space<hbm>>
    tpu.enqueue_indirect_dma source(%dma_start3A_93 : memref<10000x64xf32, #tpu.memory_space<hbm>>) target(%dma_start3A_90 : memref<16x64xf32, #tpu.memory_space<vmem>>) offsets(%get3A_85 : vector<16xi32>) semaphore(%arg27 : memref<!tpu.dma_semaphore, #tpu.memory_space<semaphore_mem>>)
    %scan3A_94 = arith.constant 0 : i32
    %scan3A_95 = arith.constant 0 : i32
    %scan3A_96 = arith.constant 125 : i32
    %scan3A_97 = arith.addi %scan3A_95, %scan3A_96 : i32
    %scan3A_98 = arith.constant 1 : i32
    scf.for %scan3A_185 = %scan3A_95 to %scan3A_97 step %scan3A_98  : i32 {
      %mul3A_186 = arith.constant 5 : i32
      %mul3A_187 = arith.muli %scan3A_185, %mul3A_186 : i32
      %add3A_188 = arith.constant 0 : i32
      %add3A_189 = arith.addi %mul3A_187, %add3A_188 : i32
      %dma_wait3A = arith.constant 0 : i32
      %dma_wait3A_190 = arith.constant 0 : i32
      %dma_wait3A_191 = arith.constant 0 : i32
      %dma_wait3A_192 = tpu.memref_slice %arg20[%dma_wait3A, %dma_wait3A_190, %dma_wait3A_191] : memref<5x16x64xf32, #tpu.memory_space<vmem>> -> memref<1x16x64xf32, #tpu.memory_space<vmem>>
      %dma_wait3A_193 = tpu.memref_squeeze %dma_wait3A_192 : memref<1x16x64xf32, #tpu.memory_space<vmem>> -> memref<16x64xf32, #tpu.memory_space<vmem>>
      %dma_wait3A_194 = arith.constant 0 : i32
      %dma_wait3A_195 = arith.constant 0 : i32
      %dma_wait3A_196 = tpu.memref_slice %arg7[%dma_wait3A_194, %dma_wait3A_195] : memref<10000x64xf32, #tpu.memory_space<hbm>> -> memref<16x64xf32, #tpu.memory_space<hbm>>
      %dma_wait3A_197 = arith.constant 0 : i32
      %dma_wait3A_198 = arith.constant 0 : i32
      %dma_wait3A_199 = tpu.memref_slice %arg20[%dma_wait3A, %dma_wait3A_197, %dma_wait3A_198] : memref<5x16x64xf32, #tpu.memory_space<vmem>> -> memref<1x16x64xf32, #tpu.memory_space<vmem>>
      %dma_wait3A_200 = tpu.memref_squeeze %dma_wait3A_199 : memref<1x16x64xf32, #tpu.memory_space<vmem>> -> memref<16x64xf32, #tpu.memory_space<vmem>>
      %dma_wait3A_201 = arith.constant 0 : i32
      %dma_wait3A_202 = arith.constant 0 : i32
      %dma_wait3A_203 = tpu.memref_slice %arg7[%dma_wait3A_201, %dma_wait3A_202] : memref<10000x64xf32, #tpu.memory_space<hbm>> -> memref<16x64xf32, #tpu.memory_space<hbm>>
      tpu.wait_dma2 semaphore(%arg23 : memref<!tpu.dma_semaphore, #tpu.memory_space<semaphore_mem>>) src(%dma_wait3A_203 : memref<16x64xf32, #tpu.memory_space<hbm>>) dst(%dma_wait3A_200 : memref<16x64xf32, #tpu.memory_space<vmem>>)
      %mul3A_204 = arith.constant 16 : i32
      %mul3A_205 = arith.muli %add3A_189, %mul3A_204 : i32
      %get3A_206 = arith.index_cast %mul3A_205 : i32 to index
      %get3A_207 = tpu.vector_load %arg15[%get3A_206] {strides = array<i32>} : memref<10000xi32, #tpu.memory_space<vmem>>, vector<16xi32>,
      %scan3A_208 = arith.constant 0 : i32
      %scan3A_209 = arith.constant 0 : i32
      %scan3A_210 = arith.constant 16 : i32
      %scan3A_211 = arith.addi %scan3A_209, %scan3A_210 : i32
      %scan3A_212 = arith.constant 1 : i32
      scf.for %scan3A_482 = %scan3A_209 to %scan3A_211 step %scan3A_212  : i32 {
        %mul3A_483 = arith.constant 16 : i32
        %mul3A_484 = arith.muli %add3A_189, %mul3A_483 : i32
        %add3A_485 = arith.addi %mul3A_484, %scan3A_482 : i32
        %broadcast_in_dim3A_486 = vector.broadcast %add3A_485 : i32 to vector<16xi32>
        %gather3A = tpu.vector_load_idx %arg17[%broadcast_in_dim3A_486] : memref<10000xf32, #tpu.memory_space<vmem>>[vector<16xi32>], vector<16xf32>,
        %get3A_487 = arith.constant 0 : i32
        %get3A_488 = arith.index_cast %get3A_487 : i32 to index
        %get3A_489 = arith.index_cast %scan3A_482 : i32 to index
        %get3A_490 = arith.constant 0 : index
        %get3A_491 = tpu.vector_load %arg20[%get3A_488, %get3A_489, %get3A_490] {strides = array<i32>} : memref<5x16x64xf32, #tpu.memory_space<vmem>>, vector<16xf32>,
        %mul3A_492 = arith.mulf %get3A_491, %gather3A : vector<16xf32>
        %swap3A = arith.constant 0 : i32
        %swap3A_493 = arith.index_cast %swap3A : i32 to index
        %swap3A_494 = arith.index_cast %scan3A_482 : i32 to index
        %swap3A_495 = arith.constant 0 : index
        %swap3A_496 = tpu.vector_load %arg20[%swap3A_493, %swap3A_494, %swap3A_495] {strides = array<i32>} : memref<5x16x64xf32, #tpu.memory_space<vmem>>, vector<16xf32>,
        tpu.vector_store %arg20[%swap3A_493, %swap3A_494, %swap3A_495], %mul3A_492 {strides = array<i32>} : memref<5x16x64xf32, #tpu.memory_space<vmem>>, vector<16xf32>,
        %get3A_497 = arith.constant 0 : i32
        %get3A_498 = arith.index_cast %get3A_497 : i32 to index
        %get3A_499 = arith.index_cast %scan3A_482 : i32 to index
        %get3A_500 = arith.constant 16 : index
        %get3A_501 = tpu.vector_load %arg20[%get3A_498, %get3A_499, %get3A_500] {strides = array<i32>} : memref<5x16x64xf32, #tpu.memory_space<vmem>>, vector<16xf32>,
        %mul3A_502 = arith.mulf %get3A_501, %gather3A : vector<16xf32>
        %swap3A_503 = arith.constant 0 : i32
        %swap3A_504 = arith.index_cast %swap3A_503 : i32 to index
        %swap3A_505 = arith.index_cast %scan3A_482 : i32 to index
        %swap3A_506 = arith.constant 16 : index
        %swap3A_507 = tpu.vector_load %arg20[%swap3A_504, %swap3A_505, %swap3A_506] {strides = array<i32>} : memref<5x16x64xf32, #tpu.memory_space<vmem>>, vector<16xf32>,
        tpu.vector_store %arg20[%swap3A_504, %swap3A_505, %swap3A_506], %mul3A_502 {strides = array<i32>} : memref<5x16x64xf32, #tpu.memory_space<vmem>>, vector<16xf32>,
        %get3A_508 = arith.constant 0 : i32
        %get3A_509 = arith.index_cast %get3A_508 : i32 to index
        %get3A_510 = arith.index_cast %scan3A_482 : i32 to index
        %get3A_511 = arith.constant 32 : index
        %get3A_512 = tpu.vector_load %arg20[%get3A_509, %get3A_510, %get3A_511] {strides = array<i32>} : memref<5x16x64xf32, #tpu.memory_space<vmem>>, vector<16xf32>,
        %mul3A_513 = arith.mulf %get3A_512, %gather3A : vector<16xf32>
        %swap3A_514 = arith.constant 0 : i32
        %swap3A_515 = arith.index_cast %swap3A_514 : i32 to index
        %swap3A_516 = arith.index_cast %scan3A_482 : i32 to index
        %swap3A_517 = arith.constant 32 : index
        %swap3A_518 = tpu.vector_load %arg20[%swap3A_515, %swap3A_516, %swap3A_517] {strides = array<i32>} : memref<5x16x64xf32, #tpu.memory_space<vmem>>, vector<16xf32>,
        tpu.vector_store %arg20[%swap3A_515, %swap3A_516, %swap3A_517], %mul3A_513 {strides = array<i32>} : memref<5x16x64xf32, #tpu.memory_space<vmem>>, vector<16xf32>,
        %get3A_519 = arith.constant 0 : i32
        %get3A_520 = arith.index_cast %get3A_519 : i32 to index
        %get3A_521 = arith.index_cast %scan3A_482 : i32 to index
        %get3A_522 = arith.constant 48 : index
        %get3A_523 = tpu.vector_load %arg20[%get3A_520, %get3A_521, %get3A_522] {strides = array<i32>} : memref<5x16x64xf32, #tpu.memory_space<vmem>>, vector<16xf32>,
        %mul3A_524 = arith.mulf %get3A_523, %gather3A : vector<16xf32>
        %swap3A_525 = arith.constant 0 : i32
        %swap3A_526 = arith.index_cast %swap3A_525 : i32 to index
        %swap3A_527 = arith.index_cast %scan3A_482 : i32 to index
        %swap3A_528 = arith.constant 48 : index
        %swap3A_529 = tpu.vector_load %arg20[%swap3A_526, %swap3A_527, %swap3A_528] {strides = array<i32>} : memref<5x16x64xf32, #tpu.memory_space<vmem>>, vector<16xf32>,
        tpu.vector_store %arg20[%swap3A_526, %swap3A_527, %swap3A_528], %mul3A_524 {strides = array<i32>} : memref<5x16x64xf32, #tpu.memory_space<vmem>>, vector<16xf32>,
      }
      %scan3A_213 = arith.constant 16 : i32
      %dma_start3A_214 = arith.constant 0 : i32
      %dma_start3A_215 = arith.constant 0 : i32
      %dma_start3A_216 = arith.constant 0 : i32
      %dma_start3A_217 = tpu.memref_slice %arg20[%dma_start3A_214, %dma_start3A_215, %dma_start3A_216] : memref<5x16x64xf32, #tpu.memory_space<vmem>> -> memref<1x16x64xf32, #tpu.memory_space<vmem>>
      %dma_start3A_218 = tpu.memref_squeeze %dma_start3A_217 : memref<1x16x64xf32, #tpu.memory_space<vmem>> -> memref<16x64xf32, #tpu.memory_space<vmem>>
      %dma_start3A_219 = arith.constant 0 : i32
      %dma_start3A_220 = arith.constant 0 : i32
      %dma_start3A_221 = tpu.memref_slice %arg22[%dma_start3A_219, %dma_start3A_220] : memref<10240x64xf32, #tpu.memory_space<vmem_shared>> -> memref<10240x64xf32, #tpu.memory_space<vmem_shared>>
      tpu.enqueue_indirect_dma source(%dma_start3A_218 : memref<16x64xf32, #tpu.memory_space<vmem>>) target(%dma_start3A_221 : memref<10240x64xf32, #tpu.memory_space<vmem_shared>>) offsets(%get3A_207 : vector<16xi32>) semaphore(%arg28 : memref<!tpu.dma_semaphore, #tpu.memory_space<semaphore_mem>>) {add = true}
      %add3A_222 = arith.constant 1 : i32
      %add3A_223 = arith.addi %mul3A_187, %add3A_222 : i32
      %dma_wait3A_224 = arith.constant 1 : i32
      %dma_wait3A_225 = arith.constant 0 : i32
      %dma_wait3A_226 = arith.constant 0 : i32
      %dma_wait3A_227 = tpu.memref_slice %arg20[%dma_wait3A_224, %dma_wait3A_225, %dma_wait3A_226] : memref<5x16x64xf32, #tpu.memory_space<vmem>> -> memref<1x16x64xf32, #tpu.memory_space<vmem>>
      %dma_wait3A_228 = tpu.memref_squeeze %dma_wait3A_227 : memref<1x16x64xf32, #tpu.memory_space<vmem>> -> memref<16x64xf32, #tpu.memory_space<vmem>>
      %dma_wait3A_229 = arith.constant 0 : i32
      %dma_wait3A_230 = arith.constant 0 : i32
      %dma_wait3A_231 = tpu.memref_slice %arg7[%dma_wait3A_229, %dma_wait3A_230] : memref<10000x64xf32, #tpu.memory_space<hbm>> -> memref<16x64xf32, #tpu.memory_space<hbm>>
      %dma_wait3A_232 = arith.constant 0 : i32
      %dma_wait3A_233 = arith.constant 0 : i32
      %dma_wait3A_234 = tpu.memref_slice %arg20[%dma_wait3A_224, %dma_wait3A_232, %dma_wait3A_233] : memref<5x16x64xf32, #tpu.memory_space<vmem>> -> memref<1x16x64xf32, #tpu.memory_space<vmem>>
      %dma_wait3A_235 = tpu.memref_squeeze %dma_wait3A_234 : memref<1x16x64xf32, #tpu.memory_space<vmem>> -> memref<16x64xf32, #tpu.memory_space<vmem>>
      %dma_wait3A_236 = arith.constant 0 : i32
      %dma_wait3A_237 = arith.constant 0 : i32
      %dma_wait3A_238 = tpu.memref_slice %arg7[%dma_wait3A_236, %dma_wait3A_237] : memref<10000x64xf32, #tpu.memory_space<hbm>> -> memref<16x64xf32, #tpu.memory_space<hbm>>
      tpu.wait_dma2 semaphore(%arg24 : memref<!tpu.dma_semaphore, #tpu.memory_space<semaphore_mem>>) src(%dma_wait3A_238 : memref<16x64xf32, #tpu.memory_space<hbm>>) dst(%dma_wait3A_235 : memref<16x64xf32, #tpu.memory_space<vmem>>)
      %mul3A_239 = arith.constant 16 : i32
      %mul3A_240 = arith.muli %add3A_223, %mul3A_239 : i32
      %get3A_241 = arith.index_cast %mul3A_240 : i32 to index
      %get3A_242 = tpu.vector_load %arg15[%get3A_241] {strides = array<i32>} : memref<10000xi32, #tpu.memory_space<vmem>>, vector<16xi32>,
      %scan3A_243 = arith.constant 0 : i32
      %scan3A_244 = arith.constant 0 : i32
      %scan3A_245 = arith.constant 16 : i32
      %scan3A_246 = arith.addi %scan3A_244, %scan3A_245 : i32
      %scan3A_247 = arith.constant 1 : i32
      scf.for %scan3A_482 = %scan3A_244 to %scan3A_246 step %scan3A_247  : i32 {
        %mul3A_483 = arith.constant 16 : i32
        %mul3A_484 = arith.muli %add3A_223, %mul3A_483 : i32
        %add3A_485 = arith.addi %mul3A_484, %scan3A_482 : i32
        %broadcast_in_dim3A_486 = vector.broadcast %add3A_485 : i32 to vector<16xi32>
        %gather3A = tpu.vector_load_idx %arg17[%broadcast_in_dim3A_486] : memref<10000xf32, #tpu.memory_space<vmem>>[vector<16xi32>], vector<16xf32>,
        %get3A_487 = arith.constant 1 : i32
        %get3A_488 = arith.index_cast %get3A_487 : i32 to index
        %get3A_489 = arith.index_cast %scan3A_482 : i32 to index
        %get3A_490 = arith.constant 0 : index
        %get3A_491 = tpu.vector_load %arg20[%get3A_488, %get3A_489, %get3A_490] {strides = array<i32>} : memref<5x16x64xf32, #tpu.memory_space<vmem>>, vector<16xf32>,
        %mul3A_492 = arith.mulf %get3A_491, %gather3A : vector<16xf32>
        %swap3A = arith.constant 1 : i32
        %swap3A_493 = arith.index_cast %swap3A : i32 to index
        %swap3A_494 = arith.index_cast %scan3A_482 : i32 to index
        %swap3A_495 = arith.constant 0 : index
        %swap3A_496 = tpu.vector_load %arg20[%swap3A_493, %swap3A_494, %swap3A_495] {strides = array<i32>} : memref<5x16x64xf32, #tpu.memory_space<vmem>>, vector<16xf32>,
        tpu.vector_store %arg20[%swap3A_493, %swap3A_494, %swap3A_495], %mul3A_492 {strides = array<i32>} : memref<5x16x64xf32, #tpu.memory_space<vmem>>, vector<16xf32>,
        %get3A_497 = arith.constant 1 : i32
        %get3A_498 = arith.index_cast %get3A_497 : i32 to index
        %get3A_499 = arith.index_cast %scan3A_482 : i32 to index
        %get3A_500 = arith.constant 16 : index
        %get3A_501 = tpu.vector_load %arg20[%get3A_498, %get3A_499, %get3A_500] {strides = array<i32>} : memref<5x16x64xf32, #tpu.memory_space<vmem>>, vector<16xf32>,
        %mul3A_502 = arith.mulf %get3A_501, %gather3A : vector<16xf32>
        %swap3A_503 = arith.constant 1 : i32
        %swap3A_504 = arith.index_cast %swap3A_503 : i32 to index
        %swap3A_505 = arith.index_cast %scan3A_482 : i32 to index
        %swap3A_506 = arith.constant 16 : index
        %swap3A_507 = tpu.vector_load %arg20[%swap3A_504, %swap3A_505, %swap3A_506] {strides = array<i32>} : memref<5x16x64xf32, #tpu.memory_space<vmem>>, vector<16xf32>,
        tpu.vector_store %arg20[%swap3A_504, %swap3A_505, %swap3A_506], %mul3A_502 {strides = array<i32>} : memref<5x16x64xf32, #tpu.memory_space<vmem>>, vector<16xf32>,
        %get3A_508 = arith.constant 1 : i32
        %get3A_509 = arith.index_cast %get3A_508 : i32 to index
        %get3A_510 = arith.index_cast %scan3A_482 : i32 to index
        %get3A_511 = arith.constant 32 : index
        %get3A_512 = tpu.vector_load %arg20[%get3A_509, %get3A_510, %get3A_511] {strides = array<i32>} : memref<5x16x64xf32, #tpu.memory_space<vmem>>, vector<16xf32>,
        %mul3A_513 = arith.mulf %get3A_512, %gather3A : vector<16xf32>
        %swap3A_514 = arith.constant 1 : i32
        %swap3A_515 = arith.index_cast %swap3A_514 : i32 to index
        %swap3A_516 = arith.index_cast %scan3A_482 : i32 to index
        %swap3A_517 = arith.constant 32 : index
        %swap3A_518 = tpu.vector_load %arg20[%swap3A_515, %swap3A_516, %swap3A_517] {strides = array<i32>} : memref<5x16x64xf32, #tpu.memory_space<vmem>>, vector<16xf32>,
        tpu.vector_store %arg20[%swap3A_515, %swap3A_516, %swap3A_517], %mul3A_513 {strides = array<i32>} : memref<5x16x64xf32, #tpu.memory_space<vmem>>, vector<16xf32>,
        %get3A_519 = arith.constant 1 : i32
        %get3A_520 = arith.index_cast %get3A_519 : i32 to index
        %get3A_521 = arith.index_cast %scan3A_482 : i32 to index
        %get3A_522 = arith.constant 48 : index
        %get3A_523 = tpu.vector_load %arg20[%get3A_520, %get3A_521, %get3A_522] {strides = array<i32>} : memref<5x16x64xf32, #tpu.memory_space<vmem>>, vector<16xf32>,
        %mul3A_524 = arith.mulf %get3A_523, %gather3A : vector<16xf32>
        %swap3A_525 = arith.constant 1 : i32
        %swap3A_526 = arith.index_cast %swap3A_525 : i32 to index
        %swap3A_527 = arith.index_cast %scan3A_482 : i32 to index
        %swap3A_528 = arith.constant 48 : index
        %swap3A_529 = tpu.vector_load %arg20[%swap3A_526, %swap3A_527, %swap3A_528] {strides = array<i32>} : memref<5x16x64xf32, #tpu.memory_space<vmem>>, vector<16xf32>,
        tpu.vector_store %arg20[%swap3A_526, %swap3A_527, %swap3A_528], %mul3A_524 {strides = array<i32>} : memref<5x16x64xf32, #tpu.memory_space<vmem>>, vector<16xf32>,
      }
      %scan3A_248 = arith.constant 16 : i32
      %dma_start3A_249 = arith.constant 1 : i32
      %dma_start3A_250 = arith.constant 0 : i32
      %dma_start3A_251 = arith.constant 0 : i32
      %dma_start3A_252 = tpu.memref_slice %arg20[%dma_start3A_249, %dma_start3A_250, %dma_start3A_251] : memref<5x16x64xf32, #tpu.memory_space<vmem>> -> memref<1x16x64xf32, #tpu.memory_space<vmem>>
      %dma_start3A_253 = tpu.memref_squeeze %dma_start3A_252 : memref<1x16x64xf32, #tpu.memory_space<vmem>> -> memref<16x64xf32, #tpu.memory_space<vmem>>
      %dma_start3A_254 = arith.constant 0 : i32
      %dma_start3A_255 = arith.constant 0 : i32
      %dma_start3A_256 = tpu.memref_slice %arg22[%dma_start3A_254, %dma_start3A_255] : memref<10240x64xf32, #tpu.memory_space<vmem_shared>> -> memref<10240x64xf32, #tpu.memory_space<vmem_shared>>
      tpu.enqueue_indirect_dma source(%dma_start3A_253 : memref<16x64xf32, #tpu.memory_space<vmem>>) target(%dma_start3A_256 : memref<10240x64xf32, #tpu.memory_space<vmem_shared>>) offsets(%get3A_242 : vector<16xi32>) semaphore(%arg29 : memref<!tpu.dma_semaphore, #tpu.memory_space<semaphore_mem>>) {add = true}
      %add3A_257 = arith.constant 2 : i32
      %add3A_258 = arith.addi %mul3A_187, %add3A_257 : i32
      %dma_wait3A_259 = arith.constant 2 : i32
      %dma_wait3A_260 = arith.constant 0 : i32
      %dma_wait3A_261 = arith.constant 0 : i32
      %dma_wait3A_262 = tpu.memref_slice %arg20[%dma_wait3A_259, %dma_wait3A_260, %dma_wait3A_261] : memref<5x16x64xf32, #tpu.memory_space<vmem>> -> memref<1x16x64xf32, #tpu.memory_space<vmem>>
      %dma_wait3A_263 = tpu.memref_squeeze %dma_wait3A_262 : memref<1x16x64xf32, #tpu.memory_space<vmem>> -> memref<16x64xf32, #tpu.memory_space<vmem>>
      %dma_wait3A_264 = arith.constant 0 : i32
      %dma_wait3A_265 = arith.constant 0 : i32
      %dma_wait3A_266 = tpu.memref_slice %arg7[%dma_wait3A_264, %dma_wait3A_265] : memref<10000x64xf32, #tpu.memory_space<hbm>> -> memref<16x64xf32, #tpu.memory_space<hbm>>
      %dma_wait3A_267 = arith.constant 0 : i32
      %dma_wait3A_268 = arith.constant 0 : i32
      %dma_wait3A_269 = tpu.memref_slice %arg20[%dma_wait3A_259, %dma_wait3A_267, %dma_wait3A_268] : memref<5x16x64xf32, #tpu.memory_space<vmem>> -> memref<1x16x64xf32, #tpu.memory_space<vmem>>
      %dma_wait3A_270 = tpu.memref_squeeze %dma_wait3A_269 : memref<1x16x64xf32, #tpu.memory_space<vmem>> -> memref<16x64xf32, #tpu.memory_space<vmem>>
      %dma_wait3A_271 = arith.constant 0 : i32
      %dma_wait3A_272 = arith.constant 0 : i32
      %dma_wait3A_273 = tpu.memref_slice %arg7[%dma_wait3A_271, %dma_wait3A_272] : memref<10000x64xf32, #tpu.memory_space<hbm>> -> memref<16x64xf32, #tpu.memory_space<hbm>>
      tpu.wait_dma2 semaphore(%arg25 : memref<!tpu.dma_semaphore, #tpu.memory_space<semaphore_mem>>) src(%dma_wait3A_273 : memref<16x64xf32, #tpu.memory_space<hbm>>) dst(%dma_wait3A_270 : memref<16x64xf32, #tpu.memory_space<vmem>>)
      %mul3A_274 = arith.constant 16 : i32
      %mul3A_275 = arith.muli %add3A_258, %mul3A_274 : i32
      %get3A_276 = arith.index_cast %mul3A_275 : i32 to index
      %get3A_277 = tpu.vector_load %arg15[%get3A_276] {strides = array<i32>} : memref<10000xi32, #tpu.memory_space<vmem>>, vector<16xi32>,
      %scan3A_278 = arith.constant 0 : i32
      %scan3A_279 = arith.constant 0 : i32
      %scan3A_280 = arith.constant 16 : i32
      %scan3A_281 = arith.addi %scan3A_279, %scan3A_280 : i32
      %scan3A_282 = arith.constant 1 : i32
      scf.for %scan3A_482 = %scan3A_279 to %scan3A_281 step %scan3A_282  : i32 {
        %mul3A_483 = arith.constant 16 : i32
        %mul3A_484 = arith.muli %add3A_258, %mul3A_483 : i32
        %add3A_485 = arith.addi %mul3A_484, %scan3A_482 : i32
        %broadcast_in_dim3A_486 = vector.broadcast %add3A_485 : i32 to vector<16xi32>
        %gather3A = tpu.vector_load_idx %arg17[%broadcast_in_dim3A_486] : memref<10000xf32, #tpu.memory_space<vmem>>[vector<16xi32>], vector<16xf32>,
        %get3A_487 = arith.constant 2 : i32
        %get3A_488 = arith.index_cast %get3A_487 : i32 to index
        %get3A_489 = arith.index_cast %scan3A_482 : i32 to index
        %get3A_490 = arith.constant 0 : index
        %get3A_491 = tpu.vector_load %arg20[%get3A_488, %get3A_489, %get3A_490] {strides = array<i32>} : memref<5x16x64xf32, #tpu.memory_space<vmem>>, vector<16xf32>,
        %mul3A_492 = arith.mulf %get3A_491, %gather3A : vector<16xf32>
        %swap3A = arith.constant 2 : i32
        %swap3A_493 = arith.index_cast %swap3A : i32 to index
        %swap3A_494 = arith.index_cast %scan3A_482 : i32 to index
        %swap3A_495 = arith.constant 0 : index
        %swap3A_496 = tpu.vector_load %arg20[%swap3A_493, %swap3A_494, %swap3A_495] {strides = array<i32>} : memref<5x16x64xf32, #tpu.memory_space<vmem>>, vector<16xf32>,
        tpu.vector_store %arg20[%swap3A_493, %swap3A_494, %swap3A_495], %mul3A_492 {strides = array<i32>} : memref<5x16x64xf32, #tpu.memory_space<vmem>>, vector<16xf32>,
        %get3A_497 = arith.constant 2 : i32
        %get3A_498 = arith.index_cast %get3A_497 : i32 to index
        %get3A_499 = arith.index_cast %scan3A_482 : i32 to index
        %get3A_500 = arith.constant 16 : index
        %get3A_501 = tpu.vector_load %arg20[%get3A_498, %get3A_499, %get3A_500] {strides = array<i32>} : memref<5x16x64xf32, #tpu.memory_space<vmem>>, vector<16xf32>,
        %mul3A_502 = arith.mulf %get3A_501, %gather3A : vector<16xf32>
        %swap3A_503 = arith.constant 2 : i32
        %swap3A_504 = arith.index_cast %swap3A_503 : i32 to index
        %swap3A_505 = arith.index_cast %scan3A_482 : i32 to index
        %swap3A_506 = arith.constant 16 : index
        %swap3A_507 = tpu.vector_load %arg20[%swap3A_504, %swap3A_505, %swap3A_506] {strides = array<i32>} : memref<5x16x64xf32, #tpu.memory_space<vmem>>, vector<16xf32>,
        tpu.vector_store %arg20[%swap3A_504, %swap3A_505, %swap3A_506], %mul3A_502 {strides = array<i32>} : memref<5x16x64xf32, #tpu.memory_space<vmem>>, vector<16xf32>,
        %get3A_508 = arith.constant 2 : i32
        %get3A_509 = arith.index_cast %get3A_508 : i32 to index
        %get3A_510 = arith.index_cast %scan3A_482 : i32 to index
        %get3A_511 = arith.constant 32 : index
        %get3A_512 = tpu.vector_load %arg20[%get3A_509, %get3A_510, %get3A_511] {strides = array<i32>} : memref<5x16x64xf32, #tpu.memory_space<vmem>>, vector<16xf32>,
        %mul3A_513 = arith.mulf %get3A_512, %gather3A : vector<16xf32>
        %swap3A_514 = arith.constant 2 : i32
        %swap3A_515 = arith.index_cast %swap3A_514 : i32 to index
        %swap3A_516 = arith.index_cast %scan3A_482 : i32 to index
        %swap3A_517 = arith.constant 32 : index
        %swap3A_518 = tpu.vector_load %arg20[%swap3A_515, %swap3A_516, %swap3A_517] {strides = array<i32>} : memref<5x16x64xf32, #tpu.memory_space<vmem>>, vector<16xf32>,
        tpu.vector_store %arg20[%swap3A_515, %swap3A_516, %swap3A_517], %mul3A_513 {strides = array<i32>} : memref<5x16x64xf32, #tpu.memory_space<vmem>>, vector<16xf32>,
        %get3A_519 = arith.constant 2 : i32
        %get3A_520 = arith.index_cast %get3A_519 : i32 to index
        %get3A_521 = arith.index_cast %scan3A_482 : i32 to index
        %get3A_522 = arith.constant 48 : index
        %get3A_523 = tpu.vector_load %arg20[%get3A_520, %get3A_521, %get3A_522] {strides = array<i32>} : memref<5x16x64xf32, #tpu.memory_space<vmem>>, vector<16xf32>,
        %mul3A_524 = arith.mulf %get3A_523, %gather3A : vector<16xf32>
        %swap3A_525 = arith.constant 2 : i32
        %swap3A_526 = arith.index_cast %swap3A_525 : i32 to index
        %swap3A_527 = arith.index_cast %scan3A_482 : i32 to index
        %swap3A_528 = arith.constant 48 : index
        %swap3A_529 = tpu.vector_load %arg20[%swap3A_526, %swap3A_527, %swap3A_528] {strides = array<i32>} : memref<5x16x64xf32, #tpu.memory_space<vmem>>, vector<16xf32>,
        tpu.vector_store %arg20[%swap3A_526, %swap3A_527, %swap3A_528], %mul3A_524 {strides = array<i32>} : memref<5x16x64xf32, #tpu.memory_space<vmem>>, vector<16xf32>,
      }
      %scan3A_283 = arith.constant 16 : i32
      %dma_start3A_284 = arith.constant 2 : i32
      %dma_start3A_285 = arith.constant 0 : i32
      %dma_start3A_286 = arith.constant 0 : i32
      %dma_start3A_287 = tpu.memref_slice %arg20[%dma_start3A_284, %dma_start3A_285, %dma_start3A_286] : memref<5x16x64xf32, #tpu.memory_space<vmem>> -> memref<1x16x64xf32, #tpu.memory_space<vmem>>
      %dma_start3A_288 = tpu.memref_squeeze %dma_start3A_287 : memref<1x16x64xf32, #tpu.memory_space<vmem>> -> memref<16x64xf32, #tpu.memory_space<vmem>>
      %dma_start3A_289 = arith.constant 0 : i32
      %dma_start3A_290 = arith.constant 0 : i32
      %dma_start3A_291 = tpu.memref_slice %arg22[%dma_start3A_289, %dma_start3A_290] : memref<10240x64xf32, #tpu.memory_space<vmem_shared>> -> memref<10240x64xf32, #tpu.memory_space<vmem_shared>>
      tpu.enqueue_indirect_dma source(%dma_start3A_288 : memref<16x64xf32, #tpu.memory_space<vmem>>) target(%dma_start3A_291 : memref<10240x64xf32, #tpu.memory_space<vmem_shared>>) offsets(%get3A_277 : vector<16xi32>) semaphore(%arg30 : memref<!tpu.dma_semaphore, #tpu.memory_space<semaphore_mem>>) {add = true}
      %add3A_292 = arith.constant 3 : i32
      %add3A_293 = arith.addi %mul3A_187, %add3A_292 : i32
      %dma_wait3A_294 = arith.constant 3 : i32
      %dma_wait3A_295 = arith.constant 0 : i32
      %dma_wait3A_296 = arith.constant 0 : i32
      %dma_wait3A_297 = tpu.memref_slice %arg20[%dma_wait3A_294, %dma_wait3A_295, %dma_wait3A_296] : memref<5x16x64xf32, #tpu.memory_space<vmem>> -> memref<1x16x64xf32, #tpu.memory_space<vmem>>
      %dma_wait3A_298 = tpu.memref_squeeze %dma_wait3A_297 : memref<1x16x64xf32, #tpu.memory_space<vmem>> -> memref<16x64xf32, #tpu.memory_space<vmem>>
      %dma_wait3A_299 = arith.constant 0 : i32
      %dma_wait3A_300 = arith.constant 0 : i32
      %dma_wait3A_301 = tpu.memref_slice %arg7[%dma_wait3A_299, %dma_wait3A_300] : memref<10000x64xf32, #tpu.memory_space<hbm>> -> memref<16x64xf32, #tpu.memory_space<hbm>>
      %dma_wait3A_302 = arith.constant 0 : i32
      %dma_wait3A_303 = arith.constant 0 : i32
      %dma_wait3A_304 = tpu.memref_slice %arg20[%dma_wait3A_294, %dma_wait3A_302, %dma_wait3A_303] : memref<5x16x64xf32, #tpu.memory_space<vmem>> -> memref<1x16x64xf32, #tpu.memory_space<vmem>>
      %dma_wait3A_305 = tpu.memref_squeeze %dma_wait3A_304 : memref<1x16x64xf32, #tpu.memory_space<vmem>> -> memref<16x64xf32, #tpu.memory_space<vmem>>
      %dma_wait3A_306 = arith.constant 0 : i32
      %dma_wait3A_307 = arith.constant 0 : i32
      %dma_wait3A_308 = tpu.memref_slice %arg7[%dma_wait3A_306, %dma_wait3A_307] : memref<10000x64xf32, #tpu.memory_space<hbm>> -> memref<16x64xf32, #tpu.memory_space<hbm>>
      tpu.wait_dma2 semaphore(%arg26 : memref<!tpu.dma_semaphore, #tpu.memory_space<semaphore_mem>>) src(%dma_wait3A_308 : memref<16x64xf32, #tpu.memory_space<hbm>>) dst(%dma_wait3A_305 : memref<16x64xf32, #tpu.memory_space<vmem>>)
      %mul3A_309 = arith.constant 16 : i32
      %mul3A_310 = arith.muli %add3A_293, %mul3A_309 : i32
      %get3A_311 = arith.index_cast %mul3A_310 : i32 to index
      %get3A_312 = tpu.vector_load %arg15[%get3A_311] {strides = array<i32>} : memref<10000xi32, #tpu.memory_space<vmem>>, vector<16xi32>,
      %scan3A_313 = arith.constant 0 : i32
      %scan3A_314 = arith.constant 0 : i32
      %scan3A_315 = arith.constant 16 : i32
      %scan3A_316 = arith.addi %scan3A_314, %scan3A_315 : i32
      %scan3A_317 = arith.constant 1 : i32
      scf.for %scan3A_482 = %scan3A_314 to %scan3A_316 step %scan3A_317  : i32 {
        %mul3A_483 = arith.constant 16 : i32
        %mul3A_484 = arith.muli %add3A_293, %mul3A_483 : i32
        %add3A_485 = arith.addi %mul3A_484, %scan3A_482 : i32
        %broadcast_in_dim3A_486 = vector.broadcast %add3A_485 : i32 to vector<16xi32>
        %gather3A = tpu.vector_load_idx %arg17[%broadcast_in_dim3A_486] : memref<10000xf32, #tpu.memory_space<vmem>>[vector<16xi32>], vector<16xf32>,
        %get3A_487 = arith.constant 3 : i32
        %get3A_488 = arith.index_cast %get3A_487 : i32 to index
        %get3A_489 = arith.index_cast %scan3A_482 : i32 to index
        %get3A_490 = arith.constant 0 : index
        %get3A_491 = tpu.vector_load %arg20[%get3A_488, %get3A_489, %get3A_490] {strides = array<i32>} : memref<5x16x64xf32, #tpu.memory_space<vmem>>, vector<16xf32>,
        %mul3A_492 = arith.mulf %get3A_491, %gather3A : vector<16xf32>
        %swap3A = arith.constant 3 : i32
        %swap3A_493 = arith.index_cast %swap3A : i32 to index
        %swap3A_494 = arith.index_cast %scan3A_482 : i32 to index
        %swap3A_495 = arith.constant 0 : index
        %swap3A_496 = tpu.vector_load %arg20[%swap3A_493, %swap3A_494, %swap3A_495] {strides = array<i32>} : memref<5x16x64xf32, #tpu.memory_space<vmem>>, vector<16xf32>,
        tpu.vector_store %arg20[%swap3A_493, %swap3A_494, %swap3A_495], %mul3A_492 {strides = array<i32>} : memref<5x16x64xf32, #tpu.memory_space<vmem>>, vector<16xf32>,
        %get3A_497 = arith.constant 3 : i32
        %get3A_498 = arith.index_cast %get3A_497 : i32 to index
        %get3A_499 = arith.index_cast %scan3A_482 : i32 to index
        %get3A_500 = arith.constant 16 : index
        %get3A_501 = tpu.vector_load %arg20[%get3A_498, %get3A_499, %get3A_500] {strides = array<i32>} : memref<5x16x64xf32, #tpu.memory_space<vmem>>, vector<16xf32>,
        %mul3A_502 = arith.mulf %get3A_501, %gather3A : vector<16xf32>
        %swap3A_503 = arith.constant 3 : i32
        %swap3A_504 = arith.index_cast %swap3A_503 : i32 to index
        %swap3A_505 = arith.index_cast %scan3A_482 : i32 to index
        %swap3A_506 = arith.constant 16 : index
        %swap3A_507 = tpu.vector_load %arg20[%swap3A_504, %swap3A_505, %swap3A_506] {strides = array<i32>} : memref<5x16x64xf32, #tpu.memory_space<vmem>>, vector<16xf32>,
        tpu.vector_store %arg20[%swap3A_504, %swap3A_505, %swap3A_506], %mul3A_502 {strides = array<i32>} : memref<5x16x64xf32, #tpu.memory_space<vmem>>, vector<16xf32>,
        %get3A_508 = arith.constant 3 : i32
        %get3A_509 = arith.index_cast %get3A_508 : i32 to index
        %get3A_510 = arith.index_cast %scan3A_482 : i32 to index
        %get3A_511 = arith.constant 32 : index
        %get3A_512 = tpu.vector_load %arg20[%get3A_509, %get3A_510, %get3A_511] {strides = array<i32>} : memref<5x16x64xf32, #tpu.memory_space<vmem>>, vector<16xf32>,
        %mul3A_513 = arith.mulf %get3A_512, %gather3A : vector<16xf32>
        %swap3A_514 = arith.constant 3 : i32
        %swap3A_515 = arith.index_cast %swap3A_514 : i32 to index
        %swap3A_516 = arith.index_cast %scan3A_482 : i32 to index
        %swap3A_517 = arith.constant 32 : index
        %swap3A_518 = tpu.vector_load %arg20[%swap3A_515, %swap3A_516, %swap3A_517] {strides = array<i32>} : memref<5x16x64xf32, #tpu.memory_space<vmem>>, vector<16xf32>,
        tpu.vector_store %arg20[%swap3A_515, %swap3A_516, %swap3A_517], %mul3A_513 {strides = array<i32>} : memref<5x16x64xf32, #tpu.memory_space<vmem>>, vector<16xf32>,
        %get3A_519 = arith.constant 3 : i32
        %get3A_520 = arith.index_cast %get3A_519 : i32 to index
        %get3A_521 = arith.index_cast %scan3A_482 : i32 to index
        %get3A_522 = arith.constant 48 : index
        %get3A_523 = tpu.vector_load %arg20[%get3A_520, %get3A_521, %get3A_522] {strides = array<i32>} : memref<5x16x64xf32, #tpu.memory_space<vmem>>, vector<16xf32>,
        %mul3A_524 = arith.mulf %get3A_523, %gather3A : vector<16xf32>
        %swap3A_525 = arith.constant 3 : i32
        %swap3A_526 = arith.index_cast %swap3A_525 : i32 to index
        %swap3A_527 = arith.index_cast %scan3A_482 : i32 to index
        %swap3A_528 = arith.constant 48 : index
        %swap3A_529 = tpu.vector_load %arg20[%swap3A_526, %swap3A_527, %swap3A_528] {strides = array<i32>} : memref<5x16x64xf32, #tpu.memory_space<vmem>>, vector<16xf32>,
        tpu.vector_store %arg20[%swap3A_526, %swap3A_527, %swap3A_528], %mul3A_524 {strides = array<i32>} : memref<5x16x64xf32, #tpu.memory_space<vmem>>, vector<16xf32>,
      }
      %scan3A_318 = arith.constant 16 : i32
      %dma_start3A_319 = arith.constant 3 : i32
      %dma_start3A_320 = arith.constant 0 : i32
      %dma_start3A_321 = arith.constant 0 : i32
      %dma_start3A_322 = tpu.memref_slice %arg20[%dma_start3A_319, %dma_start3A_320, %dma_start3A_321] : memref<5x16x64xf32, #tpu.memory_space<vmem>> -> memref<1x16x64xf32, #tpu.memory_space<vmem>>
      %dma_start3A_323 = tpu.memref_squeeze %dma_start3A_322 : memref<1x16x64xf32, #tpu.memory_space<vmem>> -> memref<16x64xf32, #tpu.memory_space<vmem>>
      %dma_start3A_324 = arith.constant 0 : i32
      %dma_start3A_325 = arith.constant 0 : i32
      %dma_start3A_326 = tpu.memref_slice %arg22[%dma_start3A_324, %dma_start3A_325] : memref<10240x64xf32, #tpu.memory_space<vmem_shared>> -> memref<10240x64xf32, #tpu.memory_space<vmem_shared>>
      tpu.enqueue_indirect_dma source(%dma_start3A_323 : memref<16x64xf32, #tpu.memory_space<vmem>>) target(%dma_start3A_326 : memref<10240x64xf32, #tpu.memory_space<vmem_shared>>) offsets(%get3A_312 : vector<16xi32>) semaphore(%arg31 : memref<!tpu.dma_semaphore, #tpu.memory_space<semaphore_mem>>) {add = true}
      %add3A_327 = arith.constant 4 : i32
      %add3A_328 = arith.addi %mul3A_187, %add3A_327 : i32
      %dma_wait3A_329 = arith.constant 4 : i32
      %dma_wait3A_330 = arith.constant 0 : i32
      %dma_wait3A_331 = arith.constant 0 : i32
      %dma_wait3A_332 = tpu.memref_slice %arg20[%dma_wait3A_329, %dma_wait3A_330, %dma_wait3A_331] : memref<5x16x64xf32, #tpu.memory_space<vmem>> -> memref<1x16x64xf32, #tpu.memory_space<vmem>>
      %dma_wait3A_333 = tpu.memref_squeeze %dma_wait3A_332 : memref<1x16x64xf32, #tpu.memory_space<vmem>> -> memref<16x64xf32, #tpu.memory_space<vmem>>
      %dma_wait3A_334 = arith.constant 0 : i32
      %dma_wait3A_335 = arith.constant 0 : i32
      %dma_wait3A_336 = tpu.memref_slice %arg7[%dma_wait3A_334, %dma_wait3A_335] : memref<10000x64xf32, #tpu.memory_space<hbm>> -> memref<16x64xf32, #tpu.memory_space<hbm>>
      %dma_wait3A_337 = arith.constant 0 : i32
      %dma_wait3A_338 = arith.constant 0 : i32
      %dma_wait3A_339 = tpu.memref_slice %arg20[%dma_wait3A_329, %dma_wait3A_337, %dma_wait3A_338] : memref<5x16x64xf32, #tpu.memory_space<vmem>> -> memref<1x16x64xf32, #tpu.memory_space<vmem>>
      %dma_wait3A_340 = tpu.memref_squeeze %dma_wait3A_339 : memref<1x16x64xf32, #tpu.memory_space<vmem>> -> memref<16x64xf32, #tpu.memory_space<vmem>>
      %dma_wait3A_341 = arith.constant 0 : i32
      %dma_wait3A_342 = arith.constant 0 : i32
      %dma_wait3A_343 = tpu.memref_slice %arg7[%dma_wait3A_341, %dma_wait3A_342] : memref<10000x64xf32, #tpu.memory_space<hbm>> -> memref<16x64xf32, #tpu.memory_space<hbm>>
      tpu.wait_dma2 semaphore(%arg27 : memref<!tpu.dma_semaphore, #tpu.memory_space<semaphore_mem>>) src(%dma_wait3A_343 : memref<16x64xf32, #tpu.memory_space<hbm>>) dst(%dma_wait3A_340 : memref<16x64xf32, #tpu.memory_space<vmem>>)
      %mul3A_344 = arith.constant 16 : i32
      %mul3A_345 = arith.muli %add3A_328, %mul3A_344 : i32
      %get3A_346 = arith.index_cast %mul3A_345 : i32 to index
      %get3A_347 = tpu.vector_load %arg15[%get3A_346] {strides = array<i32>} : memref<10000xi32, #tpu.memory_space<vmem>>, vector<16xi32>,
      %scan3A_348 = arith.constant 0 : i32
      %scan3A_349 = arith.constant 0 : i32
      %scan3A_350 = arith.constant 16 : i32
      %scan3A_351 = arith.addi %scan3A_349, %scan3A_350 : i32
      %scan3A_352 = arith.constant 1 : i32
      scf.for %scan3A_482 = %scan3A_349 to %scan3A_351 step %scan3A_352  : i32 {
        %mul3A_483 = arith.constant 16 : i32
        %mul3A_484 = arith.muli %add3A_328, %mul3A_483 : i32
        %add3A_485 = arith.addi %mul3A_484, %scan3A_482 : i32
        %broadcast_in_dim3A_486 = vector.broadcast %add3A_485 : i32 to vector<16xi32>
        %gather3A = tpu.vector_load_idx %arg17[%broadcast_in_dim3A_486] : memref<10000xf32, #tpu.memory_space<vmem>>[vector<16xi32>], vector<16xf32>,
        %get3A_487 = arith.constant 4 : i32
        %get3A_488 = arith.index_cast %get3A_487 : i32 to index
        %get3A_489 = arith.index_cast %scan3A_482 : i32 to index
        %get3A_490 = arith.constant 0 : index
        %get3A_491 = tpu.vector_load %arg20[%get3A_488, %get3A_489, %get3A_490] {strides = array<i32>} : memref<5x16x64xf32, #tpu.memory_space<vmem>>, vector<16xf32>,
        %mul3A_492 = arith.mulf %get3A_491, %gather3A : vector<16xf32>
        %swap3A = arith.constant 4 : i32
        %swap3A_493 = arith.index_cast %swap3A : i32 to index
        %swap3A_494 = arith.index_cast %scan3A_482 : i32 to index
        %swap3A_495 = arith.constant 0 : index
        %swap3A_496 = tpu.vector_load %arg20[%swap3A_493, %swap3A_494, %swap3A_495] {strides = array<i32>} : memref<5x16x64xf32, #tpu.memory_space<vmem>>, vector<16xf32>,
        tpu.vector_store %arg20[%swap3A_493, %swap3A_494, %swap3A_495], %mul3A_492 {strides = array<i32>} : memref<5x16x64xf32, #tpu.memory_space<vmem>>, vector<16xf32>,
        %get3A_497 = arith.constant 4 : i32
        %get3A_498 = arith.index_cast %get3A_497 : i32 to index
        %get3A_499 = arith.index_cast %scan3A_482 : i32 to index
        %get3A_500 = arith.constant 16 : index
        %get3A_501 = tpu.vector_load %arg20[%get3A_498, %get3A_499, %get3A_500] {strides = array<i32>} : memref<5x16x64xf32, #tpu.memory_space<vmem>>, vector<16xf32>,
        %mul3A_502 = arith.mulf %get3A_501, %gather3A : vector<16xf32>
        %swap3A_503 = arith.constant 4 : i32
        %swap3A_504 = arith.index_cast %swap3A_503 : i32 to index
        %swap3A_505 = arith.index_cast %scan3A_482 : i32 to index
        %swap3A_506 = arith.constant 16 : index
        %swap3A_507 = tpu.vector_load %arg20[%swap3A_504, %swap3A_505, %swap3A_506] {strides = array<i32>} : memref<5x16x64xf32, #tpu.memory_space<vmem>>, vector<16xf32>,
        tpu.vector_store %arg20[%swap3A_504, %swap3A_505, %swap3A_506], %mul3A_502 {strides = array<i32>} : memref<5x16x64xf32, #tpu.memory_space<vmem>>, vector<16xf32>,
        %get3A_508 = arith.constant 4 : i32
        %get3A_509 = arith.index_cast %get3A_508 : i32 to index
        %get3A_510 = arith.index_cast %scan3A_482 : i32 to index
        %get3A_511 = arith.constant 32 : index
        %get3A_512 = tpu.vector_load %arg20[%get3A_509, %get3A_510, %get3A_511] {strides = array<i32>} : memref<5x16x64xf32, #tpu.memory_space<vmem>>, vector<16xf32>,
        %mul3A_513 = arith.mulf %get3A_512, %gather3A : vector<16xf32>
        %swap3A_514 = arith.constant 4 : i32
        %swap3A_515 = arith.index_cast %swap3A_514 : i32 to index
        %swap3A_516 = arith.index_cast %scan3A_482 : i32 to index
        %swap3A_517 = arith.constant 32 : index
        %swap3A_518 = tpu.vector_load %arg20[%swap3A_515, %swap3A_516, %swap3A_517] {strides = array<i32>} : memref<5x16x64xf32, #tpu.memory_space<vmem>>, vector<16xf32>,
        tpu.vector_store %arg20[%swap3A_515, %swap3A_516, %swap3A_517], %mul3A_513 {strides = array<i32>} : memref<5x16x64xf32, #tpu.memory_space<vmem>>, vector<16xf32>,
        %get3A_519 = arith.constant 4 : i32
        %get3A_520 = arith.index_cast %get3A_519 : i32 to index
        %get3A_521 = arith.index_cast %scan3A_482 : i32 to index
        %get3A_522 = arith.constant 48 : index
        %get3A_523 = tpu.vector_load %arg20[%get3A_520, %get3A_521, %get3A_522] {strides = array<i32>} : memref<5x16x64xf32, #tpu.memory_space<vmem>>, vector<16xf32>,
        %mul3A_524 = arith.mulf %get3A_523, %gather3A : vector<16xf32>
        %swap3A_525 = arith.constant 4 : i32
        %swap3A_526 = arith.index_cast %swap3A_525 : i32 to index
        %swap3A_527 = arith.index_cast %scan3A_482 : i32 to index
        %swap3A_528 = arith.constant 48 : index
        %swap3A_529 = tpu.vector_load %arg20[%swap3A_526, %swap3A_527, %swap3A_528] {strides = array<i32>} : memref<5x16x64xf32, #tpu.memory_space<vmem>>, vector<16xf32>,
        tpu.vector_store %arg20[%swap3A_526, %swap3A_527, %swap3A_528], %mul3A_524 {strides = array<i32>} : memref<5x16x64xf32, #tpu.memory_space<vmem>>, vector<16xf32>,
      }
      %scan3A_353 = arith.constant 16 : i32
      %dma_start3A_354 = arith.constant 4 : i32
      %dma_start3A_355 = arith.constant 0 : i32
      %dma_start3A_356 = arith.constant 0 : i32
      %dma_start3A_357 = tpu.memref_slice %arg20[%dma_start3A_354, %dma_start3A_355, %dma_start3A_356] : memref<5x16x64xf32, #tpu.memory_space<vmem>> -> memref<1x16x64xf32, #tpu.memory_space<vmem>>
      %dma_start3A_358 = tpu.memref_squeeze %dma_start3A_357 : memref<1x16x64xf32, #tpu.memory_space<vmem>> -> memref<16x64xf32, #tpu.memory_space<vmem>>
      %dma_start3A_359 = arith.constant 0 : i32
      %dma_start3A_360 = arith.constant 0 : i32
      %dma_start3A_361 = tpu.memref_slice %arg22[%dma_start3A_359, %dma_start3A_360] : memref<10240x64xf32, #tpu.memory_space<vmem_shared>> -> memref<10240x64xf32, #tpu.memory_space<vmem_shared>>
      tpu.enqueue_indirect_dma source(%dma_start3A_358 : memref<16x64xf32, #tpu.memory_space<vmem>>) target(%dma_start3A_361 : memref<10240x64xf32, #tpu.memory_space<vmem_shared>>) offsets(%get3A_347 : vector<16xi32>) semaphore(%arg32 : memref<!tpu.dma_semaphore, #tpu.memory_space<semaphore_mem>>) {add = true}
      %add3A_362 = arith.constant 5 : i32
      %add3A_363 = arith.addi %mul3A_187, %add3A_362 : i32
      %add3A_364 = arith.constant 0 : i32
      %add3A_365 = arith.addi %add3A_363, %add3A_364 : i32
      %dma_wait3A_366 = arith.constant 0 : i32
      %dma_wait3A_367 = arith.constant 0 : i32
      %dma_wait3A_368 = arith.constant 0 : i32
      %dma_wait3A_369 = tpu.memref_slice %arg20[%dma_wait3A_366, %dma_wait3A_367, %dma_wait3A_368] : memref<5x16x64xf32, #tpu.memory_space<vmem>> -> memref<1x16x64xf32, #tpu.memory_space<vmem>>
      %dma_wait3A_370 = tpu.memref_squeeze %dma_wait3A_369 : memref<1x16x64xf32, #tpu.memory_space<vmem>> -> memref<16x64xf32, #tpu.memory_space<vmem>>
      %dma_wait3A_371 = arith.constant 0 : i32
      %dma_wait3A_372 = arith.constant 0 : i32
      %dma_wait3A_373 = tpu.memref_slice %arg22[%dma_wait3A_371, %dma_wait3A_372] : memref<10240x64xf32, #tpu.memory_space<vmem_shared>> -> memref<16x64xf32, #tpu.memory_space<vmem_shared>>
      %dma_wait3A_374 = arith.constant 0 : i32
      %dma_wait3A_375 = arith.constant 0 : i32
      %dma_wait3A_376 = tpu.memref_slice %arg22[%dma_wait3A_374, %dma_wait3A_375] : memref<10240x64xf32, #tpu.memory_space<vmem_shared>> -> memref<16x64xf32, #tpu.memory_space<vmem_shared>>
      %dma_wait3A_377 = arith.constant 0 : i32
      %dma_wait3A_378 = arith.constant 0 : i32
      %dma_wait3A_379 = tpu.memref_slice %arg20[%dma_wait3A_366, %dma_wait3A_377, %dma_wait3A_378] : memref<5x16x64xf32, #tpu.memory_space<vmem>> -> memref<1x16x64xf32, #tpu.memory_space<vmem>>
      %dma_wait3A_380 = tpu.memref_squeeze %dma_wait3A_379 : memref<1x16x64xf32, #tpu.memory_space<vmem>> -> memref<16x64xf32, #tpu.memory_space<vmem>>
      tpu.wait_dma2 semaphore(%arg28 : memref<!tpu.dma_semaphore, #tpu.memory_space<semaphore_mem>>) src(%dma_wait3A_380 : memref<16x64xf32, #tpu.memory_space<vmem>>) dst(%dma_wait3A_376 : memref<16x64xf32, #tpu.memory_space<vmem_shared>>)
      %lt3A_381 = arith.constant 625 : i32
      %lt3A_382 = arith.cmpi slt, %add3A_365, %lt3A_381 : i32
      %convert_element_type3A_383 = arith.extui %lt3A_382 : i1 to i32
      %cond3A_384 = arith.constant 0 : i32
      %cond3A_385 = arith.cmpi ne, %convert_element_type3A_383, %cond3A_384 : i32
      scf.if %cond3A_385 {
        %mul3A_482 = arith.constant 16 : i32
        %mul3A_483 = arith.muli %add3A_365, %mul3A_482 : i32
        %get3A_484 = arith.index_cast %mul3A_483 : i32 to index
        %get3A_485 = tpu.vector_load %arg14[%get3A_484] {strides = array<i32>} : memref<10000xi32, #tpu.memory_space<vmem>>, vector<16xi32>,
        %dma_start3A_486 = arith.constant 0 : i32
        %dma_start3A_487 = arith.constant 0 : i32
        %dma_start3A_488 = arith.constant 0 : i32
        %dma_start3A_489 = tpu.memref_slice %arg20[%dma_start3A_486, %dma_start3A_487, %dma_start3A_488] : memref<5x16x64xf32, #tpu.memory_space<vmem>> -> memref<1x16x64xf32, #tpu.memory_space<vmem>>
        %dma_start3A_490 = tpu.memref_squeeze %dma_start3A_489 : memref<1x16x64xf32, #tpu.memory_space<vmem>> -> memref<16x64xf32, #tpu.memory_space<vmem>>
        %dma_start3A_491 = arith.constant 0 : i32
        %dma_start3A_492 = arith.constant 0 : i32
        %dma_start3A_493 = tpu.memref_slice %arg7[%dma_start3A_491, %dma_start3A_492] : memref<10000x64xf32, #tpu.memory_space<hbm>> -> memref<10000x64xf32, #tpu.memory_space<hbm>>
        tpu.enqueue_indirect_dma source(%dma_start3A_493 : memref<10000x64xf32, #tpu.memory_space<hbm>>) target(%dma_start3A_490 : memref<16x64xf32, #tpu.memory_space<vmem>>) offsets(%get3A_485 : vector<16xi32>) semaphore(%arg23 : memref<!tpu.dma_semaphore, #tpu.memory_space<semaphore_mem>>)
      } else {
      }
      %add3A_386 = arith.constant 5 : i32
      %add3A_387 = arith.addi %mul3A_187, %add3A_386 : i32
      %add3A_388 = arith.constant 1 : i32
      %add3A_389 = arith.addi %add3A_387, %add3A_388 : i32
      %dma_wait3A_390 = arith.constant 1 : i32
      %dma_wait3A_391 = arith.constant 0 : i32
      %dma_wait3A_392 = arith.constant 0 : i32
      %dma_wait3A_393 = tpu.memref_slice %arg20[%dma_wait3A_390, %dma_wait3A_391, %dma_wait3A_392] : memref<5x16x64xf32, #tpu.memory_space<vmem>> -> memref<1x16x64xf32, #tpu.memory_space<vmem>>
      %dma_wait3A_394 = tpu.memref_squeeze %dma_wait3A_393 : memref<1x16x64xf32, #tpu.memory_space<vmem>> -> memref<16x64xf32, #tpu.memory_space<vmem>>
      %dma_wait3A_395 = arith.constant 0 : i32
      %dma_wait3A_396 = arith.constant 0 : i32
      %dma_wait3A_397 = tpu.memref_slice %arg22[%dma_wait3A_395, %dma_wait3A_396] : memref<10240x64xf32, #tpu.memory_space<vmem_shared>> -> memref<16x64xf32, #tpu.memory_space<vmem_shared>>
      %dma_wait3A_398 = arith.constant 0 : i32
      %dma_wait3A_399 = arith.constant 0 : i32
      %dma_wait3A_400 = tpu.memref_slice %arg22[%dma_wait3A_398, %dma_wait3A_399] : memref<10240x64xf32, #tpu.memory_space<vmem_shared>> -> memref<16x64xf32, #tpu.memory_space<vmem_shared>>
      %dma_wait3A_401 = arith.constant 0 : i32
      %dma_wait3A_402 = arith.constant 0 : i32
      %dma_wait3A_403 = tpu.memref_slice %arg20[%dma_wait3A_390, %dma_wait3A_401, %dma_wait3A_402] : memref<5x16x64xf32, #tpu.memory_space<vmem>> -> memref<1x16x64xf32, #tpu.memory_space<vmem>>
      %dma_wait3A_404 = tpu.memref_squeeze %dma_wait3A_403 : memref<1x16x64xf32, #tpu.memory_space<vmem>> -> memref<16x64xf32, #tpu.memory_space<vmem>>
      tpu.wait_dma2 semaphore(%arg29 : memref<!tpu.dma_semaphore, #tpu.memory_space<semaphore_mem>>) src(%dma_wait3A_404 : memref<16x64xf32, #tpu.memory_space<vmem>>) dst(%dma_wait3A_400 : memref<16x64xf32, #tpu.memory_space<vmem_shared>>)
      %lt3A_405 = arith.constant 625 : i32
      %lt3A_406 = arith.cmpi slt, %add3A_389, %lt3A_405 : i32
      %convert_element_type3A_407 = arith.extui %lt3A_406 : i1 to i32
      %cond3A_408 = arith.constant 0 : i32
      %cond3A_409 = arith.cmpi ne, %convert_element_type3A_407, %cond3A_408 : i32
      scf.if %cond3A_409 {
        %mul3A_482 = arith.constant 16 : i32
        %mul3A_483 = arith.muli %add3A_389, %mul3A_482 : i32
        %get3A_484 = arith.index_cast %mul3A_483 : i32 to index
        %get3A_485 = tpu.vector_load %arg14[%get3A_484] {strides = array<i32>} : memref<10000xi32, #tpu.memory_space<vmem>>, vector<16xi32>,
        %dma_start3A_486 = arith.constant 1 : i32
        %dma_start3A_487 = arith.constant 0 : i32
        %dma_start3A_488 = arith.constant 0 : i32
        %dma_start3A_489 = tpu.memref_slice %arg20[%dma_start3A_486, %dma_start3A_487, %dma_start3A_488] : memref<5x16x64xf32, #tpu.memory_space<vmem>> -> memref<1x16x64xf32, #tpu.memory_space<vmem>>
        %dma_start3A_490 = tpu.memref_squeeze %dma_start3A_489 : memref<1x16x64xf32, #tpu.memory_space<vmem>> -> memref<16x64xf32, #tpu.memory_space<vmem>>
        %dma_start3A_491 = arith.constant 0 : i32
        %dma_start3A_492 = arith.constant 0 : i32
        %dma_start3A_493 = tpu.memref_slice %arg7[%dma_start3A_491, %dma_start3A_492] : memref<10000x64xf32, #tpu.memory_space<hbm>> -> memref<10000x64xf32, #tpu.memory_space<hbm>>
        tpu.enqueue_indirect_dma source(%dma_start3A_493 : memref<10000x64xf32, #tpu.memory_space<hbm>>) target(%dma_start3A_490 : memref<16x64xf32, #tpu.memory_space<vmem>>) offsets(%get3A_485 : vector<16xi32>) semaphore(%arg24 : memref<!tpu.dma_semaphore, #tpu.memory_space<semaphore_mem>>)
      } else {
      }
      %add3A_410 = arith.constant 5 : i32
      %add3A_411 = arith.addi %mul3A_187, %add3A_410 : i32
      %add3A_412 = arith.constant 2 : i32
      %add3A_413 = arith.addi %add3A_411, %add3A_412 : i32
      %dma_wait3A_414 = arith.constant 2 : i32
      %dma_wait3A_415 = arith.constant 0 : i32
      %dma_wait3A_416 = arith.constant 0 : i32
      %dma_wait3A_417 = tpu.memref_slice %arg20[%dma_wait3A_414, %dma_wait3A_415, %dma_wait3A_416] : memref<5x16x64xf32, #tpu.memory_space<vmem>> -> memref<1x16x64xf32, #tpu.memory_space<vmem>>
      %dma_wait3A_418 = tpu.memref_squeeze %dma_wait3A_417 : memref<1x16x64xf32, #tpu.memory_space<vmem>> -> memref<16x64xf32, #tpu.memory_space<vmem>>
      %dma_wait3A_419 = arith.constant 0 : i32
      %dma_wait3A_420 = arith.constant 0 : i32
      %dma_wait3A_421 = tpu.memref_slice %arg22[%dma_wait3A_419, %dma_wait3A_420] : memref<10240x64xf32, #tpu.memory_space<vmem_shared>> -> memref<16x64xf32, #tpu.memory_space<vmem_shared>>
      %dma_wait3A_422 = arith.constant 0 : i32
      %dma_wait3A_423 = arith.constant 0 : i32
      %dma_wait3A_424 = tpu.memref_slice %arg22[%dma_wait3A_422, %dma_wait3A_423] : memref<10240x64xf32, #tpu.memory_space<vmem_shared>> -> memref<16x64xf32, #tpu.memory_space<vmem_shared>>
      %dma_wait3A_425 = arith.constant 0 : i32
      %dma_wait3A_426 = arith.constant 0 : i32
      %dma_wait3A_427 = tpu.memref_slice %arg20[%dma_wait3A_414, %dma_wait3A_425, %dma_wait3A_426] : memref<5x16x64xf32, #tpu.memory_space<vmem>> -> memref<1x16x64xf32, #tpu.memory_space<vmem>>
      %dma_wait3A_428 = tpu.memref_squeeze %dma_wait3A_427 : memref<1x16x64xf32, #tpu.memory_space<vmem>> -> memref<16x64xf32, #tpu.memory_space<vmem>>
      tpu.wait_dma2 semaphore(%arg30 : memref<!tpu.dma_semaphore, #tpu.memory_space<semaphore_mem>>) src(%dma_wait3A_428 : memref<16x64xf32, #tpu.memory_space<vmem>>) dst(%dma_wait3A_424 : memref<16x64xf32, #tpu.memory_space<vmem_shared>>)
      %lt3A_429 = arith.constant 625 : i32
      %lt3A_430 = arith.cmpi slt, %add3A_413, %lt3A_429 : i32
      %convert_element_type3A_431 = arith.extui %lt3A_430 : i1 to i32
      %cond3A_432 = arith.constant 0 : i32
      %cond3A_433 = arith.cmpi ne, %convert_element_type3A_431, %cond3A_432 : i32
      scf.if %cond3A_433 {
        %mul3A_482 = arith.constant 16 : i32
        %mul3A_483 = arith.muli %add3A_413, %mul3A_482 : i32
        %get3A_484 = arith.index_cast %mul3A_483 : i32 to index
        %get3A_485 = tpu.vector_load %arg14[%get3A_484] {strides = array<i32>} : memref<10000xi32, #tpu.memory_space<vmem>>, vector<16xi32>,
        %dma_start3A_486 = arith.constant 2 : i32
        %dma_start3A_487 = arith.constant 0 : i32
        %dma_start3A_488 = arith.constant 0 : i32
        %dma_start3A_489 = tpu.memref_slice %arg20[%dma_start3A_486, %dma_start3A_487, %dma_start3A_488] : memref<5x16x64xf32, #tpu.memory_space<vmem>> -> memref<1x16x64xf32, #tpu.memory_space<vmem>>
        %dma_start3A_490 = tpu.memref_squeeze %dma_start3A_489 : memref<1x16x64xf32, #tpu.memory_space<vmem>> -> memref<16x64xf32, #tpu.memory_space<vmem>>
        %dma_start3A_491 = arith.constant 0 : i32
        %dma_start3A_492 = arith.constant 0 : i32
        %dma_start3A_493 = tpu.memref_slice %arg7[%dma_start3A_491, %dma_start3A_492] : memref<10000x64xf32, #tpu.memory_space<hbm>> -> memref<10000x64xf32, #tpu.memory_space<hbm>>
        tpu.enqueue_indirect_dma source(%dma_start3A_493 : memref<10000x64xf32, #tpu.memory_space<hbm>>) target(%dma_start3A_490 : memref<16x64xf32, #tpu.memory_space<vmem>>) offsets(%get3A_485 : vector<16xi32>) semaphore(%arg25 : memref<!tpu.dma_semaphore, #tpu.memory_space<semaphore_mem>>)
      } else {
      }
      %add3A_434 = arith.constant 5 : i32
      %add3A_435 = arith.addi %mul3A_187, %add3A_434 : i32
      %add3A_436 = arith.constant 3 : i32
      %add3A_437 = arith.addi %add3A_435, %add3A_436 : i32
      %dma_wait3A_438 = arith.constant 3 : i32
      %dma_wait3A_439 = arith.constant 0 : i32
      %dma_wait3A_440 = arith.constant 0 : i32
      %dma_wait3A_441 = tpu.memref_slice %arg20[%dma_wait3A_438, %dma_wait3A_439, %dma_wait3A_440] : memref<5x16x64xf32, #tpu.memory_space<vmem>> -> memref<1x16x64xf32, #tpu.memory_space<vmem>>
      %dma_wait3A_442 = tpu.memref_squeeze %dma_wait3A_441 : memref<1x16x64xf32, #tpu.memory_space<vmem>> -> memref<16x64xf32, #tpu.memory_space<vmem>>
      %dma_wait3A_443 = arith.constant 0 : i32
      %dma_wait3A_444 = arith.constant 0 : i32
      %dma_wait3A_445 = tpu.memref_slice %arg22[%dma_wait3A_443, %dma_wait3A_444] : memref<10240x64xf32, #tpu.memory_space<vmem_shared>> -> memref<16x64xf32, #tpu.memory_space<vmem_shared>>
      %dma_wait3A_446 = arith.constant 0 : i32
      %dma_wait3A_447 = arith.constant 0 : i32
      %dma_wait3A_448 = tpu.memref_slice %arg22[%dma_wait3A_446, %dma_wait3A_447] : memref<10240x64xf32, #tpu.memory_space<vmem_shared>> -> memref<16x64xf32, #tpu.memory_space<vmem_shared>>
      %dma_wait3A_449 = arith.constant 0 : i32
      %dma_wait3A_450 = arith.constant 0 : i32
      %dma_wait3A_451 = tpu.memref_slice %arg20[%dma_wait3A_438, %dma_wait3A_449, %dma_wait3A_450] : memref<5x16x64xf32, #tpu.memory_space<vmem>> -> memref<1x16x64xf32, #tpu.memory_space<vmem>>
      %dma_wait3A_452 = tpu.memref_squeeze %dma_wait3A_451 : memref<1x16x64xf32, #tpu.memory_space<vmem>> -> memref<16x64xf32, #tpu.memory_space<vmem>>
      tpu.wait_dma2 semaphore(%arg31 : memref<!tpu.dma_semaphore, #tpu.memory_space<semaphore_mem>>) src(%dma_wait3A_452 : memref<16x64xf32, #tpu.memory_space<vmem>>) dst(%dma_wait3A_448 : memref<16x64xf32, #tpu.memory_space<vmem_shared>>)
      %lt3A_453 = arith.constant 625 : i32
      %lt3A_454 = arith.cmpi slt, %add3A_437, %lt3A_453 : i32
      %convert_element_type3A_455 = arith.extui %lt3A_454 : i1 to i32
      %cond3A_456 = arith.constant 0 : i32
      %cond3A_457 = arith.cmpi ne, %convert_element_type3A_455, %cond3A_456 : i32
      scf.if %cond3A_457 {
        %mul3A_482 = arith.constant 16 : i32
        %mul3A_483 = arith.muli %add3A_437, %mul3A_482 : i32
        %get3A_484 = arith.index_cast %mul3A_483 : i32 to index
        %get3A_485 = tpu.vector_load %arg14[%get3A_484] {strides = array<i32>} : memref<10000xi32, #tpu.memory_space<vmem>>, vector<16xi32>,
        %dma_start3A_486 = arith.constant 3 : i32
        %dma_start3A_487 = arith.constant 0 : i32
        %dma_start3A_488 = arith.constant 0 : i32
        %dma_start3A_489 = tpu.memref_slice %arg20[%dma_start3A_486, %dma_start3A_487, %dma_start3A_488] : memref<5x16x64xf32, #tpu.memory_space<vmem>> -> memref<1x16x64xf32, #tpu.memory_space<vmem>>
        %dma_start3A_490 = tpu.memref_squeeze %dma_start3A_489 : memref<1x16x64xf32, #tpu.memory_space<vmem>> -> memref<16x64xf32, #tpu.memory_space<vmem>>
        %dma_start3A_491 = arith.constant 0 : i32
        %dma_start3A_492 = arith.constant 0 : i32
        %dma_start3A_493 = tpu.memref_slice %arg7[%dma_start3A_491, %dma_start3A_492] : memref<10000x64xf32, #tpu.memory_space<hbm>> -> memref<10000x64xf32, #tpu.memory_space<hbm>>
        tpu.enqueue_indirect_dma source(%dma_start3A_493 : memref<10000x64xf32, #tpu.memory_space<hbm>>) target(%dma_start3A_490 : memref<16x64xf32, #tpu.memory_space<vmem>>) offsets(%get3A_485 : vector<16xi32>) semaphore(%arg26 : memref<!tpu.dma_semaphore, #tpu.memory_space<semaphore_mem>>)
      } else {
      }
      %add3A_458 = arith.constant 5 : i32
      %add3A_459 = arith.addi %mul3A_187, %add3A_458 : i32
      %add3A_460 = arith.constant 4 : i32
      %add3A_461 = arith.addi %add3A_459, %add3A_460 : i32
      %dma_wait3A_462 = arith.constant 4 : i32
      %dma_wait3A_463 = arith.constant 0 : i32
      %dma_wait3A_464 = arith.constant 0 : i32
      %dma_wait3A_465 = tpu.memref_slice %arg20[%dma_wait3A_462, %dma_wait3A_463, %dma_wait3A_464] : memref<5x16x64xf32, #tpu.memory_space<vmem>> -> memref<1x16x64xf32, #tpu.memory_space<vmem>>
      %dma_wait3A_466 = tpu.memref_squeeze %dma_wait3A_465 : memref<1x16x64xf32, #tpu.memory_space<vmem>> -> memref<16x64xf32, #tpu.memory_space<vmem>>
      %dma_wait3A_467 = arith.constant 0 : i32
      %dma_wait3A_468 = arith.constant 0 : i32
      %dma_wait3A_469 = tpu.memref_slice %arg22[%dma_wait3A_467, %dma_wait3A_468] : memref<10240x64xf32, #tpu.memory_space<vmem_shared>> -> memref<16x64xf32, #tpu.memory_space<vmem_shared>>
      %dma_wait3A_470 = arith.constant 0 : i32
      %dma_wait3A_471 = arith.constant 0 : i32
      %dma_wait3A_472 = tpu.memref_slice %arg22[%dma_wait3A_470, %dma_wait3A_471] : memref<10240x64xf32, #tpu.memory_space<vmem_shared>> -> memref<16x64xf32, #tpu.memory_space<vmem_shared>>
      %dma_wait3A_473 = arith.constant 0 : i32
      %dma_wait3A_474 = arith.constant 0 : i32
      %dma_wait3A_475 = tpu.memref_slice %arg20[%dma_wait3A_462, %dma_wait3A_473, %dma_wait3A_474] : memref<5x16x64xf32, #tpu.memory_space<vmem>> -> memref<1x16x64xf32, #tpu.memory_space<vmem>>
      %dma_wait3A_476 = tpu.memref_squeeze %dma_wait3A_475 : memref<1x16x64xf32, #tpu.memory_space<vmem>> -> memref<16x64xf32, #tpu.memory_space<vmem>>
      tpu.wait_dma2 semaphore(%arg32 : memref<!tpu.dma_semaphore, #tpu.memory_space<semaphore_mem>>) src(%dma_wait3A_476 : memref<16x64xf32, #tpu.memory_space<vmem>>) dst(%dma_wait3A_472 : memref<16x64xf32, #tpu.memory_space<vmem_shared>>)
      %lt3A_477 = arith.constant 625 : i32
      %lt3A_478 = arith.cmpi slt, %add3A_461, %lt3A_477 : i32
      %convert_element_type3A_479 = arith.extui %lt3A_478 : i1 to i32
      %cond3A_480 = arith.constant 0 : i32
      %cond3A_481 = arith.cmpi ne, %convert_element_type3A_479, %cond3A_480 : i32
      scf.if %cond3A_481 {
        %mul3A_482 = arith.constant 16 : i32
        %mul3A_483 = arith.muli %add3A_461, %mul3A_482 : i32
        %get3A_484 = arith.index_cast %mul3A_483 : i32 to index
        %get3A_485 = tpu.vector_load %arg14[%get3A_484] {strides = array<i32>} : memref<10000xi32, #tpu.memory_space<vmem>>, vector<16xi32>,
        %dma_start3A_486 = arith.constant 4 : i32
        %dma_start3A_487 = arith.constant 0 : i32
        %dma_start3A_488 = arith.constant 0 : i32
        %dma_start3A_489 = tpu.memref_slice %arg20[%dma_start3A_486, %dma_start3A_487, %dma_start3A_488] : memref<5x16x64xf32, #tpu.memory_space<vmem>> -> memref<1x16x64xf32, #tpu.memory_space<vmem>>
        %dma_start3A_490 = tpu.memref_squeeze %dma_start3A_489 : memref<1x16x64xf32, #tpu.memory_space<vmem>> -> memref<16x64xf32, #tpu.memory_space<vmem>>
        %dma_start3A_491 = arith.constant 0 : i32
        %dma_start3A_492 = arith.constant 0 : i32
        %dma_start3A_493 = tpu.memref_slice %arg7[%dma_start3A_491, %dma_start3A_492] : memref<10000x64xf32, #tpu.memory_space<hbm>> -> memref<10000x64xf32, #tpu.memory_space<hbm>>
        tpu.enqueue_indirect_dma source(%dma_start3A_493 : memref<10000x64xf32, #tpu.memory_space<hbm>>) target(%dma_start3A_490 : memref<16x64xf32, #tpu.memory_space<vmem>>) offsets(%get3A_485 : vector<16xi32>) semaphore(%arg27 : memref<!tpu.dma_semaphore, #tpu.memory_space<semaphore_mem>>)
      } else {
      }
    }
    %scan3A_99 = arith.constant 125 : i32
    %barrier3A_100 = arith.constant 0 : index
    tpu.barrier barrier_id(%barrier3A_100)
    %lt3A = arith.constant 15 : i32
    %lt3A_101 = arith.cmpi slt, %arg1, %lt3A : i32
    %convert_element_type3A = arith.extui %lt3A_101 : i1 to i32
    %cond3A = arith.constant 0 : i32
    %cond3A_102 = arith.cmpi ne, %convert_element_type3A, %cond3A : i32
    scf.if %cond3A_102 {
      "tpu.region"() ({
        %run_scoped3A = tpu.sem_alloc : memref<!tpu.dma_semaphore, #tpu.memory_space<semaphore_mem>>
        %dma_start3A_185 = arith.constant 0 : i32
        %dma_start3A_186 = tpu.memref_slice %arg9[%arg0, %mul3A_4, %dma_start3A_185] : memref<2x10000x64xf32, #tpu.memory_space<hbm>> -> memref<1x640x64xf32, #tpu.memory_space<hbm>>
        %dma_start3A_187 = tpu.memref_squeeze %dma_start3A_186 : memref<1x640x64xf32, #tpu.memory_space<hbm>> -> memref<640x64xf32, #tpu.memory_space<hbm>>
        %dma_start3A_188 = arith.constant 0 : i32
        %dma_start3A_189 = tpu.memref_slice %arg22[%mul3A_4, %dma_start3A_188] : memref<10240x64xf32, #tpu.memory_space<vmem_shared>> -> memref<640x64xf32, #tpu.memory_space<vmem_shared>>
        tpu.enqueue_dma source(%dma_start3A_189 : memref<640x64xf32, #tpu.memory_space<vmem_shared>>) target(%dma_start3A_187 : memref<640x64xf32, #tpu.memory_space<hbm>>) target_semaphore(%run_scoped3A : memref<!tpu.dma_semaphore, #tpu.memory_space<semaphore_mem>>)
        %dma_wait3A = arith.constant 0 : i32
        %dma_wait3A_190 = tpu.memref_slice %arg9[%arg0, %mul3A_4, %dma_wait3A] : memref<2x10000x64xf32, #tpu.memory_space<hbm>> -> memref<1x640x64xf32, #tpu.memory_space<hbm>>
        %dma_wait3A_191 = tpu.memref_squeeze %dma_wait3A_190 : memref<1x640x64xf32, #tpu.memory_space<hbm>> -> memref<640x64xf32, #tpu.memory_space<hbm>>
        %dma_wait3A_192 = arith.constant 0 : i32
        %dma_wait3A_193 = tpu.memref_slice %arg22[%mul3A_4, %dma_wait3A_192] : memref<10240x64xf32, #tpu.memory_space<vmem_shared>> -> memref<640x64xf32, #tpu.memory_space<vmem_shared>>
        tpu.wait_dma2 semaphore(%run_scoped3A : memref<!tpu.dma_semaphore, #tpu.memory_space<semaphore_mem>>) src(%dma_wait3A_193 : memref<640x64xf32, #tpu.memory_space<vmem_shared>>) dst(%dma_wait3A_191 : memref<640x64xf32, #tpu.memory_space<hbm>>)
        tpu.yield
      }) : () -> ()
    } else {
    }
    %eq3A = arith.constant 15 : i32
    %eq3A_103 = arith.cmpi eq, %arg1, %eq3A : i32
    %convert_element_type3A_104 = arith.extui %eq3A_103 : i1 to i32
    %cond3A_105 = arith.constant 0 : i32
    %cond3A_106 = arith.cmpi ne, %convert_element_type3A_104, %cond3A_105 : i32
    scf.if %cond3A_106 {
      "tpu.region"() ({
        %run_scoped3A = tpu.sem_alloc : memref<!tpu.dma_semaphore, #tpu.memory_space<semaphore_mem>>
        %dma_start3A_185 = arith.constant 9600 : i32
        %dma_start3A_186 = arith.constant 0 : i32
        %dma_start3A_187 = tpu.memref_slice %arg9[%arg0, %dma_start3A_185, %dma_start3A_186] : memref<2x10000x64xf32, #tpu.memory_space<hbm>> -> memref<1x400x64xf32, #tpu.memory_space<hbm>>
        %dma_start3A_188 = tpu.memref_squeeze %dma_start3A_187 : memref<1x400x64xf32, #tpu.memory_space<hbm>> -> memref<400x64xf32, #tpu.memory_space<hbm>>
        %dma_start3A_189 = arith.constant 9600 : i32
        %dma_start3A_190 = arith.constant 0 : i32
        %dma_start3A_191 = tpu.memref_slice %arg22[%dma_start3A_189, %dma_start3A_190] : memref<10240x64xf32, #tpu.memory_space<vmem_shared>> -> memref<400x64xf32, #tpu.memory_space<vmem_shared>>
        tpu.enqueue_dma source(%dma_start3A_191 : memref<400x64xf32, #tpu.memory_space<vmem_shared>>) target(%dma_start3A_188 : memref<400x64xf32, #tpu.memory_space<hbm>>) target_semaphore(%run_scoped3A : memref<!tpu.dma_semaphore, #tpu.memory_space<semaphore_mem>>)
        %dma_wait3A = arith.constant 9600 : i32
        %dma_wait3A_192 = arith.constant 0 : i32
        %dma_wait3A_193 = tpu.memref_slice %arg9[%arg0, %dma_wait3A, %dma_wait3A_192] : memref<2x10000x64xf32, #tpu.memory_space<hbm>> -> memref<1x400x64xf32, #tpu.memory_space<hbm>>
        %dma_wait3A_194 = tpu.memref_squeeze %dma_wait3A_193 : memref<1x400x64xf32, #tpu.memory_space<hbm>> -> memref<400x64xf32, #tpu.memory_space<hbm>>
        %dma_wait3A_195 = arith.constant 9600 : i32
        %dma_wait3A_196 = arith.constant 0 : i32
        %dma_wait3A_197 = tpu.memref_slice %arg22[%dma_wait3A_195, %dma_wait3A_196] : memref<10240x64xf32, #tpu.memory_space<vmem_shared>> -> memref<400x64xf32, #tpu.memory_space<vmem_shared>>
        tpu.wait_dma2 semaphore(%run_scoped3A : memref<!tpu.dma_semaphore, #tpu.memory_space<semaphore_mem>>) src(%dma_wait3A_197 : memref<400x64xf32, #tpu.memory_space<vmem_shared>>) dst(%dma_wait3A_194 : memref<400x64xf32, #tpu.memory_space<hbm>>)
        tpu.yield
      }) : () -> ()
    } else {
    }
    %add3A_107 = arith.constant 0 : i32
    %add3A_108 = arith.addi %mul3A_4, %add3A_107 : i32
    "tpu.region"() ({
      %run_scoped3A = tpu.sem_alloc : memref<!tpu.dma_semaphore, #tpu.memory_space<semaphore_mem>>
      %dma_start3A_185 = arith.constant 0 : i32
      %dma_start3A_186 = tpu.memref_slice %arg22[%add3A_108, %dma_start3A_185] : memref<10240x64xf32, #tpu.memory_space<vmem_shared>> -> memref<128x64xf32, #tpu.memory_space<vmem_shared>>
      %dma_start3A_187 = arith.constant 0 : i32
      %dma_start3A_188 = tpu.memref_slice %arg22[%add3A_108, %dma_start3A_187] : memref<10240x64xf32, #tpu.memory_space<vmem_shared>> -> memref<128x64xf32, #tpu.memory_space<vmem_shared>>
      tpu.enqueue_dma source(%arg19 : memref<128x64xf32, #tpu.memory_space<vmem>>) target(%dma_start3A_188 : memref<128x64xf32, #tpu.memory_space<vmem_shared>>) target_semaphore(%run_scoped3A : memref<!tpu.dma_semaphore, #tpu.memory_space<semaphore_mem>>)
      %dma_wait3A = arith.constant 0 : i32
      %dma_wait3A_189 = tpu.memref_slice %arg22[%add3A_108, %dma_wait3A] : memref<10240x64xf32, #tpu.memory_space<vmem_shared>> -> memref<128x64xf32, #tpu.memory_space<vmem_shared>>
      %dma_wait3A_190 = arith.constant 0 : i32
      %dma_wait3A_191 = tpu.memref_slice %arg22[%add3A_108, %dma_wait3A_190] : memref<10240x64xf32, #tpu.memory_space<vmem_shared>> -> memref<128x64xf32, #tpu.memory_space<vmem_shared>>
      tpu.wait_dma2 semaphore(%run_scoped3A : memref<!tpu.dma_semaphore, #tpu.memory_space<semaphore_mem>>) src(%arg19 : memref<128x64xf32, #tpu.memory_space<vmem>>) dst(%dma_wait3A_191 : memref<128x64xf32, #tpu.memory_space<vmem_shared>>)
      tpu.yield
    }) : () -> ()
    %add3A_109 = arith.constant 128 : i32
    %add3A_110 = arith.addi %mul3A_4, %add3A_109 : i32
    "tpu.region"() ({
      %run_scoped3A = tpu.sem_alloc : memref<!tpu.dma_semaphore, #tpu.memory_space<semaphore_mem>>
      %dma_start3A_185 = arith.constant 0 : i32
      %dma_start3A_186 = tpu.memref_slice %arg22[%add3A_110, %dma_start3A_185] : memref<10240x64xf32, #tpu.memory_space<vmem_shared>> -> memref<128x64xf32, #tpu.memory_space<vmem_shared>>
      %dma_start3A_187 = arith.constant 0 : i32
      %dma_start3A_188 = tpu.memref_slice %arg22[%add3A_110, %dma_start3A_187] : memref<10240x64xf32, #tpu.memory_space<vmem_shared>> -> memref<128x64xf32, #tpu.memory_space<vmem_shared>>
      tpu.enqueue_dma source(%arg19 : memref<128x64xf32, #tpu.memory_space<vmem>>) target(%dma_start3A_188 : memref<128x64xf32, #tpu.memory_space<vmem_shared>>) target_semaphore(%run_scoped3A : memref<!tpu.dma_semaphore, #tpu.memory_space<semaphore_mem>>)
      %dma_wait3A = arith.constant 0 : i32
      %dma_wait3A_189 = tpu.memref_slice %arg22[%add3A_110, %dma_wait3A] : memref<10240x64xf32, #tpu.memory_space<vmem_shared>> -> memref<128x64xf32, #tpu.memory_space<vmem_shared>>
      %dma_wait3A_190 = arith.constant 0 : i32
      %dma_wait3A_191 = tpu.memref_slice %arg22[%add3A_110, %dma_wait3A_190] : memref<10240x64xf32, #tpu.memory_space<vmem_shared>> -> memref<128x64xf32, #tpu.memory_space<vmem_shared>>
      tpu.wait_dma2 semaphore(%run_scoped3A : memref<!tpu.dma_semaphore, #tpu.memory_space<semaphore_mem>>) src(%arg19 : memref<128x64xf32, #tpu.memory_space<vmem>>) dst(%dma_wait3A_191 : memref<128x64xf32, #tpu.memory_space<vmem_shared>>)
      tpu.yield
    }) : () -> ()
    %add3A_111 = arith.constant 256 : i32
    %add3A_112 = arith.addi %mul3A_4, %add3A_111 : i32
    "tpu.region"() ({
      %run_scoped3A = tpu.sem_alloc : memref<!tpu.dma_semaphore, #tpu.memory_space<semaphore_mem>>
      %dma_start3A_185 = arith.constant 0 : i32
      %dma_start3A_186 = tpu.memref_slice %arg22[%add3A_112, %dma_start3A_185] : memref<10240x64xf32, #tpu.memory_space<vmem_shared>> -> memref<128x64xf32, #tpu.memory_space<vmem_shared>>
      %dma_start3A_187 = arith.constant 0 : i32
      %dma_start3A_188 = tpu.memref_slice %arg22[%add3A_112, %dma_start3A_187] : memref<10240x64xf32, #tpu.memory_space<vmem_shared>> -> memref<128x64xf32, #tpu.memory_space<vmem_shared>>
      tpu.enqueue_dma source(%arg19 : memref<128x64xf32, #tpu.memory_space<vmem>>) target(%dma_start3A_188 : memref<128x64xf32, #tpu.memory_space<vmem_shared>>) target_semaphore(%run_scoped3A : memref<!tpu.dma_semaphore, #tpu.memory_space<semaphore_mem>>)
      %dma_wait3A = arith.constant 0 : i32
      %dma_wait3A_189 = tpu.memref_slice %arg22[%add3A_112, %dma_wait3A] : memref<10240x64xf32, #tpu.memory_space<vmem_shared>> -> memref<128x64xf32, #tpu.memory_space<vmem_shared>>
      %dma_wait3A_190 = arith.constant 0 : i32
      %dma_wait3A_191 = tpu.memref_slice %arg22[%add3A_112, %dma_wait3A_190] : memref<10240x64xf32, #tpu.memory_space<vmem_shared>> -> memref<128x64xf32, #tpu.memory_space<vmem_shared>>
      tpu.wait_dma2 semaphore(%run_scoped3A : memref<!tpu.dma_semaphore, #tpu.memory_space<semaphore_mem>>) src(%arg19 : memref<128x64xf32, #tpu.memory_space<vmem>>) dst(%dma_wait3A_191 : memref<128x64xf32, #tpu.memory_space<vmem_shared>>)
      tpu.yield
    }) : () -> ()
    %add3A_113 = arith.constant 384 : i32
    %add3A_114 = arith.addi %mul3A_4, %add3A_113 : i32
    "tpu.region"() ({
      %run_scoped3A = tpu.sem_alloc : memref<!tpu.dma_semaphore, #tpu.memory_space<semaphore_mem>>
      %dma_start3A_185 = arith.constant 0 : i32
      %dma_start3A_186 = tpu.memref_slice %arg22[%add3A_114, %dma_start3A_185] : memref<10240x64xf32, #tpu.memory_space<vmem_shared>> -> memref<128x64xf32, #tpu.memory_space<vmem_shared>>
      %dma_start3A_187 = arith.constant 0 : i32
      %dma_start3A_188 = tpu.memref_slice %arg22[%add3A_114, %dma_start3A_187] : memref<10240x64xf32, #tpu.memory_space<vmem_shared>> -> memref<128x64xf32, #tpu.memory_space<vmem_shared>>
      tpu.enqueue_dma source(%arg19 : memref<128x64xf32, #tpu.memory_space<vmem>>) target(%dma_start3A_188 : memref<128x64xf32, #tpu.memory_space<vmem_shared>>) target_semaphore(%run_scoped3A : memref<!tpu.dma_semaphore, #tpu.memory_space<semaphore_mem>>)
      %dma_wait3A = arith.constant 0 : i32
      %dma_wait3A_189 = tpu.memref_slice %arg22[%add3A_114, %dma_wait3A] : memref<10240x64xf32, #tpu.memory_space<vmem_shared>> -> memref<128x64xf32, #tpu.memory_space<vmem_shared>>
      %dma_wait3A_190 = arith.constant 0 : i32
      %dma_wait3A_191 = tpu.memref_slice %arg22[%add3A_114, %dma_wait3A_190] : memref<10240x64xf32, #tpu.memory_space<vmem_shared>> -> memref<128x64xf32, #tpu.memory_space<vmem_shared>>
      tpu.wait_dma2 semaphore(%run_scoped3A : memref<!tpu.dma_semaphore, #tpu.memory_space<semaphore_mem>>) src(%arg19 : memref<128x64xf32, #tpu.memory_space<vmem>>) dst(%dma_wait3A_191 : memref<128x64xf32, #tpu.memory_space<vmem_shared>>)
      tpu.yield
    }) : () -> ()
    %add3A_115 = arith.constant 512 : i32
    %add3A_116 = arith.addi %mul3A_4, %add3A_115 : i32
    "tpu.region"() ({
      %run_scoped3A = tpu.sem_alloc : memref<!tpu.dma_semaphore, #tpu.memory_space<semaphore_mem>>
      %dma_start3A_185 = arith.constant 0 : i32
      %dma_start3A_186 = tpu.memref_slice %arg22[%add3A_116, %dma_start3A_185] : memref<10240x64xf32, #tpu.memory_space<vmem_shared>> -> memref<128x64xf32, #tpu.memory_space<vmem_shared>>
      %dma_start3A_187 = arith.constant 0 : i32
      %dma_start3A_188 = tpu.memref_slice %arg22[%add3A_116, %dma_start3A_187] : memref<10240x64xf32, #tpu.memory_space<vmem_shared>> -> memref<128x64xf32, #tpu.memory_space<vmem_shared>>
      tpu.enqueue_dma source(%arg19 : memref<128x64xf32, #tpu.memory_space<vmem>>) target(%dma_start3A_188 : memref<128x64xf32, #tpu.memory_space<vmem_shared>>) target_semaphore(%run_scoped3A : memref<!tpu.dma_semaphore, #tpu.memory_space<semaphore_mem>>)
      %dma_wait3A = arith.constant 0 : i32
      %dma_wait3A_189 = tpu.memref_slice %arg22[%add3A_116, %dma_wait3A] : memref<10240x64xf32, #tpu.memory_space<vmem_shared>> -> memref<128x64xf32, #tpu.memory_space<vmem_shared>>
      %dma_wait3A_190 = arith.constant 0 : i32
      %dma_wait3A_191 = tpu.memref_slice %arg22[%add3A_116, %dma_wait3A_190] : memref<10240x64xf32, #tpu.memory_space<vmem_shared>> -> memref<128x64xf32, #tpu.memory_space<vmem_shared>>
      tpu.wait_dma2 semaphore(%run_scoped3A : memref<!tpu.dma_semaphore, #tpu.memory_space<semaphore_mem>>) src(%arg19 : memref<128x64xf32, #tpu.memory_space<vmem>>) dst(%dma_wait3A_191 : memref<128x64xf32, #tpu.memory_space<vmem_shared>>)
      tpu.yield
    }) : () -> ()
    %barrier3A_117 = arith.constant 0 : index
    tpu.barrier barrier_id(%barrier3A_117)
    %get3A_118 = arith.constant 0 : index
    %get3A_119 = tpu.vector_load %arg14[%get3A_118] {strides = array<i32>} : memref<10000xi32, #tpu.memory_space<vmem>>, vector<16xi32>,
    %dma_start3A_120 = arith.constant 0 : i32
    %dma_start3A_121 = arith.constant 0 : i32
    %dma_start3A_122 = arith.constant 0 : i32
    %dma_start3A_123 = tpu.memref_slice %arg20[%dma_start3A_120, %dma_start3A_121, %dma_start3A_122] : memref<5x16x64xf32, #tpu.memory_space<vmem>> -> memref<1x16x64xf32, #tpu.memory_space<vmem>>
    %dma_start3A_124 = tpu.memref_squeeze %dma_start3A_123 : memref<1x16x64xf32, #tpu.memory_space<vmem>> -> memref<16x64xf32, #tpu.memory_space<vmem>>
    %dma_start3A_125 = arith.constant 0 : i32
    %dma_start3A_126 = arith.constant 0 : i32
    %dma_start3A_127 = tpu.memref_slice %arg8[%dma_start3A_125, %dma_start3A_126] : memref<10000x64xf32, #tpu.memory_space<hbm>> -> memref<10000x64xf32, #tpu.memory_space<hbm>>
    tpu.enqueue_indirect_dma source(%dma_start3A_127 : memref<10000x64xf32, #tpu.memory_space<hbm>>) target(%dma_start3A_124 : memref<16x64xf32, #tpu.memory_space<vmem>>) offsets(%get3A_119 : vector<16xi32>) semaphore(%arg23 : memref<!tpu.dma_semaphore, #tpu.memory_space<semaphore_mem>>)
    %get3A_128 = arith.constant 16 : index
    %get3A_129 = tpu.vector_load %arg14[%get3A_128] {strides = array<i32>} : memref<10000xi32, #tpu.memory_space<vmem>>, vector<16xi32>,
    %dma_start3A_130 = arith.constant 1 : i32
    %dma_start3A_131 = arith.constant 0 : i32
    %dma_start3A_132 = arith.constant 0 : i32
    %dma_start3A_133 = tpu.memref_slice %arg20[%dma_start3A_130, %dma_start3A_131, %dma_start3A_132] : memref<5x16x64xf32, #tpu.memory_space<vmem>> -> memref<1x16x64xf32, #tpu.memory_space<vmem>>
    %dma_start3A_134 = tpu.memref_squeeze %dma_start3A_133 : memref<1x16x64xf32, #tpu.memory_space<vmem>> -> memref<16x64xf32, #tpu.memory_space<vmem>>
    %dma_start3A_135 = arith.constant 0 : i32
    %dma_start3A_136 = arith.constant 0 : i32
    %dma_start3A_137 = tpu.memref_slice %arg8[%dma_start3A_135, %dma_start3A_136] : memref<10000x64xf32, #tpu.memory_space<hbm>> -> memref<10000x64xf32, #tpu.memory_space<hbm>>
    tpu.enqueue_indirect_dma source(%dma_start3A_137 : memref<10000x64xf32, #tpu.memory_space<hbm>>) target(%dma_start3A_134 : memref<16x64xf32, #tpu.memory_space<vmem>>) offsets(%get3A_129 : vector<16xi32>) semaphore(%arg24 : memref<!tpu.dma_semaphore, #tpu.memory_space<semaphore_mem>>)
    %get3A_138 = arith.constant 32 : index
    %get3A_139 = tpu.vector_load %arg14[%get3A_138] {strides = array<i32>} : memref<10000xi32, #tpu.memory_space<vmem>>, vector<16xi32>,
    %dma_start3A_140 = arith.constant 2 : i32
    %dma_start3A_141 = arith.constant 0 : i32
    %dma_start3A_142 = arith.constant 0 : i32
    %dma_start3A_143 = tpu.memref_slice %arg20[%dma_start3A_140, %dma_start3A_141, %dma_start3A_142] : memref<5x16x64xf32, #tpu.memory_space<vmem>> -> memref<1x16x64xf32, #tpu.memory_space<vmem>>
    %dma_start3A_144 = tpu.memref_squeeze %dma_start3A_143 : memref<1x16x64xf32, #tpu.memory_space<vmem>> -> memref<16x64xf32, #tpu.memory_space<vmem>>
    %dma_start3A_145 = arith.constant 0 : i32
    %dma_start3A_146 = arith.constant 0 : i32
    %dma_start3A_147 = tpu.memref_slice %arg8[%dma_start3A_145, %dma_start3A_146] : memref<10000x64xf32, #tpu.memory_space<hbm>> -> memref<10000x64xf32, #tpu.memory_space<hbm>>
    tpu.enqueue_indirect_dma source(%dma_start3A_147 : memref<10000x64xf32, #tpu.memory_space<hbm>>) target(%dma_start3A_144 : memref<16x64xf32, #tpu.memory_space<vmem>>) offsets(%get3A_139 : vector<16xi32>) semaphore(%arg25 : memref<!tpu.dma_semaphore, #tpu.memory_space<semaphore_mem>>)
    %get3A_148 = arith.constant 48 : index
    %get3A_149 = tpu.vector_load %arg14[%get3A_148] {strides = array<i32>} : memref<10000xi32, #tpu.memory_space<vmem>>, vector<16xi32>,
    %dma_start3A_150 = arith.constant 3 : i32
    %dma_start3A_151 = arith.constant 0 : i32
    %dma_start3A_152 = arith.constant 0 : i32
    %dma_start3A_153 = tpu.memref_slice %arg20[%dma_start3A_150, %dma_start3A_151, %dma_start3A_152] : memref<5x16x64xf32, #tpu.memory_space<vmem>> -> memref<1x16x64xf32, #tpu.memory_space<vmem>>
    %dma_start3A_154 = tpu.memref_squeeze %dma_start3A_153 : memref<1x16x64xf32, #tpu.memory_space<vmem>> -> memref<16x64xf32, #tpu.memory_space<vmem>>
    %dma_start3A_155 = arith.constant 0 : i32
    %dma_start3A_156 = arith.constant 0 : i32
    %dma_start3A_157 = tpu.memref_slice %arg8[%dma_start3A_155, %dma_start3A_156] : memref<10000x64xf32, #tpu.memory_space<hbm>> -> memref<10000x64xf32, #tpu.memory_space<hbm>>
    tpu.enqueue_indirect_dma source(%dma_start3A_157 : memref<10000x64xf32, #tpu.memory_space<hbm>>) target(%dma_start3A_154 : memref<16x64xf32, #tpu.memory_space<vmem>>) offsets(%get3A_149 : vector<16xi32>) semaphore(%arg26 : memref<!tpu.dma_semaphore, #tpu.memory_space<semaphore_mem>>)
    %get3A_158 = arith.constant 64 : index
    %get3A_159 = tpu.vector_load %arg14[%get3A_158] {strides = array<i32>} : memref<10000xi32, #tpu.memory_space<vmem>>, vector<16xi32>,
    %dma_start3A_160 = arith.constant 4 : i32
    %dma_start3A_161 = arith.constant 0 : i32
    %dma_start3A_162 = arith.constant 0 : i32
    %dma_start3A_163 = tpu.memref_slice %arg20[%dma_start3A_160, %dma_start3A_161, %dma_start3A_162] : memref<5x16x64xf32, #tpu.memory_space<vmem>> -> memref<1x16x64xf32, #tpu.memory_space<vmem>>
    %dma_start3A_164 = tpu.memref_squeeze %dma_start3A_163 : memref<1x16x64xf32, #tpu.memory_space<vmem>> -> memref<16x64xf32, #tpu.memory_space<vmem>>
    %dma_start3A_165 = arith.constant 0 : i32
    %dma_start3A_166 = arith.constant 0 : i32
    %dma_start3A_167 = tpu.memref_slice %arg8[%dma_start3A_165, %dma_start3A_166] : memref<10000x64xf32, #tpu.memory_space<hbm>> -> memref<10000x64xf32, #tpu.memory_space<hbm>>
    tpu.enqueue_indirect_dma source(%dma_start3A_167 : memref<10000x64xf32, #tpu.memory_space<hbm>>) target(%dma_start3A_164 : memref<16x64xf32, #tpu.memory_space<vmem>>) offsets(%get3A_159 : vector<16xi32>) semaphore(%arg27 : memref<!tpu.dma_semaphore, #tpu.memory_space<semaphore_mem>>)
    %scan3A_168 = arith.constant 0 : i32
    %scan3A_169 = arith.constant 0 : i32
    %scan3A_170 = arith.constant 125 : i32
    %scan3A_171 = arith.addi %scan3A_169, %scan3A_170 : i32
    %scan3A_172 = arith.constant 1 : i32
    scf.for %scan3A_185 = %scan3A_169 to %scan3A_171 step %scan3A_172  : i32 {
      %mul3A_186 = arith.constant 5 : i32
      %mul3A_187 = arith.muli %scan3A_185, %mul3A_186 : i32
      %add3A_188 = arith.constant 0 : i32
      %add3A_189 = arith.addi %mul3A_187, %add3A_188 : i32
      %dma_wait3A = arith.constant 0 : i32
      %dma_wait3A_190 = arith.constant 0 : i32
      %dma_wait3A_191 = arith.constant 0 : i32
      %dma_wait3A_192 = tpu.memref_slice %arg20[%dma_wait3A, %dma_wait3A_190, %dma_wait3A_191] : memref<5x16x64xf32, #tpu.memory_space<vmem>> -> memref<1x16x64xf32, #tpu.memory_space<vmem>>
      %dma_wait3A_193 = tpu.memref_squeeze %dma_wait3A_192 : memref<1x16x64xf32, #tpu.memory_space<vmem>> -> memref<16x64xf32, #tpu.memory_space<vmem>>
      %dma_wait3A_194 = arith.constant 0 : i32
      %dma_wait3A_195 = arith.constant 0 : i32
      %dma_wait3A_196 = tpu.memref_slice %arg8[%dma_wait3A_194, %dma_wait3A_195] : memref<10000x64xf32, #tpu.memory_space<hbm>> -> memref<16x64xf32, #tpu.memory_space<hbm>>
      %dma_wait3A_197 = arith.constant 0 : i32
      %dma_wait3A_198 = arith.constant 0 : i32
      %dma_wait3A_199 = tpu.memref_slice %arg20[%dma_wait3A, %dma_wait3A_197, %dma_wait3A_198] : memref<5x16x64xf32, #tpu.memory_space<vmem>> -> memref<1x16x64xf32, #tpu.memory_space<vmem>>
      %dma_wait3A_200 = tpu.memref_squeeze %dma_wait3A_199 : memref<1x16x64xf32, #tpu.memory_space<vmem>> -> memref<16x64xf32, #tpu.memory_space<vmem>>
      %dma_wait3A_201 = arith.constant 0 : i32
      %dma_wait3A_202 = arith.constant 0 : i32
      %dma_wait3A_203 = tpu.memref_slice %arg8[%dma_wait3A_201, %dma_wait3A_202] : memref<10000x64xf32, #tpu.memory_space<hbm>> -> memref<16x64xf32, #tpu.memory_space<hbm>>
      tpu.wait_dma2 semaphore(%arg23 : memref<!tpu.dma_semaphore, #tpu.memory_space<semaphore_mem>>) src(%dma_wait3A_203 : memref<16x64xf32, #tpu.memory_space<hbm>>) dst(%dma_wait3A_200 : memref<16x64xf32, #tpu.memory_space<vmem>>)
      %mul3A_204 = arith.constant 16 : i32
      %mul3A_205 = arith.muli %add3A_189, %mul3A_204 : i32
      %get3A_206 = arith.index_cast %mul3A_205 : i32 to index
      %get3A_207 = tpu.vector_load %arg15[%get3A_206] {strides = array<i32>} : memref<10000xi32, #tpu.memory_space<vmem>>, vector<16xi32>,
      %scan3A_208 = arith.constant 0 : i32
      %scan3A_209 = arith.constant 0 : i32
      %scan3A_210 = arith.constant 16 : i32
      %scan3A_211 = arith.addi %scan3A_209, %scan3A_210 : i32
      %scan3A_212 = arith.constant 1 : i32
      scf.for %scan3A_482 = %scan3A_209 to %scan3A_211 step %scan3A_212  : i32 {
        %mul3A_483 = arith.constant 16 : i32
        %mul3A_484 = arith.muli %add3A_189, %mul3A_483 : i32
        %add3A_485 = arith.addi %mul3A_484, %scan3A_482 : i32
        %broadcast_in_dim3A_486 = vector.broadcast %add3A_485 : i32 to vector<16xi32>
        %gather3A = tpu.vector_load_idx %arg17[%broadcast_in_dim3A_486] : memref<10000xf32, #tpu.memory_space<vmem>>[vector<16xi32>], vector<16xf32>,
        %get3A_487 = arith.constant 0 : i32
        %get3A_488 = arith.index_cast %get3A_487 : i32 to index
        %get3A_489 = arith.index_cast %scan3A_482 : i32 to index
        %get3A_490 = arith.constant 0 : index
        %get3A_491 = tpu.vector_load %arg20[%get3A_488, %get3A_489, %get3A_490] {strides = array<i32>} : memref<5x16x64xf32, #tpu.memory_space<vmem>>, vector<16xf32>,
        %mul3A_492 = arith.mulf %get3A_491, %gather3A : vector<16xf32>
        %swap3A = arith.constant 0 : i32
        %swap3A_493 = arith.index_cast %swap3A : i32 to index
        %swap3A_494 = arith.index_cast %scan3A_482 : i32 to index
        %swap3A_495 = arith.constant 0 : index
        %swap3A_496 = tpu.vector_load %arg20[%swap3A_493, %swap3A_494, %swap3A_495] {strides = array<i32>} : memref<5x16x64xf32, #tpu.memory_space<vmem>>, vector<16xf32>,
        tpu.vector_store %arg20[%swap3A_493, %swap3A_494, %swap3A_495], %mul3A_492 {strides = array<i32>} : memref<5x16x64xf32, #tpu.memory_space<vmem>>, vector<16xf32>,
        %get3A_497 = arith.constant 0 : i32
        %get3A_498 = arith.index_cast %get3A_497 : i32 to index
        %get3A_499 = arith.index_cast %scan3A_482 : i32 to index
        %get3A_500 = arith.constant 16 : index
        %get3A_501 = tpu.vector_load %arg20[%get3A_498, %get3A_499, %get3A_500] {strides = array<i32>} : memref<5x16x64xf32, #tpu.memory_space<vmem>>, vector<16xf32>,
        %mul3A_502 = arith.mulf %get3A_501, %gather3A : vector<16xf32>
        %swap3A_503 = arith.constant 0 : i32
        %swap3A_504 = arith.index_cast %swap3A_503 : i32 to index
        %swap3A_505 = arith.index_cast %scan3A_482 : i32 to index
        %swap3A_506 = arith.constant 16 : index
        %swap3A_507 = tpu.vector_load %arg20[%swap3A_504, %swap3A_505, %swap3A_506] {strides = array<i32>} : memref<5x16x64xf32, #tpu.memory_space<vmem>>, vector<16xf32>,
        tpu.vector_store %arg20[%swap3A_504, %swap3A_505, %swap3A_506], %mul3A_502 {strides = array<i32>} : memref<5x16x64xf32, #tpu.memory_space<vmem>>, vector<16xf32>,
        %get3A_508 = arith.constant 0 : i32
        %get3A_509 = arith.index_cast %get3A_508 : i32 to index
        %get3A_510 = arith.index_cast %scan3A_482 : i32 to index
        %get3A_511 = arith.constant 32 : index
        %get3A_512 = tpu.vector_load %arg20[%get3A_509, %get3A_510, %get3A_511] {strides = array<i32>} : memref<5x16x64xf32, #tpu.memory_space<vmem>>, vector<16xf32>,
        %mul3A_513 = arith.mulf %get3A_512, %gather3A : vector<16xf32>
        %swap3A_514 = arith.constant 0 : i32
        %swap3A_515 = arith.index_cast %swap3A_514 : i32 to index
        %swap3A_516 = arith.index_cast %scan3A_482 : i32 to index
        %swap3A_517 = arith.constant 32 : index
        %swap3A_518 = tpu.vector_load %arg20[%swap3A_515, %swap3A_516, %swap3A_517] {strides = array<i32>} : memref<5x16x64xf32, #tpu.memory_space<vmem>>, vector<16xf32>,
        tpu.vector_store %arg20[%swap3A_515, %swap3A_516, %swap3A_517], %mul3A_513 {strides = array<i32>} : memref<5x16x64xf32, #tpu.memory_space<vmem>>, vector<16xf32>,
        %get3A_519 = arith.constant 0 : i32
        %get3A_520 = arith.index_cast %get3A_519 : i32 to index
        %get3A_521 = arith.index_cast %scan3A_482 : i32 to index
        %get3A_522 = arith.constant 48 : index
        %get3A_523 = tpu.vector_load %arg20[%get3A_520, %get3A_521, %get3A_522] {strides = array<i32>} : memref<5x16x64xf32, #tpu.memory_space<vmem>>, vector<16xf32>,
        %mul3A_524 = arith.mulf %get3A_523, %gather3A : vector<16xf32>
        %swap3A_525 = arith.constant 0 : i32
        %swap3A_526 = arith.index_cast %swap3A_525 : i32 to index
        %swap3A_527 = arith.index_cast %scan3A_482 : i32 to index
        %swap3A_528 = arith.constant 48 : index
        %swap3A_529 = tpu.vector_load %arg20[%swap3A_526, %swap3A_527, %swap3A_528] {strides = array<i32>} : memref<5x16x64xf32, #tpu.memory_space<vmem>>, vector<16xf32>,
        tpu.vector_store %arg20[%swap3A_526, %swap3A_527, %swap3A_528], %mul3A_524 {strides = array<i32>} : memref<5x16x64xf32, #tpu.memory_space<vmem>>, vector<16xf32>,
      }
      %scan3A_213 = arith.constant 16 : i32
      %dma_start3A_214 = arith.constant 0 : i32
      %dma_start3A_215 = arith.constant 0 : i32
      %dma_start3A_216 = arith.constant 0 : i32
      %dma_start3A_217 = tpu.memref_slice %arg20[%dma_start3A_214, %dma_start3A_215, %dma_start3A_216] : memref<5x16x64xf32, #tpu.memory_space<vmem>> -> memref<1x16x64xf32, #tpu.memory_space<vmem>>
      %dma_start3A_218 = tpu.memref_squeeze %dma_start3A_217 : memref<1x16x64xf32, #tpu.memory_space<vmem>> -> memref<16x64xf32, #tpu.memory_space<vmem>>
      %dma_start3A_219 = arith.constant 0 : i32
      %dma_start3A_220 = arith.constant 0 : i32
      %dma_start3A_221 = tpu.memref_slice %arg22[%dma_start3A_219, %dma_start3A_220] : memref<10240x64xf32, #tpu.memory_space<vmem_shared>> -> memref<10240x64xf32, #tpu.memory_space<vmem_shared>>
      tpu.enqueue_indirect_dma source(%dma_start3A_218 : memref<16x64xf32, #tpu.memory_space<vmem>>) target(%dma_start3A_221 : memref<10240x64xf32, #tpu.memory_space<vmem_shared>>) offsets(%get3A_207 : vector<16xi32>) semaphore(%arg28 : memref<!tpu.dma_semaphore, #tpu.memory_space<semaphore_mem>>) {add = true}
      %add3A_222 = arith.constant 1 : i32
      %add3A_223 = arith.addi %mul3A_187, %add3A_222 : i32
      %dma_wait3A_224 = arith.constant 1 : i32
      %dma_wait3A_225 = arith.constant 0 : i32
      %dma_wait3A_226 = arith.constant 0 : i32
      %dma_wait3A_227 = tpu.memref_slice %arg20[%dma_wait3A_224, %dma_wait3A_225, %dma_wait3A_226] : memref<5x16x64xf32, #tpu.memory_space<vmem>> -> memref<1x16x64xf32, #tpu.memory_space<vmem>>
      %dma_wait3A_228 = tpu.memref_squeeze %dma_wait3A_227 : memref<1x16x64xf32, #tpu.memory_space<vmem>> -> memref<16x64xf32, #tpu.memory_space<vmem>>
      %dma_wait3A_229 = arith.constant 0 : i32
      %dma_wait3A_230 = arith.constant 0 : i32
      %dma_wait3A_231 = tpu.memref_slice %arg8[%dma_wait3A_229, %dma_wait3A_230] : memref<10000x64xf32, #tpu.memory_space<hbm>> -> memref<16x64xf32, #tpu.memory_space<hbm>>
      %dma_wait3A_232 = arith.constant 0 : i32
      %dma_wait3A_233 = arith.constant 0 : i32
      %dma_wait3A_234 = tpu.memref_slice %arg20[%dma_wait3A_224, %dma_wait3A_232, %dma_wait3A_233] : memref<5x16x64xf32, #tpu.memory_space<vmem>> -> memref<1x16x64xf32, #tpu.memory_space<vmem>>
      %dma_wait3A_235 = tpu.memref_squeeze %dma_wait3A_234 : memref<1x16x64xf32, #tpu.memory_space<vmem>> -> memref<16x64xf32, #tpu.memory_space<vmem>>
      %dma_wait3A_236 = arith.constant 0 : i32
      %dma_wait3A_237 = arith.constant 0 : i32
      %dma_wait3A_238 = tpu.memref_slice %arg8[%dma_wait3A_236, %dma_wait3A_237] : memref<10000x64xf32, #tpu.memory_space<hbm>> -> memref<16x64xf32, #tpu.memory_space<hbm>>
      tpu.wait_dma2 semaphore(%arg24 : memref<!tpu.dma_semaphore, #tpu.memory_space<semaphore_mem>>) src(%dma_wait3A_238 : memref<16x64xf32, #tpu.memory_space<hbm>>) dst(%dma_wait3A_235 : memref<16x64xf32, #tpu.memory_space<vmem>>)
      %mul3A_239 = arith.constant 16 : i32
      %mul3A_240 = arith.muli %add3A_223, %mul3A_239 : i32
      %get3A_241 = arith.index_cast %mul3A_240 : i32 to index
      %get3A_242 = tpu.vector_load %arg15[%get3A_241] {strides = array<i32>} : memref<10000xi32, #tpu.memory_space<vmem>>, vector<16xi32>,
      %scan3A_243 = arith.constant 0 : i32
      %scan3A_244 = arith.constant 0 : i32
      %scan3A_245 = arith.constant 16 : i32
      %scan3A_246 = arith.addi %scan3A_244, %scan3A_245 : i32
      %scan3A_247 = arith.constant 1 : i32
      scf.for %scan3A_482 = %scan3A_244 to %scan3A_246 step %scan3A_247  : i32 {
        %mul3A_483 = arith.constant 16 : i32
        %mul3A_484 = arith.muli %add3A_223, %mul3A_483 : i32
        %add3A_485 = arith.addi %mul3A_484, %scan3A_482 : i32
        %broadcast_in_dim3A_486 = vector.broadcast %add3A_485 : i32 to vector<16xi32>
        %gather3A = tpu.vector_load_idx %arg17[%broadcast_in_dim3A_486] : memref<10000xf32, #tpu.memory_space<vmem>>[vector<16xi32>], vector<16xf32>,
        %get3A_487 = arith.constant 1 : i32
        %get3A_488 = arith.index_cast %get3A_487 : i32 to index
        %get3A_489 = arith.index_cast %scan3A_482 : i32 to index
        %get3A_490 = arith.constant 0 : index
        %get3A_491 = tpu.vector_load %arg20[%get3A_488, %get3A_489, %get3A_490] {strides = array<i32>} : memref<5x16x64xf32, #tpu.memory_space<vmem>>, vector<16xf32>,
        %mul3A_492 = arith.mulf %get3A_491, %gather3A : vector<16xf32>
        %swap3A = arith.constant 1 : i32
        %swap3A_493 = arith.index_cast %swap3A : i32 to index
        %swap3A_494 = arith.index_cast %scan3A_482 : i32 to index
        %swap3A_495 = arith.constant 0 : index
        %swap3A_496 = tpu.vector_load %arg20[%swap3A_493, %swap3A_494, %swap3A_495] {strides = array<i32>} : memref<5x16x64xf32, #tpu.memory_space<vmem>>, vector<16xf32>,
        tpu.vector_store %arg20[%swap3A_493, %swap3A_494, %swap3A_495], %mul3A_492 {strides = array<i32>} : memref<5x16x64xf32, #tpu.memory_space<vmem>>, vector<16xf32>,
        %get3A_497 = arith.constant 1 : i32
        %get3A_498 = arith.index_cast %get3A_497 : i32 to index
        %get3A_499 = arith.index_cast %scan3A_482 : i32 to index
        %get3A_500 = arith.constant 16 : index
        %get3A_501 = tpu.vector_load %arg20[%get3A_498, %get3A_499, %get3A_500] {strides = array<i32>} : memref<5x16x64xf32, #tpu.memory_space<vmem>>, vector<16xf32>,
        %mul3A_502 = arith.mulf %get3A_501, %gather3A : vector<16xf32>
        %swap3A_503 = arith.constant 1 : i32
        %swap3A_504 = arith.index_cast %swap3A_503 : i32 to index
        %swap3A_505 = arith.index_cast %scan3A_482 : i32 to index
        %swap3A_506 = arith.constant 16 : index
        %swap3A_507 = tpu.vector_load %arg20[%swap3A_504, %swap3A_505, %swap3A_506] {strides = array<i32>} : memref<5x16x64xf32, #tpu.memory_space<vmem>>, vector<16xf32>,
        tpu.vector_store %arg20[%swap3A_504, %swap3A_505, %swap3A_506], %mul3A_502 {strides = array<i32>} : memref<5x16x64xf32, #tpu.memory_space<vmem>>, vector<16xf32>,
        %get3A_508 = arith.constant 1 : i32
        %get3A_509 = arith.index_cast %get3A_508 : i32 to index
        %get3A_510 = arith.index_cast %scan3A_482 : i32 to index
        %get3A_511 = arith.constant 32 : index
        %get3A_512 = tpu.vector_load %arg20[%get3A_509, %get3A_510, %get3A_511] {strides = array<i32>} : memref<5x16x64xf32, #tpu.memory_space<vmem>>, vector<16xf32>,
        %mul3A_513 = arith.mulf %get3A_512, %gather3A : vector<16xf32>
        %swap3A_514 = arith.constant 1 : i32
        %swap3A_515 = arith.index_cast %swap3A_514 : i32 to index
        %swap3A_516 = arith.index_cast %scan3A_482 : i32 to index
        %swap3A_517 = arith.constant 32 : index
        %swap3A_518 = tpu.vector_load %arg20[%swap3A_515, %swap3A_516, %swap3A_517] {strides = array<i32>} : memref<5x16x64xf32, #tpu.memory_space<vmem>>, vector<16xf32>,
        tpu.vector_store %arg20[%swap3A_515, %swap3A_516, %swap3A_517], %mul3A_513 {strides = array<i32>} : memref<5x16x64xf32, #tpu.memory_space<vmem>>, vector<16xf32>,
        %get3A_519 = arith.constant 1 : i32
        %get3A_520 = arith.index_cast %get3A_519 : i32 to index
        %get3A_521 = arith.index_cast %scan3A_482 : i32 to index
        %get3A_522 = arith.constant 48 : index
        %get3A_523 = tpu.vector_load %arg20[%get3A_520, %get3A_521, %get3A_522] {strides = array<i32>} : memref<5x16x64xf32, #tpu.memory_space<vmem>>, vector<16xf32>,
        %mul3A_524 = arith.mulf %get3A_523, %gather3A : vector<16xf32>
        %swap3A_525 = arith.constant 1 : i32
        %swap3A_526 = arith.index_cast %swap3A_525 : i32 to index
        %swap3A_527 = arith.index_cast %scan3A_482 : i32 to index
        %swap3A_528 = arith.constant 48 : index
        %swap3A_529 = tpu.vector_load %arg20[%swap3A_526, %swap3A_527, %swap3A_528] {strides = array<i32>} : memref<5x16x64xf32, #tpu.memory_space<vmem>>, vector<16xf32>,
        tpu.vector_store %arg20[%swap3A_526, %swap3A_527, %swap3A_528], %mul3A_524 {strides = array<i32>} : memref<5x16x64xf32, #tpu.memory_space<vmem>>, vector<16xf32>,
      }
      %scan3A_248 = arith.constant 16 : i32
      %dma_start3A_249 = arith.constant 1 : i32
      %dma_start3A_250 = arith.constant 0 : i32
      %dma_start3A_251 = arith.constant 0 : i32
      %dma_start3A_252 = tpu.memref_slice %arg20[%dma_start3A_249, %dma_start3A_250, %dma_start3A_251] : memref<5x16x64xf32, #tpu.memory_space<vmem>> -> memref<1x16x64xf32, #tpu.memory_space<vmem>>
      %dma_start3A_253 = tpu.memref_squeeze %dma_start3A_252 : memref<1x16x64xf32, #tpu.memory_space<vmem>> -> memref<16x64xf32, #tpu.memory_space<vmem>>
      %dma_start3A_254 = arith.constant 0 : i32
      %dma_start3A_255 = arith.constant 0 : i32
      %dma_start3A_256 = tpu.memref_slice %arg22[%dma_start3A_254, %dma_start3A_255] : memref<10240x64xf32, #tpu.memory_space<vmem_shared>> -> memref<10240x64xf32, #tpu.memory_space<vmem_shared>>
      tpu.enqueue_indirect_dma source(%dma_start3A_253 : memref<16x64xf32, #tpu.memory_space<vmem>>) target(%dma_start3A_256 : memref<10240x64xf32, #tpu.memory_space<vmem_shared>>) offsets(%get3A_242 : vector<16xi32>) semaphore(%arg29 : memref<!tpu.dma_semaphore, #tpu.memory_space<semaphore_mem>>) {add = true}
      %add3A_257 = arith.constant 2 : i32
      %add3A_258 = arith.addi %mul3A_187, %add3A_257 : i32
      %dma_wait3A_259 = arith.constant 2 : i32
      %dma_wait3A_260 = arith.constant 0 : i32
      %dma_wait3A_261 = arith.constant 0 : i32
      %dma_wait3A_262 = tpu.memref_slice %arg20[%dma_wait3A_259, %dma_wait3A_260, %dma_wait3A_261] : memref<5x16x64xf32, #tpu.memory_space<vmem>> -> memref<1x16x64xf32, #tpu.memory_space<vmem>>
      %dma_wait3A_263 = tpu.memref_squeeze %dma_wait3A_262 : memref<1x16x64xf32, #tpu.memory_space<vmem>> -> memref<16x64xf32, #tpu.memory_space<vmem>>
      %dma_wait3A_264 = arith.constant 0 : i32
      %dma_wait3A_265 = arith.constant 0 : i32
      %dma_wait3A_266 = tpu.memref_slice %arg8[%dma_wait3A_264, %dma_wait3A_265] : memref<10000x64xf32, #tpu.memory_space<hbm>> -> memref<16x64xf32, #tpu.memory_space<hbm>>
      %dma_wait3A_267 = arith.constant 0 : i32
      %dma_wait3A_268 = arith.constant 0 : i32
      %dma_wait3A_269 = tpu.memref_slice %arg20[%dma_wait3A_259, %dma_wait3A_267, %dma_wait3A_268] : memref<5x16x64xf32, #tpu.memory_space<vmem>> -> memref<1x16x64xf32, #tpu.memory_space<vmem>>
      %dma_wait3A_270 = tpu.memref_squeeze %dma_wait3A_269 : memref<1x16x64xf32, #tpu.memory_space<vmem>> -> memref<16x64xf32, #tpu.memory_space<vmem>>
      %dma_wait3A_271 = arith.constant 0 : i32
      %dma_wait3A_272 = arith.constant 0 : i32
      %dma_wait3A_273 = tpu.memref_slice %arg8[%dma_wait3A_271, %dma_wait3A_272] : memref<10000x64xf32, #tpu.memory_space<hbm>> -> memref<16x64xf32, #tpu.memory_space<hbm>>
      tpu.wait_dma2 semaphore(%arg25 : memref<!tpu.dma_semaphore, #tpu.memory_space<semaphore_mem>>) src(%dma_wait3A_273 : memref<16x64xf32, #tpu.memory_space<hbm>>) dst(%dma_wait3A_270 : memref<16x64xf32, #tpu.memory_space<vmem>>)
      %mul3A_274 = arith.constant 16 : i32
      %mul3A_275 = arith.muli %add3A_258, %mul3A_274 : i32
      %get3A_276 = arith.index_cast %mul3A_275 : i32 to index
      %get3A_277 = tpu.vector_load %arg15[%get3A_276] {strides = array<i32>} : memref<10000xi32, #tpu.memory_space<vmem>>, vector<16xi32>,
      %scan3A_278 = arith.constant 0 : i32
      %scan3A_279 = arith.constant 0 : i32
      %scan3A_280 = arith.constant 16 : i32
      %scan3A_281 = arith.addi %scan3A_279, %scan3A_280 : i32
      %scan3A_282 = arith.constant 1 : i32
      scf.for %scan3A_482 = %scan3A_279 to %scan3A_281 step %scan3A_282  : i32 {
        %mul3A_483 = arith.constant 16 : i32
        %mul3A_484 = arith.muli %add3A_258, %mul3A_483 : i32
        %add3A_485 = arith.addi %mul3A_484, %scan3A_482 : i32
        %broadcast_in_dim3A_486 = vector.broadcast %add3A_485 : i32 to vector<16xi32>
        %gather3A = tpu.vector_load_idx %arg17[%broadcast_in_dim3A_486] : memref<10000xf32, #tpu.memory_space<vmem>>[vector<16xi32>], vector<16xf32>,
        %get3A_487 = arith.constant 2 : i32
        %get3A_488 = arith.index_cast %get3A_487 : i32 to index
        %get3A_489 = arith.index_cast %scan3A_482 : i32 to index
        %get3A_490 = arith.constant 0 : index
        %get3A_491 = tpu.vector_load %arg20[%get3A_488, %get3A_489, %get3A_490] {strides = array<i32>} : memref<5x16x64xf32, #tpu.memory_space<vmem>>, vector<16xf32>,
        %mul3A_492 = arith.mulf %get3A_491, %gather3A : vector<16xf32>
        %swap3A = arith.constant 2 : i32
        %swap3A_493 = arith.index_cast %swap3A : i32 to index
        %swap3A_494 = arith.index_cast %scan3A_482 : i32 to index
        %swap3A_495 = arith.constant 0 : index
        %swap3A_496 = tpu.vector_load %arg20[%swap3A_493, %swap3A_494, %swap3A_495] {strides = array<i32>} : memref<5x16x64xf32, #tpu.memory_space<vmem>>, vector<16xf32>,
        tpu.vector_store %arg20[%swap3A_493, %swap3A_494, %swap3A_495], %mul3A_492 {strides = array<i32>} : memref<5x16x64xf32, #tpu.memory_space<vmem>>, vector<16xf32>,
        %get3A_497 = arith.constant 2 : i32
        %get3A_498 = arith.index_cast %get3A_497 : i32 to index
        %get3A_499 = arith.index_cast %scan3A_482 : i32 to index
        %get3A_500 = arith.constant 16 : index
        %get3A_501 = tpu.vector_load %arg20[%get3A_498, %get3A_499, %get3A_500] {strides = array<i32>} : memref<5x16x64xf32, #tpu.memory_space<vmem>>, vector<16xf32>,
        %mul3A_502 = arith.mulf %get3A_501, %gather3A : vector<16xf32>
        %swap3A_503 = arith.constant 2 : i32
        %swap3A_504 = arith.index_cast %swap3A_503 : i32 to index
        %swap3A_505 = arith.index_cast %scan3A_482 : i32 to index
        %swap3A_506 = arith.constant 16 : index
        %swap3A_507 = tpu.vector_load %arg20[%swap3A_504, %swap3A_505, %swap3A_506] {strides = array<i32>} : memref<5x16x64xf32, #tpu.memory_space<vmem>>, vector<16xf32>,
        tpu.vector_store %arg20[%swap3A_504, %swap3A_505, %swap3A_506], %mul3A_502 {strides = array<i32>} : memref<5x16x64xf32, #tpu.memory_space<vmem>>, vector<16xf32>,
        %get3A_508 = arith.constant 2 : i32
        %get3A_509 = arith.index_cast %get3A_508 : i32 to index
        %get3A_510 = arith.index_cast %scan3A_482 : i32 to index
        %get3A_511 = arith.constant 32 : index
        %get3A_512 = tpu.vector_load %arg20[%get3A_509, %get3A_510, %get3A_511] {strides = array<i32>} : memref<5x16x64xf32, #tpu.memory_space<vmem>>, vector<16xf32>,
        %mul3A_513 = arith.mulf %get3A_512, %gather3A : vector<16xf32>
        %swap3A_514 = arith.constant 2 : i32
        %swap3A_515 = arith.index_cast %swap3A_514 : i32 to index
        %swap3A_516 = arith.index_cast %scan3A_482 : i32 to index
        %swap3A_517 = arith.constant 32 : index
        %swap3A_518 = tpu.vector_load %arg20[%swap3A_515, %swap3A_516, %swap3A_517] {strides = array<i32>} : memref<5x16x64xf32, #tpu.memory_space<vmem>>, vector<16xf32>,
        tpu.vector_store %arg20[%swap3A_515, %swap3A_516, %swap3A_517], %mul3A_513 {strides = array<i32>} : memref<5x16x64xf32, #tpu.memory_space<vmem>>, vector<16xf32>,
        %get3A_519 = arith.constant 2 : i32
        %get3A_520 = arith.index_cast %get3A_519 : i32 to index
        %get3A_521 = arith.index_cast %scan3A_482 : i32 to index
        %get3A_522 = arith.constant 48 : index
        %get3A_523 = tpu.vector_load %arg20[%get3A_520, %get3A_521, %get3A_522] {strides = array<i32>} : memref<5x16x64xf32, #tpu.memory_space<vmem>>, vector<16xf32>,
        %mul3A_524 = arith.mulf %get3A_523, %gather3A : vector<16xf32>
        %swap3A_525 = arith.constant 2 : i32
        %swap3A_526 = arith.index_cast %swap3A_525 : i32 to index
        %swap3A_527 = arith.index_cast %scan3A_482 : i32 to index
        %swap3A_528 = arith.constant 48 : index
        %swap3A_529 = tpu.vector_load %arg20[%swap3A_526, %swap3A_527, %swap3A_528] {strides = array<i32>} : memref<5x16x64xf32, #tpu.memory_space<vmem>>, vector<16xf32>,
        tpu.vector_store %arg20[%swap3A_526, %swap3A_527, %swap3A_528], %mul3A_524 {strides = array<i32>} : memref<5x16x64xf32, #tpu.memory_space<vmem>>, vector<16xf32>,
      }
      %scan3A_283 = arith.constant 16 : i32
      %dma_start3A_284 = arith.constant 2 : i32
      %dma_start3A_285 = arith.constant 0 : i32
      %dma_start3A_286 = arith.constant 0 : i32
      %dma_start3A_287 = tpu.memref_slice %arg20[%dma_start3A_284, %dma_start3A_285, %dma_start3A_286] : memref<5x16x64xf32, #tpu.memory_space<vmem>> -> memref<1x16x64xf32, #tpu.memory_space<vmem>>
      %dma_start3A_288 = tpu.memref_squeeze %dma_start3A_287 : memref<1x16x64xf32, #tpu.memory_space<vmem>> -> memref<16x64xf32, #tpu.memory_space<vmem>>
      %dma_start3A_289 = arith.constant 0 : i32
      %dma_start3A_290 = arith.constant 0 : i32
      %dma_start3A_291 = tpu.memref_slice %arg22[%dma_start3A_289, %dma_start3A_290] : memref<10240x64xf32, #tpu.memory_space<vmem_shared>> -> memref<10240x64xf32, #tpu.memory_space<vmem_shared>>
      tpu.enqueue_indirect_dma source(%dma_start3A_288 : memref<16x64xf32, #tpu.memory_space<vmem>>) target(%dma_start3A_291 : memref<10240x64xf32, #tpu.memory_space<vmem_shared>>) offsets(%get3A_277 : vector<16xi32>) semaphore(%arg30 : memref<!tpu.dma_semaphore, #tpu.memory_space<semaphore_mem>>) {add = true}
      %add3A_292 = arith.constant 3 : i32
      %add3A_293 = arith.addi %mul3A_187, %add3A_292 : i32
      %dma_wait3A_294 = arith.constant 3 : i32
      %dma_wait3A_295 = arith.constant 0 : i32
      %dma_wait3A_296 = arith.constant 0 : i32
      %dma_wait3A_297 = tpu.memref_slice %arg20[%dma_wait3A_294, %dma_wait3A_295, %dma_wait3A_296] : memref<5x16x64xf32, #tpu.memory_space<vmem>> -> memref<1x16x64xf32, #tpu.memory_space<vmem>>
      %dma_wait3A_298 = tpu.memref_squeeze %dma_wait3A_297 : memref<1x16x64xf32, #tpu.memory_space<vmem>> -> memref<16x64xf32, #tpu.memory_space<vmem>>
      %dma_wait3A_299 = arith.constant 0 : i32
      %dma_wait3A_300 = arith.constant 0 : i32
      %dma_wait3A_301 = tpu.memref_slice %arg8[%dma_wait3A_299, %dma_wait3A_300] : memref<10000x64xf32, #tpu.memory_space<hbm>> -> memref<16x64xf32, #tpu.memory_space<hbm>>
      %dma_wait3A_302 = arith.constant 0 : i32
      %dma_wait3A_303 = arith.constant 0 : i32
      %dma_wait3A_304 = tpu.memref_slice %arg20[%dma_wait3A_294, %dma_wait3A_302, %dma_wait3A_303] : memref<5x16x64xf32, #tpu.memory_space<vmem>> -> memref<1x16x64xf32, #tpu.memory_space<vmem>>
      %dma_wait3A_305 = tpu.memref_squeeze %dma_wait3A_304 : memref<1x16x64xf32, #tpu.memory_space<vmem>> -> memref<16x64xf32, #tpu.memory_space<vmem>>
      %dma_wait3A_306 = arith.constant 0 : i32
      %dma_wait3A_307 = arith.constant 0 : i32
      %dma_wait3A_308 = tpu.memref_slice %arg8[%dma_wait3A_306, %dma_wait3A_307] : memref<10000x64xf32, #tpu.memory_space<hbm>> -> memref<16x64xf32, #tpu.memory_space<hbm>>
      tpu.wait_dma2 semaphore(%arg26 : memref<!tpu.dma_semaphore, #tpu.memory_space<semaphore_mem>>) src(%dma_wait3A_308 : memref<16x64xf32, #tpu.memory_space<hbm>>) dst(%dma_wait3A_305 : memref<16x64xf32, #tpu.memory_space<vmem>>)
      %mul3A_309 = arith.constant 16 : i32
      %mul3A_310 = arith.muli %add3A_293, %mul3A_309 : i32
      %get3A_311 = arith.index_cast %mul3A_310 : i32 to index
      %get3A_312 = tpu.vector_load %arg15[%get3A_311] {strides = array<i32>} : memref<10000xi32, #tpu.memory_space<vmem>>, vector<16xi32>,
      %scan3A_313 = arith.constant 0 : i32
      %scan3A_314 = arith.constant 0 : i32
      %scan3A_315 = arith.constant 16 : i32
      %scan3A_316 = arith.addi %scan3A_314, %scan3A_315 : i32
      %scan3A_317 = arith.constant 1 : i32
      scf.for %scan3A_482 = %scan3A_314 to %scan3A_316 step %scan3A_317  : i32 {
        %mul3A_483 = arith.constant 16 : i32
        %mul3A_484 = arith.muli %add3A_293, %mul3A_483 : i32
        %add3A_485 = arith.addi %mul3A_484, %scan3A_482 : i32
        %broadcast_in_dim3A_486 = vector.broadcast %add3A_485 : i32 to vector<16xi32>
        %gather3A = tpu.vector_load_idx %arg17[%broadcast_in_dim3A_486] : memref<10000xf32, #tpu.memory_space<vmem>>[vector<16xi32>], vector<16xf32>,
        %get3A_487 = arith.constant 3 : i32
        %get3A_488 = arith.index_cast %get3A_487 : i32 to index
        %get3A_489 = arith.index_cast %scan3A_482 : i32 to index
        %get3A_490 = arith.constant 0 : index
        %get3A_491 = tpu.vector_load %arg20[%get3A_488, %get3A_489, %get3A_490] {strides = array<i32>} : memref<5x16x64xf32, #tpu.memory_space<vmem>>, vector<16xf32>,
        %mul3A_492 = arith.mulf %get3A_491, %gather3A : vector<16xf32>
        %swap3A = arith.constant 3 : i32
        %swap3A_493 = arith.index_cast %swap3A : i32 to index
        %swap3A_494 = arith.index_cast %scan3A_482 : i32 to index
        %swap3A_495 = arith.constant 0 : index
        %swap3A_496 = tpu.vector_load %arg20[%swap3A_493, %swap3A_494, %swap3A_495] {strides = array<i32>} : memref<5x16x64xf32, #tpu.memory_space<vmem>>, vector<16xf32>,
        tpu.vector_store %arg20[%swap3A_493, %swap3A_494, %swap3A_495], %mul3A_492 {strides = array<i32>} : memref<5x16x64xf32, #tpu.memory_space<vmem>>, vector<16xf32>,
        %get3A_497 = arith.constant 3 : i32
        %get3A_498 = arith.index_cast %get3A_497 : i32 to index
        %get3A_499 = arith.index_cast %scan3A_482 : i32 to index
        %get3A_500 = arith.constant 16 : index
        %get3A_501 = tpu.vector_load %arg20[%get3A_498, %get3A_499, %get3A_500] {strides = array<i32>} : memref<5x16x64xf32, #tpu.memory_space<vmem>>, vector<16xf32>,
        %mul3A_502 = arith.mulf %get3A_501, %gather3A : vector<16xf32>
        %swap3A_503 = arith.constant 3 : i32
        %swap3A_504 = arith.index_cast %swap3A_503 : i32 to index
        %swap3A_505 = arith.index_cast %scan3A_482 : i32 to index
        %swap3A_506 = arith.constant 16 : index
        %swap3A_507 = tpu.vector_load %arg20[%swap3A_504, %swap3A_505, %swap3A_506] {strides = array<i32>} : memref<5x16x64xf32, #tpu.memory_space<vmem>>, vector<16xf32>,
        tpu.vector_store %arg20[%swap3A_504, %swap3A_505, %swap3A_506], %mul3A_502 {strides = array<i32>} : memref<5x16x64xf32, #tpu.memory_space<vmem>>, vector<16xf32>,
        %get3A_508 = arith.constant 3 : i32
        %get3A_509 = arith.index_cast %get3A_508 : i32 to index
        %get3A_510 = arith.index_cast %scan3A_482 : i32 to index
        %get3A_511 = arith.constant 32 : index
        %get3A_512 = tpu.vector_load %arg20[%get3A_509, %get3A_510, %get3A_511] {strides = array<i32>} : memref<5x16x64xf32, #tpu.memory_space<vmem>>, vector<16xf32>,
        %mul3A_513 = arith.mulf %get3A_512, %gather3A : vector<16xf32>
        %swap3A_514 = arith.constant 3 : i32
        %swap3A_515 = arith.index_cast %swap3A_514 : i32 to index
        %swap3A_516 = arith.index_cast %scan3A_482 : i32 to index
        %swap3A_517 = arith.constant 32 : index
        %swap3A_518 = tpu.vector_load %arg20[%swap3A_515, %swap3A_516, %swap3A_517] {strides = array<i32>} : memref<5x16x64xf32, #tpu.memory_space<vmem>>, vector<16xf32>,
        tpu.vector_store %arg20[%swap3A_515, %swap3A_516, %swap3A_517], %mul3A_513 {strides = array<i32>} : memref<5x16x64xf32, #tpu.memory_space<vmem>>, vector<16xf32>,
        %get3A_519 = arith.constant 3 : i32
        %get3A_520 = arith.index_cast %get3A_519 : i32 to index
        %get3A_521 = arith.index_cast %scan3A_482 : i32 to index
        %get3A_522 = arith.constant 48 : index
        %get3A_523 = tpu.vector_load %arg20[%get3A_520, %get3A_521, %get3A_522] {strides = array<i32>} : memref<5x16x64xf32, #tpu.memory_space<vmem>>, vector<16xf32>,
        %mul3A_524 = arith.mulf %get3A_523, %gather3A : vector<16xf32>
        %swap3A_525 = arith.constant 3 : i32
        %swap3A_526 = arith.index_cast %swap3A_525 : i32 to index
        %swap3A_527 = arith.index_cast %scan3A_482 : i32 to index
        %swap3A_528 = arith.constant 48 : index
        %swap3A_529 = tpu.vector_load %arg20[%swap3A_526, %swap3A_527, %swap3A_528] {strides = array<i32>} : memref<5x16x64xf32, #tpu.memory_space<vmem>>, vector<16xf32>,
        tpu.vector_store %arg20[%swap3A_526, %swap3A_527, %swap3A_528], %mul3A_524 {strides = array<i32>} : memref<5x16x64xf32, #tpu.memory_space<vmem>>, vector<16xf32>,
      }
      %scan3A_318 = arith.constant 16 : i32
      %dma_start3A_319 = arith.constant 3 : i32
      %dma_start3A_320 = arith.constant 0 : i32
      %dma_start3A_321 = arith.constant 0 : i32
      %dma_start3A_322 = tpu.memref_slice %arg20[%dma_start3A_319, %dma_start3A_320, %dma_start3A_321] : memref<5x16x64xf32, #tpu.memory_space<vmem>> -> memref<1x16x64xf32, #tpu.memory_space<vmem>>
      %dma_start3A_323 = tpu.memref_squeeze %dma_start3A_322 : memref<1x16x64xf32, #tpu.memory_space<vmem>> -> memref<16x64xf32, #tpu.memory_space<vmem>>
      %dma_start3A_324 = arith.constant 0 : i32
      %dma_start3A_325 = arith.constant 0 : i32
      %dma_start3A_326 = tpu.memref_slice %arg22[%dma_start3A_324, %dma_start3A_325] : memref<10240x64xf32, #tpu.memory_space<vmem_shared>> -> memref<10240x64xf32, #tpu.memory_space<vmem_shared>>
      tpu.enqueue_indirect_dma source(%dma_start3A_323 : memref<16x64xf32, #tpu.memory_space<vmem>>) target(%dma_start3A_326 : memref<10240x64xf32, #tpu.memory_space<vmem_shared>>) offsets(%get3A_312 : vector<16xi32>) semaphore(%arg31 : memref<!tpu.dma_semaphore, #tpu.memory_space<semaphore_mem>>) {add = true}
      %add3A_327 = arith.constant 4 : i32
      %add3A_328 = arith.addi %mul3A_187, %add3A_327 : i32
      %dma_wait3A_329 = arith.constant 4 : i32
      %dma_wait3A_330 = arith.constant 0 : i32
      %dma_wait3A_331 = arith.constant 0 : i32
      %dma_wait3A_332 = tpu.memref_slice %arg20[%dma_wait3A_329, %dma_wait3A_330, %dma_wait3A_331] : memref<5x16x64xf32, #tpu.memory_space<vmem>> -> memref<1x16x64xf32, #tpu.memory_space<vmem>>
      %dma_wait3A_333 = tpu.memref_squeeze %dma_wait3A_332 : memref<1x16x64xf32, #tpu.memory_space<vmem>> -> memref<16x64xf32, #tpu.memory_space<vmem>>
      %dma_wait3A_334 = arith.constant 0 : i32
      %dma_wait3A_335 = arith.constant 0 : i32
      %dma_wait3A_336 = tpu.memref_slice %arg8[%dma_wait3A_334, %dma_wait3A_335] : memref<10000x64xf32, #tpu.memory_space<hbm>> -> memref<16x64xf32, #tpu.memory_space<hbm>>
      %dma_wait3A_337 = arith.constant 0 : i32
      %dma_wait3A_338 = arith.constant 0 : i32
      %dma_wait3A_339 = tpu.memref_slice %arg20[%dma_wait3A_329, %dma_wait3A_337, %dma_wait3A_338] : memref<5x16x64xf32, #tpu.memory_space<vmem>> -> memref<1x16x64xf32, #tpu.memory_space<vmem>>
      %dma_wait3A_340 = tpu.memref_squeeze %dma_wait3A_339 : memref<1x16x64xf32, #tpu.memory_space<vmem>> -> memref<16x64xf32, #tpu.memory_space<vmem>>
      %dma_wait3A_341 = arith.constant 0 : i32
      %dma_wait3A_342 = arith.constant 0 : i32
      %dma_wait3A_343 = tpu.memref_slice %arg8[%dma_wait3A_341, %dma_wait3A_342] : memref<10000x64xf32, #tpu.memory_space<hbm>> -> memref<16x64xf32, #tpu.memory_space<hbm>>
      tpu.wait_dma2 semaphore(%arg27 : memref<!tpu.dma_semaphore, #tpu.memory_space<semaphore_mem>>) src(%dma_wait3A_343 : memref<16x64xf32, #tpu.memory_space<hbm>>) dst(%dma_wait3A_340 : memref<16x64xf32, #tpu.memory_space<vmem>>)
      %mul3A_344 = arith.constant 16 : i32
      %mul3A_345 = arith.muli %add3A_328, %mul3A_344 : i32
      %get3A_346 = arith.index_cast %mul3A_345 : i32 to index
      %get3A_347 = tpu.vector_load %arg15[%get3A_346] {strides = array<i32>} : memref<10000xi32, #tpu.memory_space<vmem>>, vector<16xi32>,
      %scan3A_348 = arith.constant 0 : i32
      %scan3A_349 = arith.constant 0 : i32
      %scan3A_350 = arith.constant 16 : i32
      %scan3A_351 = arith.addi %scan3A_349, %scan3A_350 : i32
      %scan3A_352 = arith.constant 1 : i32
      scf.for %scan3A_482 = %scan3A_349 to %scan3A_351 step %scan3A_352  : i32 {
        %mul3A_483 = arith.constant 16 : i32
        %mul3A_484 = arith.muli %add3A_328, %mul3A_483 : i32
        %add3A_485 = arith.addi %mul3A_484, %scan3A_482 : i32
        %broadcast_in_dim3A_486 = vector.broadcast %add3A_485 : i32 to vector<16xi32>
        %gather3A = tpu.vector_load_idx %arg17[%broadcast_in_dim3A_486] : memref<10000xf32, #tpu.memory_space<vmem>>[vector<16xi32>], vector<16xf32>,
        %get3A_487 = arith.constant 4 : i32
        %get3A_488 = arith.index_cast %get3A_487 : i32 to index
        %get3A_489 = arith.index_cast %scan3A_482 : i32 to index
        %get3A_490 = arith.constant 0 : index
        %get3A_491 = tpu.vector_load %arg20[%get3A_488, %get3A_489, %get3A_490] {strides = array<i32>} : memref<5x16x64xf32, #tpu.memory_space<vmem>>, vector<16xf32>,
        %mul3A_492 = arith.mulf %get3A_491, %gather3A : vector<16xf32>
        %swap3A = arith.constant 4 : i32
        %swap3A_493 = arith.index_cast %swap3A : i32 to index
        %swap3A_494 = arith.index_cast %scan3A_482 : i32 to index
        %swap3A_495 = arith.constant 0 : index
        %swap3A_496 = tpu.vector_load %arg20[%swap3A_493, %swap3A_494, %swap3A_495] {strides = array<i32>} : memref<5x16x64xf32, #tpu.memory_space<vmem>>, vector<16xf32>,
        tpu.vector_store %arg20[%swap3A_493, %swap3A_494, %swap3A_495], %mul3A_492 {strides = array<i32>} : memref<5x16x64xf32, #tpu.memory_space<vmem>>, vector<16xf32>,
        %get3A_497 = arith.constant 4 : i32
        %get3A_498 = arith.index_cast %get3A_497 : i32 to index
        %get3A_499 = arith.index_cast %scan3A_482 : i32 to index
        %get3A_500 = arith.constant 16 : index
        %get3A_501 = tpu.vector_load %arg20[%get3A_498, %get3A_499, %get3A_500] {strides = array<i32>} : memref<5x16x64xf32, #tpu.memory_space<vmem>>, vector<16xf32>,
        %mul3A_502 = arith.mulf %get3A_501, %gather3A : vector<16xf32>
        %swap3A_503 = arith.constant 4 : i32
        %swap3A_504 = arith.index_cast %swap3A_503 : i32 to index
        %swap3A_505 = arith.index_cast %scan3A_482 : i32 to index
        %swap3A_506 = arith.constant 16 : index
        %swap3A_507 = tpu.vector_load %arg20[%swap3A_504, %swap3A_505, %swap3A_506] {strides = array<i32>} : memref<5x16x64xf32, #tpu.memory_space<vmem>>, vector<16xf32>,
        tpu.vector_store %arg20[%swap3A_504, %swap3A_505, %swap3A_506], %mul3A_502 {strides = array<i32>} : memref<5x16x64xf32, #tpu.memory_space<vmem>>, vector<16xf32>,
        %get3A_508 = arith.constant 4 : i32
        %get3A_509 = arith.index_cast %get3A_508 : i32 to index
        %get3A_510 = arith.index_cast %scan3A_482 : i32 to index
        %get3A_511 = arith.constant 32 : index
        %get3A_512 = tpu.vector_load %arg20[%get3A_509, %get3A_510, %get3A_511] {strides = array<i32>} : memref<5x16x64xf32, #tpu.memory_space<vmem>>, vector<16xf32>,
        %mul3A_513 = arith.mulf %get3A_512, %gather3A : vector<16xf32>
        %swap3A_514 = arith.constant 4 : i32
        %swap3A_515 = arith.index_cast %swap3A_514 : i32 to index
        %swap3A_516 = arith.index_cast %scan3A_482 : i32 to index
        %swap3A_517 = arith.constant 32 : index
        %swap3A_518 = tpu.vector_load %arg20[%swap3A_515, %swap3A_516, %swap3A_517] {strides = array<i32>} : memref<5x16x64xf32, #tpu.memory_space<vmem>>, vector<16xf32>,
        tpu.vector_store %arg20[%swap3A_515, %swap3A_516, %swap3A_517], %mul3A_513 {strides = array<i32>} : memref<5x16x64xf32, #tpu.memory_space<vmem>>, vector<16xf32>,
        %get3A_519 = arith.constant 4 : i32
        %get3A_520 = arith.index_cast %get3A_519 : i32 to index
        %get3A_521 = arith.index_cast %scan3A_482 : i32 to index
        %get3A_522 = arith.constant 48 : index
        %get3A_523 = tpu.vector_load %arg20[%get3A_520, %get3A_521, %get3A_522] {strides = array<i32>} : memref<5x16x64xf32, #tpu.memory_space<vmem>>, vector<16xf32>,
        %mul3A_524 = arith.mulf %get3A_523, %gather3A : vector<16xf32>
        %swap3A_525 = arith.constant 4 : i32
        %swap3A_526 = arith.index_cast %swap3A_525 : i32 to index
        %swap3A_527 = arith.index_cast %scan3A_482 : i32 to index
        %swap3A_528 = arith.constant 48 : index
        %swap3A_529 = tpu.vector_load %arg20[%swap3A_526, %swap3A_527, %swap3A_528] {strides = array<i32>} : memref<5x16x64xf32, #tpu.memory_space<vmem>>, vector<16xf32>,
        tpu.vector_store %arg20[%swap3A_526, %swap3A_527, %swap3A_528], %mul3A_524 {strides = array<i32>} : memref<5x16x64xf32, #tpu.memory_space<vmem>>, vector<16xf32>,
      }
      %scan3A_353 = arith.constant 16 : i32
      %dma_start3A_354 = arith.constant 4 : i32
      %dma_start3A_355 = arith.constant 0 : i32
      %dma_start3A_356 = arith.constant 0 : i32
      %dma_start3A_357 = tpu.memref_slice %arg20[%dma_start3A_354, %dma_start3A_355, %dma_start3A_356] : memref<5x16x64xf32, #tpu.memory_space<vmem>> -> memref<1x16x64xf32, #tpu.memory_space<vmem>>
      %dma_start3A_358 = tpu.memref_squeeze %dma_start3A_357 : memref<1x16x64xf32, #tpu.memory_space<vmem>> -> memref<16x64xf32, #tpu.memory_space<vmem>>
      %dma_start3A_359 = arith.constant 0 : i32
      %dma_start3A_360 = arith.constant 0 : i32
      %dma_start3A_361 = tpu.memref_slice %arg22[%dma_start3A_359, %dma_start3A_360] : memref<10240x64xf32, #tpu.memory_space<vmem_shared>> -> memref<10240x64xf32, #tpu.memory_space<vmem_shared>>
      tpu.enqueue_indirect_dma source(%dma_start3A_358 : memref<16x64xf32, #tpu.memory_space<vmem>>) target(%dma_start3A_361 : memref<10240x64xf32, #tpu.memory_space<vmem_shared>>) offsets(%get3A_347 : vector<16xi32>) semaphore(%arg32 : memref<!tpu.dma_semaphore, #tpu.memory_space<semaphore_mem>>) {add = true}
      %add3A_362 = arith.constant 5 : i32
      %add3A_363 = arith.addi %mul3A_187, %add3A_362 : i32
      %add3A_364 = arith.constant 0 : i32
      %add3A_365 = arith.addi %add3A_363, %add3A_364 : i32
      %dma_wait3A_366 = arith.constant 0 : i32
      %dma_wait3A_367 = arith.constant 0 : i32
      %dma_wait3A_368 = arith.constant 0 : i32
      %dma_wait3A_369 = tpu.memref_slice %arg20[%dma_wait3A_366, %dma_wait3A_367, %dma_wait3A_368] : memref<5x16x64xf32, #tpu.memory_space<vmem>> -> memref<1x16x64xf32, #tpu.memory_space<vmem>>
      %dma_wait3A_370 = tpu.memref_squeeze %dma_wait3A_369 : memref<1x16x64xf32, #tpu.memory_space<vmem>> -> memref<16x64xf32, #tpu.memory_space<vmem>>
      %dma_wait3A_371 = arith.constant 0 : i32
      %dma_wait3A_372 = arith.constant 0 : i32
      %dma_wait3A_373 = tpu.memref_slice %arg22[%dma_wait3A_371, %dma_wait3A_372] : memref<10240x64xf32, #tpu.memory_space<vmem_shared>> -> memref<16x64xf32, #tpu.memory_space<vmem_shared>>
      %dma_wait3A_374 = arith.constant 0 : i32
      %dma_wait3A_375 = arith.constant 0 : i32
      %dma_wait3A_376 = tpu.memref_slice %arg22[%dma_wait3A_374, %dma_wait3A_375] : memref<10240x64xf32, #tpu.memory_space<vmem_shared>> -> memref<16x64xf32, #tpu.memory_space<vmem_shared>>
      %dma_wait3A_377 = arith.constant 0 : i32
      %dma_wait3A_378 = arith.constant 0 : i32
      %dma_wait3A_379 = tpu.memref_slice %arg20[%dma_wait3A_366, %dma_wait3A_377, %dma_wait3A_378] : memref<5x16x64xf32, #tpu.memory_space<vmem>> -> memref<1x16x64xf32, #tpu.memory_space<vmem>>
      %dma_wait3A_380 = tpu.memref_squeeze %dma_wait3A_379 : memref<1x16x64xf32, #tpu.memory_space<vmem>> -> memref<16x64xf32, #tpu.memory_space<vmem>>
      tpu.wait_dma2 semaphore(%arg28 : memref<!tpu.dma_semaphore, #tpu.memory_space<semaphore_mem>>) src(%dma_wait3A_380 : memref<16x64xf32, #tpu.memory_space<vmem>>) dst(%dma_wait3A_376 : memref<16x64xf32, #tpu.memory_space<vmem_shared>>)
      %lt3A_381 = arith.constant 625 : i32
      %lt3A_382 = arith.cmpi slt, %add3A_365, %lt3A_381 : i32
      %convert_element_type3A_383 = arith.extui %lt3A_382 : i1 to i32
      %cond3A_384 = arith.constant 0 : i32
      %cond3A_385 = arith.cmpi ne, %convert_element_type3A_383, %cond3A_384 : i32
      scf.if %cond3A_385 {
        %mul3A_482 = arith.constant 16 : i32
        %mul3A_483 = arith.muli %add3A_365, %mul3A_482 : i32
        %get3A_484 = arith.index_cast %mul3A_483 : i32 to index
        %get3A_485 = tpu.vector_load %arg14[%get3A_484] {strides = array<i32>} : memref<10000xi32, #tpu.memory_space<vmem>>, vector<16xi32>,
        %dma_start3A_486 = arith.constant 0 : i32
        %dma_start3A_487 = arith.constant 0 : i32
        %dma_start3A_488 = arith.constant 0 : i32
        %dma_start3A_489 = tpu.memref_slice %arg20[%dma_start3A_486, %dma_start3A_487, %dma_start3A_488] : memref<5x16x64xf32, #tpu.memory_space<vmem>> -> memref<1x16x64xf32, #tpu.memory_space<vmem>>
        %dma_start3A_490 = tpu.memref_squeeze %dma_start3A_489 : memref<1x16x64xf32, #tpu.memory_space<vmem>> -> memref<16x64xf32, #tpu.memory_space<vmem>>
        %dma_start3A_491 = arith.constant 0 : i32
        %dma_start3A_492 = arith.constant 0 : i32
        %dma_start3A_493 = tpu.memref_slice %arg8[%dma_start3A_491, %dma_start3A_492] : memref<10000x64xf32, #tpu.memory_space<hbm>> -> memref<10000x64xf32, #tpu.memory_space<hbm>>
        tpu.enqueue_indirect_dma source(%dma_start3A_493 : memref<10000x64xf32, #tpu.memory_space<hbm>>) target(%dma_start3A_490 : memref<16x64xf32, #tpu.memory_space<vmem>>) offsets(%get3A_485 : vector<16xi32>) semaphore(%arg23 : memref<!tpu.dma_semaphore, #tpu.memory_space<semaphore_mem>>)
      } else {
      }
      %add3A_386 = arith.constant 5 : i32
      %add3A_387 = arith.addi %mul3A_187, %add3A_386 : i32
      %add3A_388 = arith.constant 1 : i32
      %add3A_389 = arith.addi %add3A_387, %add3A_388 : i32
      %dma_wait3A_390 = arith.constant 1 : i32
      %dma_wait3A_391 = arith.constant 0 : i32
      %dma_wait3A_392 = arith.constant 0 : i32
      %dma_wait3A_393 = tpu.memref_slice %arg20[%dma_wait3A_390, %dma_wait3A_391, %dma_wait3A_392] : memref<5x16x64xf32, #tpu.memory_space<vmem>> -> memref<1x16x64xf32, #tpu.memory_space<vmem>>
      %dma_wait3A_394 = tpu.memref_squeeze %dma_wait3A_393 : memref<1x16x64xf32, #tpu.memory_space<vmem>> -> memref<16x64xf32, #tpu.memory_space<vmem>>
      %dma_wait3A_395 = arith.constant 0 : i32
      %dma_wait3A_396 = arith.constant 0 : i32
      %dma_wait3A_397 = tpu.memref_slice %arg22[%dma_wait3A_395, %dma_wait3A_396] : memref<10240x64xf32, #tpu.memory_space<vmem_shared>> -> memref<16x64xf32, #tpu.memory_space<vmem_shared>>
      %dma_wait3A_398 = arith.constant 0 : i32
      %dma_wait3A_399 = arith.constant 0 : i32
      %dma_wait3A_400 = tpu.memref_slice %arg22[%dma_wait3A_398, %dma_wait3A_399] : memref<10240x64xf32, #tpu.memory_space<vmem_shared>> -> memref<16x64xf32, #tpu.memory_space<vmem_shared>>
      %dma_wait3A_401 = arith.constant 0 : i32
      %dma_wait3A_402 = arith.constant 0 : i32
      %dma_wait3A_403 = tpu.memref_slice %arg20[%dma_wait3A_390, %dma_wait3A_401, %dma_wait3A_402] : memref<5x16x64xf32, #tpu.memory_space<vmem>> -> memref<1x16x64xf32, #tpu.memory_space<vmem>>
      %dma_wait3A_404 = tpu.memref_squeeze %dma_wait3A_403 : memref<1x16x64xf32, #tpu.memory_space<vmem>> -> memref<16x64xf32, #tpu.memory_space<vmem>>
      tpu.wait_dma2 semaphore(%arg29 : memref<!tpu.dma_semaphore, #tpu.memory_space<semaphore_mem>>) src(%dma_wait3A_404 : memref<16x64xf32, #tpu.memory_space<vmem>>) dst(%dma_wait3A_400 : memref<16x64xf32, #tpu.memory_space<vmem_shared>>)
      %lt3A_405 = arith.constant 625 : i32
      %lt3A_406 = arith.cmpi slt, %add3A_389, %lt3A_405 : i32
      %convert_element_type3A_407 = arith.extui %lt3A_406 : i1 to i32
      %cond3A_408 = arith.constant 0 : i32
      %cond3A_409 = arith.cmpi ne, %convert_element_type3A_407, %cond3A_408 : i32
      scf.if %cond3A_409 {
        %mul3A_482 = arith.constant 16 : i32
        %mul3A_483 = arith.muli %add3A_389, %mul3A_482 : i32
        %get3A_484 = arith.index_cast %mul3A_483 : i32 to index
        %get3A_485 = tpu.vector_load %arg14[%get3A_484] {strides = array<i32>} : memref<10000xi32, #tpu.memory_space<vmem>>, vector<16xi32>,
        %dma_start3A_486 = arith.constant 1 : i32
        %dma_start3A_487 = arith.constant 0 : i32
        %dma_start3A_488 = arith.constant 0 : i32
        %dma_start3A_489 = tpu.memref_slice %arg20[%dma_start3A_486, %dma_start3A_487, %dma_start3A_488] : memref<5x16x64xf32, #tpu.memory_space<vmem>> -> memref<1x16x64xf32, #tpu.memory_space<vmem>>
        %dma_start3A_490 = tpu.memref_squeeze %dma_start3A_489 : memref<1x16x64xf32, #tpu.memory_space<vmem>> -> memref<16x64xf32, #tpu.memory_space<vmem>>
        %dma_start3A_491 = arith.constant 0 : i32
        %dma_start3A_492 = arith.constant 0 : i32
        %dma_start3A_493 = tpu.memref_slice %arg8[%dma_start3A_491, %dma_start3A_492] : memref<10000x64xf32, #tpu.memory_space<hbm>> -> memref<10000x64xf32, #tpu.memory_space<hbm>>
        tpu.enqueue_indirect_dma source(%dma_start3A_493 : memref<10000x64xf32, #tpu.memory_space<hbm>>) target(%dma_start3A_490 : memref<16x64xf32, #tpu.memory_space<vmem>>) offsets(%get3A_485 : vector<16xi32>) semaphore(%arg24 : memref<!tpu.dma_semaphore, #tpu.memory_space<semaphore_mem>>)
      } else {
      }
      %add3A_410 = arith.constant 5 : i32
      %add3A_411 = arith.addi %mul3A_187, %add3A_410 : i32
      %add3A_412 = arith.constant 2 : i32
      %add3A_413 = arith.addi %add3A_411, %add3A_412 : i32
      %dma_wait3A_414 = arith.constant 2 : i32
      %dma_wait3A_415 = arith.constant 0 : i32
      %dma_wait3A_416 = arith.constant 0 : i32
      %dma_wait3A_417 = tpu.memref_slice %arg20[%dma_wait3A_414, %dma_wait3A_415, %dma_wait3A_416] : memref<5x16x64xf32, #tpu.memory_space<vmem>> -> memref<1x16x64xf32, #tpu.memory_space<vmem>>
      %dma_wait3A_418 = tpu.memref_squeeze %dma_wait3A_417 : memref<1x16x64xf32, #tpu.memory_space<vmem>> -> memref<16x64xf32, #tpu.memory_space<vmem>>
      %dma_wait3A_419 = arith.constant 0 : i32
      %dma_wait3A_420 = arith.constant 0 : i32
      %dma_wait3A_421 = tpu.memref_slice %arg22[%dma_wait3A_419, %dma_wait3A_420] : memref<10240x64xf32, #tpu.memory_space<vmem_shared>> -> memref<16x64xf32, #tpu.memory_space<vmem_shared>>
      %dma_wait3A_422 = arith.constant 0 : i32
      %dma_wait3A_423 = arith.constant 0 : i32
      %dma_wait3A_424 = tpu.memref_slice %arg22[%dma_wait3A_422, %dma_wait3A_423] : memref<10240x64xf32, #tpu.memory_space<vmem_shared>> -> memref<16x64xf32, #tpu.memory_space<vmem_shared>>
      %dma_wait3A_425 = arith.constant 0 : i32
      %dma_wait3A_426 = arith.constant 0 : i32
      %dma_wait3A_427 = tpu.memref_slice %arg20[%dma_wait3A_414, %dma_wait3A_425, %dma_wait3A_426] : memref<5x16x64xf32, #tpu.memory_space<vmem>> -> memref<1x16x64xf32, #tpu.memory_space<vmem>>
      %dma_wait3A_428 = tpu.memref_squeeze %dma_wait3A_427 : memref<1x16x64xf32, #tpu.memory_space<vmem>> -> memref<16x64xf32, #tpu.memory_space<vmem>>
      tpu.wait_dma2 semaphore(%arg30 : memref<!tpu.dma_semaphore, #tpu.memory_space<semaphore_mem>>) src(%dma_wait3A_428 : memref<16x64xf32, #tpu.memory_space<vmem>>) dst(%dma_wait3A_424 : memref<16x64xf32, #tpu.memory_space<vmem_shared>>)
      %lt3A_429 = arith.constant 625 : i32
      %lt3A_430 = arith.cmpi slt, %add3A_413, %lt3A_429 : i32
      %convert_element_type3A_431 = arith.extui %lt3A_430 : i1 to i32
      %cond3A_432 = arith.constant 0 : i32
      %cond3A_433 = arith.cmpi ne, %convert_element_type3A_431, %cond3A_432 : i32
      scf.if %cond3A_433 {
        %mul3A_482 = arith.constant 16 : i32
        %mul3A_483 = arith.muli %add3A_413, %mul3A_482 : i32
        %get3A_484 = arith.index_cast %mul3A_483 : i32 to index
        %get3A_485 = tpu.vector_load %arg14[%get3A_484] {strides = array<i32>} : memref<10000xi32, #tpu.memory_space<vmem>>, vector<16xi32>,
        %dma_start3A_486 = arith.constant 2 : i32
        %dma_start3A_487 = arith.constant 0 : i32
        %dma_start3A_488 = arith.constant 0 : i32
        %dma_start3A_489 = tpu.memref_slice %arg20[%dma_start3A_486, %dma_start3A_487, %dma_start3A_488] : memref<5x16x64xf32, #tpu.memory_space<vmem>> -> memref<1x16x64xf32, #tpu.memory_space<vmem>>
        %dma_start3A_490 = tpu.memref_squeeze %dma_start3A_489 : memref<1x16x64xf32, #tpu.memory_space<vmem>> -> memref<16x64xf32, #tpu.memory_space<vmem>>
        %dma_start3A_491 = arith.constant 0 : i32
        %dma_start3A_492 = arith.constant 0 : i32
        %dma_start3A_493 = tpu.memref_slice %arg8[%dma_start3A_491, %dma_start3A_492] : memref<10000x64xf32, #tpu.memory_space<hbm>> -> memref<10000x64xf32, #tpu.memory_space<hbm>>
        tpu.enqueue_indirect_dma source(%dma_start3A_493 : memref<10000x64xf32, #tpu.memory_space<hbm>>) target(%dma_start3A_490 : memref<16x64xf32, #tpu.memory_space<vmem>>) offsets(%get3A_485 : vector<16xi32>) semaphore(%arg25 : memref<!tpu.dma_semaphore, #tpu.memory_space<semaphore_mem>>)
      } else {
      }
      %add3A_434 = arith.constant 5 : i32
      %add3A_435 = arith.addi %mul3A_187, %add3A_434 : i32
      %add3A_436 = arith.constant 3 : i32
      %add3A_437 = arith.addi %add3A_435, %add3A_436 : i32
      %dma_wait3A_438 = arith.constant 3 : i32
      %dma_wait3A_439 = arith.constant 0 : i32
      %dma_wait3A_440 = arith.constant 0 : i32
      %dma_wait3A_441 = tpu.memref_slice %arg20[%dma_wait3A_438, %dma_wait3A_439, %dma_wait3A_440] : memref<5x16x64xf32, #tpu.memory_space<vmem>> -> memref<1x16x64xf32, #tpu.memory_space<vmem>>
      %dma_wait3A_442 = tpu.memref_squeeze %dma_wait3A_441 : memref<1x16x64xf32, #tpu.memory_space<vmem>> -> memref<16x64xf32, #tpu.memory_space<vmem>>
      %dma_wait3A_443 = arith.constant 0 : i32
      %dma_wait3A_444 = arith.constant 0 : i32
      %dma_wait3A_445 = tpu.memref_slice %arg22[%dma_wait3A_443, %dma_wait3A_444] : memref<10240x64xf32, #tpu.memory_space<vmem_shared>> -> memref<16x64xf32, #tpu.memory_space<vmem_shared>>
      %dma_wait3A_446 = arith.constant 0 : i32
      %dma_wait3A_447 = arith.constant 0 : i32
      %dma_wait3A_448 = tpu.memref_slice %arg22[%dma_wait3A_446, %dma_wait3A_447] : memref<10240x64xf32, #tpu.memory_space<vmem_shared>> -> memref<16x64xf32, #tpu.memory_space<vmem_shared>>
      %dma_wait3A_449 = arith.constant 0 : i32
      %dma_wait3A_450 = arith.constant 0 : i32
      %dma_wait3A_451 = tpu.memref_slice %arg20[%dma_wait3A_438, %dma_wait3A_449, %dma_wait3A_450] : memref<5x16x64xf32, #tpu.memory_space<vmem>> -> memref<1x16x64xf32, #tpu.memory_space<vmem>>
      %dma_wait3A_452 = tpu.memref_squeeze %dma_wait3A_451 : memref<1x16x64xf32, #tpu.memory_space<vmem>> -> memref<16x64xf32, #tpu.memory_space<vmem>>
      tpu.wait_dma2 semaphore(%arg31 : memref<!tpu.dma_semaphore, #tpu.memory_space<semaphore_mem>>) src(%dma_wait3A_452 : memref<16x64xf32, #tpu.memory_space<vmem>>) dst(%dma_wait3A_448 : memref<16x64xf32, #tpu.memory_space<vmem_shared>>)
      %lt3A_453 = arith.constant 625 : i32
      %lt3A_454 = arith.cmpi slt, %add3A_437, %lt3A_453 : i32
      %convert_element_type3A_455 = arith.extui %lt3A_454 : i1 to i32
      %cond3A_456 = arith.constant 0 : i32
      %cond3A_457 = arith.cmpi ne, %convert_element_type3A_455, %cond3A_456 : i32
      scf.if %cond3A_457 {
        %mul3A_482 = arith.constant 16 : i32
        %mul3A_483 = arith.muli %add3A_437, %mul3A_482 : i32
        %get3A_484 = arith.index_cast %mul3A_483 : i32 to index
        %get3A_485 = tpu.vector_load %arg14[%get3A_484] {strides = array<i32>} : memref<10000xi32, #tpu.memory_space<vmem>>, vector<16xi32>,
        %dma_start3A_486 = arith.constant 3 : i32
        %dma_start3A_487 = arith.constant 0 : i32
        %dma_start3A_488 = arith.constant 0 : i32
        %dma_start3A_489 = tpu.memref_slice %arg20[%dma_start3A_486, %dma_start3A_487, %dma_start3A_488] : memref<5x16x64xf32, #tpu.memory_space<vmem>> -> memref<1x16x64xf32, #tpu.memory_space<vmem>>
        %dma_start3A_490 = tpu.memref_squeeze %dma_start3A_489 : memref<1x16x64xf32, #tpu.memory_space<vmem>> -> memref<16x64xf32, #tpu.memory_space<vmem>>
        %dma_start3A_491 = arith.constant 0 : i32
        %dma_start3A_492 = arith.constant 0 : i32
        %dma_start3A_493 = tpu.memref_slice %arg8[%dma_start3A_491, %dma_start3A_492] : memref<10000x64xf32, #tpu.memory_space<hbm>> -> memref<10000x64xf32, #tpu.memory_space<hbm>>
        tpu.enqueue_indirect_dma source(%dma_start3A_493 : memref<10000x64xf32, #tpu.memory_space<hbm>>) target(%dma_start3A_490 : memref<16x64xf32, #tpu.memory_space<vmem>>) offsets(%get3A_485 : vector<16xi32>) semaphore(%arg26 : memref<!tpu.dma_semaphore, #tpu.memory_space<semaphore_mem>>)
      } else {
      }
      %add3A_458 = arith.constant 5 : i32
      %add3A_459 = arith.addi %mul3A_187, %add3A_458 : i32
      %add3A_460 = arith.constant 4 : i32
      %add3A_461 = arith.addi %add3A_459, %add3A_460 : i32
      %dma_wait3A_462 = arith.constant 4 : i32
      %dma_wait3A_463 = arith.constant 0 : i32
      %dma_wait3A_464 = arith.constant 0 : i32
      %dma_wait3A_465 = tpu.memref_slice %arg20[%dma_wait3A_462, %dma_wait3A_463, %dma_wait3A_464] : memref<5x16x64xf32, #tpu.memory_space<vmem>> -> memref<1x16x64xf32, #tpu.memory_space<vmem>>
      %dma_wait3A_466 = tpu.memref_squeeze %dma_wait3A_465 : memref<1x16x64xf32, #tpu.memory_space<vmem>> -> memref<16x64xf32, #tpu.memory_space<vmem>>
      %dma_wait3A_467 = arith.constant 0 : i32
      %dma_wait3A_468 = arith.constant 0 : i32
      %dma_wait3A_469 = tpu.memref_slice %arg22[%dma_wait3A_467, %dma_wait3A_468] : memref<10240x64xf32, #tpu.memory_space<vmem_shared>> -> memref<16x64xf32, #tpu.memory_space<vmem_shared>>
      %dma_wait3A_470 = arith.constant 0 : i32
      %dma_wait3A_471 = arith.constant 0 : i32
      %dma_wait3A_472 = tpu.memref_slice %arg22[%dma_wait3A_470, %dma_wait3A_471] : memref<10240x64xf32, #tpu.memory_space<vmem_shared>> -> memref<16x64xf32, #tpu.memory_space<vmem_shared>>
      %dma_wait3A_473 = arith.constant 0 : i32
      %dma_wait3A_474 = arith.constant 0 : i32
      %dma_wait3A_475 = tpu.memref_slice %arg20[%dma_wait3A_462, %dma_wait3A_473, %dma_wait3A_474] : memref<5x16x64xf32, #tpu.memory_space<vmem>> -> memref<1x16x64xf32, #tpu.memory_space<vmem>>
      %dma_wait3A_476 = tpu.memref_squeeze %dma_wait3A_475 : memref<1x16x64xf32, #tpu.memory_space<vmem>> -> memref<16x64xf32, #tpu.memory_space<vmem>>
      tpu.wait_dma2 semaphore(%arg32 : memref<!tpu.dma_semaphore, #tpu.memory_space<semaphore_mem>>) src(%dma_wait3A_476 : memref<16x64xf32, #tpu.memory_space<vmem>>) dst(%dma_wait3A_472 : memref<16x64xf32, #tpu.memory_space<vmem_shared>>)
      %lt3A_477 = arith.constant 625 : i32
      %lt3A_478 = arith.cmpi slt, %add3A_461, %lt3A_477 : i32
      %convert_element_type3A_479 = arith.extui %lt3A_478 : i1 to i32
      %cond3A_480 = arith.constant 0 : i32
      %cond3A_481 = arith.cmpi ne, %convert_element_type3A_479, %cond3A_480 : i32
      scf.if %cond3A_481 {
        %mul3A_482 = arith.constant 16 : i32
        %mul3A_483 = arith.muli %add3A_461, %mul3A_482 : i32
        %get3A_484 = arith.index_cast %mul3A_483 : i32 to index
        %get3A_485 = tpu.vector_load %arg14[%get3A_484] {strides = array<i32>} : memref<10000xi32, #tpu.memory_space<vmem>>, vector<16xi32>,
        %dma_start3A_486 = arith.constant 4 : i32
        %dma_start3A_487 = arith.constant 0 : i32
        %dma_start3A_488 = arith.constant 0 : i32
        %dma_start3A_489 = tpu.memref_slice %arg20[%dma_start3A_486, %dma_start3A_487, %dma_start3A_488] : memref<5x16x64xf32, #tpu.memory_space<vmem>> -> memref<1x16x64xf32, #tpu.memory_space<vmem>>
        %dma_start3A_490 = tpu.memref_squeeze %dma_start3A_489 : memref<1x16x64xf32, #tpu.memory_space<vmem>> -> memref<16x64xf32, #tpu.memory_space<vmem>>
        %dma_start3A_491 = arith.constant 0 : i32
        %dma_start3A_492 = arith.constant 0 : i32
        %dma_start3A_493 = tpu.memref_slice %arg8[%dma_start3A_491, %dma_start3A_492] : memref<10000x64xf32, #tpu.memory_space<hbm>> -> memref<10000x64xf32, #tpu.memory_space<hbm>>
        tpu.enqueue_indirect_dma source(%dma_start3A_493 : memref<10000x64xf32, #tpu.memory_space<hbm>>) target(%dma_start3A_490 : memref<16x64xf32, #tpu.memory_space<vmem>>) offsets(%get3A_485 : vector<16xi32>) semaphore(%arg27 : memref<!tpu.dma_semaphore, #tpu.memory_space<semaphore_mem>>)
      } else {
      }
    }
    %scan3A_173 = arith.constant 125 : i32
    %barrier3A_174 = arith.constant 0 : index
    tpu.barrier barrier_id(%barrier3A_174)
    %lt3A_175 = arith.constant 15 : i32
    %lt3A_176 = arith.cmpi slt, %arg1, %lt3A_175 : i32
    %convert_element_type3A_177 = arith.extui %lt3A_176 : i1 to i32
    %cond3A_178 = arith.constant 0 : i32
    %cond3A_179 = arith.cmpi ne, %convert_element_type3A_177, %cond3A_178 : i32
    scf.if %cond3A_179 {
      "tpu.region"() ({
        %run_scoped3A = tpu.sem_alloc : memref<!tpu.dma_semaphore, #tpu.memory_space<semaphore_mem>>
        %dma_start3A_185 = arith.constant 0 : i32
        %dma_start3A_186 = tpu.memref_slice %arg10[%arg0, %mul3A_4, %dma_start3A_185] : memref<2x10000x64xf32, #tpu.memory_space<hbm>> -> memref<1x640x64xf32, #tpu.memory_space<hbm>>
        %dma_start3A_187 = tpu.memref_squeeze %dma_start3A_186 : memref<1x640x64xf32, #tpu.memory_space<hbm>> -> memref<640x64xf32, #tpu.memory_space<hbm>>
        %dma_start3A_188 = arith.constant 0 : i32
        %dma_start3A_189 = tpu.memref_slice %arg22[%mul3A_4, %dma_start3A_188] : memref<10240x64xf32, #tpu.memory_space<vmem_shared>> -> memref<640x64xf32, #tpu.memory_space<vmem_shared>>
        tpu.enqueue_dma source(%dma_start3A_189 : memref<640x64xf32, #tpu.memory_space<vmem_shared>>) target(%dma_start3A_187 : memref<640x64xf32, #tpu.memory_space<hbm>>) target_semaphore(%run_scoped3A : memref<!tpu.dma_semaphore, #tpu.memory_space<semaphore_mem>>)
        %dma_wait3A = arith.constant 0 : i32
        %dma_wait3A_190 = tpu.memref_slice %arg10[%arg0, %mul3A_4, %dma_wait3A] : memref<2x10000x64xf32, #tpu.memory_space<hbm>> -> memref<1x640x64xf32, #tpu.memory_space<hbm>>
        %dma_wait3A_191 = tpu.memref_squeeze %dma_wait3A_190 : memref<1x640x64xf32, #tpu.memory_space<hbm>> -> memref<640x64xf32, #tpu.memory_space<hbm>>
        %dma_wait3A_192 = arith.constant 0 : i32
        %dma_wait3A_193 = tpu.memref_slice %arg22[%mul3A_4, %dma_wait3A_192] : memref<10240x64xf32, #tpu.memory_space<vmem_shared>> -> memref<640x64xf32, #tpu.memory_space<vmem_shared>>
        tpu.wait_dma2 semaphore(%run_scoped3A : memref<!tpu.dma_semaphore, #tpu.memory_space<semaphore_mem>>) src(%dma_wait3A_193 : memref<640x64xf32, #tpu.memory_space<vmem_shared>>) dst(%dma_wait3A_191 : memref<640x64xf32, #tpu.memory_space<hbm>>)
        tpu.yield
      }) : () -> ()
    } else {
    }
    %eq3A_180 = arith.constant 15 : i32
    %eq3A_181 = arith.cmpi eq, %arg1, %eq3A_180 : i32
    %convert_element_type3A_182 = arith.extui %eq3A_181 : i1 to i32
    %cond3A_183 = arith.constant 0 : i32
    %cond3A_184 = arith.cmpi ne, %convert_element_type3A_182, %cond3A_183 : i32
    scf.if %cond3A_184 {
      "tpu.region"() ({
        %run_scoped3A = tpu.sem_alloc : memref<!tpu.dma_semaphore, #tpu.memory_space<semaphore_mem>>
        %dma_start3A_185 = arith.constant 9600 : i32
        %dma_start3A_186 = arith.constant 0 : i32
        %dma_start3A_187 = tpu.memref_slice %arg10[%arg0, %dma_start3A_185, %dma_start3A_186] : memref<2x10000x64xf32, #tpu.memory_space<hbm>> -> memref<1x400x64xf32, #tpu.memory_space<hbm>>
        %dma_start3A_188 = tpu.memref_squeeze %dma_start3A_187 : memref<1x400x64xf32, #tpu.memory_space<hbm>> -> memref<400x64xf32, #tpu.memory_space<hbm>>
        %dma_start3A_189 = arith.constant 9600 : i32
        %dma_start3A_190 = arith.constant 0 : i32
        %dma_start3A_191 = tpu.memref_slice %arg22[%dma_start3A_189, %dma_start3A_190] : memref<10240x64xf32, #tpu.memory_space<vmem_shared>> -> memref<400x64xf32, #tpu.memory_space<vmem_shared>>
        tpu.enqueue_dma source(%dma_start3A_191 : memref<400x64xf32, #tpu.memory_space<vmem_shared>>) target(%dma_start3A_188 : memref<400x64xf32, #tpu.memory_space<hbm>>) target_semaphore(%run_scoped3A : memref<!tpu.dma_semaphore, #tpu.memory_space<semaphore_mem>>)
        %dma_wait3A = arith.constant 9600 : i32
        %dma_wait3A_192 = arith.constant 0 : i32
        %dma_wait3A_193 = tpu.memref_slice %arg10[%arg0, %dma_wait3A, %dma_wait3A_192] : memref<2x10000x64xf32, #tpu.memory_space<hbm>> -> memref<1x400x64xf32, #tpu.memory_space<hbm>>
        %dma_wait3A_194 = tpu.memref_squeeze %dma_wait3A_193 : memref<1x400x64xf32, #tpu.memory_space<hbm>> -> memref<400x64xf32, #tpu.memory_space<hbm>>
        %dma_wait3A_195 = arith.constant 9600 : i32
        %dma_wait3A_196 = arith.constant 0 : i32
        %dma_wait3A_197 = tpu.memref_slice %arg22[%dma_wait3A_195, %dma_wait3A_196] : memref<10240x64xf32, #tpu.memory_space<vmem_shared>> -> memref<400x64xf32, #tpu.memory_space<vmem_shared>>
        tpu.wait_dma2 semaphore(%run_scoped3A : memref<!tpu.dma_semaphore, #tpu.memory_space<semaphore_mem>>) src(%dma_wait3A_197 : memref<400x64xf32, #tpu.memory_space<vmem_shared>>) dst(%dma_wait3A_194 : memref<400x64xf32, #tpu.memory_space<hbm>>)
        tpu.yield
      }) : () -> ()
    } else {
    }
    return
  }
}

module attributes {stable_mosaic.version = 14 : i64} {
  func.func @_edge_body(%arg0: i32, %arg1: memref<1280x16xf32, #tpu.memory_space<vmem>>, %arg2: memref<16x128xf32, #tpu.memory_space<vmem>>, %arg3: memref<128x128xf32, #tpu.memory_space<vmem>>, %arg4: memref<128x1xf32, #tpu.memory_space<vmem>>, %arg5: memref<128x1xf32, #tpu.memory_space<vmem>>, %arg6: memref<1280x128xf32, #tpu.memory_space<vmem>>, %arg7: memref<1280x1xf32, #tpu.memory_space<vmem>>, %arg8: memref<1280x1xf32, #tpu.memory_space<vmem>>) attributes {dimension_semantics = [#tpu.dimension_semantics<arbitrary>], iteration_bounds = array<i64: 250>, scalar_prefetch = 0 : i64, scratch_operands = 0 : i64, tpu.core_type = #tpu.core_type<tc>, window_params = [{transform_indices = @transform_0, window_bounds = array<i64: 1280, 16>}, {pipeline_mode = #tpu.pipeline_mode<synchronous>, transform_indices = @transform_1, window_bounds = array<i64: 16, 128>}, {pipeline_mode = #tpu.pipeline_mode<synchronous>, transform_indices = @transform_2, window_bounds = array<i64: 128, 128>}, {pipeline_mode = #tpu.pipeline_mode<synchronous>, transform_indices = @transform_3, window_bounds = array<i64: 128, 1>}, {pipeline_mode = #tpu.pipeline_mode<synchronous>, transform_indices = @transform_4, window_bounds = array<i64: 128, 1>}, {transform_indices = @transform_5, window_bounds = array<i64: 1280, 128>}, {transform_indices = @transform_6, window_bounds = array<i64: 1280, 1>}, {transform_indices = @transform_7, window_bounds = array<i64: 1280, 1>}]} {
    %get3A = arith.constant 0 : index
    %get3A_0 = arith.constant 0 : index
    %get3A_1 = vector.load %arg1[%get3A, %get3A_0] : memref<1280x16xf32, #tpu.memory_space<vmem>>, vector<1280x16xf32>
    %get3A_2 = arith.constant 0 : index
    %get3A_3 = arith.constant 0 : index
    %get3A_4 = vector.load %arg2[%get3A_2, %get3A_3] : memref<16x128xf32, #tpu.memory_space<vmem>>, vector<16x128xf32>
    %get3A_5 = arith.constant 0 : index
    %get3A_6 = arith.constant 0 : index
    %get3A_7 = vector.load %arg3[%get3A_5, %get3A_6] : memref<128x128xf32, #tpu.memory_space<vmem>>, vector<128x128xf32>
    %dot_general3A = arith.constant dense<0.000000e+00> : vector<16x128xf32>
    %dot_general3A_8 = tpu.matmul %get3A_4, %get3A_7, %dot_general3A {dimension_numbers = #tpu.dot_dimension_numbers<[1], [0], [0], [1], [0, 0, 1, 1], [], []>, transpose_lhs_hint = false} : vector<16x128xf32>, vector<128x128xf32>, vector<16x128xf32> -> vector<16x128xf32>
    %get3A_9 = arith.constant 0 : index
    %get3A_10 = arith.constant 0 : index
    %get3A_11 = vector.load %arg2[%get3A_9, %get3A_10] : memref<16x128xf32, #tpu.memory_space<vmem>>, vector<16x128xf32>
    %get3A_12 = arith.constant 0 : index
    %get3A_13 = arith.constant 0 : index
    %get3A_14 = vector.load %arg4[%get3A_12, %get3A_13] : memref<128x1xf32, #tpu.memory_space<vmem>>, vector<128x1xf32>
    %dot_general3A_15 = arith.constant dense<0.000000e+00> : vector<16x1xf32>
    %dot_general3A_16 = tpu.matmul %get3A_11, %get3A_14, %dot_general3A_15 {dimension_numbers = #tpu.dot_dimension_numbers<[1], [0], [0], [1], [0, 0, 1, 1], [], []>, transpose_lhs_hint = false} : vector<16x128xf32>, vector<128x1xf32>, vector<16x1xf32> -> vector<16x1xf32>
    %get3A_17 = arith.constant 0 : index
    %get3A_18 = arith.constant 0 : index
    %get3A_19 = vector.load %arg5[%get3A_17, %get3A_18] : memref<128x1xf32, #tpu.memory_space<vmem>>, vector<128x1xf32>
    %dot_general3A_20 = arith.constant dense<0.000000e+00> : vector<16x1xf32>
    %dot_general3A_21 = tpu.matmul %dot_general3A_8, %get3A_19, %dot_general3A_20 {dimension_numbers = #tpu.dot_dimension_numbers<[1], [0], [0], [1], [0, 0, 1, 1], [], []>, transpose_lhs_hint = false} : vector<16x128xf32>, vector<128x1xf32>, vector<16x1xf32> -> vector<16x1xf32>
    %dot_general3A_22 = arith.constant dense<0.000000e+00> : vector<1280x128xf32>
    %dot_general3A_23 = tpu.matmul %get3A_1, %dot_general3A_8, %dot_general3A_22 {dimension_numbers = #tpu.dot_dimension_numbers<[1], [0], [0], [1], [0, 0, 1, 1], [], []>, transpose_lhs_hint = false} : vector<1280x16xf32>, vector<16x128xf32>, vector<1280x128xf32> -> vector<1280x128xf32>
    %swap3A = arith.constant 0 : index
    %swap3A_24 = arith.constant 0 : index
    %swap3A_25 = vector.load %arg6[%swap3A, %swap3A_24] : memref<1280x128xf32, #tpu.memory_space<vmem>>, vector<1280x128xf32>
    tpu.vector_store %arg6[%swap3A, %swap3A_24], %dot_general3A_23 {strides = array<i32>} : memref<1280x128xf32, #tpu.memory_space<vmem>>, vector<1280x128xf32>,
    %dot_general3A_26 = arith.constant dense<0.000000e+00> : vector<1280x1xf32>
    %dot_general3A_27 = tpu.matmul %get3A_1, %dot_general3A_16, %dot_general3A_26 {dimension_numbers = #tpu.dot_dimension_numbers<[1], [0], [0], [1], [0, 0, 1, 1], [], []>, transpose_lhs_hint = false} : vector<1280x16xf32>, vector<16x1xf32>, vector<1280x1xf32> -> vector<1280x1xf32>
    %swap3A_28 = arith.constant 0 : index
    %swap3A_29 = arith.constant 0 : index
    %swap3A_30 = vector.load %arg7[%swap3A_28, %swap3A_29] : memref<1280x1xf32, #tpu.memory_space<vmem>>, vector<1280x1xf32>
    tpu.vector_store %arg7[%swap3A_28, %swap3A_29], %dot_general3A_27 {strides = array<i32>} : memref<1280x1xf32, #tpu.memory_space<vmem>>, vector<1280x1xf32>,
    %dot_general3A_31 = arith.constant dense<0.000000e+00> : vector<1280x1xf32>
    %dot_general3A_32 = tpu.matmul %get3A_1, %dot_general3A_21, %dot_general3A_31 {dimension_numbers = #tpu.dot_dimension_numbers<[1], [0], [0], [1], [0, 0, 1, 1], [], []>, transpose_lhs_hint = false} : vector<1280x16xf32>, vector<16x1xf32>, vector<1280x1xf32> -> vector<1280x1xf32>
    %swap3A_33 = arith.constant 0 : index
    %swap3A_34 = arith.constant 0 : index
    %swap3A_35 = vector.load %arg8[%swap3A_33, %swap3A_34] : memref<1280x1xf32, #tpu.memory_space<vmem>>, vector<1280x1xf32>
    tpu.vector_store %arg8[%swap3A_33, %swap3A_34], %dot_general3A_32 {strides = array<i32>} : memref<1280x1xf32, #tpu.memory_space<vmem>>, vector<1280x1xf32>,
    return
  }
  func.func @transform_0(%arg0: i32) -> (i32, i32) {
    %c0_i32 = arith.constant 0 : i32
    %c0_i32_0 = arith.constant 0 : i32
    return %arg0, %c0_i32 : i32, i32
  }
  func.func @transform_1(%arg0: i32) -> (i32, i32) {
    %c0_i32 = arith.constant 0 : i32
    %c0_i32_0 = arith.constant 0 : i32
    %c0_i32_1 = arith.constant 0 : i32
    return %c0_i32, %c0_i32_0 : i32, i32
  }
  func.func @transform_2(%arg0: i32) -> (i32, i32) {
    %c0_i32 = arith.constant 0 : i32
    %c0_i32_0 = arith.constant 0 : i32
    %c0_i32_1 = arith.constant 0 : i32
    return %c0_i32, %c0_i32_0 : i32, i32
  }
  func.func @transform_3(%arg0: i32) -> (i32, i32) {
    %c0_i32 = arith.constant 0 : i32
    %c0_i32_0 = arith.constant 0 : i32
    %c0_i32_1 = arith.constant 0 : i32
    return %c0_i32, %c0_i32_0 : i32, i32
  }
  func.func @transform_4(%arg0: i32) -> (i32, i32) {
    %c0_i32 = arith.constant 0 : i32
    %c0_i32_0 = arith.constant 0 : i32
    %c0_i32_1 = arith.constant 0 : i32
    return %c0_i32, %c0_i32_0 : i32, i32
  }
  func.func @transform_5(%arg0: i32) -> (i32, i32) {
    %c0_i32 = arith.constant 0 : i32
    %c0_i32_0 = arith.constant 0 : i32
    return %arg0, %c0_i32 : i32, i32
  }
  func.func @transform_6(%arg0: i32) -> (i32, i32) {
    %c0_i32 = arith.constant 0 : i32
    %c0_i32_0 = arith.constant 0 : i32
    return %arg0, %c0_i32 : i32, i32
  }
  func.func @transform_7(%arg0: i32) -> (i32, i32) {
    %c0_i32 = arith.constant 0 : i32
    %c0_i32_0 = arith.constant 0 : i32
    return %arg0, %c0_i32 : i32, i32
  }
}

module attributes {stable_mosaic.version = 14 : i64} {
  func.func @_node1_body(%arg0: i32, %arg1: memref<400x128xf32, #tpu.memory_space<vmem>>, %arg2: memref<128x128xf32, #tpu.memory_space<vmem>>, %arg3: memref<128x1xf32, #tpu.memory_space<vmem>>, %arg4: memref<128x1xf32, #tpu.memory_space<vmem>>, %arg5: memref<400x64xf32, #tpu.memory_space<vmem>>, %arg6: memref<400x64xf32, #tpu.memory_space<vmem>>, %arg7: memref<400x1xf32, #tpu.memory_space<vmem>>, %arg8: memref<400x1xf32, #tpu.memory_space<vmem>>) attributes {dimension_semantics = [#tpu.dimension_semantics<arbitrary>], iteration_bounds = array<i64: 25>, scalar_prefetch = 0 : i64, scratch_operands = 0 : i64, tpu.core_type = #tpu.core_type<tc>, window_params = [{transform_indices = @transform_0, window_bounds = array<i64: 400, 128>}, {pipeline_mode = #tpu.pipeline_mode<synchronous>, transform_indices = @transform_1, window_bounds = array<i64: 128, 128>}, {pipeline_mode = #tpu.pipeline_mode<synchronous>, transform_indices = @transform_2, window_bounds = array<i64: 128, 1>}, {pipeline_mode = #tpu.pipeline_mode<synchronous>, transform_indices = @transform_3, window_bounds = array<i64: 128, 1>}, {transform_indices = @transform_4, window_bounds = array<i64: 400, 64>}, {transform_indices = @transform_5, window_bounds = array<i64: 400, 64>}, {transform_indices = @transform_6, window_bounds = array<i64: 400, 1>}, {transform_indices = @transform_7, window_bounds = array<i64: 400, 1>}]} {
    %get3A = arith.constant 0 : index
    %get3A_0 = arith.constant 0 : index
    %get3A_1 = vector.load %arg1[%get3A, %get3A_0] : memref<400x128xf32, #tpu.memory_space<vmem>>, vector<400x128xf32>
    %get3A_2 = arith.constant 0 : index
    %get3A_3 = arith.constant 0 : index
    %get3A_4 = vector.load %arg2[%get3A_2, %get3A_3] : memref<128x128xf32, #tpu.memory_space<vmem>>, vector<128x128xf32>
    %dot_general3A = arith.constant dense<0.000000e+00> : vector<400x128xf32>
    %dot_general3A_5 = tpu.matmul %get3A_1, %get3A_4, %dot_general3A {dimension_numbers = #tpu.dot_dimension_numbers<[1], [0], [0], [1], [0, 0, 1, 1], [], []>, transpose_lhs_hint = false} : vector<400x128xf32>, vector<128x128xf32>, vector<400x128xf32> -> vector<400x128xf32>
    %slice3A = vector.extract_strided_slice %dot_general3A_5 {offsets = [0, 0], sizes = [400, 64], strides = [1, 1]} : vector<400x128xf32> to vector<400x64xf32>
    %swap3A = arith.constant 0 : index
    %swap3A_6 = arith.constant 0 : index
    %swap3A_7 = vector.load %arg5[%swap3A, %swap3A_6] : memref<400x64xf32, #tpu.memory_space<vmem>>, vector<400x64xf32>
    tpu.vector_store %arg5[%swap3A, %swap3A_6], %slice3A {strides = array<i32>} : memref<400x64xf32, #tpu.memory_space<vmem>>, vector<400x64xf32>,
    %slice3A_8 = vector.extract_strided_slice %dot_general3A_5 {offsets = [0, 64], sizes = [400, 64], strides = [1, 1]} : vector<400x128xf32> to vector<400x64xf32>
    %swap3A_9 = arith.constant 0 : index
    %swap3A_10 = arith.constant 0 : index
    %swap3A_11 = vector.load %arg6[%swap3A_9, %swap3A_10] : memref<400x64xf32, #tpu.memory_space<vmem>>, vector<400x64xf32>
    tpu.vector_store %arg6[%swap3A_9, %swap3A_10], %slice3A_8 {strides = array<i32>} : memref<400x64xf32, #tpu.memory_space<vmem>>, vector<400x64xf32>,
    %get3A_12 = arith.constant 0 : index
    %get3A_13 = arith.constant 0 : index
    %get3A_14 = vector.load %arg3[%get3A_12, %get3A_13] : memref<128x1xf32, #tpu.memory_space<vmem>>, vector<128x1xf32>
    %dot_general3A_15 = arith.constant dense<0.000000e+00> : vector<400x1xf32>
    %dot_general3A_16 = tpu.matmul %dot_general3A_5, %get3A_14, %dot_general3A_15 {dimension_numbers = #tpu.dot_dimension_numbers<[1], [0], [0], [1], [0, 0, 1, 1], [], []>, transpose_lhs_hint = false} : vector<400x128xf32>, vector<128x1xf32>, vector<400x1xf32> -> vector<400x1xf32>
    %swap3A_17 = arith.constant 0 : index
    %swap3A_18 = arith.constant 0 : index
    %swap3A_19 = vector.load %arg7[%swap3A_17, %swap3A_18] : memref<400x1xf32, #tpu.memory_space<vmem>>, vector<400x1xf32>
    tpu.vector_store %arg7[%swap3A_17, %swap3A_18], %dot_general3A_16 {strides = array<i32>} : memref<400x1xf32, #tpu.memory_space<vmem>>, vector<400x1xf32>,
    %get3A_20 = arith.constant 0 : index
    %get3A_21 = arith.constant 0 : index
    %get3A_22 = vector.load %arg4[%get3A_20, %get3A_21] : memref<128x1xf32, #tpu.memory_space<vmem>>, vector<128x1xf32>
    %dot_general3A_23 = arith.constant dense<0.000000e+00> : vector<400x1xf32>
    %dot_general3A_24 = tpu.matmul %dot_general3A_5, %get3A_22, %dot_general3A_23 {dimension_numbers = #tpu.dot_dimension_numbers<[1], [0], [0], [1], [0, 0, 1, 1], [], []>, transpose_lhs_hint = false} : vector<400x128xf32>, vector<128x1xf32>, vector<400x1xf32> -> vector<400x1xf32>
    %swap3A_25 = arith.constant 0 : index
    %swap3A_26 = arith.constant 0 : index
    %swap3A_27 = vector.load %arg8[%swap3A_25, %swap3A_26] : memref<400x1xf32, #tpu.memory_space<vmem>>, vector<400x1xf32>
    tpu.vector_store %arg8[%swap3A_25, %swap3A_26], %dot_general3A_24 {strides = array<i32>} : memref<400x1xf32, #tpu.memory_space<vmem>>, vector<400x1xf32>,
    return
  }
  func.func @transform_0(%arg0: i32) -> (i32, i32) {
    %c0_i32 = arith.constant 0 : i32
    %c0_i32_0 = arith.constant 0 : i32
    return %arg0, %c0_i32 : i32, i32
  }
  func.func @transform_1(%arg0: i32) -> (i32, i32) {
    %c0_i32 = arith.constant 0 : i32
    %c0_i32_0 = arith.constant 0 : i32
    %c0_i32_1 = arith.constant 0 : i32
    return %c0_i32, %c0_i32_0 : i32, i32
  }
  func.func @transform_2(%arg0: i32) -> (i32, i32) {
    %c0_i32 = arith.constant 0 : i32
    %c0_i32_0 = arith.constant 0 : i32
    %c0_i32_1 = arith.constant 0 : i32
    return %c0_i32, %c0_i32_0 : i32, i32
  }
  func.func @transform_3(%arg0: i32) -> (i32, i32) {
    %c0_i32 = arith.constant 0 : i32
    %c0_i32_0 = arith.constant 0 : i32
    %c0_i32_1 = arith.constant 0 : i32
    return %c0_i32, %c0_i32_0 : i32, i32
  }
  func.func @transform_4(%arg0: i32) -> (i32, i32) {
    %c0_i32 = arith.constant 0 : i32
    %c0_i32_0 = arith.constant 0 : i32
    return %arg0, %c0_i32 : i32, i32
  }
  func.func @transform_5(%arg0: i32) -> (i32, i32) {
    %c0_i32 = arith.constant 0 : i32
    %c0_i32_0 = arith.constant 0 : i32
    return %arg0, %c0_i32 : i32, i32
  }
  func.func @transform_6(%arg0: i32) -> (i32, i32) {
    %c0_i32 = arith.constant 0 : i32
    %c0_i32_0 = arith.constant 0 : i32
    return %arg0, %c0_i32 : i32, i32
  }
  func.func @transform_7(%arg0: i32) -> (i32, i32) {
    %c0_i32 = arith.constant 0 : i32
    %c0_i32_0 = arith.constant 0 : i32
    return %arg0, %c0_i32 : i32, i32
  }
}

module attributes {stable_mosaic.version = 14 : i64} {
  func.func @_node2_body(%arg0: i32, %arg1: memref<1x400x64xf32, #tpu.memory_space<vmem>>, %arg2: memref<1x400x64xf32, #tpu.memory_space<vmem>>, %arg3: memref<1x400x64xf32, #tpu.memory_space<vmem>>, %arg4: memref<1x400x64xf32, #tpu.memory_space<vmem>>, %arg5: memref<400x1xf32, #tpu.memory_space<vmem>>, %arg6: memref<400x1xf32, #tpu.memory_space<vmem>>, %arg7: memref<1x128xf32, #tpu.memory_space<vmem>>, %arg8: memref<128x128xf32, #tpu.memory_space<vmem>>, %arg9: memref<128x1xf32, #tpu.memory_space<vmem>>, %arg10: memref<128x1xf32, #tpu.memory_space<vmem>>, %arg11: memref<400x64xf32, #tpu.memory_space<vmem>>, %arg12: memref<400x64xf32, #tpu.memory_space<vmem>>, %arg13: memref<400x1xf32, #tpu.memory_space<vmem>>, %arg14: memref<400x1xf32, #tpu.memory_space<vmem>>) attributes {dimension_semantics = [#tpu.dimension_semantics<arbitrary>], iteration_bounds = array<i64: 25>, scalar_prefetch = 0 : i64, scratch_operands = 0 : i64, tpu.core_type = #tpu.core_type<tc>, window_params = [{transform_indices = @transform_0, window_bounds = array<i64: 1, 400, 64>}, {transform_indices = @transform_1, window_bounds = array<i64: 1, 400, 64>}, {transform_indices = @transform_2, window_bounds = array<i64: 1, 400, 64>}, {transform_indices = @transform_3, window_bounds = array<i64: 1, 400, 64>}, {transform_indices = @transform_4, window_bounds = array<i64: 400, 1>}, {transform_indices = @transform_5, window_bounds = array<i64: 400, 1>}, {pipeline_mode = #tpu.pipeline_mode<synchronous>, transform_indices = @transform_6, window_bounds = array<i64: 1, 128>}, {pipeline_mode = #tpu.pipeline_mode<synchronous>, transform_indices = @transform_7, window_bounds = array<i64: 128, 128>}, {pipeline_mode = #tpu.pipeline_mode<synchronous>, transform_indices = @transform_8, window_bounds = array<i64: 128, 1>}, {pipeline_mode = #tpu.pipeline_mode<synchronous>, transform_indices = @transform_9, window_bounds = array<i64: 128, 1>}, {transform_indices = @transform_10, window_bounds = array<i64: 400, 64>}, {transform_indices = @transform_11, window_bounds = array<i64: 400, 64>}, {transform_indices = @transform_12, window_bounds = array<i64: 400, 1>}, {transform_indices = @transform_13, window_bounds = array<i64: 400, 1>}]} {
    %get3A = arith.constant 0 : index
    %get3A_0 = arith.constant 0 : index
    %get3A_1 = vector.load %arg5[%get3A, %get3A_0] : memref<400x1xf32, #tpu.memory_space<vmem>>, vector<400x1xf32>
    %get3A_2 = arith.constant 0 : index
    %get3A_3 = arith.constant 0 : index
    %get3A_4 = vector.load %arg6[%get3A_2, %get3A_3] : memref<400x1xf32, #tpu.memory_space<vmem>>, vector<400x1xf32>
    %add3A = arith.addf %get3A_1, %get3A_4 : vector<400x1xf32>
    %add3A_5 = arith.constant 1.000000e-16 : f32
    %add3A_6 = vector.broadcast %add3A_5 : f32 to vector<400x1xf32>
    %add3A_7 = arith.addf %add3A, %add3A_6 : vector<400x1xf32>
    %get3A_8 = arith.constant 0 : index
    %get3A_9 = arith.constant 0 : index
    %get3A_10 = arith.constant 0 : index
    %get3A_11 = vector.load %arg1[%get3A_8, %get3A_9, %get3A_10] : memref<1x400x64xf32, #tpu.memory_space<vmem>>, vector<1x400x64xf32>
    %get3A_12 = vector.shape_cast %get3A_11 : vector<1x400x64xf32> to vector<400x64xf32>
    %get3A_13 = arith.constant 0 : index
    %get3A_14 = arith.constant 0 : index
    %get3A_15 = arith.constant 0 : index
    %get3A_16 = vector.load %arg2[%get3A_13, %get3A_14, %get3A_15] : memref<1x400x64xf32, #tpu.memory_space<vmem>>, vector<1x400x64xf32>
    %get3A_17 = vector.shape_cast %get3A_16 : vector<1x400x64xf32> to vector<400x64xf32>
    %add3A_18 = arith.addf %get3A_12, %get3A_17 : vector<400x64xf32>
    %get3A_19 = arith.constant 0 : index
    %get3A_20 = arith.constant 0 : index
    %get3A_21 = arith.constant 0 : index
    %get3A_22 = vector.load %arg3[%get3A_19, %get3A_20, %get3A_21] : memref<1x400x64xf32, #tpu.memory_space<vmem>>, vector<1x400x64xf32>
    %get3A_23 = vector.shape_cast %get3A_22 : vector<1x400x64xf32> to vector<400x64xf32>
    %get3A_24 = arith.constant 0 : index
    %get3A_25 = arith.constant 0 : index
    %get3A_26 = arith.constant 0 : index
    %get3A_27 = vector.load %arg4[%get3A_24, %get3A_25, %get3A_26] : memref<1x400x64xf32, #tpu.memory_space<vmem>>, vector<1x400x64xf32>
    %get3A_28 = vector.shape_cast %get3A_27 : vector<1x400x64xf32> to vector<400x64xf32>
    %add3A_29 = arith.addf %get3A_23, %get3A_28 : vector<400x64xf32>
    %concatenate3A = tpu.concatenate %add3A_18, %add3A_29 in 1 : vector<400x64xf32>, vector<400x64xf32> -> vector<400x128xf32>
    %div3A = vector.broadcast %add3A_7 : vector<400x1xf32> to vector<400x128xf32>
    %div3A_30 = arith.divf %concatenate3A, %div3A : vector<400x128xf32>
    %get3A_31 = arith.constant 0 : index
    %get3A_32 = arith.constant 0 : index
    %get3A_33 = vector.load %arg7[%get3A_31, %get3A_32] : memref<1x128xf32, #tpu.memory_space<vmem>>, vector<1x128xf32>
    %add3A_34 = vector.broadcast %get3A_33 : vector<1x128xf32> to vector<400x128xf32>
    %add3A_35 = arith.addf %div3A_30, %add3A_34 : vector<400x128xf32>
    %get3A_36 = arith.constant 0 : index
    %get3A_37 = arith.constant 0 : index
    %get3A_38 = vector.load %arg8[%get3A_36, %get3A_37] : memref<128x128xf32, #tpu.memory_space<vmem>>, vector<128x128xf32>
    %dot_general3A = arith.constant dense<0.000000e+00> : vector<400x128xf32>
    %dot_general3A_39 = tpu.matmul %add3A_35, %get3A_38, %dot_general3A {dimension_numbers = #tpu.dot_dimension_numbers<[1], [0], [0], [1], [0, 0, 1, 1], [], []>, transpose_lhs_hint = false} : vector<400x128xf32>, vector<128x128xf32>, vector<400x128xf32> -> vector<400x128xf32>
    %slice3A = vector.extract_strided_slice %dot_general3A_39 {offsets = [0, 0], sizes = [400, 64], strides = [1, 1]} : vector<400x128xf32> to vector<400x64xf32>
    %swap3A = arith.constant 0 : index
    %swap3A_40 = arith.constant 0 : index
    %swap3A_41 = vector.load %arg11[%swap3A, %swap3A_40] : memref<400x64xf32, #tpu.memory_space<vmem>>, vector<400x64xf32>
    tpu.vector_store %arg11[%swap3A, %swap3A_40], %slice3A {strides = array<i32>} : memref<400x64xf32, #tpu.memory_space<vmem>>, vector<400x64xf32>,
    %slice3A_42 = vector.extract_strided_slice %dot_general3A_39 {offsets = [0, 64], sizes = [400, 64], strides = [1, 1]} : vector<400x128xf32> to vector<400x64xf32>
    %swap3A_43 = arith.constant 0 : index
    %swap3A_44 = arith.constant 0 : index
    %swap3A_45 = vector.load %arg12[%swap3A_43, %swap3A_44] : memref<400x64xf32, #tpu.memory_space<vmem>>, vector<400x64xf32>
    tpu.vector_store %arg12[%swap3A_43, %swap3A_44], %slice3A_42 {strides = array<i32>} : memref<400x64xf32, #tpu.memory_space<vmem>>, vector<400x64xf32>,
    %get3A_46 = arith.constant 0 : index
    %get3A_47 = arith.constant 0 : index
    %get3A_48 = vector.load %arg9[%get3A_46, %get3A_47] : memref<128x1xf32, #tpu.memory_space<vmem>>, vector<128x1xf32>
    %dot_general3A_49 = arith.constant dense<0.000000e+00> : vector<400x1xf32>
    %dot_general3A_50 = tpu.matmul %dot_general3A_39, %get3A_48, %dot_general3A_49 {dimension_numbers = #tpu.dot_dimension_numbers<[1], [0], [0], [1], [0, 0, 1, 1], [], []>, transpose_lhs_hint = false} : vector<400x128xf32>, vector<128x1xf32>, vector<400x1xf32> -> vector<400x1xf32>
    %swap3A_51 = arith.constant 0 : index
    %swap3A_52 = arith.constant 0 : index
    %swap3A_53 = vector.load %arg13[%swap3A_51, %swap3A_52] : memref<400x1xf32, #tpu.memory_space<vmem>>, vector<400x1xf32>
    tpu.vector_store %arg13[%swap3A_51, %swap3A_52], %dot_general3A_50 {strides = array<i32>} : memref<400x1xf32, #tpu.memory_space<vmem>>, vector<400x1xf32>,
    %get3A_54 = arith.constant 0 : index
    %get3A_55 = arith.constant 0 : index
    %get3A_56 = vector.load %arg10[%get3A_54, %get3A_55] : memref<128x1xf32, #tpu.memory_space<vmem>>, vector<128x1xf32>
    %dot_general3A_57 = arith.constant dense<0.000000e+00> : vector<400x1xf32>
    %dot_general3A_58 = tpu.matmul %dot_general3A_39, %get3A_56, %dot_general3A_57 {dimension_numbers = #tpu.dot_dimension_numbers<[1], [0], [0], [1], [0, 0, 1, 1], [], []>, transpose_lhs_hint = false} : vector<400x128xf32>, vector<128x1xf32>, vector<400x1xf32> -> vector<400x1xf32>
    %swap3A_59 = arith.constant 0 : index
    %swap3A_60 = arith.constant 0 : index
    %swap3A_61 = vector.load %arg14[%swap3A_59, %swap3A_60] : memref<400x1xf32, #tpu.memory_space<vmem>>, vector<400x1xf32>
    tpu.vector_store %arg14[%swap3A_59, %swap3A_60], %dot_general3A_58 {strides = array<i32>} : memref<400x1xf32, #tpu.memory_space<vmem>>, vector<400x1xf32>,
    return
  }
  func.func @transform_0(%arg0: i32) -> (i32, i32, i32) {
    %c0_i32 = arith.constant 0 : i32
    %c0_i32_0 = arith.constant 0 : i32
    %c0_i32_1 = arith.constant 0 : i32
    return %c0_i32, %arg0, %c0_i32_0 : i32, i32, i32
  }
  func.func @transform_1(%arg0: i32) -> (i32, i32, i32) {
    %c1_i32 = arith.constant 1 : i32
    %c0_i32 = arith.constant 0 : i32
    %c0_i32_0 = arith.constant 0 : i32
    return %c1_i32, %arg0, %c0_i32 : i32, i32, i32
  }
  func.func @transform_2(%arg0: i32) -> (i32, i32, i32) {
    %c0_i32 = arith.constant 0 : i32
    %c0_i32_0 = arith.constant 0 : i32
    %c0_i32_1 = arith.constant 0 : i32
    return %c0_i32, %arg0, %c0_i32_0 : i32, i32, i32
  }
  func.func @transform_3(%arg0: i32) -> (i32, i32, i32) {
    %c1_i32 = arith.constant 1 : i32
    %c0_i32 = arith.constant 0 : i32
    %c0_i32_0 = arith.constant 0 : i32
    return %c1_i32, %arg0, %c0_i32 : i32, i32, i32
  }
  func.func @transform_4(%arg0: i32) -> (i32, i32) {
    %c0_i32 = arith.constant 0 : i32
    %c0_i32_0 = arith.constant 0 : i32
    return %arg0, %c0_i32 : i32, i32
  }
  func.func @transform_5(%arg0: i32) -> (i32, i32) {
    %c0_i32 = arith.constant 0 : i32
    %c0_i32_0 = arith.constant 0 : i32
    return %arg0, %c0_i32 : i32, i32
  }
  func.func @transform_6(%arg0: i32) -> (i32, i32) {
    %c0_i32 = arith.constant 0 : i32
    %c0_i32_0 = arith.constant 0 : i32
    %c0_i32_1 = arith.constant 0 : i32
    return %c0_i32, %c0_i32_0 : i32, i32
  }
  func.func @transform_7(%arg0: i32) -> (i32, i32) {
    %c0_i32 = arith.constant 0 : i32
    %c0_i32_0 = arith.constant 0 : i32
    %c0_i32_1 = arith.constant 0 : i32
    return %c0_i32, %c0_i32_0 : i32, i32
  }
  func.func @transform_8(%arg0: i32) -> (i32, i32) {
    %c0_i32 = arith.constant 0 : i32
    %c0_i32_0 = arith.constant 0 : i32
    %c0_i32_1 = arith.constant 0 : i32
    return %c0_i32, %c0_i32_0 : i32, i32
  }
  func.func @transform_9(%arg0: i32) -> (i32, i32) {
    %c0_i32 = arith.constant 0 : i32
    %c0_i32_0 = arith.constant 0 : i32
    %c0_i32_1 = arith.constant 0 : i32
    return %c0_i32, %c0_i32_0 : i32, i32
  }
  func.func @transform_10(%arg0: i32) -> (i32, i32) {
    %c0_i32 = arith.constant 0 : i32
    %c0_i32_0 = arith.constant 0 : i32
    return %arg0, %c0_i32 : i32, i32
  }
  func.func @transform_11(%arg0: i32) -> (i32, i32) {
    %c0_i32 = arith.constant 0 : i32
    %c0_i32_0 = arith.constant 0 : i32
    return %arg0, %c0_i32 : i32, i32
  }
  func.func @transform_12(%arg0: i32) -> (i32, i32) {
    %c0_i32 = arith.constant 0 : i32
    %c0_i32_0 = arith.constant 0 : i32
    return %arg0, %c0_i32 : i32, i32
  }
  func.func @transform_13(%arg0: i32) -> (i32, i32) {
    %c0_i32 = arith.constant 0 : i32
    %c0_i32_0 = arith.constant 0 : i32
    return %arg0, %c0_i32 : i32, i32
  }
}

module attributes {stable_mosaic.version = 14 : i64} {
  func.func @_comb_body(%arg0: i32, %arg1: memref<1x400x64xf32, #tpu.memory_space<vmem>>, %arg2: memref<1x400x64xf32, #tpu.memory_space<vmem>>, %arg3: memref<1x400x64xf32, #tpu.memory_space<vmem>>, %arg4: memref<1x400x64xf32, #tpu.memory_space<vmem>>, %arg5: memref<400x1xf32, #tpu.memory_space<vmem>>, %arg6: memref<400x1xf32, #tpu.memory_space<vmem>>, %arg7: memref<1x128xf32, #tpu.memory_space<vmem>>, %arg8: memref<400x128xf32, #tpu.memory_space<vmem>>) attributes {dimension_semantics = [#tpu.dimension_semantics<arbitrary>], iteration_bounds = array<i64: 25>, scalar_prefetch = 0 : i64, scratch_operands = 0 : i64, tpu.core_type = #tpu.core_type<tc>, window_params = [{transform_indices = @transform_0, window_bounds = array<i64: 1, 400, 64>}, {transform_indices = @transform_1, window_bounds = array<i64: 1, 400, 64>}, {transform_indices = @transform_2, window_bounds = array<i64: 1, 400, 64>}, {transform_indices = @transform_3, window_bounds = array<i64: 1, 400, 64>}, {transform_indices = @transform_4, window_bounds = array<i64: 400, 1>}, {transform_indices = @transform_5, window_bounds = array<i64: 400, 1>}, {pipeline_mode = #tpu.pipeline_mode<synchronous>, transform_indices = @transform_6, window_bounds = array<i64: 1, 128>}, {transform_indices = @transform_7, window_bounds = array<i64: 400, 128>}]} {
    %get3A = arith.constant 0 : index
    %get3A_0 = arith.constant 0 : index
    %get3A_1 = vector.load %arg5[%get3A, %get3A_0] : memref<400x1xf32, #tpu.memory_space<vmem>>, vector<400x1xf32>
    %get3A_2 = arith.constant 0 : index
    %get3A_3 = arith.constant 0 : index
    %get3A_4 = vector.load %arg6[%get3A_2, %get3A_3] : memref<400x1xf32, #tpu.memory_space<vmem>>, vector<400x1xf32>
    %add3A = arith.addf %get3A_1, %get3A_4 : vector<400x1xf32>
    %add3A_5 = arith.constant 1.000000e-16 : f32
    %add3A_6 = vector.broadcast %add3A_5 : f32 to vector<400x1xf32>
    %add3A_7 = arith.addf %add3A, %add3A_6 : vector<400x1xf32>
    %get3A_8 = arith.constant 0 : index
    %get3A_9 = arith.constant 0 : index
    %get3A_10 = arith.constant 0 : index
    %get3A_11 = vector.load %arg1[%get3A_8, %get3A_9, %get3A_10] : memref<1x400x64xf32, #tpu.memory_space<vmem>>, vector<1x400x64xf32>
    %get3A_12 = vector.shape_cast %get3A_11 : vector<1x400x64xf32> to vector<400x64xf32>
    %get3A_13 = arith.constant 0 : index
    %get3A_14 = arith.constant 0 : index
    %get3A_15 = arith.constant 0 : index
    %get3A_16 = vector.load %arg2[%get3A_13, %get3A_14, %get3A_15] : memref<1x400x64xf32, #tpu.memory_space<vmem>>, vector<1x400x64xf32>
    %get3A_17 = vector.shape_cast %get3A_16 : vector<1x400x64xf32> to vector<400x64xf32>
    %add3A_18 = arith.addf %get3A_12, %get3A_17 : vector<400x64xf32>
    %get3A_19 = arith.constant 0 : index
    %get3A_20 = arith.constant 0 : index
    %get3A_21 = arith.constant 0 : index
    %get3A_22 = vector.load %arg3[%get3A_19, %get3A_20, %get3A_21] : memref<1x400x64xf32, #tpu.memory_space<vmem>>, vector<1x400x64xf32>
    %get3A_23 = vector.shape_cast %get3A_22 : vector<1x400x64xf32> to vector<400x64xf32>
    %get3A_24 = arith.constant 0 : index
    %get3A_25 = arith.constant 0 : index
    %get3A_26 = arith.constant 0 : index
    %get3A_27 = vector.load %arg4[%get3A_24, %get3A_25, %get3A_26] : memref<1x400x64xf32, #tpu.memory_space<vmem>>, vector<1x400x64xf32>
    %get3A_28 = vector.shape_cast %get3A_27 : vector<1x400x64xf32> to vector<400x64xf32>
    %add3A_29 = arith.addf %get3A_23, %get3A_28 : vector<400x64xf32>
    %concatenate3A = tpu.concatenate %add3A_18, %add3A_29 in 1 : vector<400x64xf32>, vector<400x64xf32> -> vector<400x128xf32>
    %div3A = vector.broadcast %add3A_7 : vector<400x1xf32> to vector<400x128xf32>
    %div3A_30 = arith.divf %concatenate3A, %div3A : vector<400x128xf32>
    %get3A_31 = arith.constant 0 : index
    %get3A_32 = arith.constant 0 : index
    %get3A_33 = vector.load %arg7[%get3A_31, %get3A_32] : memref<1x128xf32, #tpu.memory_space<vmem>>, vector<1x128xf32>
    %add3A_34 = vector.broadcast %get3A_33 : vector<1x128xf32> to vector<400x128xf32>
    %add3A_35 = arith.addf %div3A_30, %add3A_34 : vector<400x128xf32>
    %swap3A = arith.constant 0 : index
    %swap3A_36 = arith.constant 0 : index
    %swap3A_37 = vector.load %arg8[%swap3A, %swap3A_36] : memref<400x128xf32, #tpu.memory_space<vmem>>, vector<400x128xf32>
    tpu.vector_store %arg8[%swap3A, %swap3A_36], %add3A_35 {strides = array<i32>} : memref<400x128xf32, #tpu.memory_space<vmem>>, vector<400x128xf32>,
    return
  }
  func.func @transform_0(%arg0: i32) -> (i32, i32, i32) {
    %c0_i32 = arith.constant 0 : i32
    %c0_i32_0 = arith.constant 0 : i32
    %c0_i32_1 = arith.constant 0 : i32
    return %c0_i32, %arg0, %c0_i32_0 : i32, i32, i32
  }
  func.func @transform_1(%arg0: i32) -> (i32, i32, i32) {
    %c1_i32 = arith.constant 1 : i32
    %c0_i32 = arith.constant 0 : i32
    %c0_i32_0 = arith.constant 0 : i32
    return %c1_i32, %arg0, %c0_i32 : i32, i32, i32
  }
  func.func @transform_2(%arg0: i32) -> (i32, i32, i32) {
    %c0_i32 = arith.constant 0 : i32
    %c0_i32_0 = arith.constant 0 : i32
    %c0_i32_1 = arith.constant 0 : i32
    return %c0_i32, %arg0, %c0_i32_0 : i32, i32, i32
  }
  func.func @transform_3(%arg0: i32) -> (i32, i32, i32) {
    %c1_i32 = arith.constant 1 : i32
    %c0_i32 = arith.constant 0 : i32
    %c0_i32_0 = arith.constant 0 : i32
    return %c1_i32, %arg0, %c0_i32 : i32, i32, i32
  }
  func.func @transform_4(%arg0: i32) -> (i32, i32) {
    %c0_i32 = arith.constant 0 : i32
    %c0_i32_0 = arith.constant 0 : i32
    return %arg0, %c0_i32 : i32, i32
  }
  func.func @transform_5(%arg0: i32) -> (i32, i32) {
    %c0_i32 = arith.constant 0 : i32
    %c0_i32_0 = arith.constant 0 : i32
    return %arg0, %c0_i32 : i32, i32
  }
  func.func @transform_6(%arg0: i32) -> (i32, i32) {
    %c0_i32 = arith.constant 0 : i32
    %c0_i32_0 = arith.constant 0 : i32
    %c0_i32_1 = arith.constant 0 : i32
    return %c0_i32, %c0_i32_0 : i32, i32
  }
  func.func @transform_7(%arg0: i32) -> (i32, i32) {
    %c0_i32 = arith.constant 0 : i32
    %c0_i32_0 = arith.constant 0 : i32
    return %arg0, %c0_i32 : i32, i32
  }
}

</mosaic_0001>

<sc_bundles>
// kernel: kernel.11.cloned.1.call-start
scs
__scs_entry_jumppad:
0x0: {  	(pc) =	sbr.rel $0x88, $3  }
0x1: {  	(tag) =	ssettag $0x0;
	lr =	simm.s32 $0x1  }
0x2: {  	[smem:$0x3F92] =	sst lr;
	_ =	strace $0xD0000000  }
0x3: {  	_ = 	snop  }
0x4: {  	_ = 	snop  }
0x5: {  	_ = 	snop  }
0x6: {  	_ = 	snop  }
0x7: {  	_ = 	snop  }
__scs_overlays_trampoline_lowered:
0x8: {  	[smem:$0x3FA1] =	sst s0  }
0x9: {  	[smem:$0x3FA2] =	sst s1  }
0xa: {  	[smem:$0x3FA3] =	sst s2  }
0xb: {  	[smem:$0x3FA4] =	sst s3  }
0xc: {  	[smem:$0x3FA5] =	sst s4  }
0xd: {  	[smem:$0x3FA6] =	sst s5  }
0xe: {  	[smem:$0x3FA7] =	sst s6  }
0xf: {  	[smem:$0x3FA8] =	sst s7  }
0x10: {  	[smem:$0x3FA9] =	sst s8  }
0x11: {  	[smem:$0x3FAA] =	sst s9;
	s0 =	simm.s32 @!p0 $0x0  }
0x12: {  	s1 =	sld [smem:$0x3F90];
	s0 =	simm.s32 @p0 $0x1  }
0x13: {  	[smem:$0x3FAB] =	sst s0;
	s0 =	simm.s32 @!p1 $0x0  }
0x14: {  	s2 =	sld [smem:$0x3F8F];
	s0 =	simm.s32 @p1 $0x1  }
0x15: {  	[smem:$0x3FAC] =	sst s0;
	s0 =	simm.s32 @!p2 $0x0  }
0x16: {  	s3 =	sld [smem:$0x3FDB];
	s0 =	simm.s32 @p2 $0x1  }
0x17: {  	s4 =	simm.s32 $0x1BF5;
	[smem:$0x3FAE] =	sst s0  }
0x18: {  	s0 =	sld [smem:$0x3F91];
	_ =	swait.ge [sflag:s4], $0x0  }
0x19: {  	s7 =	sld [smem:$0x3F92]  }
0x1a: {  	s8 =	sadd.s32 $0xFFFFE003, lr  }
0x1b: {  	s9 =	sadd.s32 $0xFFFFFEF7, lr;
	s5 =	simm.s32 $0xFFFFFFFF;
	p2 =	slt.u32 s8, $0xFFFFF086  }
0x1c: {  	p1 =	slt.u32 s9, $0xF7A;
	s5 =	simm.s32 @!p2 $0x0  }
0x1d: {  	s5 =	simm.s32 @p1 $0x1;
	p0 =	seq.s32 s7, s2  }
0x1e: {  	s7 =	smul.u32 @!p0 $0xF7A, s2;
	p2 =	seq.s32 @!p0 s5, $0x0  }
0x1f: {  	s9 =	smul.u32 $0xF7A, s1;
	s8 =	simm.s32 @!p0 $0x1BF5;
	p2 =	por !p2, p0  }
0x20: {  	[sflag:s8] =	ssyncset.s32 @!p0 $0xFFFFF086;
	s6 =	sadd.s32 @!p0 s3, s7;
	s7 =	simm.s32 @!p0 $0x108  }
0x21: {  	s3 =	sadd.s32 s3, s9;
	s6 =	sadd.s32 @!p0 $0x88, s6;
	s7 =	simm.s32 @p2 $0x1082  }
0x22: {  	[simem:s7], [sflag:s8] =	dma.local @!p0 [hbm:s6], $0xF7A  }
0x23: {  	s9 =	sor.u32 $0xD0000000, s2;
	s6 =	simm.s32 $0x108;
	_ =	swait.ge @!p0 [sflag:s8], $0x0  }
0x24: {  	s3 =	sadd.s32 $0x88, s3;
	s6 =	simm.s32 @!p1 $0x1082;
	[sflag:s4] =	ssyncset.s32 $0xFFFFF086  }
0x25: {  	[simem:s6], [sflag:s4] =	dma.local [hbm:s3], $0xF7A  }
0x26: {  	[smem:$0x3F92] =	sst s1;
	(tag) =	ssettag s2;
	_ =	strace s9  }
0x27: {  	s1 =	sld [smem:$0x3FA2]  }
0x28: {  	s2 =	sld [smem:$0x3FA3]  }
0x29: {  	s4 =	sld [smem:$0x3FA5]  }
0x2a: {  	p0 =	seq.s32 s5, $0x0;
	s5 =	sld [smem:$0x3FA6]  }
0x2b: {  	s6 =	sld [smem:$0x3FA7]  }
0x2c: {  	s7 =	sld [smem:$0x3FA8]  }
0x2d: {  	s3 =	simm.s32 $0x108;
	s8 =	sld [smem:$0x3FA9]  }
0x2e: {  	s3 =	simm.s32 @!p0 $0x1082;
	s9 =	sld [smem:$0x3FAA]  }
0x2f: {  	lr =	sadd.s32 s0, s3;
	s0 =	sld [smem:$0x3FA1]  }
0x30: {  	s3 =	sld [smem:$0x3FA4]  }
0x31: {  	[smem:$0x3FAD] =	sst s10  }
0x32: {  	s10 =	sld [smem:$0x3FAB];
	_ =	sdelay $0x3  }
0x33: {  	p0 =	seq.s32 s10, $0x1;
	s10 =	sld [smem:$0x3FAD];
	_ =	sdelay $0x3  }
0x34: {  	[smem:$0x3FAD] =	sst s10  }
0x35: {  	s10 =	sld [smem:$0x3FAC];
	_ =	sdelay $0x3  }
0x36: {  	p1 =	seq.s32 s10, $0x1;
	s10 =	sld [smem:$0x3FAD];
	_ =	sdelay $0x3  }
0x37: {  	[smem:$0x3FAD] =	sst s10  }
0x38: {  	s10 =	sld [smem:$0x3FAE]  }
0x39: {  	_ = 	snop;
	(pc) =	sbr.ind lr, $3  }
0x3a: {  	_ = 	snop  }
0x3b: {  	_ = 	snop  }
0x3c: {  	p2 =	seq.s32 s10, $0x1;
	s10 =	sld [smem:$0x3FAD]  }
0x3d: {  	_ =	shalt  }
0x3e: {  	_ =	shalt  }
0x3f: {  	_ =	shalt  }
0x40: {  	_ =	shalt  }
0x41: {  	_ =	shalt  }
0x42: {  	_ =	shalt  }
0x43: {  	_ =	shalt  }
0x44: {  	_ =	shalt  }
0x45: {  	_ =	shalt  }
0x46: {  	_ =	shalt  }
0x47: {  	_ =	shalt  }
0x48: {  	_ =	shalt  }
0x49: {  	_ =	shalt  }
0x4a: {  	_ =	shalt  }
0x4b: {  	_ =	shalt  }
0x4c: {  	_ =	shalt  }
0x4d: {  	_ =	shalt  }
0x4e: {  	_ =	shalt  }
0x4f: {  	_ =	shalt  }
0x50: {  	_ =	shalt  }
0x51: {  	_ =	shalt  }
0x52: {  	_ =	shalt  }
0x53: {  	_ =	shalt  }
0x54: {  	_ =	shalt  }
0x55: {  	_ =	shalt  }
0x56: {  	_ =	shalt  }
0x57: {  	_ =	shalt  }
0x58: {  	_ =	shalt  }
0x59: {  	_ =	shalt  }
0x5a: {  	_ =	shalt  }
0x5b: {  	_ =	shalt  }
0x5c: {  	_ =	shalt  }
0x5d: {  	_ =	shalt  }
0x5e: {  	_ =	shalt  }
0x5f: {  	_ =	shalt  }
0x60: {  	_ =	shalt  }
0x61: {  	_ =	shalt  }
0x62: {  	_ =	shalt  }
0x63: {  	_ =	shalt  }
0x64: {  	_ =	shalt  }
0x65: {  	_ =	shalt  }
0x66: {  	_ =	shalt  }
0x67: {  	_ =	shalt  }
0x68: {  	_ =	shalt  }
0x69: {  	_ =	shalt  }
0x6a: {  	_ =	shalt  }
0x6b: {  	_ =	shalt  }
0x6c: {  	_ =	shalt  }
0x6d: {  	_ =	shalt  }
0x6e: {  	_ =	shalt  }
0x6f: {  	_ =	shalt  }
0x70: {  	_ =	shalt  }
0x71: {  	_ =	shalt  }
0x72: {  	_ =	shalt  }
0x73: {  	_ =	shalt  }
0x74: {  	_ =	shalt  }
0x75: {  	_ =	shalt  }
0x76: {  	_ =	shalt  }
0x77: {  	_ =	shalt  }
0x78: {  	_ =	shalt  }
0x79: {  	_ =	shalt  }
0x7a: {  	_ =	shalt  }
0x7b: {  	_ =	shalt  }
0x7c: {  	_ =	shalt  }
0x7d: {  	_ =	shalt  }
0x7e: {  	_ =	shalt  }
0x7f: {  	_ =	shalt  }
0x80: {  	_ =	shalt  }
0x81: {  	_ =	shalt  }
0x82: {  	_ =	shalt  }
0x83: {  	_ =	shalt  }
0x84: {  	_ =	shalt  }
0x85: {  	_ =	shalt  }
0x86: {  	_ =	shalt  }
0x87: {  	_ =	shalt  }
.Lfunc_end0:
.L_simem_size_0:
called_computation.1_lowered:
.L_overlay_start_0:
0x88: {  	s2 =	sld [smem:$0x3FD9]  }
0x89: {  	s3 =	sld [smem:$0x3FFE];
	_ =	sdelay $0x1  }
0x8a: {  	s1 =	srdreg.scid  }
0x8b: {  	s0 =	sand.u32 $0x1, s1  }
0x8c: {  	s14 =	sshll.u32 s0, $0xA;
	s2 =	sadd.s32 s3, s2  }
0x8d: {  	s2 =	sadd.s32 s2, s14  }
0x8e: {  	[smem:$0x3FB9] =	sst s2  }
0x8f: {  	_ = 	snop  }
0x90: {  	s2 =	sld [smem:$0x3FD0];
	_ =	sdelay $0x2  }
0x91: {  	s15 =	simm.s32 $0xA;
	s4 =	simm.s32 $0x10  }
0x92: {  	[smem:s4], [sflag:s15] =	dma.local [hbm:s2], $0x1  }
0x93: {  	_ =	swait.eq [sflag:s15], $0x1  }
0x94: {  	[sflag:s15] =	ssyncset.done $0x0  }
0x95: {  	[sflag:s15] =	ssyncadd.s32 $0xFFFFFFFF  }
0x96: {  	s16 =	sld [smem:$0x10];
	(tm) =	ssettm $0x1  }
0x97: {  	s17 =	sld [smem:$0x3FFB];
	_ =	sdelay $0x3  }
0x98: {  	_ =	strace s17  }
0x99: {  	s3 =	sld [smem:$0x3FFC];
	_ =	sdelay $0x3  }
0x9a: {  	_ =	strace s3  }
0x9b: {  	s3 =	sld [smem:$0x3FFD];
	_ =	sdelay $0x3  }
0x9c: {  	_ =	strace s3  }
0x9d: {  	_ =	strace $0x8FFFFFFF  }
0x9e: {  	s18 =	sld [smem:$0x3FDB];
	_ =	sdelay $0x1  }
0x9f: {  	s19 =	simm.s32 $_scs_section_size  }
0xa0: {  	s5 =	simm.s32 $_size__tile_overlayer_lowered;
	s6 =	simm.s32 $_tile_overlayer_lowered  }
0xa1: {  	s22 =	simm.s32 $0x1BFF;
	s21 =	sshll.u32 s6, $0x1;
	s3 =	sadd.s32 s19, s18  }
0xa2: {  	s7 =	simm.s32 $0x0;
	s20 =	sshll.u32 s5, $0x1;
	s5 =	sadd.s32 s21, s3  }
0xa3: {  	[timem:s7], [sflag:s22] =	dma.local [hbm:s5], s20  }
0xa4: {  	_ =	swait.ge [sflag:s22], s20  }
0xa5: {  	s4 =	ssub.s32 $0x0, s20;
	[sflag:s22] =	ssyncset.done $0x0  }
0xa6: {  	[sflag:s22] =	ssyncadd.s32 s4;
	_ =	sdelay $0x1  }
0xa7: {  	s23 =	simm.s32 $0x1B8B  }
0xa8: {  	_ =	swait.ge [sflag:s23], $0x1  }
0xa9: {  	[sflag:s23] =	ssyncset.done $0x0  }
0xaa: {  	s25 =	simm.s32 $0x1B8E;
	s24 =	sld [smem:$0x3FFE];
	[sflag:s23] =	ssyncadd.s32 $0xFFFFFFFF  }
0xab: {  	s26 =	simm.s32 $execute0_lowered;
	[smem:$0x3FD2] =	sst s25  }
0xac: {  	s5 =	sshll.u32 s26, $0x1;
	_ =	strace $0x80000049;
	[dreg:$0x1] =	wrdreg $0xFFFFFFFF  }
0xad: {  	s28 =	simm.s32 $_size_execute0_lowered;
	s3 =	sadd.s32 s3, s5;
	[dreg:$0x0] =	wrdreg $0x0  }
0xae: {  	s5 =	sshll.u32 s28, $0x1;
	[dreg:$0x2] =	wrdreg s3  }
0xaf: {  	[dreg:$0x3] =	wrdreg s5  }
0xb0: {  	[dreg:$0x4] =	wrdreg $0xC0  }
0xb1: {  	_ =	task [dreg:s7], $0x5FFFF  }
0xb2: {  	[dreg:$0x1] =	wrdreg $0xFFFFFFFF  }
0xb3: {  	[dreg:$0x0] =	wrdreg $0x60  }
0xb4: {  	[dreg:$0x2] =	wrdreg s24  }
0xb5: {  	[dreg:$0x3] =	wrdreg s16  }
0xb6: {  	[dreg:$0x4] =	wrdreg $0x148E00  }
0xb7: {  	[dreg:$0x5] =	wrdreg $0x146600  }
0xb8: {  	[dreg:$0x6] =	wrdreg $0x9  }
0xb9: {  	_ =	task.clear_ibuf [dreg:s7], $0x7FFFF;
	_ =	strace $0x90000049  }
0xba: {  	s29 =	simm.s32 $0x9;
	_ =	strace $0x8000004B  }
0xbb: {  	_ =	swait.ge [sflag:s29], $0x1  }
0xbc: {  	[sflag:s29] =	ssyncadd.s32 $0xFFFFFFFF  }
0xbd: {  	_ =	strace $0x9000004B  }
0xbe: {  	_ =	sfence  }
0xbf: {  	s30 =	sld [smem:$0x0];
	_ =	sdelay $0x2  }
0xc0: {  	s31 =	sshll.u32 s1, $0xD;
	s1 =	sshrl.u32 s1, $0x2  }
0xc1: {  	s3 =	sand.u32 $0x4000, s31;
	s1 =	sadd.s32 s1, s30  }
0xc2: {  	s0 =	sor.u32 s3, s0;
	s1 =	sshll.u32 s1, $0x11  }
0xc3: {  	s0 =	sor.u32 s1, s0  }
0xc4: {  	s0 =	sadd.s32 $0x8F2B, s0  }
0xc5: {  	[sflag:s0] =	ssyncadd.remote.s32 $0x1  }
0xc6: {  	_ =	sfence.sel $0xFFFF  }
0xc7: {  	[dreg:$0x0] =	wrdreg $0xFFFFFFFF;
	(pc) =	sbr.abs _section_cstart, $3  }
0xc8: {  	[dreg:$0x1] =	wrdreg $0xFFFFFFFF  }
0xc9: {  	_ =	task.clear_ibuf [dreg:s7], $0x2FFFF;
	_ =	strace $0x9FFFFFFF  }
0xca: {  	(tm) =	ssettm $0x7FFFFFFF  }
0xcb: {  	_ =	shalt  }
tec
execute0_lowered:
.L_overlay_start_1:
0x0: {  	(tag) =	ssettag $0x1  }
0x1: {  	s0 =	rddreg [dreg:$0x0]  }
0x2: {  	s1 =	rddreg [dreg:$0x1]  }
0x3: {  	s3 =	srdreg.scid;
	s2 =	rddreg [dreg:$0x2]  }
0x4: {  	s16 =	stileid.u32;
	s4 =	simm.s32 $0x0;
	s31 =	simm.s32 $0xEA60  }
0x5: {  	s30 =	simm.s32 $0x13E60;
	s5 =	sand.u32 $0x1, s3;
	s3 =	rddreg [dreg:$0x3]  }
0x6: {  	s28 =	simm.s32 $0x14260;
	[smem:$0x7FF] =	sst s4;
	s9 =	smul.u32 $0x280, s16  }
0x7: {  	s7 =	sadd.s32 $0x14A00, s0;
	s25 =	sadd.s32 $0x15000, s0;
	s12 =	smul.u32 $0x28000, s16  }
0x8: {  	s8 =	sadd.s32 $0x29000, s0;
	s11 =	sadd.s32 $0x3CA00, s0;
	s15 =	smul.u32 $0xA000, s16  }
0x9: {  	p0 =	seq.s32 s16, $0xF;
	_ =	strace $0x8000004A;
	[dreg:$0x5] =	wrdreg s7  }
0xa: {  	s6 =	sshll.u32 s5, $0x4;
	s10 =	smul.u32 $0x2800, s5;
	[dreg:$0x6] =	wrdreg s25  }
0xb: {  	s7 =	sadd.s32 $0x15600, s0;
	s13 =	ssub.s32 $0x2, s5;
	s5 =	smul.u32 $0x9C400, s5  }
0xc: {  	s25 =	sadd.s32 $0x96000, s2;
	s6 =	sor.u32 s16, s6;
	s26 =	sshrl.u32 s13, $0x1  }
0xd: {  	s12 =	sshrl.u32 s12, $0x2;
	s29 =	sadd.s32 s15, s2;
	[dreg:$0x12] =	wrdreg s25  }
0xe: {  	s25 =	simm.s32 $0xB;
	s16 =	simm.s32 $0x3;
	s6 =	smul.u32 $0x4E2, s6  }
0xf: {  	s10 =	sadd.s32 s9, s10;
	[dreg:$0x7] =	wrdreg s29;
	s12 =	sadd.s32 s12, s2  }
0x10: {  	s21 =	sadd.s32 s15, s5;
	s5 =	sshrl.u32 s5, $0x3;
	s15 =	simm.s32 $0x2  }
0x11: {  	s10 =	sshrl.u32 s10, $0x3;
	s14 =	sadd.s32 $0x2000, s12;
	s17 =	sadd.s32 $0x4000, s12  }
0x12: {  	s18 =	sadd.s32 $0x6000, s12;
	s12 =	sadd.s32 $0x8000, s12;
	s22 =	sshrl.u32 s21, $0x3  }
0x13: {  	s24 =	sadd.s32 $0x12C00, s5;
	s5 =	simm.s32 $0x1;
	[dreg:$0x8] =	wrdreg s14  }
0x14: {  	s21 =	simm.s32 $0x8;
	s6 =	sadd.s32 s6, s0;
	[dreg:$0x9] =	wrdreg s17  }
0x15: {  	s0 =	sadd.s32 s10, s0;
	s10 =	ssub.s32 s13, s26;
	[dreg:$0xa] =	wrdreg s18  }
0x16: {  	[dreg:$0xb] =	wrdreg s12;
	s14 =	sadd.s32 s9, s3;
	s23 =	sadd.s32 s1, s22  }
0x17: {  	s1 =	sadd.s32 s1, s24;
	s26 =	sadd.s32 s11, s22;
	[dreg:$0x10] =	wrdreg s23  }
0x18: {  	s17 =	simm.s32 $0x4;
	s18 =	simm.s32 $0x5;
	[dreg:$0x11] =	wrdreg s1  }
0x19: {  	s22 =	simm.s32 $0x9;
	s19 =	sadd.s32 $0xAC00, s6;
	[dreg:$0x13] =	wrdreg s26  }
0x1a: {  	s9 =	simm.s32 $0x0;
	s20 =	sadd.s32 $0xE00, s6;
	[dreg:$0xc] =	wrdreg s19  }
.Ltmp0:
0x1b: {  	s6 =	sadd.s32 $0x6E400, s6;
	[dreg:$0xd] =	wrdreg s20;
	(pc) =	sbr.rel .LBB2_1-.Ltmp0, $4  }
0x1c: {  	s0 =	sadd.s32 $0x63C00, s0;
	s29 =	smax.u32 s10, $0x1;
	[dreg:$0xe] =	wrdreg s6  }
0x1d: {  	s26 =	simm.s32 $0x2710;
	s23 =	simm.s32 $0xA;
	[dreg:$0xf] =	wrdreg s0  }
0x1e: {  	s0 =	sadd.s32 s11, s24;
	[dreg:$0x15] =	wrdreg s29;
	s6 =	simm.s32 $0xC350  }
0x1f: {  	v0 =	vimm.f32 $0.0e+00;
	v1 =	vlaneseq.u32;
	vm0 =	vmmov $0xffff;
	s19 =	simm.s32 $0x6;
	s20 =	simm.s32 $0x7;
	[dreg:$0x14] =	wrdreg s0  }
.LBB2_37:
0x20: {  	_ =	swait.ge [sflag:s20], $0x400  }
0x21: {  	[sflag:s20] =	ssyncset.done $0x0  }
0x22: {  	[sflag:s20] =	ssyncadd.s32 $0xFFFFFC00  }
0x23: {  	_ =	swait.ge [sflag:s21], $0x400  }
0x24: {  	[sflag:s21] =	ssyncset.done $0x0  }
0x25: {  	[sflag:s21] =	ssyncadd.s32 $0xFFFFFC00  }
0x26: {  	_ =	swait.ge [sflag:s22], $0x400  }
0x27: {  	[sflag:s22] =	ssyncset.done $0x0  }
0x28: {  	[sflag:s22] =	ssyncadd.s32 $0xFFFFFC00  }
0x29: {  	_ =	swait.ge [sflag:s23], $0x400  }
0x2a: {  	[sflag:s23] =	ssyncset.done $0x0  }
0x2b: {  	[sflag:s23] =	ssyncadd.s32 $0xFFFFFC00  }
0x2c: {  	[bflag:$0x0] =	sbarrier.arrive $0xFFFF  }
0x2d: {  	s0 =	rddreg [dreg:$0x14]  }
0x2e: {  	s1 =	rddreg [dreg:$0x17]  }
0x2f: {  	s9 =	rddreg [dreg:$0x18]  }
0x30: {  	[hbm:s0], [sflag:s1] =	dma.local @p0 [spmem:s9], $0xC80  }
0x31: {  	s0 =	simm.s32 @p0 $0xB  }
0x32: {  	_ =	swait.ge @p0 [sflag:s0], $0xC80  }
0x33: {  	[sflag:s0] =	ssyncset.done @p0 $0x0;
	s9 =	rddreg [dreg:$0x19]  }
0x34: {  	[sflag:s0] =	ssyncadd.s32 @p0 $0xFFFFF380;
	s0 =	rddreg [dreg:$0x13]  }
0x35: {  	[hbm:s0], [sflag:s1] =	dma.local @!p0 [spmem:s9], $0x1400  }
0x36: {  	s0 =	simm.s32 @!p0 $0xB  }
0x37: {  	_ =	swait.ge @!p0 [sflag:s0], $0x1400  }
0x38: {  	s24 =	rddreg [dreg:$0x16]  }
0x39: {  	s29 =	rddreg [dreg:$0x15];
	s9 =	sadd.s32 $0x1, s24  }
0x3a: {  	p1 =	sne.s32 s9, s29  }
.Ltmp1:
0x3b: {  	_ = 	snop;
	(pc) =	sbr.rel @!p1 .LBB2_38-.Ltmp1, $3  }
0x3c: {  	_ =	sdelay $0x1  }
0x3d: {  	[sflag:s0] =	ssyncset.done @!p0 $0x0  }
0x3e: {  	[sflag:s0] =	ssyncadd.s32 @!p0 $0xFFFFEC00  }
.LBB2_1:
0x3f: {  	[dreg:$0x16] =	wrdreg s9  }
0x40: {  	s0 =	rddreg [dreg:$0x5]  }
0x41: {  	[tilespmem:s4], [sflag:$0xB] =	stream.linear.gather [hbm4b:s0+s4], $0x2710, $0x38;
	[tilespmem:$0x1E8E0] =	vst v63  }
0x42: {  	_ =	swait.ge [sflag:s25], $0x2710  }
0x43: {  	[sflag:s25] =	ssyncset.done $0x0  }
0x44: {  	s29 =	rddreg [dreg:$0x6];
	[sflag:s25] =	ssyncadd.s32 $0xFFFFD8F0  }
0x45: {  	[tilespmem:s26], [sflag:$0xB] =	stream.linear.gather [hbm4b:s29+s4], $0x2710, $0x38;
	[tilespmem:$0x1E8E0] =	vst v63  }
0x46: {  	_ =	swait.ge [sflag:s25], $0x2710  }
0x47: {  	[sflag:s25] =	ssyncset.done $0x0  }
0x48: {  	s0 =	simm.s32 $0x0;
	[sflag:s25] =	ssyncadd.s32 $0xFFFFD8F0  }
.LBB2_2:
0x49: {  	p1 =	sne.s32 s0, $0x9FC0  }
.Ltmp2:
0x4a: {  	_ = 	snop;
	(pc) =	sbr.rel @p1 .LBB2_2-.Ltmp2, $3  }
0x4b: {  	_ =	sdelay $0x1  }
0x4c: {  	s1 =	sshra.s32 s0, $0x2  }
0x4d: {  	s0 =	sadd.s32 $0x40, s0;
	[tilespmem:s1+$0xEA60] =	vst v0  }
0x4e: {  	s9 =	simm.s32 $0x100;
	s0 =	simm.s32 $0x0  }
.LBB2_4:
0x4f: {  	p1 =	sne.s32 s9, $0x7F00;
	[tilespmem:s0+$0x11290] =	vst v0;
	s1 =	smov.u32 s9;
	s9 =	sadd.s32 $0x100, s9  }
.Ltmp3:
0x50: {  	[tilespmem:s0+$0x11280] =	vst v0;
	(pc) =	sbr.rel @p1 .LBB2_4-.Ltmp3, $3  }
0x51: {  	[tilespmem:s0+$0x11260] =	vst v0  }
0x52: {  	[tilespmem:s0+$0x11270] =	vst v0;
	_ =	sdelay $0x1  }
0x53: {  	s0 =	sshra.s32 s1, $0x2  }
0x54: {  	[tilespmem:s0+$0x11290] =	vst v0  }
0x55: {  	[tilespmem:s0+$0x11280] =	vst v0  }
0x56: {  	[tilespmem:s0+$0x11260] =	vst v0  }
0x57: {  	[tilespmem:s0+$0x11270] =	vst v0;
	s0 =	simm.s32 $0x11260;
	s1 =	rddreg [dreg:$0x7]  }
0x58: {  	[spmem:s1] =	stream.linear.scatter [tilespmem:s0], [sflag:$0xB], $0x2000, $0x38;
	[tilespmem:$0x1E8E0] =	vst v63  }
0x59: {  	_ =	swait.ge [sflag:s25], $0x2000  }
0x5a: {  	[sflag:s25] =	ssyncset.done $0x0  }
0x5b: {  	s11 =	rddreg [dreg:$0x8];
	[sflag:s25] =	ssyncadd.s32 $0xFFFFE000  }
0x5c: {  	[spmem:s11] =	stream.linear.scatter [tilespmem:s0], [sflag:$0xB], $0x2000, $0x38;
	[tilespmem:$0x1E8E0] =	vst v63  }
0x5d: {  	_ =	swait.ge [sflag:s25], $0x2000  }
0x5e: {  	[sflag:s25] =	ssyncset.done $0x0  }
0x5f: {  	s12 =	rddreg [dreg:$0x9];
	[sflag:s25] =	ssyncadd.s32 $0xFFFFE000  }
0x60: {  	[spmem:s12] =	stream.linear.scatter [tilespmem:s0], [sflag:$0xB], $0x2000, $0x38;
	[tilespmem:$0x1E8E0] =	vst v63  }
0x61: {  	_ =	swait.ge [sflag:s25], $0x2000  }
0x62: {  	[sflag:s25] =	ssyncset.done $0x0  }
0x63: {  	s13 =	rddreg [dreg:$0xa];
	[sflag:s25] =	ssyncadd.s32 $0xFFFFE000  }
0x64: {  	[spmem:s13] =	stream.linear.scatter [tilespmem:s0], [sflag:$0xB], $0x2000, $0x38;
	[tilespmem:$0x1E8E0] =	vst v63  }
0x65: {  	_ =	swait.ge [sflag:s25], $0x2000  }
0x66: {  	[sflag:s25] =	ssyncset.done $0x0  }
0x67: {  	s24 =	rddreg [dreg:$0xb];
	[sflag:s25] =	ssyncadd.s32 $0xFFFFE000  }
0x68: {  	[spmem:s24] =	stream.linear.scatter [tilespmem:s0], [sflag:$0xB], $0x2000, $0x38;
	[tilespmem:$0x1E8E0] =	vst v63  }
0x69: {  	_ =	swait.ge [sflag:s25], $0x2000  }
0x6a: {  	[sflag:s25] =	ssyncset.done $0x0  }
0x6b: {  	s29 =	sadd.s32 $0x0, s14;
	s1 =	simm.s32 $0x40;
	[sflag:s25] =	ssyncadd.s32 $0xFFFFE000  }
0x6c: {  	[spmem:s29] =	stream.linear.scatter [tilespmem:s0], [sflag:$0xB], $0x10, $0x38;
	[tilespmem:$0x1E8E0] =	vst v63  }
.LBB2_6:
0x6d: {  	p1 =	sne.s32 s1, $0x9C0  }
.Ltmp4:
0x6e: {  	_ = 	snop;
	(pc) =	sbr.rel @p1 .LBB2_6-.Ltmp4, $4  }
0x6f: {  	_ = 	snop  }
0x70: {  	s9 =	sshra.s32 s1, $0x2;
	s1 =	sadd.s32 $0x40, s1  }
0x71: {  	s0 =	sadd.s32 $0x40, s0;
	s9 =	sadd.s32 s9, s14  }
0x72: {  	[spmem:s9] =	stream.linear.scatter [tilespmem:s0], [sflag:$0xB], $0x10, $0x38;
	[tilespmem:$0x1E8E0] =	vst v63  }
0x73: {  	_ =	swait.ge [sflag:s25], $0x280  }
0x74: {  	s0 =	simm.s32 $0x0;
	[sflag:s25] =	ssyncset.done $0x0  }
0x75: {  	s9 =	simm.s32 $0x4E20;
	s1 =	rddreg [dreg:$0xc];
	[sflag:s25] =	ssyncadd.s32 $0xFFFFFD80  }
0x76: {  	[tilespmem:s9], [sflag:$0xB] =	stream.linear.gather [hbm4b:s1+s0], $0x2710, $0x38;
	[tilespmem:$0x1E8E0] =	vst v63  }
0x77: {  	_ =	swait.ge [sflag:s25], $0x2710  }
0x78: {  	[sflag:s25] =	ssyncset.done $0x0  }
0x79: {  	s13 =	simm.s32 $0x7530;
	s12 =	rddreg [dreg:$0xd];
	[sflag:s25] =	ssyncadd.s32 $0xFFFFD8F0  }
0x7a: {  	[tilespmem:s13], [sflag:$0xB] =	stream.linear.gather [hbm4b:s12+s0], $0x2710, $0x38;
	[tilespmem:$0x1E8E0] =	vst v63  }
0x7b: {  	_ =	swait.ge [sflag:s25], $0x2710  }
0x7c: {  	[sflag:s25] =	ssyncset.done $0x0  }
0x7d: {  	s29 =	simm.s32 $0x9C40;
	s24 =	rddreg [dreg:$0xe];
	[sflag:s25] =	ssyncadd.s32 $0xFFFFD8F0  }
0x7e: {  	[tilespmem:s29], [sflag:$0xB] =	stream.linear.gather [hbm4b:s24+s0], $0x2710, $0x38;
	[tilespmem:$0x1E8E0] =	vst v63  }
0x7f: {  	_ =	swait.ge [sflag:s25], $0x2710  }
0x80: {  	[sflag:s25] =	ssyncset.done $0x0  }
0x81: {  	s0 =	simm.s32 $0x0;
	[sflag:s25] =	ssyncadd.s32 $0xFFFFD8F0  }
0x82: {  	v3 =	vld [tilespmem:s0+$0x4E20]  }
0x83: {  	s9 =	simm.s32 $0x40;
	v2 =	vld [tilespmem:s0+$0x7530]  }
.LBB2_8:
0x84: {  	p1 =	sne.s32 s9, $0x9C00;
	_ =	sdelay $0x5  }
0x85: {  	v3 =	vld.idx.msk [tilespmem:v3+s4+$0x0], $0xffff  }
0x86: {  	v4 =	vld.idx.msk [tilespmem:v2+s26+$0x0], $0xffff;
	_ =	sdelay $0x2  }
0x87: {  	v5 =	vld [tilespmem:s0+$0x9C40];
	_ =	sdelay $0x2  }
0x88: {  	v3 =	vadd.f32 v4, v3;
	_ =	sdelay $0x1  }
0x89: {  	v3 =	vadd.f32 v5, v3;
	_ =	sdelay $0x1  }
0x8a: {  	v4 =	vmul.f32 $2.000000030e-01, v3;
	_ =	sdelay $0x1  }
0x8b: {  	v3 =	vmax.f32 v3, v4  }
0x8c: {  	v3 =	vmul.f32 $1.442695020e+00, v3;
	_ =	sdelay $0x1  }
0x8d: {  	(erf) = vpow2.f32 v3;
	_ =	sdelay $0x8  }
.Ltmp5:
0x8e: {  	v3 =	vpop (erf);
	(pc) =	sbr.rel @p1 .LBB2_8-.Ltmp5, $4  }
0x8f: {  	[tilespmem:s0+$0xC350] =	vst v3  }
0x90: {  	s0 =	sshra.s32 s9, $0x2;
	[tilespmem:v2+s31+$0x0] =	vst.idx.add.f32.msk $0xffff, v3  }
0x91: {  	v3 =	vld [tilespmem:s0+$0x4E20]  }
0x92: {  	s9 =	sadd.s32 $0x40, s9;
	v2 =	vld [tilespmem:s0+$0x7530]  }
0x93: {  	_ =	sdelay $0x6  }
0x94: {  	v3 =	vld.idx.msk [tilespmem:v3+s4+$0x0], $0xffff  }
0x95: {  	v4 =	vld.idx.msk [tilespmem:v2+s26+$0x0], $0xffff;
	_ =	sdelay $0x1  }
0x96: {  	v5 =	vld [tilespmem:s0+$0x9C40];
	_ =	sdelay $0x2  }
0x97: {  	v3 =	vadd.f32 v4, v3;
	_ =	sdelay $0x1  }
0x98: {  	v3 =	vadd.f32 v5, v3;
	_ =	sdelay $0x1  }
0x99: {  	v62 =	vmul.f32 $2.000000030e-01, v3;
	_ =	sdelay $0x1  }
0x9a: {  	v3 =	vmax.f32 v3, v62  }
0x9b: {  	v3 =	vmul.f32 $1.442695020e+00, v3;
	_ =	sdelay $0x1  }
0x9c: {  	(erf) = vpow2.f32 v3;
	_ =	sdelay $0x6  }
0x9d: {  	s1 =	simm.s32 $0x0  }
0x9e: {  	v3 =	vor.u32 s1, v1  }
0x9f: {  	v63 =	vpop (erf)  }
0xa0: {  	[tilespmem:s0+$0xC350] =	vst v63  }
0xa1: {  	[tilespmem:v2+s31+$0x0] =	vst.idx.add.f32.msk $0xffff, v63  }
0xa2: {  	s9 =	simm.s32 $0x10;
	s0 =	simm.s32 $0xEA60;
	[bflag:$0x0] =	sbarrier.arrive $0xFFFF  }
0xa3: {  	[spmem:s3] =	stream.indirect_vreg.scatter.add.f32 [tilespmem:s0], [sflag:$0xB], $0x10, v3, vm0, $0xb8;
	[tilespmem:$0x1E8E0] =	vst v63  }
.LBB2_10:
0xa4: {  	v2 =	vor.u32 s9, v1;
	p1 =	sne.s32 s9, $0x270  }
.Ltmp6:
0xa5: {  	(pc) =	sbr.rel @p1 .LBB2_10-.Ltmp6, $4  }
0xa6: {  	_ =	swait.ge [sflag:s25], $0x100  }
0xa7: {  	s9 =	sadd.s32 $0x10, s9;
	[sflag:s25] =	ssyncset.done $0x0  }
0xa8: {  	s0 =	sadd.s32 $0x100, s0;
	[sflag:s25] =	ssyncadd.s32 $0xFFFFFF00  }
0xa9: {  	[spmem:s3] =	stream.indirect_vreg.scatter.add.f32 [tilespmem:s0], [sflag:$0xB], $0x10, v2, vm0, $0xb8;
	[tilespmem:$0x1E8E0] =	vst v63  }
0xaa: {  	_ =	swait.ge [sflag:s25], $0x100  }
0xab: {  	[sflag:s25] =	ssyncset.done $0x0  }
0xac: {  	s0 =	stileid.u32;
	[sflag:s25] =	ssyncadd.s32 $0xFFFFFF00  }
0xad: {  	s0 =	sshll.u32 s0, $0x6;
	[bflag:$0x0] =	sbarrier.arrive $0xFFFF  }
0xae: {  	s9 =	sor.u32 $0x1C0B, s0;
	s1 =	rddreg [dreg:$0xf]  }
0xaf: {  	s12 =	sshrl.u32 s14, $0x3;
	[dreg:$0x17] =	wrdreg s9  }
0xb0: {  	[hbm:s1], [sflag:s9] =	dma.local [spmem:s12], $0x50  }
0xb1: {  	_ =	swait.ge [sflag:s25], $0x50  }
0xb2: {  	[sflag:s25] =	ssyncset.done $0x0  }
0xb3: {  	[sflag:s25] =	ssyncadd.s32 $0xFFFFFFB0  }
0xb4: {  	v2 =	vld [tilespmem:$0x4E20];
	_ =	sdelay $0x6  }
0xb5: {  	s13 =	simm.s32 $0x13260;
	s12 =	simm.s32 $0x0  }
0xb6: {  	[tilespmem:s13], [sflag:$0x1] =	stream.indirect_vreg.gather [hbm4b:s7+s12], $0x40, v2, vm0, $0xb8;
	[tilespmem:$0x1E8E0] =	vst v63  }
0xb7: {  	v2 =	vld [tilespmem:$0x4E30];
	_ =	sdelay $0x6  }
0xb8: {  	s24 =	simm.s32 $0x13660  }
0xb9: {  	[tilespmem:s24], [sflag:$0x2] =	stream.indirect_vreg.gather [hbm4b:s7+s12], $0x40, v2, vm0, $0xb8;
	[tilespmem:$0x1E8E0] =	vst v63  }
0xba: {  	v2 =	vld [tilespmem:$0x4E40];
	_ =	sdelay $0x6  }
0xbb: {  	s29 =	simm.s32 $0x13A60  }
0xbc: {  	[tilespmem:s29], [sflag:$0x3] =	stream.indirect_vreg.gather [hbm4b:s7+s12], $0x40, v2, vm0, $0xb8;
	[tilespmem:$0x1E8E0] =	vst v63  }
0xbd: {  	v2 =	vld [tilespmem:$0x4E50];
	_ =	sdelay $0x7  }
0xbe: {  	[tilespmem:s30], [sflag:$0x4] =	stream.indirect_vreg.gather [hbm4b:s7+s12], $0x40, v2, vm0, $0xb8;
	[tilespmem:$0x1E8E0] =	vst v63  }
0xbf: {  	v2 =	vld [tilespmem:$0x4E60];
	_ =	sdelay $0x5  }
0xc0: {  	s10 =	simm.s32 $0x40;
	s11 =	simm.s32 $0x0  }
0xc1: {  	s9 =	simm.s32 $0x20;
	s13 =	simm.s32 $0x10;
	s24 =	simm.s32 $0x30  }
0xc2: {  	[tilespmem:s28], [sflag:$0x5] =	stream.indirect_vreg.gather [hbm4b:s7+s12], $0x40, v2, vm0, $0xb8;
	[tilespmem:$0x1E8E0] =	vst v63  }
.LBB2_12:
0xc3: {  	s0 =	sadd.s32 $0x0, s12  }
0xc4: {  	_ =	swait.ge [sflag:s5], $0x400;
	v2 =	vmov s0  }
0xc5: {  	[sflag:s5] =	ssyncset.done $0x0  }
0xc6: {  	s28 =	simm.s32 $0x13280;
	[sflag:s5] =	ssyncadd.s32 $0xFFFFFC00  }
0xc7: {  	v5 =	vld [tilespmem:s28+$0xFFFFFFF0]  }
0xc8: {  	v3 =	vld [tilespmem:s28+$0x10]  }
0xc9: {  	v8 =	vld.idx.msk [tilespmem:v2+s6+$0x0], $0xffff  }
0xca: {  	v2 =	vld [tilespmem:s28+$0xFFFFFFE0]  }
0xcb: {  	v9 =	vld [tilespmem:s28+$0x0];
	_ =	sdelay $0x2  }
0xcc: {  	s0 =	smul.u32 $0x50, s11  }
0xcd: {  	s1 =	sadd.s32 $0x1, s12;
	v4 =	vmul.f32 v2, v8;
	v7 =	vmul.f32 v3, v8  }
0xce: {  	s29 =	simm.s32 $0x2;
	s30 =	simm.s32 $0x13280;
	v2 =	vld [tilespmem:s0+$0x7530];
	v3 =	vmov s1;
	v6 =	vmul.f32 v5, v8;
	v5 =	vmul.f32 v9, v8  }
.LBB2_13:
0xcf: {  	p1 =	sne.s32 s29, $0xF  }
0xd0: {  	[tilespmem:s28+$0x10] =	vst v7;
	s30 =	sadd.s32 $0x40, s30;
	s1 =	smov.u32 s29;
	s29 =	sadd.s32 $0x1, s29  }
0xd1: {  	[tilespmem:s28+$0xFFFFFFE0] =	vst v4  }
0xd2: {  	v8 =	vld [tilespmem:s30+$0xFFFFFFF0];
	[tilespmem:s28+$0xFFFFFFF0] =	vst v6  }
0xd3: {  	v6 =	vld [tilespmem:s30+$0x10];
	[tilespmem:s28+$0x0] =	vst v5;
	s28 =	smov.u32 s30  }
0xd4: {  	v5 =	vld.idx.msk [tilespmem:v3+s6+$0x0], $0xffff  }
0xd5: {  	v3 =	vld [tilespmem:s30+$0xFFFFFFE0]  }
0xd6: {  	v9 =	vld [tilespmem:s30+$0x0]  }
.Ltmp7:
0xd7: {  	(pc) =	sbr.rel @p1 .LBB2_13-.Ltmp7, $3  }
0xd8: {  	_ =	sdelay $0x1  }
0xd9: {  	s1 =	sadd.s32 s1, s12;
	v7 =	vmul.f32 v6, v5;
	v4 =	vmul.f32 v3, v5  }
0xda: {  	v6 =	vmul.f32 v8, v5;
	v3 =	vmov s1;
	v5 =	vmul.f32 v9, v5  }
0xdb: {  	[tilespmem:s28+$0x10] =	vst v7  }
0xdc: {  	s1 =	sadd.s32 $0x40, s30;
	[tilespmem:s28+$0xFFFFFFE0] =	vst v4  }
0xdd: {  	v4 =	vld [tilespmem:s1+$0xFFFFFFF0];
	[tilespmem:s28+$0xFFFFFFF0] =	vst v6  }
0xde: {  	v6 =	vld [tilespmem:s1+$0x10];
	[tilespmem:s28+$0x0] =	vst v5  }
0xdf: {  	v3 =	vld.idx.msk [tilespmem:v3+s6+$0x0], $0xffff  }
0xe0: {  	v5 =	vld [tilespmem:s1+$0xFFFFFFE0];
	_ =	sdelay $0x1  }
0xe1: {  	v7 =	vld [tilespmem:s1+$0x0];
	_ =	sdelay $0x1  }
0xe2: {  	v6 =	vmul.f32 v6, v3  }
0xe3: {  	v5 =	vmul.f32 v5, v3  }
0xe4: {  	v4 =	vmul.f32 v4, v3;
	[tilespmem:s1+$0x10] =	vst v6  }
0xe5: {  	v3 =	vmul.f32 v7, v3;
	[tilespmem:s1+$0xFFFFFFE0] =	vst v5  }
0xe6: {  	[tilespmem:s1+$0xFFFFFFF0] =	vst v4  }
0xe7: {  	s28 =	simm.s32 $0x13260;
	[tilespmem:s1+$0x0] =	vst v3  }
0xe8: {  	[spmem:s2] =	stream.indirect_vreg.scatter.add.f32 [tilespmem:s28], [sflag:$0x6], $0x40, v2, vm0, $0xb8;
	[tilespmem:$0x1E8E0] =	vst v63  }
0xe9: {  	s1 =	sadd.s32 $0x0, s13;
	_ =	swait.ge [sflag:s15], $0x400  }
0xea: {  	v2 =	vmov s1;
	[sflag:s15] =	ssyncset.done $0x0  }
0xeb: {  	s28 =	simm.s32 $0x13690;
	[sflag:s15] =	ssyncadd.s32 $0xFFFFFC00  }
0xec: {  	v6 =	vld [tilespmem:s28+$0xFFFFFFE0]  }
0xed: {  	v7 =	vld [tilespmem:s28+$0xFFFFFFD0]  }
0xee: {  	v4 =	vld [tilespmem:s28+$0xFFFFFFF0]  }
0xef: {  	v3 =	vld.idx.msk [tilespmem:v2+s6+$0x0], $0xffff  }
0xf0: {  	v5 =	vld [tilespmem:s28+$0x0];
	_ =	sdelay $0x3  }
0xf1: {  	s30 =	simm.s32 $0x2;
	s29 =	simm.s32 $0x13690;
	s1 =	sadd.s32 $0x1, s13;
	v2 =	vld [tilespmem:s0+$0x7540];
	v7 =	vmul.f32 v7, v3;
	v6 =	vmul.f32 v6, v3  }
.LBB2_15:
0xf2: {  	p1 =	sne.s32 s30, $0xF;
	v8 =	vmov s1;
	v9 =	vmul.f32 v4, v3;
	v3 =	vmul.f32 v5, v3  }
0xf3: {  	[tilespmem:s28+$0xFFFFFFD0] =	vst v7  }
0xf4: {  	s28 =	sadd.s32 $0x40, s28;
	[tilespmem:s29+$0xFFFFFFE0] =	vst v6  }
0xf5: {  	v4 =	vld [tilespmem:s28+$0xFFFFFFF0];
	[tilespmem:s29+$0xFFFFFFF0] =	vst v9  }
0xf6: {  	v6 =	vld [tilespmem:s28+$0xFFFFFFE0];
	[tilespmem:s29+$0x0] =	vst v3;
	s29 =	smov.u32 s28  }
0xf7: {  	v3 =	vld.idx.msk [tilespmem:v8+s6+$0x0], $0xffff  }
0xf8: {  	v7 =	vld [tilespmem:s28+$0xFFFFFFD0]  }
.Ltmp8:
0xf9: {  	v5 =	vld [tilespmem:s28+$0x0];
	(pc) =	sbr.rel @p1 .LBB2_15-.Ltmp8, $2  }
0xfa: {  	_ =	sdelay $0x2  }
0xfb: {  	s1 =	sadd.s32 s30, s13;
	s30 =	sadd.s32 $0x1, s30;
	v6 =	vmul.f32 v6, v3;
	v7 =	vmul.f32 v7, v3  }
0xfc: {  	_ = 	snop  }
0xfd: {  	v4 =	vmul.f32 v4, v3;
	[tilespmem:s28+$0xFFFFFFD0] =	vst v7;
	v7 =	vmov s1  }
0xfe: {  	v3 =	vmul.f32 v5, v3;
	s1 =	sadd.s32 $0x40, s28;
	[tilespmem:s29+$0xFFFFFFE0] =	vst v6  }
0xff: {  	v6 =	vld [tilespmem:s1+$0xFFFFFFF0];
	[tilespmem:s29+$0xFFFFFFF0] =	vst v4  }
0x100: {  	v4 =	vld [tilespmem:s1+$0xFFFFFFE0];
	[tilespmem:s29+$0x0] =	vst v3  }
0x101: {  	v5 =	vld [tilespmem:s1+$0xFFFFFFD0]  }
0x102: {  	v3 =	vld.idx.msk [tilespmem:v7+s6+$0x0], $0xffff;
	_ =	sdelay $0x2  }
0x103: {  	v7 =	vld [tilespmem:s1+$0x0];
	_ =	sdelay $0x1  }
0x104: {  	v5 =	vmul.f32 v5, v3  }
0x105: {  	v4 =	vmul.f32 v4, v3  }
0x106: {  	v6 =	vmul.f32 v6, v3;
	[tilespmem:s1+$0xFFFFFFD0] =	vst v5  }
0x107: {  	v3 =	vmul.f32 v7, v3;
	[tilespmem:s1+$0xFFFFFFE0] =	vst v4  }
0x108: {  	[tilespmem:s1+$0xFFFFFFF0] =	vst v6  }
0x109: {  	s28 =	simm.s32 $0x13660;
	[tilespmem:s1+$0x0] =	vst v3  }
0x10a: {  	[spmem:s2] =	stream.indirect_vreg.scatter.add.f32 [tilespmem:s28], [sflag:$0x7], $0x40, v2, vm0, $0xb8;
	[tilespmem:$0x1E8E0] =	vst v63  }
0x10b: {  	s1 =	sadd.s32 $0x0, s9;
	_ =	swait.ge [sflag:s16], $0x400  }
0x10c: {  	v2 =	vmov s1;
	[sflag:s16] =	ssyncset.done $0x0  }
0x10d: {  	s28 =	simm.s32 $0x13A90;
	[sflag:s16] =	ssyncadd.s32 $0xFFFFFC00  }
0x10e: {  	v6 =	vld [tilespmem:s28+$0xFFFFFFE0]  }
0x10f: {  	v7 =	vld [tilespmem:s28+$0xFFFFFFD0]  }
0x110: {  	v4 =	vld [tilespmem:s28+$0xFFFFFFF0]  }
0x111: {  	v3 =	vld.idx.msk [tilespmem:v2+s6+$0x0], $0xffff  }
0x112: {  	v5 =	vld [tilespmem:s28+$0x0];
	_ =	sdelay $0x3  }
0x113: {  	s30 =	simm.s32 $0x2;
	s29 =	simm.s32 $0x13A90;
	s1 =	sadd.s32 $0x1, s9;
	v2 =	vld [tilespmem:s0+$0x7550];
	v7 =	vmul.f32 v7, v3;
	v6 =	vmul.f32 v6, v3  }
.LBB2_17:
0x114: {  	p1 =	sne.s32 s30, $0xF;
	v8 =	vmov s1;
	v9 =	vmul.f32 v4, v3;
	v3 =	vmul.f32 v5, v3  }
0x115: {  	[tilespmem:s28+$0xFFFFFFD0] =	vst v7  }
0x116: {  	s28 =	sadd.s32 $0x40, s28;
	[tilespmem:s29+$0xFFFFFFE0] =	vst v6  }
0x117: {  	v4 =	vld [tilespmem:s28+$0xFFFFFFF0];
	[tilespmem:s29+$0xFFFFFFF0] =	vst v9  }
0x118: {  	v6 =	vld [tilespmem:s28+$0xFFFFFFE0];
	[tilespmem:s29+$0x0] =	vst v3;
	s29 =	smov.u32 s28  }
0x119: {  	v3 =	vld.idx.msk [tilespmem:v8+s6+$0x0], $0xffff  }
0x11a: {  	v7 =	vld [tilespmem:s28+$0xFFFFFFD0]  }
.Ltmp9:
0x11b: {  	v5 =	vld [tilespmem:s28+$0x0];
	(pc) =	sbr.rel @p1 .LBB2_17-.Ltmp9, $2  }
0x11c: {  	_ =	sdelay $0x2  }
0x11d: {  	s1 =	sadd.s32 s30, s9;
	s30 =	sadd.s32 $0x1, s30;
	v6 =	vmul.f32 v6, v3;
	v7 =	vmul.f32 v7, v3  }
0x11e: {  	_ = 	snop  }
0x11f: {  	v4 =	vmul.f32 v4, v3;
	[tilespmem:s28+$0xFFFFFFD0] =	vst v7;
	v7 =	vmov s1  }
0x120: {  	v3 =	vmul.f32 v5, v3;
	s1 =	sadd.s32 $0x40, s28;
	[tilespmem:s29+$0xFFFFFFE0] =	vst v6  }
0x121: {  	v6 =	vld [tilespmem:s1+$0xFFFFFFF0];
	[tilespmem:s29+$0xFFFFFFF0] =	vst v4  }
0x122: {  	v4 =	vld [tilespmem:s1+$0xFFFFFFE0];
	[tilespmem:s29+$0x0] =	vst v3  }
0x123: {  	v5 =	vld [tilespmem:s1+$0xFFFFFFD0]  }
0x124: {  	v3 =	vld.idx.msk [tilespmem:v7+s6+$0x0], $0xffff;
	_ =	sdelay $0x2  }
0x125: {  	v7 =	vld [tilespmem:s1+$0x0];
	_ =	sdelay $0x1  }
0x126: {  	v5 =	vmul.f32 v5, v3  }
0x127: {  	v4 =	vmul.f32 v4, v3  }
0x128: {  	v6 =	vmul.f32 v6, v3;
	[tilespmem:s1+$0xFFFFFFD0] =	vst v5  }
0x129: {  	v3 =	vmul.f32 v7, v3;
	[tilespmem:s1+$0xFFFFFFE0] =	vst v4  }
0x12a: {  	[tilespmem:s1+$0xFFFFFFF0] =	vst v6  }
0x12b: {  	s28 =	simm.s32 $0x13A60;
	[tilespmem:s1+$0x0] =	vst v3  }
0x12c: {  	[spmem:s2] =	stream.indirect_vreg.scatter.add.f32 [tilespmem:s28], [sflag:$0x8], $0x40, v2, vm0, $0xb8;
	[tilespmem:$0x1E8E0] =	vst v63  }
0x12d: {  	s1 =	sadd.s32 $0x0, s24;
	_ =	swait.ge [sflag:s17], $0x400  }
0x12e: {  	v2 =	vmov s1;
	[sflag:s17] =	ssyncset.done $0x0  }
0x12f: {  	s28 =	simm.s32 $0x13E90;
	[sflag:s17] =	ssyncadd.s32 $0xFFFFFC00  }
0x130: {  	v6 =	vld [tilespmem:s28+$0xFFFFFFE0]  }
0x131: {  	v7 =	vld [tilespmem:s28+$0xFFFFFFD0]  }
0x132: {  	v4 =	vld [tilespmem:s28+$0xFFFFFFF0]  }
0x133: {  	v3 =	vld.idx.msk [tilespmem:v2+s6+$0x0], $0xffff  }
0x134: {  	v5 =	vld [tilespmem:s28+$0x0];
	_ =	sdelay $0x3  }
0x135: {  	s30 =	simm.s32 $0x2;
	s29 =	simm.s32 $0x13E90;
	s1 =	sadd.s32 $0x1, s24;
	v2 =	vld [tilespmem:s0+$0x7560];
	v7 =	vmul.f32 v7, v3;
	v6 =	vmul.f32 v6, v3  }
.LBB2_19:
0x136: {  	p1 =	sne.s32 s30, $0xF;
	v8 =	vmov s1;
	v9 =	vmul.f32 v4, v3;
	v3 =	vmul.f32 v5, v3  }
0x137: {  	[tilespmem:s28+$0xFFFFFFD0] =	vst v7  }
0x138: {  	s28 =	sadd.s32 $0x40, s28;
	[tilespmem:s29+$0xFFFFFFE0] =	vst v6  }
0x139: {  	v4 =	vld [tilespmem:s28+$0xFFFFFFF0];
	[tilespmem:s29+$0xFFFFFFF0] =	vst v9  }
0x13a: {  	v6 =	vld [tilespmem:s28+$0xFFFFFFE0];
	[tilespmem:s29+$0x0] =	vst v3;
	s29 =	smov.u32 s28  }
0x13b: {  	v3 =	vld.idx.msk [tilespmem:v8+s6+$0x0], $0xffff  }
0x13c: {  	v7 =	vld [tilespmem:s28+$0xFFFFFFD0]  }
.Ltmp10:
0x13d: {  	v5 =	vld [tilespmem:s28+$0x0];
	(pc) =	sbr.rel @p1 .LBB2_19-.Ltmp10, $2  }
0x13e: {  	_ =	sdelay $0x2  }
0x13f: {  	s1 =	sadd.s32 s30, s24;
	s30 =	sadd.s32 $0x1, s30;
	v6 =	vmul.f32 v6, v3;
	v7 =	vmul.f32 v7, v3  }
0x140: {  	_ = 	snop  }
0x141: {  	v4 =	vmul.f32 v4, v3;
	[tilespmem:s28+$0xFFFFFFD0] =	vst v7;
	v7 =	vmov s1  }
0x142: {  	v3 =	vmul.f32 v5, v3;
	s1 =	sadd.s32 $0x40, s28;
	[tilespmem:s29+$0xFFFFFFE0] =	vst v6  }
0x143: {  	v6 =	vld [tilespmem:s1+$0xFFFFFFF0];
	[tilespmem:s29+$0xFFFFFFF0] =	vst v4  }
0x144: {  	v4 =	vld [tilespmem:s1+$0xFFFFFFE0];
	[tilespmem:s29+$0x0] =	vst v3  }
0x145: {  	v5 =	vld [tilespmem:s1+$0xFFFFFFD0]  }
0x146: {  	v3 =	vld.idx.msk [tilespmem:v7+s6+$0x0], $0xffff;
	_ =	sdelay $0x2  }
0x147: {  	v7 =	vld [tilespmem:s1+$0x0];
	_ =	sdelay $0x1  }
0x148: {  	v5 =	vmul.f32 v5, v3  }
0x149: {  	v4 =	vmul.f32 v4, v3  }
0x14a: {  	v6 =	vmul.f32 v6, v3;
	[tilespmem:s1+$0xFFFFFFD0] =	vst v5  }
0x14b: {  	v3 =	vmul.f32 v7, v3;
	[tilespmem:s1+$0xFFFFFFE0] =	vst v4  }
0x14c: {  	[tilespmem:s1+$0xFFFFFFF0] =	vst v6  }
0x14d: {  	s30 =	simm.s32 $0x13E60;
	[tilespmem:s1+$0x0] =	vst v3  }
0x14e: {  	[spmem:s2] =	stream.indirect_vreg.scatter.add.f32 [tilespmem:s30], [sflag:$0x9], $0x40, v2, vm0, $0xb8;
	[tilespmem:$0x1E8E0] =	vst v63  }
0x14f: {  	s1 =	sadd.s32 $0x0, s10;
	_ =	swait.ge [sflag:s18], $0x400  }
0x150: {  	v2 =	vmov s1;
	[sflag:s18] =	ssyncset.done $0x0  }
0x151: {  	s28 =	simm.s32 $0x14290;
	[sflag:s18] =	ssyncadd.s32 $0xFFFFFC00  }
0x152: {  	v6 =	vld [tilespmem:s28+$0xFFFFFFE0]  }
0x153: {  	v7 =	vld [tilespmem:s28+$0xFFFFFFD0]  }
0x154: {  	v4 =	vld [tilespmem:s28+$0xFFFFFFF0]  }
0x155: {  	v3 =	vld.idx.msk [tilespmem:v2+s6+$0x0], $0xffff  }
0x156: {  	v5 =	vld [tilespmem:s28+$0x0];
	_ =	sdelay $0x3  }
0x157: {  	s29 =	simm.s32 $0x2;
	s1 =	sadd.s32 $0x1, s10;
	v2 =	vld [tilespmem:s0+$0x7570];
	s0 =	simm.s32 $0x14290;
	v7 =	vmul.f32 v7, v3;
	v6 =	vmul.f32 v6, v3  }
.LBB2_21:
0x158: {  	p1 =	sne.s32 s29, $0xF;
	v8 =	vmov s1;
	v9 =	vmul.f32 v4, v3;
	v3 =	vmul.f32 v5, v3  }
0x159: {  	[tilespmem:s28+$0xFFFFFFD0] =	vst v7  }
0x15a: {  	s28 =	sadd.s32 $0x40, s28;
	[tilespmem:s0+$0xFFFFFFE0] =	vst v6  }
0x15b: {  	v4 =	vld [tilespmem:s28+$0xFFFFFFF0];
	[tilespmem:s0+$0xFFFFFFF0] =	vst v9  }
0x15c: {  	v6 =	vld [tilespmem:s28+$0xFFFFFFE0];
	[tilespmem:s0+$0x0] =	vst v3;
	s0 =	smov.u32 s28  }
0x15d: {  	v3 =	vld.idx.msk [tilespmem:v8+s6+$0x0], $0xffff  }
0x15e: {  	v7 =	vld [tilespmem:s28+$0xFFFFFFD0]  }
.Ltmp11:
0x15f: {  	v5 =	vld [tilespmem:s28+$0x0];
	(pc) =	sbr.rel @p1 .LBB2_21-.Ltmp11, $2  }
0x160: {  	_ =	sdelay $0x2  }
0x161: {  	s1 =	sadd.s32 s29, s10;
	s29 =	sadd.s32 $0x1, s29;
	v6 =	vmul.f32 v6, v3;
	v7 =	vmul.f32 v7, v3  }
0x162: {  	v61 =	vmov s1  }
0x163: {  	v4 =	vmul.f32 v4, v3;
	[tilespmem:s28+$0xFFFFFFD0] =	vst v7  }
0x164: {  	s29 =	sadd.s32 $0x40, s28;
	v3 =	vmul.f32 v5, v3;
	[tilespmem:s0+$0xFFFFFFE0] =	vst v6  }
0x165: {  	v6 =	vld [tilespmem:s29+$0xFFFFFFF0];
	[tilespmem:s0+$0xFFFFFFF0] =	vst v4  }
0x166: {  	v4 =	vld [tilespmem:s29+$0xFFFFFFE0];
	[tilespmem:s0+$0x0] =	vst v3  }
0x167: {  	v3 =	vld.idx.msk [tilespmem:v61+s6+$0x0], $0xffff  }
0x168: {  	v62 =	vld [tilespmem:s29+$0xFFFFFFD0];
	_ =	sdelay $0x2  }
0x169: {  	v63 =	vld [tilespmem:s29+$0x0];
	_ =	sdelay $0x1  }
0x16a: {  	v5 =	vmul.f32 v62, v3  }
0x16b: {  	v4 =	vmul.f32 v4, v3  }
0x16c: {  	v6 =	vmul.f32 v6, v3;
	[tilespmem:s29+$0xFFFFFFD0] =	vst v5  }
0x16d: {  	v3 =	vmul.f32 v63, v3;
	[tilespmem:s29+$0xFFFFFFE0] =	vst v4  }
0x16e: {  	p1 =	seq.s32 s11, $0x7C;
	[tilespmem:s29+$0xFFFFFFF0] =	vst v6  }
.Ltmp12:
0x16f: {  	s28 =	simm.s32 $0x14260;
	[tilespmem:s29+$0x0] =	vst v3;
	(pc) =	sbr.rel @p1 .LBB2_24-.Ltmp12, $4  }
0x170: {  	[spmem:s2] =	stream.indirect_vreg.scatter.add.f32 [tilespmem:s28], [sflag:$0xA], $0x40, v2, vm0, $0xb8;
	[tilespmem:$0x1E8E0] =	vst v63  }
0x171: {  	_ =	swait.ge [sflag:s19], $0x400  }
0x172: {  	[sflag:s19] =	ssyncset.done $0x0  }
0x173: {  	[sflag:s19] =	ssyncadd.s32 $0xFFFFFC00  }
0x174: {  	s0 =	smul.u32 $0x140, s11;
	_ =	sdelay $0x1  }
0x175: {  	s0 =	sshra.s32 s0, $0x2  }
0x176: {  	v2 =	vld [tilespmem:s0+$0x4E70];
	_ =	sdelay $0x6  }
0x177: {  	s1 =	simm.s32 $0x13260  }
0x178: {  	[tilespmem:s1], [sflag:$0x1] =	stream.indirect_vreg.gather [hbm4b:s7+s4], $0x40, v2, vm0, $0xb8;
	[tilespmem:$0x1E8E0] =	vst v63  }
0x179: {  	_ =	swait.ge [sflag:s20], $0x400  }
0x17a: {  	[sflag:s20] =	ssyncset.done $0x0  }
0x17b: {  	[sflag:s20] =	ssyncadd.s32 $0xFFFFFC00  }
0x17c: {  	v2 =	vld [tilespmem:s0+$0x4E80];
	_ =	sdelay $0x6  }
0x17d: {  	s29 =	simm.s32 $0x13660  }
0x17e: {  	[tilespmem:s29], [sflag:$0x2] =	stream.indirect_vreg.gather [hbm4b:s7+s4], $0x40, v2, vm0, $0xb8;
	[tilespmem:$0x1E8E0] =	vst v63  }
0x17f: {  	_ =	swait.ge [sflag:s21], $0x400  }
0x180: {  	[sflag:s21] =	ssyncset.done $0x0  }
0x181: {  	[sflag:s21] =	ssyncadd.s32 $0xFFFFFC00  }
0x182: {  	v2 =	vld [tilespmem:s0+$0x4E90];
	_ =	sdelay $0x6  }
0x183: {  	s29 =	simm.s32 $0x13A60  }
0x184: {  	[tilespmem:s29], [sflag:$0x3] =	stream.indirect_vreg.gather [hbm4b:s7+s4], $0x40, v2, vm0, $0xb8;
	[tilespmem:$0x1E8E0] =	vst v63  }
0x185: {  	_ =	swait.ge [sflag:s22], $0x400  }
0x186: {  	[sflag:s22] =	ssyncset.done $0x0  }
0x187: {  	[sflag:s22] =	ssyncadd.s32 $0xFFFFFC00  }
0x188: {  	v2 =	vld [tilespmem:s0+$0x4EA0];
	_ =	sdelay $0x7  }
0x189: {  	[tilespmem:s30], [sflag:$0x4] =	stream.indirect_vreg.gather [hbm4b:s7+s4], $0x40, v2, vm0, $0xb8;
	[tilespmem:$0x1E8E0] =	vst v63  }
0x18a: {  	_ =	swait.ge [sflag:s23], $0x400  }
0x18b: {  	[sflag:s23] =	ssyncset.done $0x0  }
0x18c: {  	[sflag:s23] =	ssyncadd.s32 $0xFFFFFC00  }
0x18d: {  	v2 =	vld [tilespmem:s0+$0x4EB0];
	_ =	sdelay $0x3  }
.Ltmp13:
0x18e: {  	_ = 	snop;
	(pc) =	sbr.rel .LBB2_12-.Ltmp13, $4  }
0x18f: {  	_ = 	snop  }
0x190: {  	s11 =	sadd.s32 $0x1, s11;
	s12 =	sadd.s32 $0x50, s12;
	s13 =	sadd.s32 $0x50, s13  }
0x191: {  	s9 =	sadd.s32 $0x50, s9;
	s24 =	sadd.s32 $0x50, s24;
	s10 =	sadd.s32 $0x50, s10  }
0x192: {  	[tilespmem:s28], [sflag:$0x5] =	stream.indirect_vreg.gather [hbm4b:s7+s4], $0x40, v2, vm0, $0xb8;
	[tilespmem:$0x1E8E0] =	vst v63  }
.LBB2_24:
0x193: {  	_ =	swait.ge [sflag:s20], $0x400  }
0x194: {  	[sflag:s20] =	ssyncset.done $0x0  }
0x195: {  	[sflag:s20] =	ssyncadd.s32 $0xFFFFFC00  }
0x196: {  	_ =	swait.ge [sflag:s21], $0x400  }
0x197: {  	[sflag:s21] =	ssyncset.done $0x0  }
0x198: {  	[sflag:s21] =	ssyncadd.s32 $0xFFFFFC00  }
0x199: {  	_ =	swait.ge [sflag:s22], $0x400  }
0x19a: {  	[sflag:s22] =	ssyncset.done $0x0  }
0x19b: {  	[sflag:s22] =	ssyncadd.s32 $0xFFFFFC00  }
0x19c: {  	_ =	swait.ge [sflag:s23], $0x400  }
0x19d: {  	[sflag:s23] =	ssyncset.done $0x0  }
0x19e: {  	[sflag:s23] =	ssyncadd.s32 $0xFFFFFC00  }
0x19f: {  	[bflag:$0x0] =	sbarrier.arrive $0xFFFF  }
0x1a0: {  	s0 =	rddreg [dreg:$0x12]  }
0x1a1: {  	s9 =	rddreg [dreg:$0x17]  }
0x1a2: {  	s1 =	sshrl.u32 @p0 s0, $0x3;
	s0 =	rddreg [dreg:$0x11]  }
0x1a3: {  	[dreg:$0x18] =	wrdreg s1  }
0x1a4: {  	[hbm:s0], [sflag:s9] =	dma.local @p0 [spmem:s1], $0xC80  }
0x1a5: {  	s0 =	simm.s32 @p0 $0xB  }
0x1a6: {  	_ =	swait.ge @p0 [sflag:s0], $0xC80  }
0x1a7: {  	[sflag:s0] =	ssyncset.done @p0 $0x0;
	s1 =	rddreg [dreg:$0x7]  }
0x1a8: {  	[sflag:s0] =	ssyncadd.s32 @p0 $0xFFFFF380;
	s10 =	sshrl.u32 @!p0 s1, $0x3;
	s0 =	rddreg [dreg:$0x10]  }
0x1a9: {  	[dreg:$0x19] =	wrdreg s10  }
0x1aa: {  	[hbm:s0], [sflag:s9] =	dma.local @!p0 [spmem:s10], $0x1400  }
0x1ab: {  	s0 =	simm.s32 @!p0 $0xB  }
0x1ac: {  	_ =	swait.ge @!p0 [sflag:s0], $0x1400  }
0x1ad: {  	[sflag:s0] =	ssyncset.done @!p0 $0x0  }
0x1ae: {  	s24 =	simm.s32 $0x11260;
	[sflag:s0] =	ssyncadd.s32 @!p0 $0xFFFFEC00  }
0x1af: {  	[spmem:s1] =	stream.linear.scatter [tilespmem:s24], [sflag:$0xB], $0x2000, $0x38;
	[tilespmem:$0x1E8E0] =	vst v63  }
0x1b0: {  	_ =	swait.ge [sflag:s25], $0x2000  }
0x1b1: {  	[sflag:s25] =	ssyncset.done $0x0  }
0x1b2: {  	s29 =	rddreg [dreg:$0x8];
	[sflag:s25] =	ssyncadd.s32 $0xFFFFE000  }
0x1b3: {  	[spmem:s29] =	stream.linear.scatter [tilespmem:s24], [sflag:$0xB], $0x2000, $0x38;
	[tilespmem:$0x1E8E0] =	vst v63  }
0x1b4: {  	_ =	swait.ge [sflag:s25], $0x2000  }
0x1b5: {  	[sflag:s25] =	ssyncset.done $0x0  }
0x1b6: {  	s1 =	rddreg [dreg:$0x9];
	[sflag:s25] =	ssyncadd.s32 $0xFFFFE000  }
0x1b7: {  	[spmem:s1] =	stream.linear.scatter [tilespmem:s24], [sflag:$0xB], $0x2000, $0x38;
	[tilespmem:$0x1E8E0] =	vst v63  }
0x1b8: {  	_ =	swait.ge [sflag:s25], $0x2000  }
0x1b9: {  	[sflag:s25] =	ssyncset.done $0x0  }
0x1ba: {  	s10 =	rddreg [dreg:$0xa];
	[sflag:s25] =	ssyncadd.s32 $0xFFFFE000  }
0x1bb: {  	[spmem:s10] =	stream.linear.scatter [tilespmem:s24], [sflag:$0xB], $0x2000, $0x38;
	[tilespmem:$0x1E8E0] =	vst v63  }
0x1bc: {  	_ =	swait.ge [sflag:s25], $0x2000  }
0x1bd: {  	[sflag:s25] =	ssyncset.done $0x0  }
0x1be: {  	s11 =	rddreg [dreg:$0xb];
	[sflag:s25] =	ssyncadd.s32 $0xFFFFE000  }
0x1bf: {  	[spmem:s11] =	stream.linear.scatter [tilespmem:s24], [sflag:$0xB], $0x2000, $0x38;
	[tilespmem:$0x1E8E0] =	vst v63  }
0x1c0: {  	_ =	swait.ge [sflag:s25], $0x2000  }
0x1c1: {  	[sflag:s25] =	ssyncset.done $0x0  }
0x1c2: {  	[sflag:s25] =	ssyncadd.s32 $0xFFFFE000  }
0x1c3: {  	[bflag:$0x0] =	sbarrier.arrive $0xFFFF  }
0x1c4: {  	v2 =	vld [tilespmem:$0x4E20];
	_ =	sdelay $0x6  }
0x1c5: {  	s12 =	simm.s32 $0x13260;
	s24 =	simm.s32 $0x0  }
0x1c6: {  	[tilespmem:s12], [sflag:$0x1] =	stream.indirect_vreg.gather [hbm4b:s8+s24], $0x40, v2, vm0, $0xb8;
	[tilespmem:$0x1E8E0] =	vst v63  }
0x1c7: {  	v2 =	vld [tilespmem:$0x4E30];
	_ =	sdelay $0x6  }
0x1c8: {  	s13 =	simm.s32 $0x13660  }
0x1c9: {  	[tilespmem:s13], [sflag:$0x2] =	stream.indirect_vreg.gather [hbm4b:s8+s24], $0x40, v2, vm0, $0xb8;
	[tilespmem:$0x1E8E0] =	vst v63  }
0x1ca: {  	v2 =	vld [tilespmem:$0x4E40];
	_ =	sdelay $0x6  }
0x1cb: {  	s29 =	simm.s32 $0x13A60  }
0x1cc: {  	[tilespmem:s29], [sflag:$0x3] =	stream.indirect_vreg.gather [hbm4b:s8+s24], $0x40, v2, vm0, $0xb8;
	[tilespmem:$0x1E8E0] =	vst v63  }
0x1cd: {  	v2 =	vld [tilespmem:$0x4E50];
	_ =	sdelay $0x7  }
0x1ce: {  	[tilespmem:s30], [sflag:$0x4] =	stream.indirect_vreg.gather [hbm4b:s8+s24], $0x40, v2, vm0, $0xb8;
	[tilespmem:$0x1E8E0] =	vst v63  }
0x1cf: {  	v2 =	vld [tilespmem:$0x4E60];
	_ =	sdelay $0x5  }
0x1d0: {  	s9 =	simm.s32 $0x10;
	s10 =	simm.s32 $0x40  }
0x1d1: {  	s11 =	simm.s32 $0x0;
	s12 =	simm.s32 $0x20;
	s13 =	simm.s32 $0x30  }
0x1d2: {  	[tilespmem:s28], [sflag:$0x5] =	stream.indirect_vreg.gather [hbm4b:s8+s24], $0x40, v2, vm0, $0xb8;
	[tilespmem:$0x1E8E0] =	vst v63  }
.LBB2_25:
0x1d3: {  	s0 =	sadd.s32 $0x0, s24  }
0x1d4: {  	_ =	swait.ge [sflag:s5], $0x400;
	v2 =	vmov s0  }
0x1d5: {  	[sflag:s5] =	ssyncset.done $0x0  }
0x1d6: {  	s28 =	simm.s32 $0x13280;
	[sflag:s5] =	ssyncadd.s32 $0xFFFFFC00  }
0x1d7: {  	v5 =	vld [tilespmem:s28+$0xFFFFFFF0]  }
0x1d8: {  	v3 =	vld [tilespmem:s28+$0x10]  }
0x1d9: {  	v8 =	vld.idx.msk [tilespmem:v2+s6+$0x0], $0xffff  }
0x1da: {  	v2 =	vld [tilespmem:s28+$0xFFFFFFE0]  }
0x1db: {  	v9 =	vld [tilespmem:s28+$0x0];
	_ =	sdelay $0x2  }
0x1dc: {  	s0 =	smul.u32 $0x50, s11  }
0x1dd: {  	s1 =	sadd.s32 $0x1, s24;
	v4 =	vmul.f32 v2, v8;
	v7 =	vmul.f32 v3, v8  }
0x1de: {  	s29 =	simm.s32 $0x2;
	s30 =	simm.s32 $0x13280;
	v2 =	vld [tilespmem:s0+$0x7530];
	v3 =	vmov s1;
	v6 =	vmul.f32 v5, v8;
	v5 =	vmul.f32 v9, v8  }
.LBB2_26:
0x1df: {  	p1 =	sne.s32 s29, $0xF  }
0x1e0: {  	[tilespmem:s28+$0x10] =	vst v7;
	s30 =	sadd.s32 $0x40, s30;
	s1 =	smov.u32 s29;
	s29 =	sadd.s32 $0x1, s29  }
0x1e1: {  	[tilespmem:s28+$0xFFFFFFE0] =	vst v4  }
0x1e2: {  	v8 =	vld [tilespmem:s30+$0xFFFFFFF0];
	[tilespmem:s28+$0xFFFFFFF0] =	vst v6  }
0x1e3: {  	v6 =	vld [tilespmem:s30+$0x10];
	[tilespmem:s28+$0x0] =	vst v5;
	s28 =	smov.u32 s30  }
0x1e4: {  	v5 =	vld.idx.msk [tilespmem:v3+s6+$0x0], $0xffff  }
0x1e5: {  	v3 =	vld [tilespmem:s30+$0xFFFFFFE0]  }
0x1e6: {  	v9 =	vld [tilespmem:s30+$0x0]  }
.Ltmp14:
0x1e7: {  	(pc) =	sbr.rel @p1 .LBB2_26-.Ltmp14, $3  }
0x1e8: {  	_ =	sdelay $0x1  }
0x1e9: {  	s1 =	sadd.s32 s1, s24;
	v7 =	vmul.f32 v6, v5;
	v4 =	vmul.f32 v3, v5  }
0x1ea: {  	v6 =	vmul.f32 v8, v5;
	v3 =	vmov s1;
	v5 =	vmul.f32 v9, v5  }
0x1eb: {  	[tilespmem:s28+$0x10] =	vst v7  }
0x1ec: {  	s1 =	sadd.s32 $0x40, s30;
	[tilespmem:s28+$0xFFFFFFE0] =	vst v4  }
0x1ed: {  	v4 =	vld [tilespmem:s1+$0xFFFFFFF0];
	[tilespmem:s28+$0xFFFFFFF0] =	vst v6  }
0x1ee: {  	v6 =	vld [tilespmem:s1+$0x10];
	[tilespmem:s28+$0x0] =	vst v5  }
0x1ef: {  	v3 =	vld.idx.msk [tilespmem:v3+s6+$0x0], $0xffff  }
0x1f0: {  	v5 =	vld [tilespmem:s1+$0xFFFFFFE0];
	_ =	sdelay $0x1  }
0x1f1: {  	v7 =	vld [tilespmem:s1+$0x0];
	_ =	sdelay $0x1  }
0x1f2: {  	v6 =	vmul.f32 v6, v3  }
0x1f3: {  	v5 =	vmul.f32 v5, v3  }
0x1f4: {  	v4 =	vmul.f32 v4, v3;
	[tilespmem:s1+$0x10] =	vst v6  }
0x1f5: {  	v3 =	vmul.f32 v7, v3;
	[tilespmem:s1+$0xFFFFFFE0] =	vst v5  }
0x1f6: {  	[tilespmem:s1+$0xFFFFFFF0] =	vst v4  }
0x1f7: {  	s28 =	simm.s32 $0x13260;
	[tilespmem:s1+$0x0] =	vst v3  }
0x1f8: {  	[spmem:s2] =	stream.indirect_vreg.scatter.add.f32 [tilespmem:s28], [sflag:$0x6], $0x40, v2, vm0, $0xb8;
	[tilespmem:$0x1E8E0] =	vst v63  }
0x1f9: {  	s1 =	sadd.s32 $0x0, s9;
	_ =	swait.ge [sflag:s15], $0x400  }
0x1fa: {  	v2 =	vmov s1;
	[sflag:s15] =	ssyncset.done $0x0  }
0x1fb: {  	s28 =	simm.s32 $0x13690;
	[sflag:s15] =	ssyncadd.s32 $0xFFFFFC00  }
0x1fc: {  	v6 =	vld [tilespmem:s28+$0xFFFFFFE0]  }
0x1fd: {  	v7 =	vld [tilespmem:s28+$0xFFFFFFD0]  }
0x1fe: {  	v4 =	vld [tilespmem:s28+$0xFFFFFFF0]  }
0x1ff: {  	v3 =	vld.idx.msk [tilespmem:v2+s6+$0x0], $0xffff  }
0x200: {  	v5 =	vld [tilespmem:s28+$0x0];
	_ =	sdelay $0x3  }
0x201: {  	s30 =	simm.s32 $0x2;
	s29 =	simm.s32 $0x13690;
	s1 =	sadd.s32 $0x1, s9;
	v2 =	vld [tilespmem:s0+$0x7540];
	v7 =	vmul.f32 v7, v3;
	v6 =	vmul.f32 v6, v3  }
.LBB2_28:
0x202: {  	p1 =	sne.s32 s30, $0xF;
	v8 =	vmov s1;
	v9 =	vmul.f32 v4, v3;
	v3 =	vmul.f32 v5, v3  }
0x203: {  	[tilespmem:s28+$0xFFFFFFD0] =	vst v7  }
0x204: {  	s28 =	sadd.s32 $0x40, s28;
	[tilespmem:s29+$0xFFFFFFE0] =	vst v6  }
0x205: {  	v4 =	vld [tilespmem:s28+$0xFFFFFFF0];
	[tilespmem:s29+$0xFFFFFFF0] =	vst v9  }
0x206: {  	v6 =	vld [tilespmem:s28+$0xFFFFFFE0];
	[tilespmem:s29+$0x0] =	vst v3;
	s29 =	smov.u32 s28  }
0x207: {  	v3 =	vld.idx.msk [tilespmem:v8+s6+$0x0], $0xffff  }
0x208: {  	v7 =	vld [tilespmem:s28+$0xFFFFFFD0]  }
.Ltmp15:
0x209: {  	v5 =	vld [tilespmem:s28+$0x0];
	(pc) =	sbr.rel @p1 .LBB2_28-.Ltmp15, $2  }
0x20a: {  	_ =	sdelay $0x2  }
0x20b: {  	s1 =	sadd.s32 s30, s9;
	s30 =	sadd.s32 $0x1, s30;
	v6 =	vmul.f32 v6, v3;
	v7 =	vmul.f32 v7, v3  }
0x20c: {  	_ = 	snop  }
0x20d: {  	v4 =	vmul.f32 v4, v3;
	[tilespmem:s28+$0xFFFFFFD0] =	vst v7;
	v7 =	vmov s1  }
0x20e: {  	v3 =	vmul.f32 v5, v3;
	s1 =	sadd.s32 $0x40, s28;
	[tilespmem:s29+$0xFFFFFFE0] =	vst v6  }
0x20f: {  	v6 =	vld [tilespmem:s1+$0xFFFFFFF0];
	[tilespmem:s29+$0xFFFFFFF0] =	vst v4  }
0x210: {  	v4 =	vld [tilespmem:s1+$0xFFFFFFE0];
	[tilespmem:s29+$0x0] =	vst v3  }
0x211: {  	v5 =	vld [tilespmem:s1+$0xFFFFFFD0]  }
0x212: {  	v3 =	vld.idx.msk [tilespmem:v7+s6+$0x0], $0xffff;
	_ =	sdelay $0x2  }
0x213: {  	v7 =	vld [tilespmem:s1+$0x0];
	_ =	sdelay $0x1  }
0x214: {  	v5 =	vmul.f32 v5, v3  }
0x215: {  	v4 =	vmul.f32 v4, v3  }
0x216: {  	v6 =	vmul.f32 v6, v3;
	[tilespmem:s1+$0xFFFFFFD0] =	vst v5  }
0x217: {  	v3 =	vmul.f32 v7, v3;
	[tilespmem:s1+$0xFFFFFFE0] =	vst v4  }
0x218: {  	[tilespmem:s1+$0xFFFFFFF0] =	vst v6  }
0x219: {  	s28 =	simm.s32 $0x13660;
	[tilespmem:s1+$0x0] =	vst v3  }
0x21a: {  	[spmem:s2] =	stream.indirect_vreg.scatter.add.f32 [tilespmem:s28], [sflag:$0x7], $0x40, v2, vm0, $0xb8;
	[tilespmem:$0x1E8E0] =	vst v63  }
0x21b: {  	s1 =	sadd.s32 $0x0, s12;
	_ =	swait.ge [sflag:s16], $0x400  }
0x21c: {  	v2 =	vmov s1;
	[sflag:s16] =	ssyncset.done $0x0  }
0x21d: {  	s28 =	simm.s32 $0x13A90;
	[sflag:s16] =	ssyncadd.s32 $0xFFFFFC00  }
0x21e: {  	v6 =	vld [tilespmem:s28+$0xFFFFFFE0]  }
0x21f: {  	v7 =	vld [tilespmem:s28+$0xFFFFFFD0]  }
0x220: {  	v4 =	vld [tilespmem:s28+$0xFFFFFFF0]  }
0x221: {  	v3 =	vld.idx.msk [tilespmem:v2+s6+$0x0], $0xffff  }
0x222: {  	v5 =	vld [tilespmem:s28+$0x0];
	_ =	sdelay $0x3  }
0x223: {  	s30 =	simm.s32 $0x2;
	s29 =	simm.s32 $0x13A90;
	s1 =	sadd.s32 $0x1, s12;
	v2 =	vld [tilespmem:s0+$0x7550];
	v7 =	vmul.f32 v7, v3;
	v6 =	vmul.f32 v6, v3  }
.LBB2_30:
0x224: {  	p1 =	sne.s32 s30, $0xF;
	v8 =	vmov s1;
	v9 =	vmul.f32 v4, v3;
	v3 =	vmul.f32 v5, v3  }
0x225: {  	[tilespmem:s28+$0xFFFFFFD0] =	vst v7  }
0x226: {  	s28 =	sadd.s32 $0x40, s28;
	[tilespmem:s29+$0xFFFFFFE0] =	vst v6  }
0x227: {  	v4 =	vld [tilespmem:s28+$0xFFFFFFF0];
	[tilespmem:s29+$0xFFFFFFF0] =	vst v9  }
0x228: {  	v6 =	vld [tilespmem:s28+$0xFFFFFFE0];
	[tilespmem:s29+$0x0] =	vst v3;
	s29 =	smov.u32 s28  }
0x229: {  	v3 =	vld.idx.msk [tilespmem:v8+s6+$0x0], $0xffff  }
0x22a: {  	v7 =	vld [tilespmem:s28+$0xFFFFFFD0]  }
.Ltmp16:
0x22b: {  	v5 =	vld [tilespmem:s28+$0x0];
	(pc) =	sbr.rel @p1 .LBB2_30-.Ltmp16, $2  }
0x22c: {  	_ =	sdelay $0x2  }
0x22d: {  	s1 =	sadd.s32 s30, s12;
	s30 =	sadd.s32 $0x1, s30;
	v6 =	vmul.f32 v6, v3;
	v7 =	vmul.f32 v7, v3  }
0x22e: {  	_ = 	snop  }
0x22f: {  	v4 =	vmul.f32 v4, v3;
	[tilespmem:s28+$0xFFFFFFD0] =	vst v7;
	v7 =	vmov s1  }
0x230: {  	v3 =	vmul.f32 v5, v3;
	s1 =	sadd.s32 $0x40, s28;
	[tilespmem:s29+$0xFFFFFFE0] =	vst v6  }
0x231: {  	v6 =	vld [tilespmem:s1+$0xFFFFFFF0];
	[tilespmem:s29+$0xFFFFFFF0] =	vst v4  }
0x232: {  	v4 =	vld [tilespmem:s1+$0xFFFFFFE0];
	[tilespmem:s29+$0x0] =	vst v3  }
0x233: {  	v5 =	vld [tilespmem:s1+$0xFFFFFFD0]  }
0x234: {  	v3 =	vld.idx.msk [tilespmem:v7+s6+$0x0], $0xffff;
	_ =	sdelay $0x2  }
0x235: {  	v7 =	vld [tilespmem:s1+$0x0];
	_ =	sdelay $0x1  }
0x236: {  	v5 =	vmul.f32 v5, v3  }
0x237: {  	v4 =	vmul.f32 v4, v3  }
0x238: {  	v6 =	vmul.f32 v6, v3;
	[tilespmem:s1+$0xFFFFFFD0] =	vst v5  }
0x239: {  	v3 =	vmul.f32 v7, v3;
	[tilespmem:s1+$0xFFFFFFE0] =	vst v4  }
0x23a: {  	[tilespmem:s1+$0xFFFFFFF0] =	vst v6  }
0x23b: {  	s28 =	simm.s32 $0x13A60;
	[tilespmem:s1+$0x0] =	vst v3  }
0x23c: {  	[spmem:s2] =	stream.indirect_vreg.scatter.add.f32 [tilespmem:s28], [sflag:$0x8], $0x40, v2, vm0, $0xb8;
	[tilespmem:$0x1E8E0] =	vst v63  }
0x23d: {  	s1 =	sadd.s32 $0x0, s13;
	_ =	swait.ge [sflag:s17], $0x400  }
0x23e: {  	v2 =	vmov s1;
	[sflag:s17] =	ssyncset.done $0x0  }
0x23f: {  	s28 =	simm.s32 $0x13E90;
	[sflag:s17] =	ssyncadd.s32 $0xFFFFFC00  }
0x240: {  	v6 =	vld [tilespmem:s28+$0xFFFFFFE0]  }
0x241: {  	v7 =	vld [tilespmem:s28+$0xFFFFFFD0]  }
0x242: {  	v4 =	vld [tilespmem:s28+$0xFFFFFFF0]  }
0x243: {  	v3 =	vld.idx.msk [tilespmem:v2+s6+$0x0], $0xffff  }
0x244: {  	v5 =	vld [tilespmem:s28+$0x0];
	_ =	sdelay $0x3  }
0x245: {  	s30 =	simm.s32 $0x2;
	s29 =	simm.s32 $0x13E90;
	s1 =	sadd.s32 $0x1, s13;
	v2 =	vld [tilespmem:s0+$0x7560];
	v7 =	vmul.f32 v7, v3;
	v6 =	vmul.f32 v6, v3  }
.LBB2_32:
0x246: {  	p1 =	sne.s32 s30, $0xF;
	v8 =	vmov s1;
	v9 =	vmul.f32 v4, v3;
	v3 =	vmul.f32 v5, v3  }
0x247: {  	[tilespmem:s28+$0xFFFFFFD0] =	vst v7  }
0x248: {  	s28 =	sadd.s32 $0x40, s28;
	[tilespmem:s29+$0xFFFFFFE0] =	vst v6  }
0x249: {  	v4 =	vld [tilespmem:s28+$0xFFFFFFF0];
	[tilespmem:s29+$0xFFFFFFF0] =	vst v9  }
0x24a: {  	v6 =	vld [tilespmem:s28+$0xFFFFFFE0];
	[tilespmem:s29+$0x0] =	vst v3;
	s29 =	smov.u32 s28  }
0x24b: {  	v3 =	vld.idx.msk [tilespmem:v8+s6+$0x0], $0xffff  }
0x24c: {  	v7 =	vld [tilespmem:s28+$0xFFFFFFD0]  }
.Ltmp17:
0x24d: {  	v5 =	vld [tilespmem:s28+$0x0];
	(pc) =	sbr.rel @p1 .LBB2_32-.Ltmp17, $2  }
0x24e: {  	_ =	sdelay $0x2  }
0x24f: {  	s1 =	sadd.s32 s30, s13;
	s30 =	sadd.s32 $0x1, s30;
	v6 =	vmul.f32 v6, v3;
	v7 =	vmul.f32 v7, v3  }
0x250: {  	_ = 	snop  }
0x251: {  	v4 =	vmul.f32 v4, v3;
	[tilespmem:s28+$0xFFFFFFD0] =	vst v7;
	v7 =	vmov s1  }
0x252: {  	v3 =	vmul.f32 v5, v3;
	s1 =	sadd.s32 $0x40, s28;
	[tilespmem:s29+$0xFFFFFFE0] =	vst v6  }
0x253: {  	v6 =	vld [tilespmem:s1+$0xFFFFFFF0];
	[tilespmem:s29+$0xFFFFFFF0] =	vst v4  }
0x254: {  	v4 =	vld [tilespmem:s1+$0xFFFFFFE0];
	[tilespmem:s29+$0x0] =	vst v3  }
0x255: {  	v5 =	vld [tilespmem:s1+$0xFFFFFFD0]  }
0x256: {  	v3 =	vld.idx.msk [tilespmem:v7+s6+$0x0], $0xffff;
	_ =	sdelay $0x2  }
0x257: {  	v7 =	vld [tilespmem:s1+$0x0];
	_ =	sdelay $0x1  }
0x258: {  	v5 =	vmul.f32 v5, v3  }
0x259: {  	v4 =	vmul.f32 v4, v3  }
0x25a: {  	v6 =	vmul.f32 v6, v3;
	[tilespmem:s1+$0xFFFFFFD0] =	vst v5  }
0x25b: {  	v3 =	vmul.f32 v7, v3;
	[tilespmem:s1+$0xFFFFFFE0] =	vst v4  }
0x25c: {  	[tilespmem:s1+$0xFFFFFFF0] =	vst v6  }
0x25d: {  	s30 =	simm.s32 $0x13E60;
	[tilespmem:s1+$0x0] =	vst v3  }
0x25e: {  	[spmem:s2] =	stream.indirect_vreg.scatter.add.f32 [tilespmem:s30], [sflag:$0x9], $0x40, v2, vm0, $0xb8;
	[tilespmem:$0x1E8E0] =	vst v63  }
0x25f: {  	s1 =	sadd.s32 $0x0, s10;
	_ =	swait.ge [sflag:s18], $0x400  }
0x260: {  	v2 =	vmov s1;
	[sflag:s18] =	ssyncset.done $0x0  }
0x261: {  	s28 =	simm.s32 $0x14290;
	[sflag:s18] =	ssyncadd.s32 $0xFFFFFC00  }
0x262: {  	v6 =	vld [tilespmem:s28+$0xFFFFFFE0]  }
0x263: {  	v7 =	vld [tilespmem:s28+$0xFFFFFFD0]  }
0x264: {  	v4 =	vld [tilespmem:s28+$0xFFFFFFF0]  }
0x265: {  	v3 =	vld.idx.msk [tilespmem:v2+s6+$0x0], $0xffff  }
0x266: {  	v5 =	vld [tilespmem:s28+$0x0];
	_ =	sdelay $0x3  }
0x267: {  	s29 =	simm.s32 $0x2;
	s1 =	sadd.s32 $0x1, s10;
	v2 =	vld [tilespmem:s0+$0x7570];
	s0 =	simm.s32 $0x14290;
	v7 =	vmul.f32 v7, v3;
	v6 =	vmul.f32 v6, v3  }
.LBB2_34:
0x268: {  	p1 =	sne.s32 s29, $0xF;
	v8 =	vmov s1;
	v9 =	vmul.f32 v4, v3;
	v3 =	vmul.f32 v5, v3  }
0x269: {  	[tilespmem:s28+$0xFFFFFFD0] =	vst v7  }
0x26a: {  	s28 =	sadd.s32 $0x40, s28;
	[tilespmem:s0+$0xFFFFFFE0] =	vst v6  }
0x26b: {  	v4 =	vld [tilespmem:s28+$0xFFFFFFF0];
	[tilespmem:s0+$0xFFFFFFF0] =	vst v9  }
0x26c: {  	v6 =	vld [tilespmem:s28+$0xFFFFFFE0];
	[tilespmem:s0+$0x0] =	vst v3;
	s0 =	smov.u32 s28  }
0x26d: {  	v3 =	vld.idx.msk [tilespmem:v8+s6+$0x0], $0xffff  }
0x26e: {  	v7 =	vld [tilespmem:s28+$0xFFFFFFD0]  }
.Ltmp18:
0x26f: {  	v5 =	vld [tilespmem:s28+$0x0];
	(pc) =	sbr.rel @p1 .LBB2_34-.Ltmp18, $2  }
0x270: {  	_ =	sdelay $0x2  }
0x271: {  	s1 =	sadd.s32 s29, s10;
	s29 =	sadd.s32 $0x1, s29;
	v6 =	vmul.f32 v6, v3;
	v7 =	vmul.f32 v7, v3  }
0x272: {  	v61 =	vmov s1  }
0x273: {  	v4 =	vmul.f32 v4, v3;
	[tilespmem:s28+$0xFFFFFFD0] =	vst v7  }
0x274: {  	s29 =	sadd.s32 $0x40, s28;
	v3 =	vmul.f32 v5, v3;
	[tilespmem:s0+$0xFFFFFFE0] =	vst v6  }
0x275: {  	v6 =	vld [tilespmem:s29+$0xFFFFFFF0];
	[tilespmem:s0+$0xFFFFFFF0] =	vst v4  }
0x276: {  	v4 =	vld [tilespmem:s29+$0xFFFFFFE0];
	[tilespmem:s0+$0x0] =	vst v3  }
0x277: {  	v3 =	vld.idx.msk [tilespmem:v61+s6+$0x0], $0xffff  }
0x278: {  	v62 =	vld [tilespmem:s29+$0xFFFFFFD0];
	_ =	sdelay $0x2  }
0x279: {  	v63 =	vld [tilespmem:s29+$0x0];
	_ =	sdelay $0x1  }
0x27a: {  	v5 =	vmul.f32 v62, v3  }
0x27b: {  	v4 =	vmul.f32 v4, v3  }
0x27c: {  	v6 =	vmul.f32 v6, v3;
	[tilespmem:s29+$0xFFFFFFD0] =	vst v5  }
0x27d: {  	v3 =	vmul.f32 v63, v3;
	[tilespmem:s29+$0xFFFFFFE0] =	vst v4  }
0x27e: {  	p1 =	seq.s32 s11, $0x7C;
	[tilespmem:s29+$0xFFFFFFF0] =	vst v6  }
.Ltmp19:
0x27f: {  	s28 =	simm.s32 $0x14260;
	[tilespmem:s29+$0x0] =	vst v3;
	(pc) =	sbr.rel @p1 .LBB2_37-.Ltmp19, $4  }
0x280: {  	[spmem:s2] =	stream.indirect_vreg.scatter.add.f32 [tilespmem:s28], [sflag:$0xA], $0x40, v2, vm0, $0xb8;
	[tilespmem:$0x1E8E0] =	vst v63  }
0x281: {  	_ =	swait.ge [sflag:s19], $0x400  }
0x282: {  	[sflag:s19] =	ssyncset.done $0x0  }
0x283: {  	[sflag:s19] =	ssyncadd.s32 $0xFFFFFC00  }
0x284: {  	s0 =	smul.u32 $0x140, s11;
	_ =	sdelay $0x1  }
0x285: {  	s0 =	sshra.s32 s0, $0x2  }
0x286: {  	v2 =	vld [tilespmem:s0+$0x4E70];
	_ =	sdelay $0x6  }
0x287: {  	s1 =	simm.s32 $0x13260  }
0x288: {  	[tilespmem:s1], [sflag:$0x1] =	stream.indirect_vreg.gather [hbm4b:s8+s4], $0x40, v2, vm0, $0xb8;
	[tilespmem:$0x1E8E0] =	vst v63  }
0x289: {  	_ =	swait.ge [sflag:s20], $0x400  }
0x28a: {  	[sflag:s20] =	ssyncset.done $0x0  }
0x28b: {  	[sflag:s20] =	ssyncadd.s32 $0xFFFFFC00  }
0x28c: {  	v2 =	vld [tilespmem:s0+$0x4E80];
	_ =	sdelay $0x6  }
0x28d: {  	s29 =	simm.s32 $0x13660  }
0x28e: {  	[tilespmem:s29], [sflag:$0x2] =	stream.indirect_vreg.gather [hbm4b:s8+s4], $0x40, v2, vm0, $0xb8;
	[tilespmem:$0x1E8E0] =	vst v63  }
0x28f: {  	_ =	swait.ge [sflag:s21], $0x400  }
0x290: {  	[sflag:s21] =	ssyncset.done $0x0  }
0x291: {  	[sflag:s21] =	ssyncadd.s32 $0xFFFFFC00  }
0x292: {  	v2 =	vld [tilespmem:s0+$0x4E90];
	_ =	sdelay $0x6  }
0x293: {  	s29 =	simm.s32 $0x13A60  }
0x294: {  	[tilespmem:s29], [sflag:$0x3] =	stream.indirect_vreg.gather [hbm4b:s8+s4], $0x40, v2, vm0, $0xb8;
	[tilespmem:$0x1E8E0] =	vst v63  }
0x295: {  	_ =	swait.ge [sflag:s22], $0x400  }
0x296: {  	[sflag:s22] =	ssyncset.done $0x0  }
0x297: {  	[sflag:s22] =	ssyncadd.s32 $0xFFFFFC00  }
0x298: {  	v2 =	vld [tilespmem:s0+$0x4EA0];
	_ =	sdelay $0x7  }
0x299: {  	[tilespmem:s30], [sflag:$0x4] =	stream.indirect_vreg.gather [hbm4b:s8+s4], $0x40, v2, vm0, $0xb8;
	[tilespmem:$0x1E8E0] =	vst v63  }
0x29a: {  	_ =	swait.ge [sflag:s23], $0x400  }
0x29b: {  	[sflag:s23] =	ssyncset.done $0x0  }
0x29c: {  	[sflag:s23] =	ssyncadd.s32 $0xFFFFFC00  }
0x29d: {  	v2 =	vld [tilespmem:s0+$0x4EB0];
	_ =	sdelay $0x3  }
.Ltmp20:
0x29e: {  	_ = 	snop;
	(pc) =	sbr.rel .LBB2_25-.Ltmp20, $4  }
0x29f: {  	_ = 	snop  }
0x2a0: {  	s11 =	sadd.s32 $0x1, s11;
	s24 =	sadd.s32 $0x50, s24;
	s9 =	sadd.s32 $0x50, s9  }
0x2a1: {  	s12 =	sadd.s32 $0x50, s12;
	s13 =	sadd.s32 $0x50, s13;
	s10 =	sadd.s32 $0x50, s10  }
0x2a2: {  	[tilespmem:s28], [sflag:$0x5] =	stream.indirect_vreg.gather [hbm4b:s8+s4], $0x40, v2, vm0, $0xb8;
	[tilespmem:$0x1E8E0] =	vst v63  }
.LBB2_38:
0x2a3: {  	_ =	sfence.sel $0x180000  }
0x2a4: {  	[bflag:$0x0] =	sbarrier.arrive $0xFFFF  }
0x2a5: {  	_ =	strace $0x9000004A  }
0x2a6: {  	s0 =	stileid.u32;
	[bflag:$0x2] =	sbarrier.arrive $0xFFFF  }
0x2a7: {  	p0 =	sne.s32 s0, $0x0;
	s0 =	rddreg [dreg:$0x4]  }
0x2a8: {  	s0 =	sadd.s32 @!p0 $0x100000, s0  }
0x2a9: {  	[sflag:s0] =	ssyncadd.tile.s32 @!p0 $0x1;
	_ =	shalt  }
.Lfunc_end2:
_tile_overlayer_lowered:
.L_overlay_start_2:
0x2aa: {  	(tag) =	ssettag $0x2  }
0x2ab: {  	s0 =	rddreg [dreg:$0x0];
	s2 =	stileid.u32  }
0x2ac: {  	s1 =	rddreg [dreg:$0x1];
	p0 =	sne.s32 s2, $0x0  }
0x2ad: {  	s3 =	rddreg [dreg:$0x2];
	[bflag:$0x3] =	sbarrier.arrive $0xFFFF;
	s2 =	simm.s32 @!p0 $0x1C0B  }
0x2ae: {  	[timem:s3], [sflag:s2] =	dma.local @!p0 [hbm:s0], s1  }
0x2af: {  	s0 =	simm.s32 @!p0 $0xB  }
0x2b0: {  	_ =	swait.ge @!p0 [sflag:s0], s1  }
0x2b1: {  	s1 =	ssub.s32 @!p0 $0x0, s1;
	[sflag:s0] =	ssyncset.done @!p0 $0x0  }
0x2b2: {  	[sflag:s0] =	ssyncadd.s32 @!p0 s1  }
0x2b3: {  	[bflag:$0x3] =	sbarrier.arrive $0xFFFF  }
0x2b4: {  	_ =	shalt  }

// kernel: kernel.8.cloned.1.call-start
scs
__scs_entry_jumppad:
0x0: {  	(pc) =	sbr.rel $0x88, $3  }
0x1: {  	(tag) =	ssettag $0x0;
	lr =	simm.s32 $0x1  }
0x2: {  	[smem:$0x3F92] =	sst lr;
	_ =	strace $0xD0000000  }
0x3: {  	_ = 	snop  }
0x4: {  	_ = 	snop  }
0x5: {  	_ = 	snop  }
0x6: {  	_ = 	snop  }
0x7: {  	_ = 	snop  }
__scs_overlays_trampoline_lowered:
0x8: {  	[smem:$0x3FA1] =	sst s0  }
0x9: {  	[smem:$0x3FA2] =	sst s1  }
0xa: {  	[smem:$0x3FA3] =	sst s2  }
0xb: {  	[smem:$0x3FA4] =	sst s3  }
0xc: {  	[smem:$0x3FA5] =	sst s4  }
0xd: {  	[smem:$0x3FA6] =	sst s5  }
0xe: {  	[smem:$0x3FA7] =	sst s6  }
0xf: {  	[smem:$0x3FA8] =	sst s7  }
0x10: {  	[smem:$0x3FA9] =	sst s8  }
0x11: {  	[smem:$0x3FAA] =	sst s9;
	s0 =	simm.s32 @!p0 $0x0  }
0x12: {  	s1 =	sld [smem:$0x3F90];
	s0 =	simm.s32 @p0 $0x1  }
0x13: {  	[smem:$0x3FAB] =	sst s0;
	s0 =	simm.s32 @!p1 $0x0  }
0x14: {  	s2 =	sld [smem:$0x3F8F];
	s0 =	simm.s32 @p1 $0x1  }
0x15: {  	[smem:$0x3FAC] =	sst s0;
	s0 =	simm.s32 @!p2 $0x0  }
0x16: {  	s3 =	sld [smem:$0x3FDB];
	s0 =	simm.s32 @p2 $0x1  }
0x17: {  	s4 =	simm.s32 $0x1BF5;
	[smem:$0x3FAE] =	sst s0  }
0x18: {  	s0 =	sld [smem:$0x3F91];
	_ =	swait.ge [sflag:s4], $0x0  }
0x19: {  	s7 =	sld [smem:$0x3F92]  }
0x1a: {  	s8 =	sadd.s32 $0xFFFFE003, lr  }
0x1b: {  	s9 =	sadd.s32 $0xFFFFFEF7, lr;
	s5 =	simm.s32 $0xFFFFFFFF;
	p2 =	slt.u32 s8, $0xFFFFF086  }
0x1c: {  	p1 =	slt.u32 s9, $0xF7A;
	s5 =	simm.s32 @!p2 $0x0  }
0x1d: {  	s5 =	simm.s32 @p1 $0x1;
	p0 =	seq.s32 s7, s2  }
0x1e: {  	s7 =	smul.u32 @!p0 $0xF7A, s2;
	p2 =	seq.s32 @!p0 s5, $0x0  }
0x1f: {  	s9 =	smul.u32 $0xF7A, s1;
	s8 =	simm.s32 @!p0 $0x1BF5;
	p2 =	por !p2, p0  }
0x20: {  	[sflag:s8] =	ssyncset.s32 @!p0 $0xFFFFF086;
	s6 =	sadd.s32 @!p0 s3, s7;
	s7 =	simm.s32 @!p0 $0x108  }
0x21: {  	s3 =	sadd.s32 s3, s9;
	s6 =	sadd.s32 @!p0 $0x88, s6;
	s7 =	simm.s32 @p2 $0x1082  }
0x22: {  	[simem:s7], [sflag:s8] =	dma.local @!p0 [hbm:s6], $0xF7A  }
0x23: {  	s9 =	sor.u32 $0xD0000000, s2;
	s6 =	simm.s32 $0x108;
	_ =	swait.ge @!p0 [sflag:s8], $0x0  }
0x24: {  	s3 =	sadd.s32 $0x88, s3;
	s6 =	simm.s32 @!p1 $0x1082;
	[sflag:s4] =	ssyncset.s32 $0xFFFFF086  }
0x25: {  	[simem:s6], [sflag:s4] =	dma.local [hbm:s3], $0xF7A  }
0x26: {  	[smem:$0x3F92] =	sst s1;
	(tag) =	ssettag s2;
	_ =	strace s9  }
0x27: {  	s1 =	sld [smem:$0x3FA2]  }
0x28: {  	s2 =	sld [smem:$0x3FA3]  }
0x29: {  	s4 =	sld [smem:$0x3FA5]  }
0x2a: {  	p0 =	seq.s32 s5, $0x0;
	s5 =	sld [smem:$0x3FA6]  }
0x2b: {  	s6 =	sld [smem:$0x3FA7]  }
0x2c: {  	s7 =	sld [smem:$0x3FA8]  }
0x2d: {  	s3 =	simm.s32 $0x108;
	s8 =	sld [smem:$0x3FA9]  }
0x2e: {  	s3 =	simm.s32 @!p0 $0x1082;
	s9 =	sld [smem:$0x3FAA]  }
0x2f: {  	lr =	sadd.s32 s0, s3;
	s0 =	sld [smem:$0x3FA1]  }
0x30: {  	s3 =	sld [smem:$0x3FA4]  }
0x31: {  	[smem:$0x3FAD] =	sst s10  }
0x32: {  	s10 =	sld [smem:$0x3FAB];
	_ =	sdelay $0x3  }
0x33: {  	p0 =	seq.s32 s10, $0x1;
	s10 =	sld [smem:$0x3FAD];
	_ =	sdelay $0x3  }
0x34: {  	[smem:$0x3FAD] =	sst s10  }
0x35: {  	s10 =	sld [smem:$0x3FAC];
	_ =	sdelay $0x3  }
0x36: {  	p1 =	seq.s32 s10, $0x1;
	s10 =	sld [smem:$0x3FAD];
	_ =	sdelay $0x3  }
0x37: {  	[smem:$0x3FAD] =	sst s10  }
0x38: {  	s10 =	sld [smem:$0x3FAE]  }
0x39: {  	_ = 	snop;
	(pc) =	sbr.ind lr, $3  }
0x3a: {  	_ = 	snop  }
0x3b: {  	_ = 	snop  }
0x3c: {  	p2 =	seq.s32 s10, $0x1;
	s10 =	sld [smem:$0x3FAD]  }
0x3d: {  	_ =	shalt  }
0x3e: {  	_ =	shalt  }
0x3f: {  	_ =	shalt  }
0x40: {  	_ =	shalt  }
0x41: {  	_ =	shalt  }
0x42: {  	_ =	shalt  }
0x43: {  	_ =	shalt  }
0x44: {  	_ =	shalt  }
0x45: {  	_ =	shalt  }
0x46: {  	_ =	shalt  }
0x47: {  	_ =	shalt  }
0x48: {  	_ =	shalt  }
0x49: {  	_ =	shalt  }
0x4a: {  	_ =	shalt  }
0x4b: {  	_ =	shalt  }
0x4c: {  	_ =	shalt  }
0x4d: {  	_ =	shalt  }
0x4e: {  	_ =	shalt  }
0x4f: {  	_ =	shalt  }
0x50: {  	_ =	shalt  }
0x51: {  	_ =	shalt  }
0x52: {  	_ =	shalt  }
0x53: {  	_ =	shalt  }
0x54: {  	_ =	shalt  }
0x55: {  	_ =	shalt  }
0x56: {  	_ =	shalt  }
0x57: {  	_ =	shalt  }
0x58: {  	_ =	shalt  }
0x59: {  	_ =	shalt  }
0x5a: {  	_ =	shalt  }
0x5b: {  	_ =	shalt  }
0x5c: {  	_ =	shalt  }
0x5d: {  	_ =	shalt  }
0x5e: {  	_ =	shalt  }
0x5f: {  	_ =	shalt  }
0x60: {  	_ =	shalt  }
0x61: {  	_ =	shalt  }
0x62: {  	_ =	shalt  }
0x63: {  	_ =	shalt  }
0x64: {  	_ =	shalt  }
0x65: {  	_ =	shalt  }
0x66: {  	_ =	shalt  }
0x67: {  	_ =	shalt  }
0x68: {  	_ =	shalt  }
0x69: {  	_ =	shalt  }
0x6a: {  	_ =	shalt  }
0x6b: {  	_ =	shalt  }
0x6c: {  	_ =	shalt  }
0x6d: {  	_ =	shalt  }
0x6e: {  	_ =	shalt  }
0x6f: {  	_ =	shalt  }
0x70: {  	_ =	shalt  }
0x71: {  	_ =	shalt  }
0x72: {  	_ =	shalt  }
0x73: {  	_ =	shalt  }
0x74: {  	_ =	shalt  }
0x75: {  	_ =	shalt  }
0x76: {  	_ =	shalt  }
0x77: {  	_ =	shalt  }
0x78: {  	_ =	shalt  }
0x79: {  	_ =	shalt  }
0x7a: {  	_ =	shalt  }
0x7b: {  	_ =	shalt  }
0x7c: {  	_ =	shalt  }
0x7d: {  	_ =	shalt  }
0x7e: {  	_ =	shalt  }
0x7f: {  	_ =	shalt  }
0x80: {  	_ =	shalt  }
0x81: {  	_ =	shalt  }
0x82: {  	_ =	shalt  }
0x83: {  	_ =	shalt  }
0x84: {  	_ =	shalt  }
0x85: {  	_ =	shalt  }
0x86: {  	_ =	shalt  }
0x87: {  	_ =	shalt  }
.Lfunc_end0:
.L_simem_size_0:
called_computation_lowered:
.L_overlay_start_0:
0x88: {  	s2 =	sld [smem:$0x3FD9]  }
0x89: {  	s3 =	sld [smem:$0x3FFE];
	_ =	sdelay $0x1  }
0x8a: {  	s1 =	srdreg.scid  }
0x8b: {  	s0 =	sand.u32 $0x1, s1  }
0x8c: {  	s14 =	sshll.u32 s0, $0xA;
	s2 =	sadd.s32 s3, s2  }
0x8d: {  	s2 =	sadd.s32 s2, s14  }
0x8e: {  	[smem:$0x3FB9] =	sst s2  }
0x8f: {  	_ = 	snop  }
0x90: {  	s2 =	sld [smem:$0x3FD0];
	_ =	sdelay $0x2  }
0x91: {  	s15 =	simm.s32 $0xA;
	s4 =	simm.s32 $0x10  }
0x92: {  	[smem:s4], [sflag:s15] =	dma.local [hbm:s2], $0x1  }
0x93: {  	_ =	swait.eq [sflag:s15], $0x1  }
0x94: {  	[sflag:s15] =	ssyncset.done $0x0  }
0x95: {  	[sflag:s15] =	ssyncadd.s32 $0xFFFFFFFF  }
0x96: {  	s16 =	sld [smem:$0x10];
	(tm) =	ssettm $0x1  }
0x97: {  	s17 =	sld [smem:$0x3FFB];
	_ =	sdelay $0x3  }
0x98: {  	_ =	strace s17  }
0x99: {  	s3 =	sld [smem:$0x3FFC];
	_ =	sdelay $0x3  }
0x9a: {  	_ =	strace s3  }
0x9b: {  	s3 =	sld [smem:$0x3FFD];
	_ =	sdelay $0x3  }
0x9c: {  	_ =	strace s3  }
0x9d: {  	_ =	strace $0x8FFFFFFF  }
0x9e: {  	s18 =	sld [smem:$0x3FDB];
	_ =	sdelay $0x1  }
0x9f: {  	s19 =	simm.s32 $_scs_section_size  }
0xa0: {  	s5 =	simm.s32 $_size__tile_overlayer_lowered;
	s6 =	simm.s32 $_tile_overlayer_lowered  }
0xa1: {  	s22 =	simm.s32 $0x1BFF;
	s21 =	sshll.u32 s6, $0x1;
	s3 =	sadd.s32 s19, s18  }
0xa2: {  	s7 =	simm.s32 $0x0;
	s20 =	sshll.u32 s5, $0x1;
	s5 =	sadd.s32 s21, s3  }
0xa3: {  	[timem:s7], [sflag:s22] =	dma.local [hbm:s5], s20  }
0xa4: {  	_ =	swait.ge [sflag:s22], s20  }
0xa5: {  	s4 =	ssub.s32 $0x0, s20;
	[sflag:s22] =	ssyncset.done $0x0  }
0xa6: {  	[sflag:s22] =	ssyncadd.s32 s4;
	_ =	sdelay $0x1  }
0xa7: {  	s23 =	simm.s32 $0x1B8B  }
0xa8: {  	_ =	swait.ge [sflag:s23], $0x1  }
0xa9: {  	[sflag:s23] =	ssyncset.done $0x0  }
0xaa: {  	s25 =	simm.s32 $0x1B8E;
	s24 =	sld [smem:$0x3FFE];
	[sflag:s23] =	ssyncadd.s32 $0xFFFFFFFF  }
0xab: {  	s26 =	simm.s32 $execute0_lowered;
	[smem:$0x3FD2] =	sst s25  }
0xac: {  	s5 =	sshll.u32 s26, $0x1;
	_ =	strace $0x80000046;
	[dreg:$0x1] =	wrdreg $0xFFFFFFFF  }
0xad: {  	s28 =	simm.s32 $_size_execute0_lowered;
	s3 =	sadd.s32 s3, s5;
	[dreg:$0x0] =	wrdreg $0x0  }
0xae: {  	s5 =	sshll.u32 s28, $0x1;
	[dreg:$0x2] =	wrdreg s3  }
0xaf: {  	[dreg:$0x3] =	wrdreg s5  }
0xb0: {  	[dreg:$0x4] =	wrdreg $0xC0  }
0xb1: {  	_ =	task [dreg:s7], $0x5FFFF  }
0xb2: {  	[dreg:$0x1] =	wrdreg $0xFFFFFFFF  }
0xb3: {  	[dreg:$0x0] =	wrdreg $0x60  }
0xb4: {  	[dreg:$0x2] =	wrdreg s24  }
0xb5: {  	[dreg:$0x3] =	wrdreg s16  }
0xb6: {  	[dreg:$0x4] =	wrdreg $0x148E00  }
0xb7: {  	[dreg:$0x5] =	wrdreg $0x146600  }
0xb8: {  	[dreg:$0x6] =	wrdreg $0x9  }
0xb9: {  	_ =	task.clear_ibuf [dreg:s7], $0x7FFFF;
	_ =	strace $0x90000046  }
0xba: {  	s29 =	simm.s32 $0x9;
	_ =	strace $0x80000048  }
0xbb: {  	_ =	swait.ge [sflag:s29], $0x1  }
0xbc: {  	[sflag:s29] =	ssyncadd.s32 $0xFFFFFFFF  }
0xbd: {  	_ =	strace $0x90000048  }
0xbe: {  	_ =	sfence  }
0xbf: {  	s30 =	sld [smem:$0x0];
	_ =	sdelay $0x2  }
0xc0: {  	s31 =	sshll.u32 s1, $0xD;
	s1 =	sshrl.u32 s1, $0x2  }
0xc1: {  	s3 =	sand.u32 $0x4000, s31;
	s1 =	sadd.s32 s1, s30  }
0xc2: {  	s0 =	sor.u32 s3, s0;
	s1 =	sshll.u32 s1, $0x11  }
0xc3: {  	s0 =	sor.u32 s1, s0  }
0xc4: {  	s0 =	sadd.s32 $0x8F2B, s0  }
0xc5: {  	[sflag:s0] =	ssyncadd.remote.s32 $0x1  }
0xc6: {  	_ =	sfence.sel $0xFFFF  }
0xc7: {  	[dreg:$0x0] =	wrdreg $0xFFFFFFFF;
	(pc) =	sbr.abs _section_cstart, $3  }
0xc8: {  	[dreg:$0x1] =	wrdreg $0xFFFFFFFF  }
0xc9: {  	_ =	task.clear_ibuf [dreg:s7], $0x2FFFF;
	_ =	strace $0x9FFFFFFF  }
0xca: {  	(tm) =	ssettm $0x7FFFFFFF  }
0xcb: {  	_ =	shalt  }
tec
execute0_lowered:
.L_overlay_start_1:
0x0: {  	(tag) =	ssettag $0x1  }
0x1: {  	s0 =	rddreg [dreg:$0x0]  }
0x2: {  	s1 =	rddreg [dreg:$0x1]  }
0x3: {  	s3 =	srdreg.scid;
	s2 =	rddreg [dreg:$0x2]  }
0x4: {  	s16 =	stileid.u32;
	s4 =	simm.s32 $0x0;
	s31 =	simm.s32 $0xEA60  }
0x5: {  	s30 =	simm.s32 $0x13E60;
	s5 =	sand.u32 $0x1, s3;
	s3 =	rddreg [dreg:$0x3]  }
0x6: {  	s28 =	simm.s32 $0x14260;
	[smem:$0x7FF] =	sst s4;
	s9 =	smul.u32 $0x280, s16  }
0x7: {  	s7 =	sadd.s32 $0x1E800, s0;
	s25 =	sadd.s32 $0x1EE00, s0;
	s12 =	smul.u32 $0x28000, s16  }
0x8: {  	s8 =	sadd.s32 $0x32E00, s0;
	s11 =	sadd.s32 $0x46800, s0;
	s15 =	smul.u32 $0xA000, s16  }
0x9: {  	p0 =	seq.s32 s16, $0xF;
	_ =	strace $0x80000047;
	[dreg:$0x5] =	wrdreg s7  }
0xa: {  	s6 =	sshll.u32 s5, $0x4;
	s10 =	smul.u32 $0x2800, s5;
	[dreg:$0x6] =	wrdreg s25  }
0xb: {  	s7 =	sadd.s32 $0x1F400, s0;
	s13 =	ssub.s32 $0x2, s5;
	s5 =	smul.u32 $0x9C400, s5  }
0xc: {  	s25 =	sadd.s32 $0x96000, s2;
	s6 =	sor.u32 s16, s6;
	s26 =	sshrl.u32 s13, $0x1  }
0xd: {  	s12 =	sshrl.u32 s12, $0x2;
	s29 =	sadd.s32 s15, s2;
	[dreg:$0x12] =	wrdreg s25  }
0xe: {  	s25 =	simm.s32 $0xB;
	s16 =	simm.s32 $0x3;
	s6 =	smul.u32 $0x4E2, s6  }
0xf: {  	s10 =	sadd.s32 s9, s10;
	[dreg:$0x7] =	wrdreg s29;
	s12 =	sadd.s32 s12, s2  }
0x10: {  	s21 =	sadd.s32 s15, s5;
	s5 =	sshrl.u32 s5, $0x3;
	s15 =	simm.s32 $0x2  }
0x11: {  	s10 =	sshrl.u32 s10, $0x3;
	s14 =	sadd.s32 $0x2000, s12;
	s17 =	sadd.s32 $0x4000, s12  }
0x12: {  	s18 =	sadd.s32 $0x6000, s12;
	s12 =	sadd.s32 $0x8000, s12;
	s22 =	sshrl.u32 s21, $0x3  }
0x13: {  	s24 =	sadd.s32 $0x12C00, s5;
	s5 =	simm.s32 $0x1;
	[dreg:$0x8] =	wrdreg s14  }
0x14: {  	s21 =	simm.s32 $0x8;
	s6 =	sadd.s32 s6, s0;
	[dreg:$0x9] =	wrdreg s17  }
0x15: {  	s0 =	sadd.s32 s10, s0;
	s10 =	ssub.s32 s13, s26;
	[dreg:$0xa] =	wrdreg s18  }
0x16: {  	[dreg:$0xb] =	wrdreg s12;
	s14 =	sadd.s32 s9, s3;
	s23 =	sadd.s32 s1, s22  }
0x17: {  	s1 =	sadd.s32 s1, s24;
	s26 =	sadd.s32 s11, s22;
	[dreg:$0x10] =	wrdreg s23  }
0x18: {  	s17 =	simm.s32 $0x4;
	s18 =	simm.s32 $0x5;
	[dreg:$0x11] =	wrdreg s1  }
0x19: {  	s22 =	simm.s32 $0x9;
	s19 =	sadd.s32 $0xAC00, s6;
	[dreg:$0x13] =	wrdreg s26  }
0x1a: {  	s9 =	simm.s32 $0x0;
	s20 =	sadd.s32 $0xE00, s6;
	[dreg:$0xc] =	wrdreg s19  }
.Ltmp0:
0x1b: {  	s6 =	sadd.s32 $0x14A00, s6;
	[dreg:$0xd] =	wrdreg s20;
	(pc) =	sbr.rel .LBB2_1-.Ltmp0, $4  }
0x1c: {  	s0 =	sadd.s32 $0x6DA00, s0;
	s29 =	smax.u32 s10, $0x1;
	[dreg:$0xe] =	wrdreg s6  }
0x1d: {  	s26 =	simm.s32 $0x2710;
	s23 =	simm.s32 $0xA;
	[dreg:$0xf] =	wrdreg s0  }
0x1e: {  	s0 =	sadd.s32 s11, s24;
	[dreg:$0x15] =	wrdreg s29;
	s6 =	simm.s32 $0xC350  }
0x1f: {  	v0 =	vimm.f32 $0.0e+00;
	v1 =	vlaneseq.u32;
	vm0 =	vmmov $0xffff;
	s19 =	simm.s32 $0x6;
	s20 =	simm.s32 $0x7;
	[dreg:$0x14] =	wrdreg s0  }
.LBB2_37:
0x20: {  	_ =	swait.ge [sflag:s20], $0x400  }
0x21: {  	[sflag:s20] =	ssyncset.done $0x0  }
0x22: {  	[sflag:s20] =	ssyncadd.s32 $0xFFFFFC00  }
0x23: {  	_ =	swait.ge [sflag:s21], $0x400  }
0x24: {  	[sflag:s21] =	ssyncset.done $0x0  }
0x25: {  	[sflag:s21] =	ssyncadd.s32 $0xFFFFFC00  }
0x26: {  	_ =	swait.ge [sflag:s22], $0x400  }
0x27: {  	[sflag:s22] =	ssyncset.done $0x0  }
0x28: {  	[sflag:s22] =	ssyncadd.s32 $0xFFFFFC00  }
0x29: {  	_ =	swait.ge [sflag:s23], $0x400  }
0x2a: {  	[sflag:s23] =	ssyncset.done $0x0  }
0x2b: {  	[sflag:s23] =	ssyncadd.s32 $0xFFFFFC00  }
0x2c: {  	[bflag:$0x0] =	sbarrier.arrive $0xFFFF  }
0x2d: {  	s0 =	rddreg [dreg:$0x14]  }
0x2e: {  	s1 =	rddreg [dreg:$0x17]  }
0x2f: {  	s9 =	rddreg [dreg:$0x18]  }
0x30: {  	[hbm:s0], [sflag:s1] =	dma.local @p0 [spmem:s9], $0xC80  }
0x31: {  	s0 =	simm.s32 @p0 $0xB  }
0x32: {  	_ =	swait.ge @p0 [sflag:s0], $0xC80  }
0x33: {  	[sflag:s0] =	ssyncset.done @p0 $0x0;
	s9 =	rddreg [dreg:$0x19]  }
0x34: {  	[sflag:s0] =	ssyncadd.s32 @p0 $0xFFFFF380;
	s0 =	rddreg [dreg:$0x13]  }
0x35: {  	[hbm:s0], [sflag:s1] =	dma.local @!p0 [spmem:s9], $0x1400  }
0x36: {  	s0 =	simm.s32 @!p0 $0xB  }
0x37: {  	_ =	swait.ge @!p0 [sflag:s0], $0x1400  }
0x38: {  	s24 =	rddreg [dreg:$0x16]  }
0x39: {  	s29 =	rddreg [dreg:$0x15];
	s9 =	sadd.s32 $0x1, s24  }
0x3a: {  	p1 =	sne.s32 s9, s29  }
.Ltmp1:
0x3b: {  	_ = 	snop;
	(pc) =	sbr.rel @!p1 .LBB2_38-.Ltmp1, $3  }
0x3c: {  	_ =	sdelay $0x1  }
0x3d: {  	[sflag:s0] =	ssyncset.done @!p0 $0x0  }
0x3e: {  	[sflag:s0] =	ssyncadd.s32 @!p0 $0xFFFFEC00  }
.LBB2_1:
0x3f: {  	[dreg:$0x16] =	wrdreg s9  }
0x40: {  	s0 =	rddreg [dreg:$0x5]  }
0x41: {  	[tilespmem:s4], [sflag:$0xB] =	stream.linear.gather [hbm4b:s0+s4], $0x2710, $0x38;
	[tilespmem:$0x1E8E0] =	vst v63  }
0x42: {  	_ =	swait.ge [sflag:s25], $0x2710  }
0x43: {  	[sflag:s25] =	ssyncset.done $0x0  }
0x44: {  	s29 =	rddreg [dreg:$0x6];
	[sflag:s25] =	ssyncadd.s32 $0xFFFFD8F0  }
0x45: {  	[tilespmem:s26], [sflag:$0xB] =	stream.linear.gather [hbm4b:s29+s4], $0x2710, $0x38;
	[tilespmem:$0x1E8E0] =	vst v63  }
0x46: {  	_ =	swait.ge [sflag:s25], $0x2710  }
0x47: {  	[sflag:s25] =	ssyncset.done $0x0  }
0x48: {  	s0 =	simm.s32 $0x0;
	[sflag:s25] =	ssyncadd.s32 $0xFFFFD8F0  }
.LBB2_2:
0x49: {  	p1 =	sne.s32 s0, $0x9FC0  }
.Ltmp2:
0x4a: {  	_ = 	snop;
	(pc) =	sbr.rel @p1 .LBB2_2-.Ltmp2, $3  }
0x4b: {  	_ =	sdelay $0x1  }
0x4c: {  	s1 =	sshra.s32 s0, $0x2  }
0x4d: {  	s0 =	sadd.s32 $0x40, s0;
	[tilespmem:s1+$0xEA60] =	vst v0  }
0x4e: {  	s9 =	simm.s32 $0x100;
	s0 =	simm.s32 $0x0  }
.LBB2_4:
0x4f: {  	p1 =	sne.s32 s9, $0x7F00;
	[tilespmem:s0+$0x11290] =	vst v0;
	s1 =	smov.u32 s9;
	s9 =	sadd.s32 $0x100, s9  }
.Ltmp3:
0x50: {  	[tilespmem:s0+$0x11280] =	vst v0;
	(pc) =	sbr.rel @p1 .LBB2_4-.Ltmp3, $3  }
0x51: {  	[tilespmem:s0+$0x11260] =	vst v0  }
0x52: {  	[tilespmem:s0+$0x11270] =	vst v0;
	_ =	sdelay $0x1  }
0x53: {  	s0 =	sshra.s32 s1, $0x2  }
0x54: {  	[tilespmem:s0+$0x11290] =	vst v0  }
0x55: {  	[tilespmem:s0+$0x11280] =	vst v0  }
0x56: {  	[tilespmem:s0+$0x11260] =	vst v0  }
0x57: {  	[tilespmem:s0+$0x11270] =	vst v0;
	s0 =	simm.s32 $0x11260;
	s1 =	rddreg [dreg:$0x7]  }
0x58: {  	[spmem:s1] =	stream.linear.scatter [tilespmem:s0], [sflag:$0xB], $0x2000, $0x38;
	[tilespmem:$0x1E8E0] =	vst v63  }
0x59: {  	_ =	swait.ge [sflag:s25], $0x2000  }
0x5a: {  	[sflag:s25] =	ssyncset.done $0x0  }
0x5b: {  	s11 =	rddreg [dreg:$0x8];
	[sflag:s25] =	ssyncadd.s32 $0xFFFFE000  }
0x5c: {  	[spmem:s11] =	stream.linear.scatter [tilespmem:s0], [sflag:$0xB], $0x2000, $0x38;
	[tilespmem:$0x1E8E0] =	vst v63  }
0x5d: {  	_ =	swait.ge [sflag:s25], $0x2000  }
0x5e: {  	[sflag:s25] =	ssyncset.done $0x0  }
0x5f: {  	s12 =	rddreg [dreg:$0x9];
	[sflag:s25] =	ssyncadd.s32 $0xFFFFE000  }
0x60: {  	[spmem:s12] =	stream.linear.scatter [tilespmem:s0], [sflag:$0xB], $0x2000, $0x38;
	[tilespmem:$0x1E8E0] =	vst v63  }
0x61: {  	_ =	swait.ge [sflag:s25], $0x2000  }
0x62: {  	[sflag:s25] =	ssyncset.done $0x0  }
0x63: {  	s13 =	rddreg [dreg:$0xa];
	[sflag:s25] =	ssyncadd.s32 $0xFFFFE000  }
0x64: {  	[spmem:s13] =	stream.linear.scatter [tilespmem:s0], [sflag:$0xB], $0x2000, $0x38;
	[tilespmem:$0x1E8E0] =	vst v63  }
0x65: {  	_ =	swait.ge [sflag:s25], $0x2000  }
0x66: {  	[sflag:s25] =	ssyncset.done $0x0  }
0x67: {  	s24 =	rddreg [dreg:$0xb];
	[sflag:s25] =	ssyncadd.s32 $0xFFFFE000  }
0x68: {  	[spmem:s24] =	stream.linear.scatter [tilespmem:s0], [sflag:$0xB], $0x2000, $0x38;
	[tilespmem:$0x1E8E0] =	vst v63  }
0x69: {  	_ =	swait.ge [sflag:s25], $0x2000  }
0x6a: {  	[sflag:s25] =	ssyncset.done $0x0  }
0x6b: {  	s29 =	sadd.s32 $0x0, s14;
	s1 =	simm.s32 $0x40;
	[sflag:s25] =	ssyncadd.s32 $0xFFFFE000  }
0x6c: {  	[spmem:s29] =	stream.linear.scatter [tilespmem:s0], [sflag:$0xB], $0x10, $0x38;
	[tilespmem:$0x1E8E0] =	vst v63  }
.LBB2_6:
0x6d: {  	p1 =	sne.s32 s1, $0x9C0  }
.Ltmp4:
0x6e: {  	_ = 	snop;
	(pc) =	sbr.rel @p1 .LBB2_6-.Ltmp4, $4  }
0x6f: {  	_ = 	snop  }
0x70: {  	s9 =	sshra.s32 s1, $0x2;
	s1 =	sadd.s32 $0x40, s1  }
0x71: {  	s0 =	sadd.s32 $0x40, s0;
	s9 =	sadd.s32 s9, s14  }
0x72: {  	[spmem:s9] =	stream.linear.scatter [tilespmem:s0], [sflag:$0xB], $0x10, $0x38;
	[tilespmem:$0x1E8E0] =	vst v63  }
0x73: {  	_ =	swait.ge [sflag:s25], $0x280  }
0x74: {  	s0 =	simm.s32 $0x0;
	[sflag:s25] =	ssyncset.done $0x0  }
0x75: {  	s9 =	simm.s32 $0x4E20;
	s1 =	rddreg [dreg:$0xc];
	[sflag:s25] =	ssyncadd.s32 $0xFFFFFD80  }
0x76: {  	[tilespmem:s9], [sflag:$0xB] =	stream.linear.gather [hbm4b:s1+s0], $0x2710, $0x38;
	[tilespmem:$0x1E8E0] =	vst v63  }
0x77: {  	_ =	swait.ge [sflag:s25], $0x2710  }
0x78: {  	[sflag:s25] =	ssyncset.done $0x0  }
0x79: {  	s13 =	simm.s32 $0x7530;
	s12 =	rddreg [dreg:$0xd];
	[sflag:s25] =	ssyncadd.s32 $0xFFFFD8F0  }
0x7a: {  	[tilespmem:s13], [sflag:$0xB] =	stream.linear.gather [hbm4b:s12+s0], $0x2710, $0x38;
	[tilespmem:$0x1E8E0] =	vst v63  }
0x7b: {  	_ =	swait.ge [sflag:s25], $0x2710  }
0x7c: {  	[sflag:s25] =	ssyncset.done $0x0  }
0x7d: {  	s29 =	simm.s32 $0x9C40;
	s24 =	rddreg [dreg:$0xe];
	[sflag:s25] =	ssyncadd.s32 $0xFFFFD8F0  }
0x7e: {  	[tilespmem:s29], [sflag:$0xB] =	stream.linear.gather [hbm4b:s24+s0], $0x2710, $0x38;
	[tilespmem:$0x1E8E0] =	vst v63  }
0x7f: {  	_ =	swait.ge [sflag:s25], $0x2710  }
0x80: {  	[sflag:s25] =	ssyncset.done $0x0  }
0x81: {  	s0 =	simm.s32 $0x0;
	[sflag:s25] =	ssyncadd.s32 $0xFFFFD8F0  }
0x82: {  	v3 =	vld [tilespmem:s0+$0x4E20]  }
0x83: {  	s9 =	simm.s32 $0x40;
	v2 =	vld [tilespmem:s0+$0x7530]  }
.LBB2_8:
0x84: {  	p1 =	sne.s32 s9, $0x9C00;
	_ =	sdelay $0x5  }
0x85: {  	v3 =	vld.idx.msk [tilespmem:v3+s4+$0x0], $0xffff  }
0x86: {  	v4 =	vld.idx.msk [tilespmem:v2+s26+$0x0], $0xffff;
	_ =	sdelay $0x2  }
0x87: {  	v5 =	vld [tilespmem:s0+$0x9C40];
	_ =	sdelay $0x2  }
0x88: {  	v3 =	vadd.f32 v4, v3;
	_ =	sdelay $0x1  }
0x89: {  	v3 =	vadd.f32 v5, v3;
	_ =	sdelay $0x1  }
0x8a: {  	v4 =	vmul.f32 $2.000000030e-01, v3;
	_ =	sdelay $0x1  }
0x8b: {  	v3 =	vmax.f32 v3, v4  }
0x8c: {  	v3 =	vmul.f32 $1.442695020e+00, v3;
	_ =	sdelay $0x1  }
0x8d: {  	(erf) = vpow2.f32 v3;
	_ =	sdelay $0x8  }
.Ltmp5:
0x8e: {  	v3 =	vpop (erf);
	(pc) =	sbr.rel @p1 .LBB2_8-.Ltmp5, $4  }
0x8f: {  	[tilespmem:s0+$0xC350] =	vst v3  }
0x90: {  	s0 =	sshra.s32 s9, $0x2;
	[tilespmem:v2+s31+$0x0] =	vst.idx.add.f32.msk $0xffff, v3  }
0x91: {  	v3 =	vld [tilespmem:s0+$0x4E20]  }
0x92: {  	s9 =	sadd.s32 $0x40, s9;
	v2 =	vld [tilespmem:s0+$0x7530]  }
0x93: {  	_ =	sdelay $0x6  }
0x94: {  	v3 =	vld.idx.msk [tilespmem:v3+s4+$0x0], $0xffff  }
0x95: {  	v4 =	vld.idx.msk [tilespmem:v2+s26+$0x0], $0xffff;
	_ =	sdelay $0x1  }
0x96: {  	v5 =	vld [tilespmem:s0+$0x9C40];
	_ =	sdelay $0x2  }
0x97: {  	v3 =	vadd.f32 v4, v3;
	_ =	sdelay $0x1  }
0x98: {  	v3 =	vadd.f32 v5, v3;
	_ =	sdelay $0x1  }
0x99: {  	v62 =	vmul.f32 $2.000000030e-01, v3;
	_ =	sdelay $0x1  }
0x9a: {  	v3 =	vmax.f32 v3, v62  }
0x9b: {  	v3 =	vmul.f32 $1.442695020e+00, v3;
	_ =	sdelay $0x1  }
0x9c: {  	(erf) = vpow2.f32 v3;
	_ =	sdelay $0x6  }
0x9d: {  	s1 =	simm.s32 $0x0  }
0x9e: {  	v3 =	vor.u32 s1, v1  }
0x9f: {  	v63 =	vpop (erf)  }
0xa0: {  	[tilespmem:s0+$0xC350] =	vst v63  }
0xa1: {  	[tilespmem:v2+s31+$0x0] =	vst.idx.add.f32.msk $0xffff, v63  }
0xa2: {  	s9 =	simm.s32 $0x10;
	s0 =	simm.s32 $0xEA60;
	[bflag:$0x0] =	sbarrier.arrive $0xFFFF  }
0xa3: {  	[spmem:s3] =	stream.indirect_vreg.scatter.add.f32 [tilespmem:s0], [sflag:$0xB], $0x10, v3, vm0, $0xb8;
	[tilespmem:$0x1E8E0] =	vst v63  }
.LBB2_10:
0xa4: {  	v2 =	vor.u32 s9, v1;
	p1 =	sne.s32 s9, $0x270  }
.Ltmp6:
0xa5: {  	(pc) =	sbr.rel @p1 .LBB2_10-.Ltmp6, $4  }
0xa6: {  	_ =	swait.ge [sflag:s25], $0x100  }
0xa7: {  	s9 =	sadd.s32 $0x10, s9;
	[sflag:s25] =	ssyncset.done $0x0  }
0xa8: {  	s0 =	sadd.s32 $0x100, s0;
	[sflag:s25] =	ssyncadd.s32 $0xFFFFFF00  }
0xa9: {  	[spmem:s3] =	stream.indirect_vreg.scatter.add.f32 [tilespmem:s0], [sflag:$0xB], $0x10, v2, vm0, $0xb8;
	[tilespmem:$0x1E8E0] =	vst v63  }
0xaa: {  	_ =	swait.ge [sflag:s25], $0x100  }
0xab: {  	[sflag:s25] =	ssyncset.done $0x0  }
0xac: {  	s0 =	stileid.u32;
	[sflag:s25] =	ssyncadd.s32 $0xFFFFFF00  }
0xad: {  	s0 =	sshll.u32 s0, $0x6;
	[bflag:$0x0] =	sbarrier.arrive $0xFFFF  }
0xae: {  	s9 =	sor.u32 $0x1C0B, s0;
	s1 =	rddreg [dreg:$0xf]  }
0xaf: {  	s12 =	sshrl.u32 s14, $0x3;
	[dreg:$0x17] =	wrdreg s9  }
0xb0: {  	[hbm:s1], [sflag:s9] =	dma.local [spmem:s12], $0x50  }
0xb1: {  	_ =	swait.ge [sflag:s25], $0x50  }
0xb2: {  	[sflag:s25] =	ssyncset.done $0x0  }
0xb3: {  	[sflag:s25] =	ssyncadd.s32 $0xFFFFFFB0  }
0xb4: {  	v2 =	vld [tilespmem:$0x4E20];
	_ =	sdelay $0x6  }
0xb5: {  	s13 =	simm.s32 $0x13260;
	s12 =	simm.s32 $0x0  }
0xb6: {  	[tilespmem:s13], [sflag:$0x1] =	stream.indirect_vreg.gather [hbm4b:s7+s12], $0x40, v2, vm0, $0xb8;
	[tilespmem:$0x1E8E0] =	vst v63  }
0xb7: {  	v2 =	vld [tilespmem:$0x4E30];
	_ =	sdelay $0x6  }
0xb8: {  	s24 =	simm.s32 $0x13660  }
0xb9: {  	[tilespmem:s24], [sflag:$0x2] =	stream.indirect_vreg.gather [hbm4b:s7+s12], $0x40, v2, vm0, $0xb8;
	[tilespmem:$0x1E8E0] =	vst v63  }
0xba: {  	v2 =	vld [tilespmem:$0x4E40];
	_ =	sdelay $0x6  }
0xbb: {  	s29 =	simm.s32 $0x13A60  }
0xbc: {  	[tilespmem:s29], [sflag:$0x3] =	stream.indirect_vreg.gather [hbm4b:s7+s12], $0x40, v2, vm0, $0xb8;
	[tilespmem:$0x1E8E0] =	vst v63  }
0xbd: {  	v2 =	vld [tilespmem:$0x4E50];
	_ =	sdelay $0x7  }
0xbe: {  	[tilespmem:s30], [sflag:$0x4] =	stream.indirect_vreg.gather [hbm4b:s7+s12], $0x40, v2, vm0, $0xb8;
	[tilespmem:$0x1E8E0] =	vst v63  }
0xbf: {  	v2 =	vld [tilespmem:$0x4E60];
	_ =	sdelay $0x5  }
0xc0: {  	s10 =	simm.s32 $0x40;
	s11 =	simm.s32 $0x0  }
0xc1: {  	s9 =	simm.s32 $0x20;
	s13 =	simm.s32 $0x10;
	s24 =	simm.s32 $0x30  }
0xc2: {  	[tilespmem:s28], [sflag:$0x5] =	stream.indirect_vreg.gather [hbm4b:s7+s12], $0x40, v2, vm0, $0xb8;
	[tilespmem:$0x1E8E0] =	vst v63  }
.LBB2_12:
0xc3: {  	s0 =	sadd.s32 $0x0, s12  }
0xc4: {  	_ =	swait.ge [sflag:s5], $0x400;
	v2 =	vmov s0  }
0xc5: {  	[sflag:s5] =	ssyncset.done $0x0  }
0xc6: {  	s28 =	simm.s32 $0x13280;
	[sflag:s5] =	ssyncadd.s32 $0xFFFFFC00  }
0xc7: {  	v5 =	vld [tilespmem:s28+$0xFFFFFFF0]  }
0xc8: {  	v3 =	vld [tilespmem:s28+$0x10]  }
0xc9: {  	v8 =	vld.idx.msk [tilespmem:v2+s6+$0x0], $0xffff  }
0xca: {  	v2 =	vld [tilespmem:s28+$0xFFFFFFE0]  }
0xcb: {  	v9 =	vld [tilespmem:s28+$0x0];
	_ =	sdelay $0x2  }
0xcc: {  	s0 =	smul.u32 $0x50, s11  }
0xcd: {  	s1 =	sadd.s32 $0x1, s12;
	v4 =	vmul.f32 v2, v8;
	v7 =	vmul.f32 v3, v8  }
0xce: {  	s29 =	simm.s32 $0x2;
	s30 =	simm.s32 $0x13280;
	v2 =	vld [tilespmem:s0+$0x7530];
	v3 =	vmov s1;
	v6 =	vmul.f32 v5, v8;
	v5 =	vmul.f32 v9, v8  }
.LBB2_13:
0xcf: {  	p1 =	sne.s32 s29, $0xF  }
0xd0: {  	[tilespmem:s28+$0x10] =	vst v7;
	s30 =	sadd.s32 $0x40, s30;
	s1 =	smov.u32 s29;
	s29 =	sadd.s32 $0x1, s29  }
0xd1: {  	[tilespmem:s28+$0xFFFFFFE0] =	vst v4  }
0xd2: {  	v8 =	vld [tilespmem:s30+$0xFFFFFFF0];
	[tilespmem:s28+$0xFFFFFFF0] =	vst v6  }
0xd3: {  	v6 =	vld [tilespmem:s30+$0x10];
	[tilespmem:s28+$0x0] =	vst v5;
	s28 =	smov.u32 s30  }
0xd4: {  	v5 =	vld.idx.msk [tilespmem:v3+s6+$0x0], $0xffff  }
0xd5: {  	v3 =	vld [tilespmem:s30+$0xFFFFFFE0]  }
0xd6: {  	v9 =	vld [tilespmem:s30+$0x0]  }
.Ltmp7:
0xd7: {  	(pc) =	sbr.rel @p1 .LBB2_13-.Ltmp7, $3  }
0xd8: {  	_ =	sdelay $0x1  }
0xd9: {  	s1 =	sadd.s32 s1, s12;
	v7 =	vmul.f32 v6, v5;
	v4 =	vmul.f32 v3, v5  }
0xda: {  	v6 =	vmul.f32 v8, v5;
	v3 =	vmov s1;
	v5 =	vmul.f32 v9, v5  }
0xdb: {  	[tilespmem:s28+$0x10] =	vst v7  }
0xdc: {  	s1 =	sadd.s32 $0x40, s30;
	[tilespmem:s28+$0xFFFFFFE0] =	vst v4  }
0xdd: {  	v4 =	vld [tilespmem:s1+$0xFFFFFFF0];
	[tilespmem:s28+$0xFFFFFFF0] =	vst v6  }
0xde: {  	v6 =	vld [tilespmem:s1+$0x10];
	[tilespmem:s28+$0x0] =	vst v5  }
0xdf: {  	v3 =	vld.idx.msk [tilespmem:v3+s6+$0x0], $0xffff  }
0xe0: {  	v5 =	vld [tilespmem:s1+$0xFFFFFFE0];
	_ =	sdelay $0x1  }
0xe1: {  	v7 =	vld [tilespmem:s1+$0x0];
	_ =	sdelay $0x1  }
0xe2: {  	v6 =	vmul.f32 v6, v3  }
0xe3: {  	v5 =	vmul.f32 v5, v3  }
0xe4: {  	v4 =	vmul.f32 v4, v3;
	[tilespmem:s1+$0x10] =	vst v6  }
0xe5: {  	v3 =	vmul.f32 v7, v3;
	[tilespmem:s1+$0xFFFFFFE0] =	vst v5  }
0xe6: {  	[tilespmem:s1+$0xFFFFFFF0] =	vst v4  }
0xe7: {  	s28 =	simm.s32 $0x13260;
	[tilespmem:s1+$0x0] =	vst v3  }
0xe8: {  	[spmem:s2] =	stream.indirect_vreg.scatter.add.f32 [tilespmem:s28], [sflag:$0x6], $0x40, v2, vm0, $0xb8;
	[tilespmem:$0x1E8E0] =	vst v63  }
0xe9: {  	s1 =	sadd.s32 $0x0, s13;
	_ =	swait.ge [sflag:s15], $0x400  }
0xea: {  	v2 =	vmov s1;
	[sflag:s15] =	ssyncset.done $0x0  }
0xeb: {  	s28 =	simm.s32 $0x13690;
	[sflag:s15] =	ssyncadd.s32 $0xFFFFFC00  }
0xec: {  	v6 =	vld [tilespmem:s28+$0xFFFFFFE0]  }
0xed: {  	v7 =	vld [tilespmem:s28+$0xFFFFFFD0]  }
0xee: {  	v4 =	vld [tilespmem:s28+$0xFFFFFFF0]  }
0xef: {  	v3 =	vld.idx.msk [tilespmem:v2+s6+$0x0], $0xffff  }
0xf0: {  	v5 =	vld [tilespmem:s28+$0x0];
	_ =	sdelay $0x3  }
0xf1: {  	s30 =	simm.s32 $0x2;
	s29 =	simm.s32 $0x13690;
	s1 =	sadd.s32 $0x1, s13;
	v2 =	vld [tilespmem:s0+$0x7540];
	v7 =	vmul.f32 v7, v3;
	v6 =	vmul.f32 v6, v3  }
.LBB2_15:
0xf2: {  	p1 =	sne.s32 s30, $0xF;
	v8 =	vmov s1;
	v9 =	vmul.f32 v4, v3;
	v3 =	vmul.f32 v5, v3  }
0xf3: {  	[tilespmem:s28+$0xFFFFFFD0] =	vst v7  }
0xf4: {  	s28 =	sadd.s32 $0x40, s28;
	[tilespmem:s29+$0xFFFFFFE0] =	vst v6  }
0xf5: {  	v4 =	vld [tilespmem:s28+$0xFFFFFFF0];
	[tilespmem:s29+$0xFFFFFFF0] =	vst v9  }
0xf6: {  	v6 =	vld [tilespmem:s28+$0xFFFFFFE0];
	[tilespmem:s29+$0x0] =	vst v3;
	s29 =	smov.u32 s28  }
0xf7: {  	v3 =	vld.idx.msk [tilespmem:v8+s6+$0x0], $0xffff  }
0xf8: {  	v7 =	vld [tilespmem:s28+$0xFFFFFFD0]  }
.Ltmp8:
0xf9: {  	v5 =	vld [tilespmem:s28+$0x0];
	(pc) =	sbr.rel @p1 .LBB2_15-.Ltmp8, $2  }
0xfa: {  	_ =	sdelay $0x2  }
0xfb: {  	s1 =	sadd.s32 s30, s13;
	s30 =	sadd.s32 $0x1, s30;
	v6 =	vmul.f32 v6, v3;
	v7 =	vmul.f32 v7, v3  }
0xfc: {  	_ = 	snop  }
0xfd: {  	v4 =	vmul.f32 v4, v3;
	[tilespmem:s28+$0xFFFFFFD0] =	vst v7;
	v7 =	vmov s1  }
0xfe: {  	v3 =	vmul.f32 v5, v3;
	s1 =	sadd.s32 $0x40, s28;
	[tilespmem:s29+$0xFFFFFFE0] =	vst v6  }
0xff: {  	v6 =	vld [tilespmem:s1+$0xFFFFFFF0];
	[tilespmem:s29+$0xFFFFFFF0] =	vst v4  }
0x100: {  	v4 =	vld [tilespmem:s1+$0xFFFFFFE0];
	[tilespmem:s29+$0x0] =	vst v3  }
0x101: {  	v5 =	vld [tilespmem:s1+$0xFFFFFFD0]  }
0x102: {  	v3 =	vld.idx.msk [tilespmem:v7+s6+$0x0], $0xffff;
	_ =	sdelay $0x2  }
0x103: {  	v7 =	vld [tilespmem:s1+$0x0];
	_ =	sdelay $0x1  }
0x104: {  	v5 =	vmul.f32 v5, v3  }
0x105: {  	v4 =	vmul.f32 v4, v3  }
0x106: {  	v6 =	vmul.f32 v6, v3;
	[tilespmem:s1+$0xFFFFFFD0] =	vst v5  }
0x107: {  	v3 =	vmul.f32 v7, v3;
	[tilespmem:s1+$0xFFFFFFE0] =	vst v4  }
0x108: {  	[tilespmem:s1+$0xFFFFFFF0] =	vst v6  }
0x109: {  	s28 =	simm.s32 $0x13660;
	[tilespmem:s1+$0x0] =	vst v3  }
0x10a: {  	[spmem:s2] =	stream.indirect_vreg.scatter.add.f32 [tilespmem:s28], [sflag:$0x7], $0x40, v2, vm0, $0xb8;
	[tilespmem:$0x1E8E0] =	vst v63  }
0x10b: {  	s1 =	sadd.s32 $0x0, s9;
	_ =	swait.ge [sflag:s16], $0x400  }
0x10c: {  	v2 =	vmov s1;
	[sflag:s16] =	ssyncset.done $0x0  }
0x10d: {  	s28 =	simm.s32 $0x13A90;
	[sflag:s16] =	ssyncadd.s32 $0xFFFFFC00  }
0x10e: {  	v6 =	vld [tilespmem:s28+$0xFFFFFFE0]  }
0x10f: {  	v7 =	vld [tilespmem:s28+$0xFFFFFFD0]  }
0x110: {  	v4 =	vld [tilespmem:s28+$0xFFFFFFF0]  }
0x111: {  	v3 =	vld.idx.msk [tilespmem:v2+s6+$0x0], $0xffff  }
0x112: {  	v5 =	vld [tilespmem:s28+$0x0];
	_ =	sdelay $0x3  }
0x113: {  	s30 =	simm.s32 $0x2;
	s29 =	simm.s32 $0x13A90;
	s1 =	sadd.s32 $0x1, s9;
	v2 =	vld [tilespmem:s0+$0x7550];
	v7 =	vmul.f32 v7, v3;
	v6 =	vmul.f32 v6, v3  }
.LBB2_17:
0x114: {  	p1 =	sne.s32 s30, $0xF;
	v8 =	vmov s1;
	v9 =	vmul.f32 v4, v3;
	v3 =	vmul.f32 v5, v3  }
0x115: {  	[tilespmem:s28+$0xFFFFFFD0] =	vst v7  }
0x116: {  	s28 =	sadd.s32 $0x40, s28;
	[tilespmem:s29+$0xFFFFFFE0] =	vst v6  }
0x117: {  	v4 =	vld [tilespmem:s28+$0xFFFFFFF0];
	[tilespmem:s29+$0xFFFFFFF0] =	vst v9  }
0x118: {  	v6 =	vld [tilespmem:s28+$0xFFFFFFE0];
	[tilespmem:s29+$0x0] =	vst v3;
	s29 =	smov.u32 s28  }
0x119: {  	v3 =	vld.idx.msk [tilespmem:v8+s6+$0x0], $0xffff  }
0x11a: {  	v7 =	vld [tilespmem:s28+$0xFFFFFFD0]  }
.Ltmp9:
0x11b: {  	v5 =	vld [tilespmem:s28+$0x0];
	(pc) =	sbr.rel @p1 .LBB2_17-.Ltmp9, $2  }
0x11c: {  	_ =	sdelay $0x2  }
0x11d: {  	s1 =	sadd.s32 s30, s9;
	s30 =	sadd.s32 $0x1, s30;
	v6 =	vmul.f32 v6, v3;
	v7 =	vmul.f32 v7, v3  }
0x11e: {  	_ = 	snop  }
0x11f: {  	v4 =	vmul.f32 v4, v3;
	[tilespmem:s28+$0xFFFFFFD0] =	vst v7;
	v7 =	vmov s1  }
0x120: {  	v3 =	vmul.f32 v5, v3;
	s1 =	sadd.s32 $0x40, s28;
	[tilespmem:s29+$0xFFFFFFE0] =	vst v6  }
0x121: {  	v6 =	vld [tilespmem:s1+$0xFFFFFFF0];
	[tilespmem:s29+$0xFFFFFFF0] =	vst v4  }
0x122: {  	v4 =	vld [tilespmem:s1+$0xFFFFFFE0];
	[tilespmem:s29+$0x0] =	vst v3  }
0x123: {  	v5 =	vld [tilespmem:s1+$0xFFFFFFD0]  }
0x124: {  	v3 =	vld.idx.msk [tilespmem:v7+s6+$0x0], $0xffff;
	_ =	sdelay $0x2  }
0x125: {  	v7 =	vld [tilespmem:s1+$0x0];
	_ =	sdelay $0x1  }
0x126: {  	v5 =	vmul.f32 v5, v3  }
0x127: {  	v4 =	vmul.f32 v4, v3  }
0x128: {  	v6 =	vmul.f32 v6, v3;
	[tilespmem:s1+$0xFFFFFFD0] =	vst v5  }
0x129: {  	v3 =	vmul.f32 v7, v3;
	[tilespmem:s1+$0xFFFFFFE0] =	vst v4  }
0x12a: {  	[tilespmem:s1+$0xFFFFFFF0] =	vst v6  }
0x12b: {  	s28 =	simm.s32 $0x13A60;
	[tilespmem:s1+$0x0] =	vst v3  }
0x12c: {  	[spmem:s2] =	stream.indirect_vreg.scatter.add.f32 [tilespmem:s28], [sflag:$0x8], $0x40, v2, vm0, $0xb8;
	[tilespmem:$0x1E8E0] =	vst v63  }
0x12d: {  	s1 =	sadd.s32 $0x0, s24;
	_ =	swait.ge [sflag:s17], $0x400  }
0x12e: {  	v2 =	vmov s1;
	[sflag:s17] =	ssyncset.done $0x0  }
0x12f: {  	s28 =	simm.s32 $0x13E90;
	[sflag:s17] =	ssyncadd.s32 $0xFFFFFC00  }
0x130: {  	v6 =	vld [tilespmem:s28+$0xFFFFFFE0]  }
0x131: {  	v7 =	vld [tilespmem:s28+$0xFFFFFFD0]  }
0x132: {  	v4 =	vld [tilespmem:s28+$0xFFFFFFF0]  }
0x133: {  	v3 =	vld.idx.msk [tilespmem:v2+s6+$0x0], $0xffff  }
0x134: {  	v5 =	vld [tilespmem:s28+$0x0];
	_ =	sdelay $0x3  }
0x135: {  	s30 =	simm.s32 $0x2;
	s29 =	simm.s32 $0x13E90;
	s1 =	sadd.s32 $0x1, s24;
	v2 =	vld [tilespmem:s0+$0x7560];
	v7 =	vmul.f32 v7, v3;
	v6 =	vmul.f32 v6, v3  }
.LBB2_19:
0x136: {  	p1 =	sne.s32 s30, $0xF;
	v8 =	vmov s1;
	v9 =	vmul.f32 v4, v3;
	v3 =	vmul.f32 v5, v3  }
0x137: {  	[tilespmem:s28+$0xFFFFFFD0] =	vst v7  }
0x138: {  	s28 =	sadd.s32 $0x40, s28;
	[tilespmem:s29+$0xFFFFFFE0] =	vst v6  }
0x139: {  	v4 =	vld [tilespmem:s28+$0xFFFFFFF0];
	[tilespmem:s29+$0xFFFFFFF0] =	vst v9  }
0x13a: {  	v6 =	vld [tilespmem:s28+$0xFFFFFFE0];
	[tilespmem:s29+$0x0] =	vst v3;
	s29 =	smov.u32 s28  }
0x13b: {  	v3 =	vld.idx.msk [tilespmem:v8+s6+$0x0], $0xffff  }
0x13c: {  	v7 =	vld [tilespmem:s28+$0xFFFFFFD0]  }
.Ltmp10:
0x13d: {  	v5 =	vld [tilespmem:s28+$0x0];
	(pc) =	sbr.rel @p1 .LBB2_19-.Ltmp10, $2  }
0x13e: {  	_ =	sdelay $0x2  }
0x13f: {  	s1 =	sadd.s32 s30, s24;
	s30 =	sadd.s32 $0x1, s30;
	v6 =	vmul.f32 v6, v3;
	v7 =	vmul.f32 v7, v3  }
0x140: {  	_ = 	snop  }
0x141: {  	v4 =	vmul.f32 v4, v3;
	[tilespmem:s28+$0xFFFFFFD0] =	vst v7;
	v7 =	vmov s1  }
0x142: {  	v3 =	vmul.f32 v5, v3;
	s1 =	sadd.s32 $0x40, s28;
	[tilespmem:s29+$0xFFFFFFE0] =	vst v6  }
0x143: {  	v6 =	vld [tilespmem:s1+$0xFFFFFFF0];
	[tilespmem:s29+$0xFFFFFFF0] =	vst v4  }
0x144: {  	v4 =	vld [tilespmem:s1+$0xFFFFFFE0];
	[tilespmem:s29+$0x0] =	vst v3  }
0x145: {  	v5 =	vld [tilespmem:s1+$0xFFFFFFD0]  }
0x146: {  	v3 =	vld.idx.msk [tilespmem:v7+s6+$0x0], $0xffff;
	_ =	sdelay $0x2  }
0x147: {  	v7 =	vld [tilespmem:s1+$0x0];
	_ =	sdelay $0x1  }
0x148: {  	v5 =	vmul.f32 v5, v3  }
0x149: {  	v4 =	vmul.f32 v4, v3  }
0x14a: {  	v6 =	vmul.f32 v6, v3;
	[tilespmem:s1+$0xFFFFFFD0] =	vst v5  }
0x14b: {  	v3 =	vmul.f32 v7, v3;
	[tilespmem:s1+$0xFFFFFFE0] =	vst v4  }
0x14c: {  	[tilespmem:s1+$0xFFFFFFF0] =	vst v6  }
0x14d: {  	s30 =	simm.s32 $0x13E60;
	[tilespmem:s1+$0x0] =	vst v3  }
0x14e: {  	[spmem:s2] =	stream.indirect_vreg.scatter.add.f32 [tilespmem:s30], [sflag:$0x9], $0x40, v2, vm0, $0xb8;
	[tilespmem:$0x1E8E0] =	vst v63  }
0x14f: {  	s1 =	sadd.s32 $0x0, s10;
	_ =	swait.ge [sflag:s18], $0x400  }
0x150: {  	v2 =	vmov s1;
	[sflag:s18] =	ssyncset.done $0x0  }
0x151: {  	s28 =	simm.s32 $0x14290;
	[sflag:s18] =	ssyncadd.s32 $0xFFFFFC00  }
0x152: {  	v6 =	vld [tilespmem:s28+$0xFFFFFFE0]  }
0x153: {  	v7 =	vld [tilespmem:s28+$0xFFFFFFD0]  }
0x154: {  	v4 =	vld [tilespmem:s28+$0xFFFFFFF0]  }
0x155: {  	v3 =	vld.idx.msk [tilespmem:v2+s6+$0x0], $0xffff  }
0x156: {  	v5 =	vld [tilespmem:s28+$0x0];
	_ =	sdelay $0x3  }
0x157: {  	s29 =	simm.s32 $0x2;
	s1 =	sadd.s32 $0x1, s10;
	v2 =	vld [tilespmem:s0+$0x7570];
	s0 =	simm.s32 $0x14290;
	v7 =	vmul.f32 v7, v3;
	v6 =	vmul.f32 v6, v3  }
.LBB2_21:
0x158: {  	p1 =	sne.s32 s29, $0xF;
	v8 =	vmov s1;
	v9 =	vmul.f32 v4, v3;
	v3 =	vmul.f32 v5, v3  }
0x159: {  	[tilespmem:s28+$0xFFFFFFD0] =	vst v7  }
0x15a: {  	s28 =	sadd.s32 $0x40, s28;
	[tilespmem:s0+$0xFFFFFFE0] =	vst v6  }
0x15b: {  	v4 =	vld [tilespmem:s28+$0xFFFFFFF0];
	[tilespmem:s0+$0xFFFFFFF0] =	vst v9  }
0x15c: {  	v6 =	vld [tilespmem:s28+$0xFFFFFFE0];
	[tilespmem:s0+$0x0] =	vst v3;
	s0 =	smov.u32 s28  }
0x15d: {  	v3 =	vld.idx.msk [tilespmem:v8+s6+$0x0], $0xffff  }
0x15e: {  	v7 =	vld [tilespmem:s28+$0xFFFFFFD0]  }
.Ltmp11:
0x15f: {  	v5 =	vld [tilespmem:s28+$0x0];
	(pc) =	sbr.rel @p1 .LBB2_21-.Ltmp11, $2  }
0x160: {  	_ =	sdelay $0x2  }
0x161: {  	s1 =	sadd.s32 s29, s10;
	s29 =	sadd.s32 $0x1, s29;
	v6 =	vmul.f32 v6, v3;
	v7 =	vmul.f32 v7, v3  }
0x162: {  	v61 =	vmov s1  }
0x163: {  	v4 =	vmul.f32 v4, v3;
	[tilespmem:s28+$0xFFFFFFD0] =	vst v7  }
0x164: {  	s29 =	sadd.s32 $0x40, s28;
	v3 =	vmul.f32 v5, v3;
	[tilespmem:s0+$0xFFFFFFE0] =	vst v6  }
0x165: {  	v6 =	vld [tilespmem:s29+$0xFFFFFFF0];
	[tilespmem:s0+$0xFFFFFFF0] =	vst v4  }
0x166: {  	v4 =	vld [tilespmem:s29+$0xFFFFFFE0];
	[tilespmem:s0+$0x0] =	vst v3  }
0x167: {  	v3 =	vld.idx.msk [tilespmem:v61+s6+$0x0], $0xffff  }
0x168: {  	v62 =	vld [tilespmem:s29+$0xFFFFFFD0];
	_ =	sdelay $0x2  }
0x169: {  	v63 =	vld [tilespmem:s29+$0x0];
	_ =	sdelay $0x1  }
0x16a: {  	v5 =	vmul.f32 v62, v3  }
0x16b: {  	v4 =	vmul.f32 v4, v3  }
0x16c: {  	v6 =	vmul.f32 v6, v3;
	[tilespmem:s29+$0xFFFFFFD0] =	vst v5  }
0x16d: {  	v3 =	vmul.f32 v63, v3;
	[tilespmem:s29+$0xFFFFFFE0] =	vst v4  }
0x16e: {  	p1 =	seq.s32 s11, $0x7C;
	[tilespmem:s29+$0xFFFFFFF0] =	vst v6  }
.Ltmp12:
0x16f: {  	s28 =	simm.s32 $0x14260;
	[tilespmem:s29+$0x0] =	vst v3;
	(pc) =	sbr.rel @p1 .LBB2_24-.Ltmp12, $4  }
0x170: {  	[spmem:s2] =	stream.indirect_vreg.scatter.add.f32 [tilespmem:s28], [sflag:$0xA], $0x40, v2, vm0, $0xb8;
	[tilespmem:$0x1E8E0] =	vst v63  }
0x171: {  	_ =	swait.ge [sflag:s19], $0x400  }
0x172: {  	[sflag:s19] =	ssyncset.done $0x0  }
0x173: {  	[sflag:s19] =	ssyncadd.s32 $0xFFFFFC00  }
0x174: {  	s0 =	smul.u32 $0x140, s11;
	_ =	sdelay $0x1  }
0x175: {  	s0 =	sshra.s32 s0, $0x2  }
0x176: {  	v2 =	vld [tilespmem:s0+$0x4E70];
	_ =	sdelay $0x6  }
0x177: {  	s1 =	simm.s32 $0x13260  }
0x178: {  	[tilespmem:s1], [sflag:$0x1] =	stream.indirect_vreg.gather [hbm4b:s7+s4], $0x40, v2, vm0, $0xb8;
	[tilespmem:$0x1E8E0] =	vst v63  }
0x179: {  	_ =	swait.ge [sflag:s20], $0x400  }
0x17a: {  	[sflag:s20] =	ssyncset.done $0x0  }
0x17b: {  	[sflag:s20] =	ssyncadd.s32 $0xFFFFFC00  }
0x17c: {  	v2 =	vld [tilespmem:s0+$0x4E80];
	_ =	sdelay $0x6  }
0x17d: {  	s29 =	simm.s32 $0x13660  }
0x17e: {  	[tilespmem:s29], [sflag:$0x2] =	stream.indirect_vreg.gather [hbm4b:s7+s4], $0x40, v2, vm0, $0xb8;
	[tilespmem:$0x1E8E0] =	vst v63  }
0x17f: {  	_ =	swait.ge [sflag:s21], $0x400  }
0x180: {  	[sflag:s21] =	ssyncset.done $0x0  }
0x181: {  	[sflag:s21] =	ssyncadd.s32 $0xFFFFFC00  }
0x182: {  	v2 =	vld [tilespmem:s0+$0x4E90];
	_ =	sdelay $0x6  }
0x183: {  	s29 =	simm.s32 $0x13A60  }
0x184: {  	[tilespmem:s29], [sflag:$0x3] =	stream.indirect_vreg.gather [hbm4b:s7+s4], $0x40, v2, vm0, $0xb8;
	[tilespmem:$0x1E8E0] =	vst v63  }
0x185: {  	_ =	swait.ge [sflag:s22], $0x400  }
0x186: {  	[sflag:s22] =	ssyncset.done $0x0  }
0x187: {  	[sflag:s22] =	ssyncadd.s32 $0xFFFFFC00  }
0x188: {  	v2 =	vld [tilespmem:s0+$0x4EA0];
	_ =	sdelay $0x7  }
0x189: {  	[tilespmem:s30], [sflag:$0x4] =	stream.indirect_vreg.gather [hbm4b:s7+s4], $0x40, v2, vm0, $0xb8;
	[tilespmem:$0x1E8E0] =	vst v63  }
0x18a: {  	_ =	swait.ge [sflag:s23], $0x400  }
0x18b: {  	[sflag:s23] =	ssyncset.done $0x0  }
0x18c: {  	[sflag:s23] =	ssyncadd.s32 $0xFFFFFC00  }
0x18d: {  	v2 =	vld [tilespmem:s0+$0x4EB0];
	_ =	sdelay $0x3  }
.Ltmp13:
0x18e: {  	_ = 	snop;
	(pc) =	sbr.rel .LBB2_12-.Ltmp13, $4  }
0x18f: {  	_ = 	snop  }
0x190: {  	s11 =	sadd.s32 $0x1, s11;
	s12 =	sadd.s32 $0x50, s12;
	s13 =	sadd.s32 $0x50, s13  }
0x191: {  	s9 =	sadd.s32 $0x50, s9;
	s24 =	sadd.s32 $0x50, s24;
	s10 =	sadd.s32 $0x50, s10  }
0x192: {  	[tilespmem:s28], [sflag:$0x5] =	stream.indirect_vreg.gather [hbm4b:s7+s4], $0x40, v2, vm0, $0xb8;
	[tilespmem:$0x1E8E0] =	vst v63  }
.LBB2_24:
0x193: {  	_ =	swait.ge [sflag:s20], $0x400  }
0x194: {  	[sflag:s20] =	ssyncset.done $0x0  }
0x195: {  	[sflag:s20] =	ssyncadd.s32 $0xFFFFFC00  }
0x196: {  	_ =	swait.ge [sflag:s21], $0x400  }
0x197: {  	[sflag:s21] =	ssyncset.done $0x0  }
0x198: {  	[sflag:s21] =	ssyncadd.s32 $0xFFFFFC00  }
0x199: {  	_ =	swait.ge [sflag:s22], $0x400  }
0x19a: {  	[sflag:s22] =	ssyncset.done $0x0  }
0x19b: {  	[sflag:s22] =	ssyncadd.s32 $0xFFFFFC00  }
0x19c: {  	_ =	swait.ge [sflag:s23], $0x400  }
0x19d: {  	[sflag:s23] =	ssyncset.done $0x0  }
0x19e: {  	[sflag:s23] =	ssyncadd.s32 $0xFFFFFC00  }
0x19f: {  	[bflag:$0x0] =	sbarrier.arrive $0xFFFF  }
0x1a0: {  	s0 =	rddreg [dreg:$0x12]  }
0x1a1: {  	s9 =	rddreg [dreg:$0x17]  }
0x1a2: {  	s1 =	sshrl.u32 @p0 s0, $0x3;
	s0 =	rddreg [dreg:$0x11]  }
0x1a3: {  	[dreg:$0x18] =	wrdreg s1  }
0x1a4: {  	[hbm:s0], [sflag:s9] =	dma.local @p0 [spmem:s1], $0xC80  }
0x1a5: {  	s0 =	simm.s32 @p0 $0xB  }
0x1a6: {  	_ =	swait.ge @p0 [sflag:s0], $0xC80  }
0x1a7: {  	[sflag:s0] =	ssyncset.done @p0 $0x0;
	s1 =	rddreg [dreg:$0x7]  }
0x1a8: {  	[sflag:s0] =	ssyncadd.s32 @p0 $0xFFFFF380;
	s10 =	sshrl.u32 @!p0 s1, $0x3;
	s0 =	rddreg [dreg:$0x10]  }
0x1a9: {  	[dreg:$0x19] =	wrdreg s10  }
0x1aa: {  	[hbm:s0], [sflag:s9] =	dma.local @!p0 [spmem:s10], $0x1400  }
0x1ab: {  	s0 =	simm.s32 @!p0 $0xB  }
0x1ac: {  	_ =	swait.ge @!p0 [sflag:s0], $0x1400  }
0x1ad: {  	[sflag:s0] =	ssyncset.done @!p0 $0x0  }
0x1ae: {  	s24 =	simm.s32 $0x11260;
	[sflag:s0] =	ssyncadd.s32 @!p0 $0xFFFFEC00  }
0x1af: {  	[spmem:s1] =	stream.linear.scatter [tilespmem:s24], [sflag:$0xB], $0x2000, $0x38;
	[tilespmem:$0x1E8E0] =	vst v63  }
0x1b0: {  	_ =	swait.ge [sflag:s25], $0x2000  }
0x1b1: {  	[sflag:s25] =	ssyncset.done $0x0  }
0x1b2: {  	s29 =	rddreg [dreg:$0x8];
	[sflag:s25] =	ssyncadd.s32 $0xFFFFE000  }
0x1b3: {  	[spmem:s29] =	stream.linear.scatter [tilespmem:s24], [sflag:$0xB], $0x2000, $0x38;
	[tilespmem:$0x1E8E0] =	vst v63  }
0x1b4: {  	_ =	swait.ge [sflag:s25], $0x2000  }
0x1b5: {  	[sflag:s25] =	ssyncset.done $0x0  }
0x1b6: {  	s1 =	rddreg [dreg:$0x9];
	[sflag:s25] =	ssyncadd.s32 $0xFFFFE000  }
0x1b7: {  	[spmem:s1] =	stream.linear.scatter [tilespmem:s24], [sflag:$0xB], $0x2000, $0x38;
	[tilespmem:$0x1E8E0] =	vst v63  }
0x1b8: {  	_ =	swait.ge [sflag:s25], $0x2000  }
0x1b9: {  	[sflag:s25] =	ssyncset.done $0x0  }
0x1ba: {  	s10 =	rddreg [dreg:$0xa];
	[sflag:s25] =	ssyncadd.s32 $0xFFFFE000  }
0x1bb: {  	[spmem:s10] =	stream.linear.scatter [tilespmem:s24], [sflag:$0xB], $0x2000, $0x38;
	[tilespmem:$0x1E8E0] =	vst v63  }
0x1bc: {  	_ =	swait.ge [sflag:s25], $0x2000  }
0x1bd: {  	[sflag:s25] =	ssyncset.done $0x0  }
0x1be: {  	s11 =	rddreg [dreg:$0xb];
	[sflag:s25] =	ssyncadd.s32 $0xFFFFE000  }
0x1bf: {  	[spmem:s11] =	stream.linear.scatter [tilespmem:s24], [sflag:$0xB], $0x2000, $0x38;
	[tilespmem:$0x1E8E0] =	vst v63  }
0x1c0: {  	_ =	swait.ge [sflag:s25], $0x2000  }
0x1c1: {  	[sflag:s25] =	ssyncset.done $0x0  }
0x1c2: {  	[sflag:s25] =	ssyncadd.s32 $0xFFFFE000  }
0x1c3: {  	[bflag:$0x0] =	sbarrier.arrive $0xFFFF  }
0x1c4: {  	v2 =	vld [tilespmem:$0x4E20];
	_ =	sdelay $0x6  }
0x1c5: {  	s12 =	simm.s32 $0x13260;
	s24 =	simm.s32 $0x0  }
0x1c6: {  	[tilespmem:s12], [sflag:$0x1] =	stream.indirect_vreg.gather [hbm4b:s8+s24], $0x40, v2, vm0, $0xb8;
	[tilespmem:$0x1E8E0] =	vst v63  }
0x1c7: {  	v2 =	vld [tilespmem:$0x4E30];
	_ =	sdelay $0x6  }
0x1c8: {  	s13 =	simm.s32 $0x13660  }
0x1c9: {  	[tilespmem:s13], [sflag:$0x2] =	stream.indirect_vreg.gather [hbm4b:s8+s24], $0x40, v2, vm0, $0xb8;
	[tilespmem:$0x1E8E0] =	vst v63  }
0x1ca: {  	v2 =	vld [tilespmem:$0x4E40];
	_ =	sdelay $0x6  }
0x1cb: {  	s29 =	simm.s32 $0x13A60  }
0x1cc: {  	[tilespmem:s29], [sflag:$0x3] =	stream.indirect_vreg.gather [hbm4b:s8+s24], $0x40, v2, vm0, $0xb8;
	[tilespmem:$0x1E8E0] =	vst v63  }
0x1cd: {  	v2 =	vld [tilespmem:$0x4E50];
	_ =	sdelay $0x7  }
0x1ce: {  	[tilespmem:s30], [sflag:$0x4] =	stream.indirect_vreg.gather [hbm4b:s8+s24], $0x40, v2, vm0, $0xb8;
	[tilespmem:$0x1E8E0] =	vst v63  }
0x1cf: {  	v2 =	vld [tilespmem:$0x4E60];
	_ =	sdelay $0x5  }
0x1d0: {  	s9 =	simm.s32 $0x10;
	s10 =	simm.s32 $0x40  }
0x1d1: {  	s11 =	simm.s32 $0x0;
	s12 =	simm.s32 $0x20;
	s13 =	simm.s32 $0x30  }
0x1d2: {  	[tilespmem:s28], [sflag:$0x5] =	stream.indirect_vreg.gather [hbm4b:s8+s24], $0x40, v2, vm0, $0xb8;
	[tilespmem:$0x1E8E0] =	vst v63  }
.LBB2_25:
0x1d3: {  	s0 =	sadd.s32 $0x0, s24  }
0x1d4: {  	_ =	swait.ge [sflag:s5], $0x400;
	v2 =	vmov s0  }
0x1d5: {  	[sflag:s5] =	ssyncset.done $0x0  }
0x1d6: {  	s28 =	simm.s32 $0x13280;
	[sflag:s5] =	ssyncadd.s32 $0xFFFFFC00  }
0x1d7: {  	v5 =	vld [tilespmem:s28+$0xFFFFFFF0]  }
0x1d8: {  	v3 =	vld [tilespmem:s28+$0x10]  }
0x1d9: {  	v8 =	vld.idx.msk [tilespmem:v2+s6+$0x0], $0xffff  }
0x1da: {  	v2 =	vld [tilespmem:s28+$0xFFFFFFE0]  }
0x1db: {  	v9 =	vld [tilespmem:s28+$0x0];
	_ =	sdelay $0x2  }
0x1dc: {  	s0 =	smul.u32 $0x50, s11  }
0x1dd: {  	s1 =	sadd.s32 $0x1, s24;
	v4 =	vmul.f32 v2, v8;
	v7 =	vmul.f32 v3, v8  }
0x1de: {  	s29 =	simm.s32 $0x2;
	s30 =	simm.s32 $0x13280;
	v2 =	vld [tilespmem:s0+$0x7530];
	v3 =	vmov s1;
	v6 =	vmul.f32 v5, v8;
	v5 =	vmul.f32 v9, v8  }
.LBB2_26:
0x1df: {  	p1 =	sne.s32 s29, $0xF  }
0x1e0: {  	[tilespmem:s28+$0x10] =	vst v7;
	s30 =	sadd.s32 $0x40, s30;
	s1 =	smov.u32 s29;
	s29 =	sadd.s32 $0x1, s29  }
0x1e1: {  	[tilespmem:s28+$0xFFFFFFE0] =	vst v4  }
0x1e2: {  	v8 =	vld [tilespmem:s30+$0xFFFFFFF0];
	[tilespmem:s28+$0xFFFFFFF0] =	vst v6  }
0x1e3: {  	v6 =	vld [tilespmem:s30+$0x10];
	[tilespmem:s28+$0x0] =	vst v5;
	s28 =	smov.u32 s30  }
0x1e4: {  	v5 =	vld.idx.msk [tilespmem:v3+s6+$0x0], $0xffff  }
0x1e5: {  	v3 =	vld [tilespmem:s30+$0xFFFFFFE0]  }
0x1e6: {  	v9 =	vld [tilespmem:s30+$0x0]  }
.Ltmp14:
0x1e7: {  	(pc) =	sbr.rel @p1 .LBB2_26-.Ltmp14, $3  }
0x1e8: {  	_ =	sdelay $0x1  }
0x1e9: {  	s1 =	sadd.s32 s1, s24;
	v7 =	vmul.f32 v6, v5;
	v4 =	vmul.f32 v3, v5  }
0x1ea: {  	v6 =	vmul.f32 v8, v5;
	v3 =	vmov s1;
	v5 =	vmul.f32 v9, v5  }
0x1eb: {  	[tilespmem:s28+$0x10] =	vst v7  }
0x1ec: {  	s1 =	sadd.s32 $0x40, s30;
	[tilespmem:s28+$0xFFFFFFE0] =	vst v4  }
0x1ed: {  	v4 =	vld [tilespmem:s1+$0xFFFFFFF0];
	[tilespmem:s28+$0xFFFFFFF0] =	vst v6  }
0x1ee: {  	v6 =	vld [tilespmem:s1+$0x10];
	[tilespmem:s28+$0x0] =	vst v5  }
0x1ef: {  	v3 =	vld.idx.msk [tilespmem:v3+s6+$0x0], $0xffff  }
0x1f0: {  	v5 =	vld [tilespmem:s1+$0xFFFFFFE0];
	_ =	sdelay $0x1  }
0x1f1: {  	v7 =	vld [tilespmem:s1+$0x0];
	_ =	sdelay $0x1  }
0x1f2: {  	v6 =	vmul.f32 v6, v3  }
0x1f3: {  	v5 =	vmul.f32 v5, v3  }
0x1f4: {  	v4 =	vmul.f32 v4, v3;
	[tilespmem:s1+$0x10] =	vst v6  }
0x1f5: {  	v3 =	vmul.f32 v7, v3;
	[tilespmem:s1+$0xFFFFFFE0] =	vst v5  }
0x1f6: {  	[tilespmem:s1+$0xFFFFFFF0] =	vst v4  }
0x1f7: {  	s28 =	simm.s32 $0x13260;
	[tilespmem:s1+$0x0] =	vst v3  }
0x1f8: {  	[spmem:s2] =	stream.indirect_vreg.scatter.add.f32 [tilespmem:s28], [sflag:$0x6], $0x40, v2, vm0, $0xb8;
	[tilespmem:$0x1E8E0] =	vst v63  }
0x1f9: {  	s1 =	sadd.s32 $0x0, s9;
	_ =	swait.ge [sflag:s15], $0x400  }
0x1fa: {  	v2 =	vmov s1;
	[sflag:s15] =	ssyncset.done $0x0  }
0x1fb: {  	s28 =	simm.s32 $0x13690;
	[sflag:s15] =	ssyncadd.s32 $0xFFFFFC00  }
0x1fc: {  	v6 =	vld [tilespmem:s28+$0xFFFFFFE0]  }
0x1fd: {  	v7 =	vld [tilespmem:s28+$0xFFFFFFD0]  }
0x1fe: {  	v4 =	vld [tilespmem:s28+$0xFFFFFFF0]  }
0x1ff: {  	v3 =	vld.idx.msk [tilespmem:v2+s6+$0x0], $0xffff  }
0x200: {  	v5 =	vld [tilespmem:s28+$0x0];
	_ =	sdelay $0x3  }
0x201: {  	s30 =	simm.s32 $0x2;
	s29 =	simm.s32 $0x13690;
	s1 =	sadd.s32 $0x1, s9;
	v2 =	vld [tilespmem:s0+$0x7540];
	v7 =	vmul.f32 v7, v3;
	v6 =	vmul.f32 v6, v3  }
.LBB2_28:
0x202: {  	p1 =	sne.s32 s30, $0xF;
	v8 =	vmov s1;
	v9 =	vmul.f32 v4, v3;
	v3 =	vmul.f32 v5, v3  }
0x203: {  	[tilespmem:s28+$0xFFFFFFD0] =	vst v7  }
0x204: {  	s28 =	sadd.s32 $0x40, s28;
	[tilespmem:s29+$0xFFFFFFE0] =	vst v6  }
0x205: {  	v4 =	vld [tilespmem:s28+$0xFFFFFFF0];
	[tilespmem:s29+$0xFFFFFFF0] =	vst v9  }
0x206: {  	v6 =	vld [tilespmem:s28+$0xFFFFFFE0];
	[tilespmem:s29+$0x0] =	vst v3;
	s29 =	smov.u32 s28  }
0x207: {  	v3 =	vld.idx.msk [tilespmem:v8+s6+$0x0], $0xffff  }
0x208: {  	v7 =	vld [tilespmem:s28+$0xFFFFFFD0]  }
.Ltmp15:
0x209: {  	v5 =	vld [tilespmem:s28+$0x0];
	(pc) =	sbr.rel @p1 .LBB2_28-.Ltmp15, $2  }
0x20a: {  	_ =	sdelay $0x2  }
0x20b: {  	s1 =	sadd.s32 s30, s9;
	s30 =	sadd.s32 $0x1, s30;
	v6 =	vmul.f32 v6, v3;
	v7 =	vmul.f32 v7, v3  }
0x20c: {  	_ = 	snop  }
0x20d: {  	v4 =	vmul.f32 v4, v3;
	[tilespmem:s28+$0xFFFFFFD0] =	vst v7;
	v7 =	vmov s1  }
0x20e: {  	v3 =	vmul.f32 v5, v3;
	s1 =	sadd.s32 $0x40, s28;
	[tilespmem:s29+$0xFFFFFFE0] =	vst v6  }
0x20f: {  	v6 =	vld [tilespmem:s1+$0xFFFFFFF0];
	[tilespmem:s29+$0xFFFFFFF0] =	vst v4  }
0x210: {  	v4 =	vld [tilespmem:s1+$0xFFFFFFE0];
	[tilespmem:s29+$0x0] =	vst v3  }
0x211: {  	v5 =	vld [tilespmem:s1+$0xFFFFFFD0]  }
0x212: {  	v3 =	vld.idx.msk [tilespmem:v7+s6+$0x0], $0xffff;
	_ =	sdelay $0x2  }
0x213: {  	v7 =	vld [tilespmem:s1+$0x0];
	_ =	sdelay $0x1  }
0x214: {  	v5 =	vmul.f32 v5, v3  }
0x215: {  	v4 =	vmul.f32 v4, v3  }
0x216: {  	v6 =	vmul.f32 v6, v3;
	[tilespmem:s1+$0xFFFFFFD0] =	vst v5  }
0x217: {  	v3 =	vmul.f32 v7, v3;
	[tilespmem:s1+$0xFFFFFFE0] =	vst v4  }
0x218: {  	[tilespmem:s1+$0xFFFFFFF0] =	vst v6  }
0x219: {  	s28 =	simm.s32 $0x13660;
	[tilespmem:s1+$0x0] =	vst v3  }
0x21a: {  	[spmem:s2] =	stream.indirect_vreg.scatter.add.f32 [tilespmem:s28], [sflag:$0x7], $0x40, v2, vm0, $0xb8;
	[tilespmem:$0x1E8E0] =	vst v63  }
0x21b: {  	s1 =	sadd.s32 $0x0, s12;
	_ =	swait.ge [sflag:s16], $0x400  }
0x21c: {  	v2 =	vmov s1;
	[sflag:s16] =	ssyncset.done $0x0  }
0x21d: {  	s28 =	simm.s32 $0x13A90;
	[sflag:s16] =	ssyncadd.s32 $0xFFFFFC00  }
0x21e: {  	v6 =	vld [tilespmem:s28+$0xFFFFFFE0]  }
0x21f: {  	v7 =	vld [tilespmem:s28+$0xFFFFFFD0]  }
0x220: {  	v4 =	vld [tilespmem:s28+$0xFFFFFFF0]  }
0x221: {  	v3 =	vld.idx.msk [tilespmem:v2+s6+$0x0], $0xffff  }
0x222: {  	v5 =	vld [tilespmem:s28+$0x0];
	_ =	sdelay $0x3  }
0x223: {  	s30 =	simm.s32 $0x2;
	s29 =	simm.s32 $0x13A90;
	s1 =	sadd.s32 $0x1, s12;
	v2 =	vld [tilespmem:s0+$0x7550];
	v7 =	vmul.f32 v7, v3;
	v6 =	vmul.f32 v6, v3  }
.LBB2_30:
0x224: {  	p1 =	sne.s32 s30, $0xF;
	v8 =	vmov s1;
	v9 =	vmul.f32 v4, v3;
	v3 =	vmul.f32 v5, v3  }
0x225: {  	[tilespmem:s28+$0xFFFFFFD0] =	vst v7  }
0x226: {  	s28 =	sadd.s32 $0x40, s28;
	[tilespmem:s29+$0xFFFFFFE0] =	vst v6  }
0x227: {  	v4 =	vld [tilespmem:s28+$0xFFFFFFF0];
	[tilespmem:s29+$0xFFFFFFF0] =	vst v9  }
0x228: {  	v6 =	vld [tilespmem:s28+$0xFFFFFFE0];
	[tilespmem:s29+$0x0] =	vst v3;
	s29 =	smov.u32 s28  }
0x229: {  	v3 =	vld.idx.msk [tilespmem:v8+s6+$0x0], $0xffff  }
0x22a: {  	v7 =	vld [tilespmem:s28+$0xFFFFFFD0]  }
.Ltmp16:
0x22b: {  	v5 =	vld [tilespmem:s28+$0x0];
	(pc) =	sbr.rel @p1 .LBB2_30-.Ltmp16, $2  }
0x22c: {  	_ =	sdelay $0x2  }
0x22d: {  	s1 =	sadd.s32 s30, s12;
	s30 =	sadd.s32 $0x1, s30;
	v6 =	vmul.f32 v6, v3;
	v7 =	vmul.f32 v7, v3  }
0x22e: {  	_ = 	snop  }
0x22f: {  	v4 =	vmul.f32 v4, v3;
	[tilespmem:s28+$0xFFFFFFD0] =	vst v7;
	v7 =	vmov s1  }
0x230: {  	v3 =	vmul.f32 v5, v3;
	s1 =	sadd.s32 $0x40, s28;
	[tilespmem:s29+$0xFFFFFFE0] =	vst v6  }
0x231: {  	v6 =	vld [tilespmem:s1+$0xFFFFFFF0];
	[tilespmem:s29+$0xFFFFFFF0] =	vst v4  }
0x232: {  	v4 =	vld [tilespmem:s1+$0xFFFFFFE0];
	[tilespmem:s29+$0x0] =	vst v3  }
0x233: {  	v5 =	vld [tilespmem:s1+$0xFFFFFFD0]  }
0x234: {  	v3 =	vld.idx.msk [tilespmem:v7+s6+$0x0], $0xffff;
	_ =	sdelay $0x2  }
0x235: {  	v7 =	vld [tilespmem:s1+$0x0];
	_ =	sdelay $0x1  }
0x236: {  	v5 =	vmul.f32 v5, v3  }
0x237: {  	v4 =	vmul.f32 v4, v3  }
0x238: {  	v6 =	vmul.f32 v6, v3;
	[tilespmem:s1+$0xFFFFFFD0] =	vst v5  }
0x239: {  	v3 =	vmul.f32 v7, v3;
	[tilespmem:s1+$0xFFFFFFE0] =	vst v4  }
0x23a: {  	[tilespmem:s1+$0xFFFFFFF0] =	vst v6  }
0x23b: {  	s28 =	simm.s32 $0x13A60;
	[tilespmem:s1+$0x0] =	vst v3  }
0x23c: {  	[spmem:s2] =	stream.indirect_vreg.scatter.add.f32 [tilespmem:s28], [sflag:$0x8], $0x40, v2, vm0, $0xb8;
	[tilespmem:$0x1E8E0] =	vst v63  }
0x23d: {  	s1 =	sadd.s32 $0x0, s13;
	_ =	swait.ge [sflag:s17], $0x400  }
0x23e: {  	v2 =	vmov s1;
	[sflag:s17] =	ssyncset.done $0x0  }
0x23f: {  	s28 =	simm.s32 $0x13E90;
	[sflag:s17] =	ssyncadd.s32 $0xFFFFFC00  }
0x240: {  	v6 =	vld [tilespmem:s28+$0xFFFFFFE0]  }
0x241: {  	v7 =	vld [tilespmem:s28+$0xFFFFFFD0]  }
0x242: {  	v4 =	vld [tilespmem:s28+$0xFFFFFFF0]  }
0x243: {  	v3 =	vld.idx.msk [tilespmem:v2+s6+$0x0], $0xffff  }
0x244: {  	v5 =	vld [tilespmem:s28+$0x0];
	_ =	sdelay $0x3  }
0x245: {  	s30 =	simm.s32 $0x2;
	s29 =	simm.s32 $0x13E90;
	s1 =	sadd.s32 $0x1, s13;
	v2 =	vld [tilespmem:s0+$0x7560];
	v7 =	vmul.f32 v7, v3;
	v6 =	vmul.f32 v6, v3  }
.LBB2_32:
0x246: {  	p1 =	sne.s32 s30, $0xF;
	v8 =	vmov s1;
	v9 =	vmul.f32 v4, v3;
	v3 =	vmul.f32 v5, v3  }
0x247: {  	[tilespmem:s28+$0xFFFFFFD0] =	vst v7  }
0x248: {  	s28 =	sadd.s32 $0x40, s28;
	[tilespmem:s29+$0xFFFFFFE0] =	vst v6  }
0x249: {  	v4 =	vld [tilespmem:s28+$0xFFFFFFF0];
	[tilespmem:s29+$0xFFFFFFF0] =	vst v9  }
0x24a: {  	v6 =	vld [tilespmem:s28+$0xFFFFFFE0];
	[tilespmem:s29+$0x0] =	vst v3;
	s29 =	smov.u32 s28  }
0x24b: {  	v3 =	vld.idx.msk [tilespmem:v8+s6+$0x0], $0xffff  }
0x24c: {  	v7 =	vld [tilespmem:s28+$0xFFFFFFD0]  }
.Ltmp17:
0x24d: {  	v5 =	vld [tilespmem:s28+$0x0];
	(pc) =	sbr.rel @p1 .LBB2_32-.Ltmp17, $2  }
0x24e: {  	_ =	sdelay $0x2  }
0x24f: {  	s1 =	sadd.s32 s30, s13;
	s30 =	sadd.s32 $0x1, s30;
	v6 =	vmul.f32 v6, v3;
	v7 =	vmul.f32 v7, v3  }
0x250: {  	_ = 	snop  }
0x251: {  	v4 =	vmul.f32 v4, v3;
	[tilespmem:s28+$0xFFFFFFD0] =	vst v7;
	v7 =	vmov s1  }
0x252: {  	v3 =	vmul.f32 v5, v3;
	s1 =	sadd.s32 $0x40, s28;
	[tilespmem:s29+$0xFFFFFFE0] =	vst v6  }
0x253: {  	v6 =	vld [tilespmem:s1+$0xFFFFFFF0];
	[tilespmem:s29+$0xFFFFFFF0] =	vst v4  }
0x254: {  	v4 =	vld [tilespmem:s1+$0xFFFFFFE0];
	[tilespmem:s29+$0x0] =	vst v3  }
0x255: {  	v5 =	vld [tilespmem:s1+$0xFFFFFFD0]  }
0x256: {  	v3 =	vld.idx.msk [tilespmem:v7+s6+$0x0], $0xffff;
	_ =	sdelay $0x2  }
0x257: {  	v7 =	vld [tilespmem:s1+$0x0];
	_ =	sdelay $0x1  }
0x258: {  	v5 =	vmul.f32 v5, v3  }
0x259: {  	v4 =	vmul.f32 v4, v3  }
0x25a: {  	v6 =	vmul.f32 v6, v3;
	[tilespmem:s1+$0xFFFFFFD0] =	vst v5  }
0x25b: {  	v3 =	vmul.f32 v7, v3;
	[tilespmem:s1+$0xFFFFFFE0] =	vst v4  }
0x25c: {  	[tilespmem:s1+$0xFFFFFFF0] =	vst v6  }
0x25d: {  	s30 =	simm.s32 $0x13E60;
	[tilespmem:s1+$0x0] =	vst v3  }
0x25e: {  	[spmem:s2] =	stream.indirect_vreg.scatter.add.f32 [tilespmem:s30], [sflag:$0x9], $0x40, v2, vm0, $0xb8;
	[tilespmem:$0x1E8E0] =	vst v63  }
0x25f: {  	s1 =	sadd.s32 $0x0, s10;
	_ =	swait.ge [sflag:s18], $0x400  }
0x260: {  	v2 =	vmov s1;
	[sflag:s18] =	ssyncset.done $0x0  }
0x261: {  	s28 =	simm.s32 $0x14290;
	[sflag:s18] =	ssyncadd.s32 $0xFFFFFC00  }
0x262: {  	v6 =	vld [tilespmem:s28+$0xFFFFFFE0]  }
0x263: {  	v7 =	vld [tilespmem:s28+$0xFFFFFFD0]  }
0x264: {  	v4 =	vld [tilespmem:s28+$0xFFFFFFF0]  }
0x265: {  	v3 =	vld.idx.msk [tilespmem:v2+s6+$0x0], $0xffff  }
0x266: {  	v5 =	vld [tilespmem:s28+$0x0];
	_ =	sdelay $0x3  }
0x267: {  	s29 =	simm.s32 $0x2;
	s1 =	sadd.s32 $0x1, s10;
	v2 =	vld [tilespmem:s0+$0x7570];
	s0 =	simm.s32 $0x14290;
	v7 =	vmul.f32 v7, v3;
	v6 =	vmul.f32 v6, v3  }
.LBB2_34:
0x268: {  	p1 =	sne.s32 s29, $0xF;
	v8 =	vmov s1;
	v9 =	vmul.f32 v4, v3;
	v3 =	vmul.f32 v5, v3  }
0x269: {  	[tilespmem:s28+$0xFFFFFFD0] =	vst v7  }
0x26a: {  	s28 =	sadd.s32 $0x40, s28;
	[tilespmem:s0+$0xFFFFFFE0] =	vst v6  }
0x26b: {  	v4 =	vld [tilespmem:s28+$0xFFFFFFF0];
	[tilespmem:s0+$0xFFFFFFF0] =	vst v9  }
0x26c: {  	v6 =	vld [tilespmem:s28+$0xFFFFFFE0];
	[tilespmem:s0+$0x0] =	vst v3;
	s0 =	smov.u32 s28  }
0x26d: {  	v3 =	vld.idx.msk [tilespmem:v8+s6+$0x0], $0xffff  }
0x26e: {  	v7 =	vld [tilespmem:s28+$0xFFFFFFD0]  }
.Ltmp18:
0x26f: {  	v5 =	vld [tilespmem:s28+$0x0];
	(pc) =	sbr.rel @p1 .LBB2_34-.Ltmp18, $2  }
0x270: {  	_ =	sdelay $0x2  }
0x271: {  	s1 =	sadd.s32 s29, s10;
	s29 =	sadd.s32 $0x1, s29;
	v6 =	vmul.f32 v6, v3;
	v7 =	vmul.f32 v7, v3  }
0x272: {  	v61 =	vmov s1  }
0x273: {  	v4 =	vmul.f32 v4, v3;
	[tilespmem:s28+$0xFFFFFFD0] =	vst v7  }
0x274: {  	s29 =	sadd.s32 $0x40, s28;
	v3 =	vmul.f32 v5, v3;
	[tilespmem:s0+$0xFFFFFFE0] =	vst v6  }
0x275: {  	v6 =	vld [tilespmem:s29+$0xFFFFFFF0];
	[tilespmem:s0+$0xFFFFFFF0] =	vst v4  }
0x276: {  	v4 =	vld [tilespmem:s29+$0xFFFFFFE0];
	[tilespmem:s0+$0x0] =	vst v3  }
0x277: {  	v3 =	vld.idx.msk [tilespmem:v61+s6+$0x0], $0xffff  }
0x278: {  	v62 =	vld [tilespmem:s29+$0xFFFFFFD0];
	_ =	sdelay $0x2  }
0x279: {  	v63 =	vld [tilespmem:s29+$0x0];
	_ =	sdelay $0x1  }
0x27a: {  	v5 =	vmul.f32 v62, v3  }
0x27b: {  	v4 =	vmul.f32 v4, v3  }
0x27c: {  	v6 =	vmul.f32 v6, v3;
	[tilespmem:s29+$0xFFFFFFD0] =	vst v5  }
0x27d: {  	v3 =	vmul.f32 v63, v3;
	[tilespmem:s29+$0xFFFFFFE0] =	vst v4  }
0x27e: {  	p1 =	seq.s32 s11, $0x7C;
	[tilespmem:s29+$0xFFFFFFF0] =	vst v6  }
.Ltmp19:
0x27f: {  	s28 =	simm.s32 $0x14260;
	[tilespmem:s29+$0x0] =	vst v3;
	(pc) =	sbr.rel @p1 .LBB2_37-.Ltmp19, $4  }
0x280: {  	[spmem:s2] =	stream.indirect_vreg.scatter.add.f32 [tilespmem:s28], [sflag:$0xA], $0x40, v2, vm0, $0xb8;
	[tilespmem:$0x1E8E0] =	vst v63  }
0x281: {  	_ =	swait.ge [sflag:s19], $0x400  }
0x282: {  	[sflag:s19] =	ssyncset.done $0x0  }
0x283: {  	[sflag:s19] =	ssyncadd.s32 $0xFFFFFC00  }
0x284: {  	s0 =	smul.u32 $0x140, s11;
	_ =	sdelay $0x1  }
0x285: {  	s0 =	sshra.s32 s0, $0x2  }
0x286: {  	v2 =	vld [tilespmem:s0+$0x4E70];
	_ =	sdelay $0x6  }
0x287: {  	s1 =	simm.s32 $0x13260  }
0x288: {  	[tilespmem:s1], [sflag:$0x1] =	stream.indirect_vreg.gather [hbm4b:s8+s4], $0x40, v2, vm0, $0xb8;
	[tilespmem:$0x1E8E0] =	vst v63  }
0x289: {  	_ =	swait.ge [sflag:s20], $0x400  }
0x28a: {  	[sflag:s20] =	ssyncset.done $0x0  }
0x28b: {  	[sflag:s20] =	ssyncadd.s32 $0xFFFFFC00  }
0x28c: {  	v2 =	vld [tilespmem:s0+$0x4E80];
	_ =	sdelay $0x6  }
0x28d: {  	s29 =	simm.s32 $0x13660  }
0x28e: {  	[tilespmem:s29], [sflag:$0x2] =	stream.indirect_vreg.gather [hbm4b:s8+s4], $0x40, v2, vm0, $0xb8;
	[tilespmem:$0x1E8E0] =	vst v63  }
0x28f: {  	_ =	swait.ge [sflag:s21], $0x400  }
0x290: {  	[sflag:s21] =	ssyncset.done $0x0  }
0x291: {  	[sflag:s21] =	ssyncadd.s32 $0xFFFFFC00  }
0x292: {  	v2 =	vld [tilespmem:s0+$0x4E90];
	_ =	sdelay $0x6  }
0x293: {  	s29 =	simm.s32 $0x13A60  }
0x294: {  	[tilespmem:s29], [sflag:$0x3] =	stream.indirect_vreg.gather [hbm4b:s8+s4], $0x40, v2, vm0, $0xb8;
	[tilespmem:$0x1E8E0] =	vst v63  }
0x295: {  	_ =	swait.ge [sflag:s22], $0x400  }
0x296: {  	[sflag:s22] =	ssyncset.done $0x0  }
0x297: {  	[sflag:s22] =	ssyncadd.s32 $0xFFFFFC00  }
0x298: {  	v2 =	vld [tilespmem:s0+$0x4EA0];
	_ =	sdelay $0x7  }
0x299: {  	[tilespmem:s30], [sflag:$0x4] =	stream.indirect_vreg.gather [hbm4b:s8+s4], $0x40, v2, vm0, $0xb8;
	[tilespmem:$0x1E8E0] =	vst v63  }
0x29a: {  	_ =	swait.ge [sflag:s23], $0x400  }
0x29b: {  	[sflag:s23] =	ssyncset.done $0x0  }
0x29c: {  	[sflag:s23] =	ssyncadd.s32 $0xFFFFFC00  }
0x29d: {  	v2 =	vld [tilespmem:s0+$0x4EB0];
	_ =	sdelay $0x3  }
.Ltmp20:
0x29e: {  	_ = 	snop;
	(pc) =	sbr.rel .LBB2_25-.Ltmp20, $4  }
0x29f: {  	_ = 	snop  }
0x2a0: {  	s11 =	sadd.s32 $0x1, s11;
	s24 =	sadd.s32 $0x50, s24;
	s9 =	sadd.s32 $0x50, s9  }
0x2a1: {  	s12 =	sadd.s32 $0x50, s12;
	s13 =	sadd.s32 $0x50, s13;
	s10 =	sadd.s32 $0x50, s10  }
0x2a2: {  	[tilespmem:s28], [sflag:$0x5] =	stream.indirect_vreg.gather [hbm4b:s8+s4], $0x40, v2, vm0, $0xb8;
	[tilespmem:$0x1E8E0] =	vst v63  }
.LBB2_38:
0x2a3: {  	_ =	sfence.sel $0x180000  }
0x2a4: {  	[bflag:$0x0] =	sbarrier.arrive $0xFFFF  }
0x2a5: {  	_ =	strace $0x90000047  }
0x2a6: {  	s0 =	stileid.u32;
	[bflag:$0x2] =	sbarrier.arrive $0xFFFF  }
0x2a7: {  	p0 =	sne.s32 s0, $0x0;
	s0 =	rddreg [dreg:$0x4]  }
0x2a8: {  	s0 =	sadd.s32 @!p0 $0x100000, s0  }
0x2a9: {  	[sflag:s0] =	ssyncadd.tile.s32 @!p0 $0x1;
	_ =	shalt  }
.Lfunc_end2:
_tile_overlayer_lowered:
.L_overlay_start_2:
0x2aa: {  	(tag) =	ssettag $0x2  }
0x2ab: {  	s0 =	rddreg [dreg:$0x0];
	s2 =	stileid.u32  }
0x2ac: {  	s1 =	rddreg [dreg:$0x1];
	p0 =	sne.s32 s2, $0x0  }
0x2ad: {  	s3 =	rddreg [dreg:$0x2];
	[bflag:$0x3] =	sbarrier.arrive $0xFFFF;
	s2 =	simm.s32 @!p0 $0x1C0B  }
0x2ae: {  	[timem:s3], [sflag:s2] =	dma.local @!p0 [hbm:s0], s1  }
0x2af: {  	s0 =	simm.s32 @!p0 $0xB  }
0x2b0: {  	_ =	swait.ge @!p0 [sflag:s0], s1  }
0x2b1: {  	s1 =	ssub.s32 @!p0 $0x0, s1;
	[sflag:s0] =	ssyncset.done @!p0 $0x0  }
0x2b2: {  	[sflag:s0] =	ssyncadd.s32 @!p0 s1  }
0x2b3: {  	[bflag:$0x3] =	sbarrier.arrive $0xFFFF  }
0x2b4: {  	_ =	shalt  }

</sc_bundles>
